<compile_context>
chip_gen: v7x
topology: tpu7x:2x2x1
jax: 0.10.2.dev20260603
libtpu: 0.0.44.dev20260713+nightly
codegen_flags: <defaults>
</compile_context>

<pallas_src>
import functools

import jax
import jax.numpy as jnp
from jax import lax
from jax.experimental import pallas as pl
from jax.experimental.pallas import tpu as pltpu
from jax.experimental.pallas import tpu_sc as plsc

NC = 2
NS = 16
NW = NC * NS


def _prep_body(x_ref, wf_ref, asrc_ref, adst_ref, h_ref, t1_ref, t2_ref, m_ref):
    h = jnp.dot(x_ref[...], wf_ref[...], preferred_element_type=jnp.float32)
    h_ref[...] = h
    t1 = jnp.dot(h, asrc_ref[...], preferred_element_type=jnp.float32)
    t2 = jnp.dot(h, adst_ref[...], preferred_element_type=jnp.float32)
    t1_ref[...] = t1
    t2_ref[...] = t2
    s = jnp.max(t1, axis=0, keepdims=True) + jnp.max(t2, axis=0, keepdims=True)
    m = jnp.maximum(s, 0.2 * s)
    m_ref[...] = jnp.broadcast_to(m, (8, 16))


def _fin_body(acc_ref, den_ref, sel_ref, bias_ref, out_ref):
    den8 = den_ref[0][:, :8] + den_ref[1][:, :8]
    rep = jnp.dot(den8, sel_ref[...], preferred_element_type=jnp.float32)
    out_ref[...] = (acc_ref[0] + acc_ref[1]) / (rep + 1e-16) + bias_ref[...]


def _sc_edge_body(n_nodes, d_model, ept, g_size,
                  src_hbm, dst_hbm, t1_hbm, t2_hbm, h_hbm, m_hbm,
                  acc_hbm, den_hbm,
                  out_sh, den_sh,
                  sidx_all, didx_all,
                  t1b0, t1b1, t2b0, t2b1,
                  hb0, hb1, zb0, zb1, mg0, mg1,
                  mb,
                  gs0, gs1, ss0, ss1):
    t1bs = (t1b0, t1b1)
    t2bs = (t2b0, t2b1)
    hbs = (hb0, hb1)
    zbs = (zb0, zb1)
    msgbs = (mg0, mg1)
    gsems = (gs0, gs1)
    ssems = (ss0, ss1)
    c = lax.axis_index("c")
    s = lax.axis_index("s")
    wid = c * NS + s
    n_groups = ept // g_size
    n_seg = d_model // 16
    msgb = mg0
    rpt = 8 * (n_nodes // (8 * NS))
    rbase = s * rpt
    tail = n_nodes - NS * rpt
    tail_base = NS * rpt

    zvec = jnp.zeros((16,), jnp.float32)

    def zero_z_row(i, _):
        zb0[i] = zvec
        return 0
    lax.fori_loop(0, g_size, zero_z_row, 0)

    def zero_msg_row(i, _):
        for j in range(n_seg):
            msgb[i, pl.ds(j * 16, 16)] = zvec
        return 0
    lax.fori_loop(0, g_size, zero_msg_row, 0)
    n_zcp = rpt // g_size
    for k in range(n_zcp):
        pltpu.sync_copy(zb0, den_sh.at[pl.ds(rbase + k * g_size, g_size)])
        pltpu.sync_copy(msgb, out_sh.at[pl.ds(rbase + k * g_size, g_size)])
    rem = rpt - n_zcp * g_size
    if rem > 0:
        pltpu.sync_copy(zb0.at[pl.ds(0, rem)],
                        den_sh.at[pl.ds(rbase + n_zcp * g_size, rem)])
        pltpu.sync_copy(msgb.at[pl.ds(0, rem)],
                        out_sh.at[pl.ds(rbase + n_zcp * g_size, rem)])
    if tail > 0:
        @pl.when(s == 0)
        def _zero_tail():
            pltpu.sync_copy(zb0.at[pl.ds(0, tail)],
                            den_sh.at[pl.ds(tail_base, tail)])
            pltpu.sync_copy(msgb.at[pl.ds(0, tail)],
                            out_sh.at[pl.ds(tail_base, tail)])
    plsc.subcore_barrier()

    pltpu.sync_copy(m_hbm.at[0], mb)
    mvec = mb[...]

    def fire_gathers(g, b):
        pltpu.async_copy(t1_hbm.at[sidx_all.at[g]], t1bs[b], gsems[b])
        pltpu.async_copy(t2_hbm.at[didx_all.at[g]], t2bs[b], gsems[b])
        pltpu.async_copy(h_hbm.at[sidx_all.at[g]], hbs[b], gsems[b])

    def wait_gathers(g, b):
        pltpu.make_async_copy(t1_hbm.at[sidx_all.at[g]], t1bs[b], gsems[b]).wait()
        pltpu.make_async_copy(t2_hbm.at[didx_all.at[g]], t2bs[b], gsems[b]).wait()
        pltpu.make_async_copy(h_hbm.at[sidx_all.at[g]], hbs[b], gsems[b]).wait()

    def fire_scatters(g, b):
        pltpu.async_copy(zbs[b], den_sh.at[didx_all.at[g]], ssems[b], add=True)
        pltpu.async_copy(msgbs[b], out_sh.at[didx_all.at[g]], ssems[b], add=True)

    def wait_scatters(g, b):
        pltpu.make_async_copy(zbs[b], den_sh.at[didx_all.at[g]], ssems[b]).wait()
        pltpu.make_async_copy(msgbs[b], out_sh.at[didx_all.at[g]], ssems[b]).wait()

    def compute(g, bg, bs):
        t1r, t2r, hr = t1bs[bg], t2bs[bg], hbs[bg]
        zr, mr = zbs[bs], msgbs[bs]

        def pair(p, _):
            i0 = 2 * p
            svs = [t1r[i0 + k] + t2r[i0 + k] for k in range(2)]
            hsegs = [[hr[i0 + k, pl.ds(j * 16, 16)] for j in range(n_seg)]
                     for k in range(2)]
            zs = [jnp.exp(jnp.maximum(sv, 0.2 * sv) - mvec) for sv in svs]
            for k in range(2):
                zr[i0 + k] = zs[k]
            for k in range(2):
                for j in range(n_seg):
                    mr[i0 + k, pl.ds(j * 16, 16)] = hsegs[k][j] * zs[k][j]
            return 0
        lax.fori_loop(0, g_size // 2, pair, 0)

    def step(g, bg, bs):
        wait_gathers(g, bg)

        @pl.when(g >= 2)
        def _():
            wait_scatters(g - 2, bs)
        compute(g, bg, bs)
        fire_scatters(g, bs)

    n_phases = 2
    assert n_groups % n_phases == 0
    pg = n_groups // n_phases
    assert pg > 2
    for ph in range(n_phases):
        pltpu.sync_copy(src_hbm.at[wid, pl.ds(ph * pg, pg)], sidx_all)
        pltpu.sync_copy(dst_hbm.at[wid, pl.ds(ph * pg, pg)], didx_all)
        for b in range(2):
            fire_gathers(b, b)

        def body(i, _):
            for k in range(2):
                g = 2 * i + k
                step(g, k, k)

                @pl.when(g < pg - 2)
                def _():
                    fire_gathers(g + 2, k)
            return 0
        lax.fori_loop(0, pg // 2, body, 0)
        for g in range(2 * (pg // 2), pg):
            step(g, g % 2, g % 2)
        for g in (pg - 2, pg - 1):
            wait_scatters(g, g % 2)

    plsc.subcore_barrier()
    pltpu.sync_copy(out_sh.at[pl.ds(rbase, rpt)],
                    acc_hbm.at[c, pl.ds(rbase, rpt)])
    pltpu.sync_copy(den_sh.at[pl.ds(rbase, rpt)],
                    den_hbm.at[c, pl.ds(rbase, rpt)])
    if tail > 0:
        @pl.when(s == 0)
        def _read_tail():
            pltpu.sync_copy(out_sh.at[pl.ds(tail_base, tail)],
                            acc_hbm.at[c, pl.ds(tail_base, tail)])
            pltpu.sync_copy(den_sh.at[pl.ds(tail_base, tail)],
                            den_hbm.at[c, pl.ds(tail_base, tail)])


def kernel(x, edge_index, W, a_src, a_dst, bias):
    n, f_in = x.shape
    h_heads, _, f_out = W.shape
    e_edges = edge_index.shape[1]
    d = h_heads * f_out

    wf = W.transpose(1, 0, 2).reshape(f_in, d)
    rows = jnp.arange(d)
    hcol = rows // f_out
    a_src_m = jnp.zeros((d, 16), jnp.float32).at[rows, hcol].set(a_src.reshape(-1))
    a_dst_m = jnp.zeros((d, 16), jnp.float32).at[rows, hcol].set(a_dst.reshape(-1))
    src = edge_index[0].astype(jnp.int32)
    dst = edge_index[1].astype(jnp.int32)
    sel = jnp.repeat(jnp.eye(h_heads, dtype=jnp.float32), f_out, axis=1)
    bias2 = bias.reshape(1, d).astype(jnp.float32)

    h_arr, t1, t2, m = pl.pallas_call(
        _prep_body,
        out_shape=[
            jax.ShapeDtypeStruct((n, d), jnp.float32),
            jax.ShapeDtypeStruct((n, 16), jnp.float32),
            jax.ShapeDtypeStruct((n, 16), jnp.float32),
            jax.ShapeDtypeStruct((8, 16), jnp.float32),
        ],
    )(x, wf, a_src_m, a_dst_m)

    ept = e_edges // NW
    g_size = 40
    assert ept % g_size == 0 and n % NS == 0

    n_groups = ept // g_size
    src3 = src.reshape(NW, n_groups, g_size)
    dst3 = dst.reshape(NW, n_groups, g_size)

    mesh = plsc.VectorSubcoreMesh(core_axis_name="c", subcore_axis_name="s")
    sc_fn = pl.kernel(
        functools.partial(_sc_edge_body, n, d, ept, g_size),
        out_type=[
            jax.ShapeDtypeStruct((NC, n, d), jnp.float32),
            jax.ShapeDtypeStruct((NC, n, 16), jnp.float32),
        ],
        mesh=mesh,
        compiler_params=pltpu.CompilerParams(use_tc_tiling_on_sc=False),
        scratch_types=[
            pltpu.VMEM_SHARED((n, d), jnp.float32),
            pltpu.VMEM_SHARED((n, 16), jnp.float32),
            pltpu.VMEM((n_groups // 2, g_size), jnp.int32),
            pltpu.VMEM((n_groups // 2, g_size), jnp.int32),
        ]
        + [pltpu.VMEM((g_size, 16), jnp.float32)] * 2
        + [pltpu.VMEM((g_size, 16), jnp.float32)] * 2
        + [pltpu.VMEM((g_size, d), jnp.float32)] * 2
        + [pltpu.VMEM((g_size, 16), jnp.float32)] * 2
        + [pltpu.VMEM((g_size, d), jnp.float32)] * 2
        + [
            pltpu.VMEM((16,), jnp.float32),
        ]
        + [pltpu.SemaphoreType.DMA] * 4,
    )
    acc, den = sc_fn(src3, dst3, t1, t2, h_arr, m)

    out = pl.pallas_call(
        _fin_body,
        out_shape=jax.ShapeDtypeStruct((n, d), jnp.float32),
    )(acc, den, sel, bias2)
    return out

# --- scband reference (transcript-rebuilt; emitter-appended) ---
"""Pipeline reference for scband-gatlayer-27934467293296 (READ-ONLY COPY).

The authoritative reference and input builder live on the scoring server;
editing this copy changes nothing except your own understanding.
"""

import jax, jax.numpy as jnp
import numpy as np
import math

N = 10000
E = 320000
F_IN = 128
F_OUT = 16
H = 8

def setup_inputs(seed: int = 0) -> dict:
    key = jax.random.key(seed)
    k1, k2, k3, k4, k5 = jax.random.split(key, 5)
    x = jax.random.normal(k1, (N, F_IN), dtype=jnp.float32)
    edge_index = jax.random.randint(k2, (2, E), 0, N, dtype=jnp.int64)
    # xavier_uniform for W [H, F_IN, F_OUT]: fan_in = F_IN*F_OUT? torch: fan_in=shape[1]*prod(shape[2:])/... use standard 2D-style per torch semantics
    fan_in_W = F_IN * F_OUT
    fan_out_W = H * F_OUT
    lim_W = math.sqrt(6.0 / (fan_in_W + fan_out_W))
    W = jax.random.uniform(k3, (H, F_IN, F_OUT), minval=-lim_W, maxval=lim_W, dtype=jnp.float32)
    lim_a = math.sqrt(6.0 / (H + F_OUT))
    a_src = jax.random.uniform(k4, (H, F_OUT), minval=-lim_a, maxval=lim_a, dtype=jnp.float32)
    a_dst = jax.random.uniform(k5, (H, F_OUT), minval=-lim_a, maxval=lim_a, dtype=jnp.float32)
    bias = jnp.zeros((H * F_OUT,), dtype=jnp.float32)
    return {"x": x, "edge_index": edge_index, "W": W, "a_src": a_src, "a_dst": a_dst, "bias": bias}

def reference(x, edge_index, W, a_src, a_dst, bias):
    n = x.shape[0]
    src = edge_index[0]
    dst = edge_index[1]
    # h = einsum('nd,hdf->nhf', x, W)
    h = jnp.einsum('nd,hdf->nhf', x, W)
    h_src = h[src]          # [E, H, F_OUT] gather
    h_dst = h[dst]          # [E, H, F_OUT] gather
    e = (h_src * a_src).sum(axis=-1) + (h_dst * a_dst).sum(axis=-1)  # [E, H]
    e = jax.nn.leaky_relu(e, negative_slope=0.2)
    # edge softmax over incoming edges per dst node
    e = e - jnp.max(e)
    exp_e = jnp.exp(e)
    denom = jax.ops.segment_sum(exp_e, dst, num_segments=n)  # [N, H]
    alpha = exp_e / (denom[dst] + 1e-16)
    # dropout p=0.0 / eval mode -> identity
    msg = alpha[..., None] * h_src  # [E, H, F_OUT]
    out = jnp.zeros((n, H, F_OUT), dtype=x.dtype).at[dst].add(msg)
    out = out.reshape(n, H * F_OUT)
    out = out + bias
    return out

if __name__ == "__main__":
    import jax
    _d = setup_inputs()
    print(jax.jit(kernel)(*tuple(_d.values())))

</pallas_src>

<mosaic_0001>
#map = affine_map<(d0, d1) -> (0, 0, 0)>
#map1 = affine_map<(d0, d1) -> (0, 0)>
module attributes {stable_mosaic.version = 14 : i64} {
  func.func @_sc_edge_body(%arg0: i32, %arg1: i32, %arg2: memref<32x250x40xi32, #tpu.memory_space<hbm>>, %arg3: memref<32x250x40xi32, #tpu.memory_space<hbm>>, %arg4: memref<10000x16xf32, #tpu.memory_space<hbm>>, %arg5: memref<10000x16xf32, #tpu.memory_space<hbm>>, %arg6: memref<10000x128xf32, #tpu.memory_space<hbm>>, %arg7: memref<8x16xf32, #tpu.memory_space<hbm>>, %arg8: memref<2x10000x128xf32, #tpu.memory_space<hbm>>, %arg9: memref<2x10000x16xf32, #tpu.memory_space<hbm>>, %arg10: memref<10000x128xf32, #tpu.memory_space<vmem_shared>>, %arg11: memref<10000x16xf32, #tpu.memory_space<vmem_shared>>, %arg12: memref<125x40xi32, #tpu.memory_space<vmem>>, %arg13: memref<125x40xi32, #tpu.memory_space<vmem>>, %arg14: memref<40x16xf32, #tpu.memory_space<vmem>>, %arg15: memref<40x16xf32, #tpu.memory_space<vmem>>, %arg16: memref<40x16xf32, #tpu.memory_space<vmem>>, %arg17: memref<40x16xf32, #tpu.memory_space<vmem>>, %arg18: memref<40x128xf32, #tpu.memory_space<vmem>>, %arg19: memref<40x128xf32, #tpu.memory_space<vmem>>, %arg20: memref<40x16xf32, #tpu.memory_space<vmem>>, %arg21: memref<40x16xf32, #tpu.memory_space<vmem>>, %arg22: memref<40x128xf32, #tpu.memory_space<vmem>>, %arg23: memref<40x128xf32, #tpu.memory_space<vmem>>, %arg24: memref<16xf32, #tpu.memory_space<vmem>>, %arg25: memref<!tpu.dma_semaphore, #tpu.memory_space<semaphore_mem>>, %arg26: memref<!tpu.dma_semaphore, #tpu.memory_space<semaphore_mem>>, %arg27: memref<!tpu.dma_semaphore, #tpu.memory_space<semaphore_mem>>, %arg28: memref<!tpu.dma_semaphore, #tpu.memory_space<semaphore_mem>>) attributes {dimension_semantics = [#tpu.dimension_semantics<core_parallel>, #tpu.dimension_semantics<subcore_parallel>], iteration_bounds = array<i64: 2, 16>, scalar_prefetch = 0 : i64, scratch_operands = 19 : i64, tpu.core_type = #tpu.core_type<sc_vector_subcore>, window_params = [{transform_indices = #map}, {transform_indices = #map}, {transform_indices = #map1}, {transform_indices = #map1}, {transform_indices = #map1}, {transform_indices = #map1}, {transform_indices = #map}, {transform_indices = #map}]} {
    %mul3A = arith.constant 16 : i32
    %mul3A_0 = arith.muli %arg0, %mul3A : i32
    %add3A = arith.addi %mul3A_0, %arg1 : i32
    %mul3A_1 = arith.constant 624 : i32
    %mul3A_2 = arith.muli %arg1, %mul3A_1 : i32
    %broadcast_in_dim3A = arith.constant 0.000000e+00 : f32
    %broadcast_in_dim3A_3 = vector.broadcast %broadcast_in_dim3A : f32 to vector<16xf32>
    %scan3A = arith.constant 0 : i32
    %scan3A_4 = arith.constant 0 : i32
    %scan3A_5 = arith.constant 40 : i32
    %scan3A_6 = arith.addi %scan3A_4, %scan3A_5 : i32
    %scan3A_7 = arith.constant 1 : i32
    %scan3A_8 = scf.for %scan3A_355 = %scan3A_4 to %scan3A_6 step %scan3A_7 iter_args(%scan3A_356 = %scan3A) -> (i32)  : i32 {
      %swap3A = arith.index_cast %scan3A_355 : i32 to index
      %swap3A_357 = arith.constant 0 : index
      %swap3A_358 = tpu.vector_load %arg20[%swap3A, %swap3A_357] {strides = array<i32>} : memref<40x16xf32, #tpu.memory_space<vmem>>, vector<1x16xf32>,
      %swap3A_359 = vector.shape_cast %swap3A_358 : vector<1x16xf32> to vector<16xf32>
      %swap3A_360 = vector.shape_cast %broadcast_in_dim3A_3 : vector<16xf32> to vector<1x16xf32>
      tpu.vector_store %arg20[%swap3A, %swap3A_357], %swap3A_360 {strides = array<i32>} : memref<40x16xf32, #tpu.memory_space<vmem>>, vector<1x16xf32>,
      %scan3A_361 = arith.constant 0 : i32
      scf.yield %scan3A_361 : i32
    }
    %scan3A_9 = arith.constant 40 : i32
    %scan3A_10 = arith.constant 0 : i32
    %scan3A_11 = arith.constant 0 : i32
    %scan3A_12 = arith.constant 40 : i32
    %scan3A_13 = arith.addi %scan3A_11, %scan3A_12 : i32
    %scan3A_14 = arith.constant 1 : i32
    %scan3A_15 = scf.for %scan3A_355 = %scan3A_11 to %scan3A_13 step %scan3A_14 iter_args(%scan3A_356 = %scan3A_10) -> (i32)  : i32 {
      %swap3A = arith.index_cast %scan3A_355 : i32 to index
      %swap3A_357 = arith.constant 0 : index
      %swap3A_358 = tpu.vector_load %arg22[%swap3A, %swap3A_357] {strides = array<i32>} : memref<40x128xf32, #tpu.memory_space<vmem>>, vector<1x16xf32>,
      %swap3A_359 = vector.shape_cast %swap3A_358 : vector<1x16xf32> to vector<16xf32>
      %swap3A_360 = vector.shape_cast %broadcast_in_dim3A_3 : vector<16xf32> to vector<1x16xf32>
      tpu.vector_store %arg22[%swap3A, %swap3A_357], %swap3A_360 {strides = array<i32>} : memref<40x128xf32, #tpu.memory_space<vmem>>, vector<1x16xf32>,
      %swap3A_361 = arith.index_cast %scan3A_355 : i32 to index
      %swap3A_362 = arith.constant 16 : index
      %swap3A_363 = tpu.vector_load %arg22[%swap3A_361, %swap3A_362] {strides = array<i32>} : memref<40x128xf32, #tpu.memory_space<vmem>>, vector<1x16xf32>,
      %swap3A_364 = vector.shape_cast %swap3A_363 : vector<1x16xf32> to vector<16xf32>
      %swap3A_365 = vector.shape_cast %broadcast_in_dim3A_3 : vector<16xf32> to vector<1x16xf32>
      tpu.vector_store %arg22[%swap3A_361, %swap3A_362], %swap3A_365 {strides = array<i32>} : memref<40x128xf32, #tpu.memory_space<vmem>>, vector<1x16xf32>,
      %swap3A_366 = arith.index_cast %scan3A_355 : i32 to index
      %swap3A_367 = arith.constant 32 : index
      %swap3A_368 = tpu.vector_load %arg22[%swap3A_366, %swap3A_367] {strides = array<i32>} : memref<40x128xf32, #tpu.memory_space<vmem>>, vector<1x16xf32>,
      %swap3A_369 = vector.shape_cast %swap3A_368 : vector<1x16xf32> to vector<16xf32>
      %swap3A_370 = vector.shape_cast %broadcast_in_dim3A_3 : vector<16xf32> to vector<1x16xf32>
      tpu.vector_store %arg22[%swap3A_366, %swap3A_367], %swap3A_370 {strides = array<i32>} : memref<40x128xf32, #tpu.memory_space<vmem>>, vector<1x16xf32>,
      %swap3A_371 = arith.index_cast %scan3A_355 : i32 to index
      %swap3A_372 = arith.constant 48 : index
      %swap3A_373 = tpu.vector_load %arg22[%swap3A_371, %swap3A_372] {strides = array<i32>} : memref<40x128xf32, #tpu.memory_space<vmem>>, vector<1x16xf32>,
      %swap3A_374 = vector.shape_cast %swap3A_373 : vector<1x16xf32> to vector<16xf32>
      %swap3A_375 = vector.shape_cast %broadcast_in_dim3A_3 : vector<16xf32> to vector<1x16xf32>
      tpu.vector_store %arg22[%swap3A_371, %swap3A_372], %swap3A_375 {strides = array<i32>} : memref<40x128xf32, #tpu.memory_space<vmem>>, vector<1x16xf32>,
      %swap3A_376 = arith.index_cast %scan3A_355 : i32 to index
      %swap3A_377 = arith.constant 64 : index
      %swap3A_378 = tpu.vector_load %arg22[%swap3A_376, %swap3A_377] {strides = array<i32>} : memref<40x128xf32, #tpu.memory_space<vmem>>, vector<1x16xf32>,
      %swap3A_379 = vector.shape_cast %swap3A_378 : vector<1x16xf32> to vector<16xf32>
      %swap3A_380 = vector.shape_cast %broadcast_in_dim3A_3 : vector<16xf32> to vector<1x16xf32>
      tpu.vector_store %arg22[%swap3A_376, %swap3A_377], %swap3A_380 {strides = array<i32>} : memref<40x128xf32, #tpu.memory_space<vmem>>, vector<1x16xf32>,
      %swap3A_381 = arith.index_cast %scan3A_355 : i32 to index
      %swap3A_382 = arith.constant 80 : index
      %swap3A_383 = tpu.vector_load %arg22[%swap3A_381, %swap3A_382] {strides = array<i32>} : memref<40x128xf32, #tpu.memory_space<vmem>>, vector<1x16xf32>,
      %swap3A_384 = vector.shape_cast %swap3A_383 : vector<1x16xf32> to vector<16xf32>
      %swap3A_385 = vector.shape_cast %broadcast_in_dim3A_3 : vector<16xf32> to vector<1x16xf32>
      tpu.vector_store %arg22[%swap3A_381, %swap3A_382], %swap3A_385 {strides = array<i32>} : memref<40x128xf32, #tpu.memory_space<vmem>>, vector<1x16xf32>,
      %swap3A_386 = arith.index_cast %scan3A_355 : i32 to index
      %swap3A_387 = arith.constant 96 : index
      %swap3A_388 = tpu.vector_load %arg22[%swap3A_386, %swap3A_387] {strides = array<i32>} : memref<40x128xf32, #tpu.memory_space<vmem>>, vector<1x16xf32>,
      %swap3A_389 = vector.shape_cast %swap3A_388 : vector<1x16xf32> to vector<16xf32>
      %swap3A_390 = vector.shape_cast %broadcast_in_dim3A_3 : vector<16xf32> to vector<1x16xf32>
      tpu.vector_store %arg22[%swap3A_386, %swap3A_387], %swap3A_390 {strides = array<i32>} : memref<40x128xf32, #tpu.memory_space<vmem>>, vector<1x16xf32>,
      %swap3A_391 = arith.index_cast %scan3A_355 : i32 to index
      %swap3A_392 = arith.constant 112 : index
      %swap3A_393 = tpu.vector_load %arg22[%swap3A_391, %swap3A_392] {strides = array<i32>} : memref<40x128xf32, #tpu.memory_space<vmem>>, vector<1x16xf32>,
      %swap3A_394 = vector.shape_cast %swap3A_393 : vector<1x16xf32> to vector<16xf32>
      %swap3A_395 = vector.shape_cast %broadcast_in_dim3A_3 : vector<16xf32> to vector<1x16xf32>
      tpu.vector_store %arg22[%swap3A_391, %swap3A_392], %swap3A_395 {strides = array<i32>} : memref<40x128xf32, #tpu.memory_space<vmem>>, vector<1x16xf32>,
      %scan3A_396 = arith.constant 0 : i32
      scf.yield %scan3A_396 : i32
    }
    %scan3A_16 = arith.constant 40 : i32
    %add3A_17 = arith.constant 0 : i32
    %add3A_18 = arith.addi %mul3A_2, %add3A_17 : i32
    "tpu.region"() ({
      %run_scoped3A_355 = tpu.sem_alloc : memref<!tpu.dma_semaphore, #tpu.memory_space<semaphore_mem>>
      %dma_start3A_356 = arith.constant 0 : i32
      %dma_start3A_357 = tpu.memref_slice %arg11[%add3A_18, %dma_start3A_356] : memref<10000x16xf32, #tpu.memory_space<vmem_shared>> -> memref<40x16xf32, #tpu.memory_space<vmem_shared>>
      %dma_start3A_358 = arith.constant 0 : i32
      %dma_start3A_359 = tpu.memref_slice %arg11[%add3A_18, %dma_start3A_358] : memref<10000x16xf32, #tpu.memory_space<vmem_shared>> -> memref<40x16xf32, #tpu.memory_space<vmem_shared>>
      tpu.enqueue_dma source(%arg20 : memref<40x16xf32, #tpu.memory_space<vmem>>) target(%dma_start3A_359 : memref<40x16xf32, #tpu.memory_space<vmem_shared>>) target_semaphore(%run_scoped3A_355 : memref<!tpu.dma_semaphore, #tpu.memory_space<semaphore_mem>>)
      %dma_wait3A_360 = arith.constant 0 : i32
      %dma_wait3A_361 = tpu.memref_slice %arg11[%add3A_18, %dma_wait3A_360] : memref<10000x16xf32, #tpu.memory_space<vmem_shared>> -> memref<40x16xf32, #tpu.memory_space<vmem_shared>>
      %dma_wait3A_362 = arith.constant 0 : i32
      %dma_wait3A_363 = tpu.memref_slice %arg11[%add3A_18, %dma_wait3A_362] : memref<10000x16xf32, #tpu.memory_space<vmem_shared>> -> memref<40x16xf32, #tpu.memory_space<vmem_shared>>
      tpu.wait_dma2 semaphore(%run_scoped3A_355 : memref<!tpu.dma_semaphore, #tpu.memory_space<semaphore_mem>>) src(%arg20 : memref<40x16xf32, #tpu.memory_space<vmem>>) dst(%dma_wait3A_363 : memref<40x16xf32, #tpu.memory_space<vmem_shared>>)
      tpu.yield
    }) : () -> ()
    %add3A_19 = arith.constant 0 : i32
    %add3A_20 = arith.addi %mul3A_2, %add3A_19 : i32
    "tpu.region"() ({
      %run_scoped3A_355 = tpu.sem_alloc : memref<!tpu.dma_semaphore, #tpu.memory_space<semaphore_mem>>
      %dma_start3A_356 = arith.constant 0 : i32
      %dma_start3A_357 = tpu.memref_slice %arg10[%add3A_20, %dma_start3A_356] : memref<10000x128xf32, #tpu.memory_space<vmem_shared>> -> memref<40x128xf32, #tpu.memory_space<vmem_shared>>
      %dma_start3A_358 = arith.constant 0 : i32
      %dma_start3A_359 = tpu.memref_slice %arg10[%add3A_20, %dma_start3A_358] : memref<10000x128xf32, #tpu.memory_space<vmem_shared>> -> memref<40x128xf32, #tpu.memory_space<vmem_shared>>
      tpu.enqueue_dma source(%arg22 : memref<40x128xf32, #tpu.memory_space<vmem>>) target(%dma_start3A_359 : memref<40x128xf32, #tpu.memory_space<vmem_shared>>) target_semaphore(%run_scoped3A_355 : memref<!tpu.dma_semaphore, #tpu.memory_space<semaphore_mem>>)
      %dma_wait3A_360 = arith.constant 0 : i32
      %dma_wait3A_361 = tpu.memref_slice %arg10[%add3A_20, %dma_wait3A_360] : memref<10000x128xf32, #tpu.memory_space<vmem_shared>> -> memref<40x128xf32, #tpu.memory_space<vmem_shared>>
      %dma_wait3A_362 = arith.constant 0 : i32
      %dma_wait3A_363 = tpu.memref_slice %arg10[%add3A_20, %dma_wait3A_362] : memref<10000x128xf32, #tpu.memory_space<vmem_shared>> -> memref<40x128xf32, #tpu.memory_space<vmem_shared>>
      tpu.wait_dma2 semaphore(%run_scoped3A_355 : memref<!tpu.dma_semaphore, #tpu.memory_space<semaphore_mem>>) src(%arg22 : memref<40x128xf32, #tpu.memory_space<vmem>>) dst(%dma_wait3A_363 : memref<40x128xf32, #tpu.memory_space<vmem_shared>>)
      tpu.yield
    }) : () -> ()
    %add3A_21 = arith.constant 40 : i32
    %add3A_22 = arith.addi %mul3A_2, %add3A_21 : i32
    "tpu.region"() ({
      %run_scoped3A_355 = tpu.sem_alloc : memref<!tpu.dma_semaphore, #tpu.memory_space<semaphore_mem>>
      %dma_start3A_356 = arith.constant 0 : i32
      %dma_start3A_357 = tpu.memref_slice %arg11[%add3A_22, %dma_start3A_356] : memref<10000x16xf32, #tpu.memory_space<vmem_shared>> -> memref<40x16xf32, #tpu.memory_space<vmem_shared>>
      %dma_start3A_358 = arith.constant 0 : i32
      %dma_start3A_359 = tpu.memref_slice %arg11[%add3A_22, %dma_start3A_358] : memref<10000x16xf32, #tpu.memory_space<vmem_shared>> -> memref<40x16xf32, #tpu.memory_space<vmem_shared>>
      tpu.enqueue_dma source(%arg20 : memref<40x16xf32, #tpu.memory_space<vmem>>) target(%dma_start3A_359 : memref<40x16xf32, #tpu.memory_space<vmem_shared>>) target_semaphore(%run_scoped3A_355 : memref<!tpu.dma_semaphore, #tpu.memory_space<semaphore_mem>>)
      %dma_wait3A_360 = arith.constant 0 : i32
      %dma_wait3A_361 = tpu.memref_slice %arg11[%add3A_22, %dma_wait3A_360] : memref<10000x16xf32, #tpu.memory_space<vmem_shared>> -> memref<40x16xf32, #tpu.memory_space<vmem_shared>>
      %dma_wait3A_362 = arith.constant 0 : i32
      %dma_wait3A_363 = tpu.memref_slice %arg11[%add3A_22, %dma_wait3A_362] : memref<10000x16xf32, #tpu.memory_space<vmem_shared>> -> memref<40x16xf32, #tpu.memory_space<vmem_shared>>
      tpu.wait_dma2 semaphore(%run_scoped3A_355 : memref<!tpu.dma_semaphore, #tpu.memory_space<semaphore_mem>>) src(%arg20 : memref<40x16xf32, #tpu.memory_space<vmem>>) dst(%dma_wait3A_363 : memref<40x16xf32, #tpu.memory_space<vmem_shared>>)
      tpu.yield
    }) : () -> ()
    %add3A_23 = arith.constant 40 : i32
    %add3A_24 = arith.addi %mul3A_2, %add3A_23 : i32
    "tpu.region"() ({
      %run_scoped3A_355 = tpu.sem_alloc : memref<!tpu.dma_semaphore, #tpu.memory_space<semaphore_mem>>
      %dma_start3A_356 = arith.constant 0 : i32
      %dma_start3A_357 = tpu.memref_slice %arg10[%add3A_24, %dma_start3A_356] : memref<10000x128xf32, #tpu.memory_space<vmem_shared>> -> memref<40x128xf32, #tpu.memory_space<vmem_shared>>
      %dma_start3A_358 = arith.constant 0 : i32
      %dma_start3A_359 = tpu.memref_slice %arg10[%add3A_24, %dma_start3A_358] : memref<10000x128xf32, #tpu.memory_space<vmem_shared>> -> memref<40x128xf32, #tpu.memory_space<vmem_shared>>
      tpu.enqueue_dma source(%arg22 : memref<40x128xf32, #tpu.memory_space<vmem>>) target(%dma_start3A_359 : memref<40x128xf32, #tpu.memory_space<vmem_shared>>) target_semaphore(%run_scoped3A_355 : memref<!tpu.dma_semaphore, #tpu.memory_space<semaphore_mem>>)
      %dma_wait3A_360 = arith.constant 0 : i32
      %dma_wait3A_361 = tpu.memref_slice %arg10[%add3A_24, %dma_wait3A_360] : memref<10000x128xf32, #tpu.memory_space<vmem_shared>> -> memref<40x128xf32, #tpu.memory_space<vmem_shared>>
      %dma_wait3A_362 = arith.constant 0 : i32
      %dma_wait3A_363 = tpu.memref_slice %arg10[%add3A_24, %dma_wait3A_362] : memref<10000x128xf32, #tpu.memory_space<vmem_shared>> -> memref<40x128xf32, #tpu.memory_space<vmem_shared>>
      tpu.wait_dma2 semaphore(%run_scoped3A_355 : memref<!tpu.dma_semaphore, #tpu.memory_space<semaphore_mem>>) src(%arg22 : memref<40x128xf32, #tpu.memory_space<vmem>>) dst(%dma_wait3A_363 : memref<40x128xf32, #tpu.memory_space<vmem_shared>>)
      tpu.yield
    }) : () -> ()
    %add3A_25 = arith.constant 80 : i32
    %add3A_26 = arith.addi %mul3A_2, %add3A_25 : i32
    "tpu.region"() ({
      %run_scoped3A_355 = tpu.sem_alloc : memref<!tpu.dma_semaphore, #tpu.memory_space<semaphore_mem>>
      %dma_start3A_356 = arith.constant 0 : i32
      %dma_start3A_357 = tpu.memref_slice %arg11[%add3A_26, %dma_start3A_356] : memref<10000x16xf32, #tpu.memory_space<vmem_shared>> -> memref<40x16xf32, #tpu.memory_space<vmem_shared>>
      %dma_start3A_358 = arith.constant 0 : i32
      %dma_start3A_359 = tpu.memref_slice %arg11[%add3A_26, %dma_start3A_358] : memref<10000x16xf32, #tpu.memory_space<vmem_shared>> -> memref<40x16xf32, #tpu.memory_space<vmem_shared>>
      tpu.enqueue_dma source(%arg20 : memref<40x16xf32, #tpu.memory_space<vmem>>) target(%dma_start3A_359 : memref<40x16xf32, #tpu.memory_space<vmem_shared>>) target_semaphore(%run_scoped3A_355 : memref<!tpu.dma_semaphore, #tpu.memory_space<semaphore_mem>>)
      %dma_wait3A_360 = arith.constant 0 : i32
      %dma_wait3A_361 = tpu.memref_slice %arg11[%add3A_26, %dma_wait3A_360] : memref<10000x16xf32, #tpu.memory_space<vmem_shared>> -> memref<40x16xf32, #tpu.memory_space<vmem_shared>>
      %dma_wait3A_362 = arith.constant 0 : i32
      %dma_wait3A_363 = tpu.memref_slice %arg11[%add3A_26, %dma_wait3A_362] : memref<10000x16xf32, #tpu.memory_space<vmem_shared>> -> memref<40x16xf32, #tpu.memory_space<vmem_shared>>
      tpu.wait_dma2 semaphore(%run_scoped3A_355 : memref<!tpu.dma_semaphore, #tpu.memory_space<semaphore_mem>>) src(%arg20 : memref<40x16xf32, #tpu.memory_space<vmem>>) dst(%dma_wait3A_363 : memref<40x16xf32, #tpu.memory_space<vmem_shared>>)
      tpu.yield
    }) : () -> ()
    %add3A_27 = arith.constant 80 : i32
    %add3A_28 = arith.addi %mul3A_2, %add3A_27 : i32
    "tpu.region"() ({
      %run_scoped3A_355 = tpu.sem_alloc : memref<!tpu.dma_semaphore, #tpu.memory_space<semaphore_mem>>
      %dma_start3A_356 = arith.constant 0 : i32
      %dma_start3A_357 = tpu.memref_slice %arg10[%add3A_28, %dma_start3A_356] : memref<10000x128xf32, #tpu.memory_space<vmem_shared>> -> memref<40x128xf32, #tpu.memory_space<vmem_shared>>
      %dma_start3A_358 = arith.constant 0 : i32
      %dma_start3A_359 = tpu.memref_slice %arg10[%add3A_28, %dma_start3A_358] : memref<10000x128xf32, #tpu.memory_space<vmem_shared>> -> memref<40x128xf32, #tpu.memory_space<vmem_shared>>
      tpu.enqueue_dma source(%arg22 : memref<40x128xf32, #tpu.memory_space<vmem>>) target(%dma_start3A_359 : memref<40x128xf32, #tpu.memory_space<vmem_shared>>) target_semaphore(%run_scoped3A_355 : memref<!tpu.dma_semaphore, #tpu.memory_space<semaphore_mem>>)
      %dma_wait3A_360 = arith.constant 0 : i32
      %dma_wait3A_361 = tpu.memref_slice %arg10[%add3A_28, %dma_wait3A_360] : memref<10000x128xf32, #tpu.memory_space<vmem_shared>> -> memref<40x128xf32, #tpu.memory_space<vmem_shared>>
      %dma_wait3A_362 = arith.constant 0 : i32
      %dma_wait3A_363 = tpu.memref_slice %arg10[%add3A_28, %dma_wait3A_362] : memref<10000x128xf32, #tpu.memory_space<vmem_shared>> -> memref<40x128xf32, #tpu.memory_space<vmem_shared>>
      tpu.wait_dma2 semaphore(%run_scoped3A_355 : memref<!tpu.dma_semaphore, #tpu.memory_space<semaphore_mem>>) src(%arg22 : memref<40x128xf32, #tpu.memory_space<vmem>>) dst(%dma_wait3A_363 : memref<40x128xf32, #tpu.memory_space<vmem_shared>>)
      tpu.yield
    }) : () -> ()
    %add3A_29 = arith.constant 120 : i32
    %add3A_30 = arith.addi %mul3A_2, %add3A_29 : i32
    "tpu.region"() ({
      %run_scoped3A_355 = tpu.sem_alloc : memref<!tpu.dma_semaphore, #tpu.memory_space<semaphore_mem>>
      %dma_start3A_356 = arith.constant 0 : i32
      %dma_start3A_357 = tpu.memref_slice %arg11[%add3A_30, %dma_start3A_356] : memref<10000x16xf32, #tpu.memory_space<vmem_shared>> -> memref<40x16xf32, #tpu.memory_space<vmem_shared>>
      %dma_start3A_358 = arith.constant 0 : i32
      %dma_start3A_359 = tpu.memref_slice %arg11[%add3A_30, %dma_start3A_358] : memref<10000x16xf32, #tpu.memory_space<vmem_shared>> -> memref<40x16xf32, #tpu.memory_space<vmem_shared>>
      tpu.enqueue_dma source(%arg20 : memref<40x16xf32, #tpu.memory_space<vmem>>) target(%dma_start3A_359 : memref<40x16xf32, #tpu.memory_space<vmem_shared>>) target_semaphore(%run_scoped3A_355 : memref<!tpu.dma_semaphore, #tpu.memory_space<semaphore_mem>>)
      %dma_wait3A_360 = arith.constant 0 : i32
      %dma_wait3A_361 = tpu.memref_slice %arg11[%add3A_30, %dma_wait3A_360] : memref<10000x16xf32, #tpu.memory_space<vmem_shared>> -> memref<40x16xf32, #tpu.memory_space<vmem_shared>>
      %dma_wait3A_362 = arith.constant 0 : i32
      %dma_wait3A_363 = tpu.memref_slice %arg11[%add3A_30, %dma_wait3A_362] : memref<10000x16xf32, #tpu.memory_space<vmem_shared>> -> memref<40x16xf32, #tpu.memory_space<vmem_shared>>
      tpu.wait_dma2 semaphore(%run_scoped3A_355 : memref<!tpu.dma_semaphore, #tpu.memory_space<semaphore_mem>>) src(%arg20 : memref<40x16xf32, #tpu.memory_space<vmem>>) dst(%dma_wait3A_363 : memref<40x16xf32, #tpu.memory_space<vmem_shared>>)
      tpu.yield
    }) : () -> ()
    %add3A_31 = arith.constant 120 : i32
    %add3A_32 = arith.addi %mul3A_2, %add3A_31 : i32
    "tpu.region"() ({
      %run_scoped3A_355 = tpu.sem_alloc : memref<!tpu.dma_semaphore, #tpu.memory_space<semaphore_mem>>
      %dma_start3A_356 = arith.constant 0 : i32
      %dma_start3A_357 = tpu.memref_slice %arg10[%add3A_32, %dma_start3A_356] : memref<10000x128xf32, #tpu.memory_space<vmem_shared>> -> memref<40x128xf32, #tpu.memory_space<vmem_shared>>
      %dma_start3A_358 = arith.constant 0 : i32
      %dma_start3A_359 = tpu.memref_slice %arg10[%add3A_32, %dma_start3A_358] : memref<10000x128xf32, #tpu.memory_space<vmem_shared>> -> memref<40x128xf32, #tpu.memory_space<vmem_shared>>
      tpu.enqueue_dma source(%arg22 : memref<40x128xf32, #tpu.memory_space<vmem>>) target(%dma_start3A_359 : memref<40x128xf32, #tpu.memory_space<vmem_shared>>) target_semaphore(%run_scoped3A_355 : memref<!tpu.dma_semaphore, #tpu.memory_space<semaphore_mem>>)
      %dma_wait3A_360 = arith.constant 0 : i32
      %dma_wait3A_361 = tpu.memref_slice %arg10[%add3A_32, %dma_wait3A_360] : memref<10000x128xf32, #tpu.memory_space<vmem_shared>> -> memref<40x128xf32, #tpu.memory_space<vmem_shared>>
      %dma_wait3A_362 = arith.constant 0 : i32
      %dma_wait3A_363 = tpu.memref_slice %arg10[%add3A_32, %dma_wait3A_362] : memref<10000x128xf32, #tpu.memory_space<vmem_shared>> -> memref<40x128xf32, #tpu.memory_space<vmem_shared>>
      tpu.wait_dma2 semaphore(%run_scoped3A_355 : memref<!tpu.dma_semaphore, #tpu.memory_space<semaphore_mem>>) src(%arg22 : memref<40x128xf32, #tpu.memory_space<vmem>>) dst(%dma_wait3A_363 : memref<40x128xf32, #tpu.memory_space<vmem_shared>>)
      tpu.yield
    }) : () -> ()
    %add3A_33 = arith.constant 160 : i32
    %add3A_34 = arith.addi %mul3A_2, %add3A_33 : i32
    "tpu.region"() ({
      %run_scoped3A_355 = tpu.sem_alloc : memref<!tpu.dma_semaphore, #tpu.memory_space<semaphore_mem>>
      %dma_start3A_356 = arith.constant 0 : i32
      %dma_start3A_357 = tpu.memref_slice %arg11[%add3A_34, %dma_start3A_356] : memref<10000x16xf32, #tpu.memory_space<vmem_shared>> -> memref<40x16xf32, #tpu.memory_space<vmem_shared>>
      %dma_start3A_358 = arith.constant 0 : i32
      %dma_start3A_359 = tpu.memref_slice %arg11[%add3A_34, %dma_start3A_358] : memref<10000x16xf32, #tpu.memory_space<vmem_shared>> -> memref<40x16xf32, #tpu.memory_space<vmem_shared>>
      tpu.enqueue_dma source(%arg20 : memref<40x16xf32, #tpu.memory_space<vmem>>) target(%dma_start3A_359 : memref<40x16xf32, #tpu.memory_space<vmem_shared>>) target_semaphore(%run_scoped3A_355 : memref<!tpu.dma_semaphore, #tpu.memory_space<semaphore_mem>>)
      %dma_wait3A_360 = arith.constant 0 : i32
      %dma_wait3A_361 = tpu.memref_slice %arg11[%add3A_34, %dma_wait3A_360] : memref<10000x16xf32, #tpu.memory_space<vmem_shared>> -> memref<40x16xf32, #tpu.memory_space<vmem_shared>>
      %dma_wait3A_362 = arith.constant 0 : i32
      %dma_wait3A_363 = tpu.memref_slice %arg11[%add3A_34, %dma_wait3A_362] : memref<10000x16xf32, #tpu.memory_space<vmem_shared>> -> memref<40x16xf32, #tpu.memory_space<vmem_shared>>
      tpu.wait_dma2 semaphore(%run_scoped3A_355 : memref<!tpu.dma_semaphore, #tpu.memory_space<semaphore_mem>>) src(%arg20 : memref<40x16xf32, #tpu.memory_space<vmem>>) dst(%dma_wait3A_363 : memref<40x16xf32, #tpu.memory_space<vmem_shared>>)
      tpu.yield
    }) : () -> ()
    %add3A_35 = arith.constant 160 : i32
    %add3A_36 = arith.addi %mul3A_2, %add3A_35 : i32
    "tpu.region"() ({
      %run_scoped3A_355 = tpu.sem_alloc : memref<!tpu.dma_semaphore, #tpu.memory_space<semaphore_mem>>
      %dma_start3A_356 = arith.constant 0 : i32
      %dma_start3A_357 = tpu.memref_slice %arg10[%add3A_36, %dma_start3A_356] : memref<10000x128xf32, #tpu.memory_space<vmem_shared>> -> memref<40x128xf32, #tpu.memory_space<vmem_shared>>
      %dma_start3A_358 = arith.constant 0 : i32
      %dma_start3A_359 = tpu.memref_slice %arg10[%add3A_36, %dma_start3A_358] : memref<10000x128xf32, #tpu.memory_space<vmem_shared>> -> memref<40x128xf32, #tpu.memory_space<vmem_shared>>
      tpu.enqueue_dma source(%arg22 : memref<40x128xf32, #tpu.memory_space<vmem>>) target(%dma_start3A_359 : memref<40x128xf32, #tpu.memory_space<vmem_shared>>) target_semaphore(%run_scoped3A_355 : memref<!tpu.dma_semaphore, #tpu.memory_space<semaphore_mem>>)
      %dma_wait3A_360 = arith.constant 0 : i32
      %dma_wait3A_361 = tpu.memref_slice %arg10[%add3A_36, %dma_wait3A_360] : memref<10000x128xf32, #tpu.memory_space<vmem_shared>> -> memref<40x128xf32, #tpu.memory_space<vmem_shared>>
      %dma_wait3A_362 = arith.constant 0 : i32
      %dma_wait3A_363 = tpu.memref_slice %arg10[%add3A_36, %dma_wait3A_362] : memref<10000x128xf32, #tpu.memory_space<vmem_shared>> -> memref<40x128xf32, #tpu.memory_space<vmem_shared>>
      tpu.wait_dma2 semaphore(%run_scoped3A_355 : memref<!tpu.dma_semaphore, #tpu.memory_space<semaphore_mem>>) src(%arg22 : memref<40x128xf32, #tpu.memory_space<vmem>>) dst(%dma_wait3A_363 : memref<40x128xf32, #tpu.memory_space<vmem_shared>>)
      tpu.yield
    }) : () -> ()
    %add3A_37 = arith.constant 200 : i32
    %add3A_38 = arith.addi %mul3A_2, %add3A_37 : i32
    "tpu.region"() ({
      %run_scoped3A_355 = tpu.sem_alloc : memref<!tpu.dma_semaphore, #tpu.memory_space<semaphore_mem>>
      %dma_start3A_356 = arith.constant 0 : i32
      %dma_start3A_357 = tpu.memref_slice %arg11[%add3A_38, %dma_start3A_356] : memref<10000x16xf32, #tpu.memory_space<vmem_shared>> -> memref<40x16xf32, #tpu.memory_space<vmem_shared>>
      %dma_start3A_358 = arith.constant 0 : i32
      %dma_start3A_359 = tpu.memref_slice %arg11[%add3A_38, %dma_start3A_358] : memref<10000x16xf32, #tpu.memory_space<vmem_shared>> -> memref<40x16xf32, #tpu.memory_space<vmem_shared>>
      tpu.enqueue_dma source(%arg20 : memref<40x16xf32, #tpu.memory_space<vmem>>) target(%dma_start3A_359 : memref<40x16xf32, #tpu.memory_space<vmem_shared>>) target_semaphore(%run_scoped3A_355 : memref<!tpu.dma_semaphore, #tpu.memory_space<semaphore_mem>>)
      %dma_wait3A_360 = arith.constant 0 : i32
      %dma_wait3A_361 = tpu.memref_slice %arg11[%add3A_38, %dma_wait3A_360] : memref<10000x16xf32, #tpu.memory_space<vmem_shared>> -> memref<40x16xf32, #tpu.memory_space<vmem_shared>>
      %dma_wait3A_362 = arith.constant 0 : i32
      %dma_wait3A_363 = tpu.memref_slice %arg11[%add3A_38, %dma_wait3A_362] : memref<10000x16xf32, #tpu.memory_space<vmem_shared>> -> memref<40x16xf32, #tpu.memory_space<vmem_shared>>
      tpu.wait_dma2 semaphore(%run_scoped3A_355 : memref<!tpu.dma_semaphore, #tpu.memory_space<semaphore_mem>>) src(%arg20 : memref<40x16xf32, #tpu.memory_space<vmem>>) dst(%dma_wait3A_363 : memref<40x16xf32, #tpu.memory_space<vmem_shared>>)
      tpu.yield
    }) : () -> ()
    %add3A_39 = arith.constant 200 : i32
    %add3A_40 = arith.addi %mul3A_2, %add3A_39 : i32
    "tpu.region"() ({
      %run_scoped3A_355 = tpu.sem_alloc : memref<!tpu.dma_semaphore, #tpu.memory_space<semaphore_mem>>
      %dma_start3A_356 = arith.constant 0 : i32
      %dma_start3A_357 = tpu.memref_slice %arg10[%add3A_40, %dma_start3A_356] : memref<10000x128xf32, #tpu.memory_space<vmem_shared>> -> memref<40x128xf32, #tpu.memory_space<vmem_shared>>
      %dma_start3A_358 = arith.constant 0 : i32
      %dma_start3A_359 = tpu.memref_slice %arg10[%add3A_40, %dma_start3A_358] : memref<10000x128xf32, #tpu.memory_space<vmem_shared>> -> memref<40x128xf32, #tpu.memory_space<vmem_shared>>
      tpu.enqueue_dma source(%arg22 : memref<40x128xf32, #tpu.memory_space<vmem>>) target(%dma_start3A_359 : memref<40x128xf32, #tpu.memory_space<vmem_shared>>) target_semaphore(%run_scoped3A_355 : memref<!tpu.dma_semaphore, #tpu.memory_space<semaphore_mem>>)
      %dma_wait3A_360 = arith.constant 0 : i32
      %dma_wait3A_361 = tpu.memref_slice %arg10[%add3A_40, %dma_wait3A_360] : memref<10000x128xf32, #tpu.memory_space<vmem_shared>> -> memref<40x128xf32, #tpu.memory_space<vmem_shared>>
      %dma_wait3A_362 = arith.constant 0 : i32
      %dma_wait3A_363 = tpu.memref_slice %arg10[%add3A_40, %dma_wait3A_362] : memref<10000x128xf32, #tpu.memory_space<vmem_shared>> -> memref<40x128xf32, #tpu.memory_space<vmem_shared>>
      tpu.wait_dma2 semaphore(%run_scoped3A_355 : memref<!tpu.dma_semaphore, #tpu.memory_space<semaphore_mem>>) src(%arg22 : memref<40x128xf32, #tpu.memory_space<vmem>>) dst(%dma_wait3A_363 : memref<40x128xf32, #tpu.memory_space<vmem_shared>>)
      tpu.yield
    }) : () -> ()
    %add3A_41 = arith.constant 240 : i32
    %add3A_42 = arith.addi %mul3A_2, %add3A_41 : i32
    "tpu.region"() ({
      %run_scoped3A_355 = tpu.sem_alloc : memref<!tpu.dma_semaphore, #tpu.memory_space<semaphore_mem>>
      %dma_start3A_356 = arith.constant 0 : i32
      %dma_start3A_357 = tpu.memref_slice %arg11[%add3A_42, %dma_start3A_356] : memref<10000x16xf32, #tpu.memory_space<vmem_shared>> -> memref<40x16xf32, #tpu.memory_space<vmem_shared>>
      %dma_start3A_358 = arith.constant 0 : i32
      %dma_start3A_359 = tpu.memref_slice %arg11[%add3A_42, %dma_start3A_358] : memref<10000x16xf32, #tpu.memory_space<vmem_shared>> -> memref<40x16xf32, #tpu.memory_space<vmem_shared>>
      tpu.enqueue_dma source(%arg20 : memref<40x16xf32, #tpu.memory_space<vmem>>) target(%dma_start3A_359 : memref<40x16xf32, #tpu.memory_space<vmem_shared>>) target_semaphore(%run_scoped3A_355 : memref<!tpu.dma_semaphore, #tpu.memory_space<semaphore_mem>>)
      %dma_wait3A_360 = arith.constant 0 : i32
      %dma_wait3A_361 = tpu.memref_slice %arg11[%add3A_42, %dma_wait3A_360] : memref<10000x16xf32, #tpu.memory_space<vmem_shared>> -> memref<40x16xf32, #tpu.memory_space<vmem_shared>>
      %dma_wait3A_362 = arith.constant 0 : i32
      %dma_wait3A_363 = tpu.memref_slice %arg11[%add3A_42, %dma_wait3A_362] : memref<10000x16xf32, #tpu.memory_space<vmem_shared>> -> memref<40x16xf32, #tpu.memory_space<vmem_shared>>
      tpu.wait_dma2 semaphore(%run_scoped3A_355 : memref<!tpu.dma_semaphore, #tpu.memory_space<semaphore_mem>>) src(%arg20 : memref<40x16xf32, #tpu.memory_space<vmem>>) dst(%dma_wait3A_363 : memref<40x16xf32, #tpu.memory_space<vmem_shared>>)
      tpu.yield
    }) : () -> ()
    %add3A_43 = arith.constant 240 : i32
    %add3A_44 = arith.addi %mul3A_2, %add3A_43 : i32
    "tpu.region"() ({
      %run_scoped3A_355 = tpu.sem_alloc : memref<!tpu.dma_semaphore, #tpu.memory_space<semaphore_mem>>
      %dma_start3A_356 = arith.constant 0 : i32
      %dma_start3A_357 = tpu.memref_slice %arg10[%add3A_44, %dma_start3A_356] : memref<10000x128xf32, #tpu.memory_space<vmem_shared>> -> memref<40x128xf32, #tpu.memory_space<vmem_shared>>
      %dma_start3A_358 = arith.constant 0 : i32
      %dma_start3A_359 = tpu.memref_slice %arg10[%add3A_44, %dma_start3A_358] : memref<10000x128xf32, #tpu.memory_space<vmem_shared>> -> memref<40x128xf32, #tpu.memory_space<vmem_shared>>
      tpu.enqueue_dma source(%arg22 : memref<40x128xf32, #tpu.memory_space<vmem>>) target(%dma_start3A_359 : memref<40x128xf32, #tpu.memory_space<vmem_shared>>) target_semaphore(%run_scoped3A_355 : memref<!tpu.dma_semaphore, #tpu.memory_space<semaphore_mem>>)
      %dma_wait3A_360 = arith.constant 0 : i32
      %dma_wait3A_361 = tpu.memref_slice %arg10[%add3A_44, %dma_wait3A_360] : memref<10000x128xf32, #tpu.memory_space<vmem_shared>> -> memref<40x128xf32, #tpu.memory_space<vmem_shared>>
      %dma_wait3A_362 = arith.constant 0 : i32
      %dma_wait3A_363 = tpu.memref_slice %arg10[%add3A_44, %dma_wait3A_362] : memref<10000x128xf32, #tpu.memory_space<vmem_shared>> -> memref<40x128xf32, #tpu.memory_space<vmem_shared>>
      tpu.wait_dma2 semaphore(%run_scoped3A_355 : memref<!tpu.dma_semaphore, #tpu.memory_space<semaphore_mem>>) src(%arg22 : memref<40x128xf32, #tpu.memory_space<vmem>>) dst(%dma_wait3A_363 : memref<40x128xf32, #tpu.memory_space<vmem_shared>>)
      tpu.yield
    }) : () -> ()
    %add3A_45 = arith.constant 280 : i32
    %add3A_46 = arith.addi %mul3A_2, %add3A_45 : i32
    "tpu.region"() ({
      %run_scoped3A_355 = tpu.sem_alloc : memref<!tpu.dma_semaphore, #tpu.memory_space<semaphore_mem>>
      %dma_start3A_356 = arith.constant 0 : i32
      %dma_start3A_357 = tpu.memref_slice %arg11[%add3A_46, %dma_start3A_356] : memref<10000x16xf32, #tpu.memory_space<vmem_shared>> -> memref<40x16xf32, #tpu.memory_space<vmem_shared>>
      %dma_start3A_358 = arith.constant 0 : i32
      %dma_start3A_359 = tpu.memref_slice %arg11[%add3A_46, %dma_start3A_358] : memref<10000x16xf32, #tpu.memory_space<vmem_shared>> -> memref<40x16xf32, #tpu.memory_space<vmem_shared>>
      tpu.enqueue_dma source(%arg20 : memref<40x16xf32, #tpu.memory_space<vmem>>) target(%dma_start3A_359 : memref<40x16xf32, #tpu.memory_space<vmem_shared>>) target_semaphore(%run_scoped3A_355 : memref<!tpu.dma_semaphore, #tpu.memory_space<semaphore_mem>>)
      %dma_wait3A_360 = arith.constant 0 : i32
      %dma_wait3A_361 = tpu.memref_slice %arg11[%add3A_46, %dma_wait3A_360] : memref<10000x16xf32, #tpu.memory_space<vmem_shared>> -> memref<40x16xf32, #tpu.memory_space<vmem_shared>>
      %dma_wait3A_362 = arith.constant 0 : i32
      %dma_wait3A_363 = tpu.memref_slice %arg11[%add3A_46, %dma_wait3A_362] : memref<10000x16xf32, #tpu.memory_space<vmem_shared>> -> memref<40x16xf32, #tpu.memory_space<vmem_shared>>
      tpu.wait_dma2 semaphore(%run_scoped3A_355 : memref<!tpu.dma_semaphore, #tpu.memory_space<semaphore_mem>>) src(%arg20 : memref<40x16xf32, #tpu.memory_space<vmem>>) dst(%dma_wait3A_363 : memref<40x16xf32, #tpu.memory_space<vmem_shared>>)
      tpu.yield
    }) : () -> ()
    %add3A_47 = arith.constant 280 : i32
    %add3A_48 = arith.addi %mul3A_2, %add3A_47 : i32
    "tpu.region"() ({
      %run_scoped3A_355 = tpu.sem_alloc : memref<!tpu.dma_semaphore, #tpu.memory_space<semaphore_mem>>
      %dma_start3A_356 = arith.constant 0 : i32
      %dma_start3A_357 = tpu.memref_slice %arg10[%add3A_48, %dma_start3A_356] : memref<10000x128xf32, #tpu.memory_space<vmem_shared>> -> memref<40x128xf32, #tpu.memory_space<vmem_shared>>
      %dma_start3A_358 = arith.constant 0 : i32
      %dma_start3A_359 = tpu.memref_slice %arg10[%add3A_48, %dma_start3A_358] : memref<10000x128xf32, #tpu.memory_space<vmem_shared>> -> memref<40x128xf32, #tpu.memory_space<vmem_shared>>
      tpu.enqueue_dma source(%arg22 : memref<40x128xf32, #tpu.memory_space<vmem>>) target(%dma_start3A_359 : memref<40x128xf32, #tpu.memory_space<vmem_shared>>) target_semaphore(%run_scoped3A_355 : memref<!tpu.dma_semaphore, #tpu.memory_space<semaphore_mem>>)
      %dma_wait3A_360 = arith.constant 0 : i32
      %dma_wait3A_361 = tpu.memref_slice %arg10[%add3A_48, %dma_wait3A_360] : memref<10000x128xf32, #tpu.memory_space<vmem_shared>> -> memref<40x128xf32, #tpu.memory_space<vmem_shared>>
      %dma_wait3A_362 = arith.constant 0 : i32
      %dma_wait3A_363 = tpu.memref_slice %arg10[%add3A_48, %dma_wait3A_362] : memref<10000x128xf32, #tpu.memory_space<vmem_shared>> -> memref<40x128xf32, #tpu.memory_space<vmem_shared>>
      tpu.wait_dma2 semaphore(%run_scoped3A_355 : memref<!tpu.dma_semaphore, #tpu.memory_space<semaphore_mem>>) src(%arg22 : memref<40x128xf32, #tpu.memory_space<vmem>>) dst(%dma_wait3A_363 : memref<40x128xf32, #tpu.memory_space<vmem_shared>>)
      tpu.yield
    }) : () -> ()
    %add3A_49 = arith.constant 320 : i32
    %add3A_50 = arith.addi %mul3A_2, %add3A_49 : i32
    "tpu.region"() ({
      %run_scoped3A_355 = tpu.sem_alloc : memref<!tpu.dma_semaphore, #tpu.memory_space<semaphore_mem>>
      %dma_start3A_356 = arith.constant 0 : i32
      %dma_start3A_357 = tpu.memref_slice %arg11[%add3A_50, %dma_start3A_356] : memref<10000x16xf32, #tpu.memory_space<vmem_shared>> -> memref<40x16xf32, #tpu.memory_space<vmem_shared>>
      %dma_start3A_358 = arith.constant 0 : i32
      %dma_start3A_359 = tpu.memref_slice %arg11[%add3A_50, %dma_start3A_358] : memref<10000x16xf32, #tpu.memory_space<vmem_shared>> -> memref<40x16xf32, #tpu.memory_space<vmem_shared>>
      tpu.enqueue_dma source(%arg20 : memref<40x16xf32, #tpu.memory_space<vmem>>) target(%dma_start3A_359 : memref<40x16xf32, #tpu.memory_space<vmem_shared>>) target_semaphore(%run_scoped3A_355 : memref<!tpu.dma_semaphore, #tpu.memory_space<semaphore_mem>>)
      %dma_wait3A_360 = arith.constant 0 : i32
      %dma_wait3A_361 = tpu.memref_slice %arg11[%add3A_50, %dma_wait3A_360] : memref<10000x16xf32, #tpu.memory_space<vmem_shared>> -> memref<40x16xf32, #tpu.memory_space<vmem_shared>>
      %dma_wait3A_362 = arith.constant 0 : i32
      %dma_wait3A_363 = tpu.memref_slice %arg11[%add3A_50, %dma_wait3A_362] : memref<10000x16xf32, #tpu.memory_space<vmem_shared>> -> memref<40x16xf32, #tpu.memory_space<vmem_shared>>
      tpu.wait_dma2 semaphore(%run_scoped3A_355 : memref<!tpu.dma_semaphore, #tpu.memory_space<semaphore_mem>>) src(%arg20 : memref<40x16xf32, #tpu.memory_space<vmem>>) dst(%dma_wait3A_363 : memref<40x16xf32, #tpu.memory_space<vmem_shared>>)
      tpu.yield
    }) : () -> ()
    %add3A_51 = arith.constant 320 : i32
    %add3A_52 = arith.addi %mul3A_2, %add3A_51 : i32
    "tpu.region"() ({
      %run_scoped3A_355 = tpu.sem_alloc : memref<!tpu.dma_semaphore, #tpu.memory_space<semaphore_mem>>
      %dma_start3A_356 = arith.constant 0 : i32
      %dma_start3A_357 = tpu.memref_slice %arg10[%add3A_52, %dma_start3A_356] : memref<10000x128xf32, #tpu.memory_space<vmem_shared>> -> memref<40x128xf32, #tpu.memory_space<vmem_shared>>
      %dma_start3A_358 = arith.constant 0 : i32
      %dma_start3A_359 = tpu.memref_slice %arg10[%add3A_52, %dma_start3A_358] : memref<10000x128xf32, #tpu.memory_space<vmem_shared>> -> memref<40x128xf32, #tpu.memory_space<vmem_shared>>
      tpu.enqueue_dma source(%arg22 : memref<40x128xf32, #tpu.memory_space<vmem>>) target(%dma_start3A_359 : memref<40x128xf32, #tpu.memory_space<vmem_shared>>) target_semaphore(%run_scoped3A_355 : memref<!tpu.dma_semaphore, #tpu.memory_space<semaphore_mem>>)
      %dma_wait3A_360 = arith.constant 0 : i32
      %dma_wait3A_361 = tpu.memref_slice %arg10[%add3A_52, %dma_wait3A_360] : memref<10000x128xf32, #tpu.memory_space<vmem_shared>> -> memref<40x128xf32, #tpu.memory_space<vmem_shared>>
      %dma_wait3A_362 = arith.constant 0 : i32
      %dma_wait3A_363 = tpu.memref_slice %arg10[%add3A_52, %dma_wait3A_362] : memref<10000x128xf32, #tpu.memory_space<vmem_shared>> -> memref<40x128xf32, #tpu.memory_space<vmem_shared>>
      tpu.wait_dma2 semaphore(%run_scoped3A_355 : memref<!tpu.dma_semaphore, #tpu.memory_space<semaphore_mem>>) src(%arg22 : memref<40x128xf32, #tpu.memory_space<vmem>>) dst(%dma_wait3A_363 : memref<40x128xf32, #tpu.memory_space<vmem_shared>>)
      tpu.yield
    }) : () -> ()
    %add3A_53 = arith.constant 360 : i32
    %add3A_54 = arith.addi %mul3A_2, %add3A_53 : i32
    "tpu.region"() ({
      %run_scoped3A_355 = tpu.sem_alloc : memref<!tpu.dma_semaphore, #tpu.memory_space<semaphore_mem>>
      %dma_start3A_356 = arith.constant 0 : i32
      %dma_start3A_357 = tpu.memref_slice %arg11[%add3A_54, %dma_start3A_356] : memref<10000x16xf32, #tpu.memory_space<vmem_shared>> -> memref<40x16xf32, #tpu.memory_space<vmem_shared>>
      %dma_start3A_358 = arith.constant 0 : i32
      %dma_start3A_359 = tpu.memref_slice %arg11[%add3A_54, %dma_start3A_358] : memref<10000x16xf32, #tpu.memory_space<vmem_shared>> -> memref<40x16xf32, #tpu.memory_space<vmem_shared>>
      tpu.enqueue_dma source(%arg20 : memref<40x16xf32, #tpu.memory_space<vmem>>) target(%dma_start3A_359 : memref<40x16xf32, #tpu.memory_space<vmem_shared>>) target_semaphore(%run_scoped3A_355 : memref<!tpu.dma_semaphore, #tpu.memory_space<semaphore_mem>>)
      %dma_wait3A_360 = arith.constant 0 : i32
      %dma_wait3A_361 = tpu.memref_slice %arg11[%add3A_54, %dma_wait3A_360] : memref<10000x16xf32, #tpu.memory_space<vmem_shared>> -> memref<40x16xf32, #tpu.memory_space<vmem_shared>>
      %dma_wait3A_362 = arith.constant 0 : i32
      %dma_wait3A_363 = tpu.memref_slice %arg11[%add3A_54, %dma_wait3A_362] : memref<10000x16xf32, #tpu.memory_space<vmem_shared>> -> memref<40x16xf32, #tpu.memory_space<vmem_shared>>
      tpu.wait_dma2 semaphore(%run_scoped3A_355 : memref<!tpu.dma_semaphore, #tpu.memory_space<semaphore_mem>>) src(%arg20 : memref<40x16xf32, #tpu.memory_space<vmem>>) dst(%dma_wait3A_363 : memref<40x16xf32, #tpu.memory_space<vmem_shared>>)
      tpu.yield
    }) : () -> ()
    %add3A_55 = arith.constant 360 : i32
    %add3A_56 = arith.addi %mul3A_2, %add3A_55 : i32
    "tpu.region"() ({
      %run_scoped3A_355 = tpu.sem_alloc : memref<!tpu.dma_semaphore, #tpu.memory_space<semaphore_mem>>
      %dma_start3A_356 = arith.constant 0 : i32
      %dma_start3A_357 = tpu.memref_slice %arg10[%add3A_56, %dma_start3A_356] : memref<10000x128xf32, #tpu.memory_space<vmem_shared>> -> memref<40x128xf32, #tpu.memory_space<vmem_shared>>
      %dma_start3A_358 = arith.constant 0 : i32
      %dma_start3A_359 = tpu.memref_slice %arg10[%add3A_56, %dma_start3A_358] : memref<10000x128xf32, #tpu.memory_space<vmem_shared>> -> memref<40x128xf32, #tpu.memory_space<vmem_shared>>
      tpu.enqueue_dma source(%arg22 : memref<40x128xf32, #tpu.memory_space<vmem>>) target(%dma_start3A_359 : memref<40x128xf32, #tpu.memory_space<vmem_shared>>) target_semaphore(%run_scoped3A_355 : memref<!tpu.dma_semaphore, #tpu.memory_space<semaphore_mem>>)
      %dma_wait3A_360 = arith.constant 0 : i32
      %dma_wait3A_361 = tpu.memref_slice %arg10[%add3A_56, %dma_wait3A_360] : memref<10000x128xf32, #tpu.memory_space<vmem_shared>> -> memref<40x128xf32, #tpu.memory_space<vmem_shared>>
      %dma_wait3A_362 = arith.constant 0 : i32
      %dma_wait3A_363 = tpu.memref_slice %arg10[%add3A_56, %dma_wait3A_362] : memref<10000x128xf32, #tpu.memory_space<vmem_shared>> -> memref<40x128xf32, #tpu.memory_space<vmem_shared>>
      tpu.wait_dma2 semaphore(%run_scoped3A_355 : memref<!tpu.dma_semaphore, #tpu.memory_space<semaphore_mem>>) src(%arg22 : memref<40x128xf32, #tpu.memory_space<vmem>>) dst(%dma_wait3A_363 : memref<40x128xf32, #tpu.memory_space<vmem_shared>>)
      tpu.yield
    }) : () -> ()
    %add3A_57 = arith.constant 400 : i32
    %add3A_58 = arith.addi %mul3A_2, %add3A_57 : i32
    "tpu.region"() ({
      %run_scoped3A_355 = tpu.sem_alloc : memref<!tpu.dma_semaphore, #tpu.memory_space<semaphore_mem>>
      %dma_start3A_356 = arith.constant 0 : i32
      %dma_start3A_357 = tpu.memref_slice %arg11[%add3A_58, %dma_start3A_356] : memref<10000x16xf32, #tpu.memory_space<vmem_shared>> -> memref<40x16xf32, #tpu.memory_space<vmem_shared>>
      %dma_start3A_358 = arith.constant 0 : i32
      %dma_start3A_359 = tpu.memref_slice %arg11[%add3A_58, %dma_start3A_358] : memref<10000x16xf32, #tpu.memory_space<vmem_shared>> -> memref<40x16xf32, #tpu.memory_space<vmem_shared>>
      tpu.enqueue_dma source(%arg20 : memref<40x16xf32, #tpu.memory_space<vmem>>) target(%dma_start3A_359 : memref<40x16xf32, #tpu.memory_space<vmem_shared>>) target_semaphore(%run_scoped3A_355 : memref<!tpu.dma_semaphore, #tpu.memory_space<semaphore_mem>>)
      %dma_wait3A_360 = arith.constant 0 : i32
      %dma_wait3A_361 = tpu.memref_slice %arg11[%add3A_58, %dma_wait3A_360] : memref<10000x16xf32, #tpu.memory_space<vmem_shared>> -> memref<40x16xf32, #tpu.memory_space<vmem_shared>>
      %dma_wait3A_362 = arith.constant 0 : i32
      %dma_wait3A_363 = tpu.memref_slice %arg11[%add3A_58, %dma_wait3A_362] : memref<10000x16xf32, #tpu.memory_space<vmem_shared>> -> memref<40x16xf32, #tpu.memory_space<vmem_shared>>
      tpu.wait_dma2 semaphore(%run_scoped3A_355 : memref<!tpu.dma_semaphore, #tpu.memory_space<semaphore_mem>>) src(%arg20 : memref<40x16xf32, #tpu.memory_space<vmem>>) dst(%dma_wait3A_363 : memref<40x16xf32, #tpu.memory_space<vmem_shared>>)
      tpu.yield
    }) : () -> ()
    %add3A_59 = arith.constant 400 : i32
    %add3A_60 = arith.addi %mul3A_2, %add3A_59 : i32
    "tpu.region"() ({
      %run_scoped3A_355 = tpu.sem_alloc : memref<!tpu.dma_semaphore, #tpu.memory_space<semaphore_mem>>
      %dma_start3A_356 = arith.constant 0 : i32
      %dma_start3A_357 = tpu.memref_slice %arg10[%add3A_60, %dma_start3A_356] : memref<10000x128xf32, #tpu.memory_space<vmem_shared>> -> memref<40x128xf32, #tpu.memory_space<vmem_shared>>
      %dma_start3A_358 = arith.constant 0 : i32
      %dma_start3A_359 = tpu.memref_slice %arg10[%add3A_60, %dma_start3A_358] : memref<10000x128xf32, #tpu.memory_space<vmem_shared>> -> memref<40x128xf32, #tpu.memory_space<vmem_shared>>
      tpu.enqueue_dma source(%arg22 : memref<40x128xf32, #tpu.memory_space<vmem>>) target(%dma_start3A_359 : memref<40x128xf32, #tpu.memory_space<vmem_shared>>) target_semaphore(%run_scoped3A_355 : memref<!tpu.dma_semaphore, #tpu.memory_space<semaphore_mem>>)
      %dma_wait3A_360 = arith.constant 0 : i32
      %dma_wait3A_361 = tpu.memref_slice %arg10[%add3A_60, %dma_wait3A_360] : memref<10000x128xf32, #tpu.memory_space<vmem_shared>> -> memref<40x128xf32, #tpu.memory_space<vmem_shared>>
      %dma_wait3A_362 = arith.constant 0 : i32
      %dma_wait3A_363 = tpu.memref_slice %arg10[%add3A_60, %dma_wait3A_362] : memref<10000x128xf32, #tpu.memory_space<vmem_shared>> -> memref<40x128xf32, #tpu.memory_space<vmem_shared>>
      tpu.wait_dma2 semaphore(%run_scoped3A_355 : memref<!tpu.dma_semaphore, #tpu.memory_space<semaphore_mem>>) src(%arg22 : memref<40x128xf32, #tpu.memory_space<vmem>>) dst(%dma_wait3A_363 : memref<40x128xf32, #tpu.memory_space<vmem_shared>>)
      tpu.yield
    }) : () -> ()
    %add3A_61 = arith.constant 440 : i32
    %add3A_62 = arith.addi %mul3A_2, %add3A_61 : i32
    "tpu.region"() ({
      %run_scoped3A_355 = tpu.sem_alloc : memref<!tpu.dma_semaphore, #tpu.memory_space<semaphore_mem>>
      %dma_start3A_356 = arith.constant 0 : i32
      %dma_start3A_357 = tpu.memref_slice %arg11[%add3A_62, %dma_start3A_356] : memref<10000x16xf32, #tpu.memory_space<vmem_shared>> -> memref<40x16xf32, #tpu.memory_space<vmem_shared>>
      %dma_start3A_358 = arith.constant 0 : i32
      %dma_start3A_359 = tpu.memref_slice %arg11[%add3A_62, %dma_start3A_358] : memref<10000x16xf32, #tpu.memory_space<vmem_shared>> -> memref<40x16xf32, #tpu.memory_space<vmem_shared>>
      tpu.enqueue_dma source(%arg20 : memref<40x16xf32, #tpu.memory_space<vmem>>) target(%dma_start3A_359 : memref<40x16xf32, #tpu.memory_space<vmem_shared>>) target_semaphore(%run_scoped3A_355 : memref<!tpu.dma_semaphore, #tpu.memory_space<semaphore_mem>>)
      %dma_wait3A_360 = arith.constant 0 : i32
      %dma_wait3A_361 = tpu.memref_slice %arg11[%add3A_62, %dma_wait3A_360] : memref<10000x16xf32, #tpu.memory_space<vmem_shared>> -> memref<40x16xf32, #tpu.memory_space<vmem_shared>>
      %dma_wait3A_362 = arith.constant 0 : i32
      %dma_wait3A_363 = tpu.memref_slice %arg11[%add3A_62, %dma_wait3A_362] : memref<10000x16xf32, #tpu.memory_space<vmem_shared>> -> memref<40x16xf32, #tpu.memory_space<vmem_shared>>
      tpu.wait_dma2 semaphore(%run_scoped3A_355 : memref<!tpu.dma_semaphore, #tpu.memory_space<semaphore_mem>>) src(%arg20 : memref<40x16xf32, #tpu.memory_space<vmem>>) dst(%dma_wait3A_363 : memref<40x16xf32, #tpu.memory_space<vmem_shared>>)
      tpu.yield
    }) : () -> ()
    %add3A_63 = arith.constant 440 : i32
    %add3A_64 = arith.addi %mul3A_2, %add3A_63 : i32
    "tpu.region"() ({
      %run_scoped3A_355 = tpu.sem_alloc : memref<!tpu.dma_semaphore, #tpu.memory_space<semaphore_mem>>
      %dma_start3A_356 = arith.constant 0 : i32
      %dma_start3A_357 = tpu.memref_slice %arg10[%add3A_64, %dma_start3A_356] : memref<10000x128xf32, #tpu.memory_space<vmem_shared>> -> memref<40x128xf32, #tpu.memory_space<vmem_shared>>
      %dma_start3A_358 = arith.constant 0 : i32
      %dma_start3A_359 = tpu.memref_slice %arg10[%add3A_64, %dma_start3A_358] : memref<10000x128xf32, #tpu.memory_space<vmem_shared>> -> memref<40x128xf32, #tpu.memory_space<vmem_shared>>
      tpu.enqueue_dma source(%arg22 : memref<40x128xf32, #tpu.memory_space<vmem>>) target(%dma_start3A_359 : memref<40x128xf32, #tpu.memory_space<vmem_shared>>) target_semaphore(%run_scoped3A_355 : memref<!tpu.dma_semaphore, #tpu.memory_space<semaphore_mem>>)
      %dma_wait3A_360 = arith.constant 0 : i32
      %dma_wait3A_361 = tpu.memref_slice %arg10[%add3A_64, %dma_wait3A_360] : memref<10000x128xf32, #tpu.memory_space<vmem_shared>> -> memref<40x128xf32, #tpu.memory_space<vmem_shared>>
      %dma_wait3A_362 = arith.constant 0 : i32
      %dma_wait3A_363 = tpu.memref_slice %arg10[%add3A_64, %dma_wait3A_362] : memref<10000x128xf32, #tpu.memory_space<vmem_shared>> -> memref<40x128xf32, #tpu.memory_space<vmem_shared>>
      tpu.wait_dma2 semaphore(%run_scoped3A_355 : memref<!tpu.dma_semaphore, #tpu.memory_space<semaphore_mem>>) src(%arg22 : memref<40x128xf32, #tpu.memory_space<vmem>>) dst(%dma_wait3A_363 : memref<40x128xf32, #tpu.memory_space<vmem_shared>>)
      tpu.yield
    }) : () -> ()
    %add3A_65 = arith.constant 480 : i32
    %add3A_66 = arith.addi %mul3A_2, %add3A_65 : i32
    "tpu.region"() ({
      %run_scoped3A_355 = tpu.sem_alloc : memref<!tpu.dma_semaphore, #tpu.memory_space<semaphore_mem>>
      %dma_start3A_356 = arith.constant 0 : i32
      %dma_start3A_357 = tpu.memref_slice %arg11[%add3A_66, %dma_start3A_356] : memref<10000x16xf32, #tpu.memory_space<vmem_shared>> -> memref<40x16xf32, #tpu.memory_space<vmem_shared>>
      %dma_start3A_358 = arith.constant 0 : i32
      %dma_start3A_359 = tpu.memref_slice %arg11[%add3A_66, %dma_start3A_358] : memref<10000x16xf32, #tpu.memory_space<vmem_shared>> -> memref<40x16xf32, #tpu.memory_space<vmem_shared>>
      tpu.enqueue_dma source(%arg20 : memref<40x16xf32, #tpu.memory_space<vmem>>) target(%dma_start3A_359 : memref<40x16xf32, #tpu.memory_space<vmem_shared>>) target_semaphore(%run_scoped3A_355 : memref<!tpu.dma_semaphore, #tpu.memory_space<semaphore_mem>>)
      %dma_wait3A_360 = arith.constant 0 : i32
      %dma_wait3A_361 = tpu.memref_slice %arg11[%add3A_66, %dma_wait3A_360] : memref<10000x16xf32, #tpu.memory_space<vmem_shared>> -> memref<40x16xf32, #tpu.memory_space<vmem_shared>>
      %dma_wait3A_362 = arith.constant 0 : i32
      %dma_wait3A_363 = tpu.memref_slice %arg11[%add3A_66, %dma_wait3A_362] : memref<10000x16xf32, #tpu.memory_space<vmem_shared>> -> memref<40x16xf32, #tpu.memory_space<vmem_shared>>
      tpu.wait_dma2 semaphore(%run_scoped3A_355 : memref<!tpu.dma_semaphore, #tpu.memory_space<semaphore_mem>>) src(%arg20 : memref<40x16xf32, #tpu.memory_space<vmem>>) dst(%dma_wait3A_363 : memref<40x16xf32, #tpu.memory_space<vmem_shared>>)
      tpu.yield
    }) : () -> ()
    %add3A_67 = arith.constant 480 : i32
    %add3A_68 = arith.addi %mul3A_2, %add3A_67 : i32
    "tpu.region"() ({
      %run_scoped3A_355 = tpu.sem_alloc : memref<!tpu.dma_semaphore, #tpu.memory_space<semaphore_mem>>
      %dma_start3A_356 = arith.constant 0 : i32
      %dma_start3A_357 = tpu.memref_slice %arg10[%add3A_68, %dma_start3A_356] : memref<10000x128xf32, #tpu.memory_space<vmem_shared>> -> memref<40x128xf32, #tpu.memory_space<vmem_shared>>
      %dma_start3A_358 = arith.constant 0 : i32
      %dma_start3A_359 = tpu.memref_slice %arg10[%add3A_68, %dma_start3A_358] : memref<10000x128xf32, #tpu.memory_space<vmem_shared>> -> memref<40x128xf32, #tpu.memory_space<vmem_shared>>
      tpu.enqueue_dma source(%arg22 : memref<40x128xf32, #tpu.memory_space<vmem>>) target(%dma_start3A_359 : memref<40x128xf32, #tpu.memory_space<vmem_shared>>) target_semaphore(%run_scoped3A_355 : memref<!tpu.dma_semaphore, #tpu.memory_space<semaphore_mem>>)
      %dma_wait3A_360 = arith.constant 0 : i32
      %dma_wait3A_361 = tpu.memref_slice %arg10[%add3A_68, %dma_wait3A_360] : memref<10000x128xf32, #tpu.memory_space<vmem_shared>> -> memref<40x128xf32, #tpu.memory_space<vmem_shared>>
      %dma_wait3A_362 = arith.constant 0 : i32
      %dma_wait3A_363 = tpu.memref_slice %arg10[%add3A_68, %dma_wait3A_362] : memref<10000x128xf32, #tpu.memory_space<vmem_shared>> -> memref<40x128xf32, #tpu.memory_space<vmem_shared>>
      tpu.wait_dma2 semaphore(%run_scoped3A_355 : memref<!tpu.dma_semaphore, #tpu.memory_space<semaphore_mem>>) src(%arg22 : memref<40x128xf32, #tpu.memory_space<vmem>>) dst(%dma_wait3A_363 : memref<40x128xf32, #tpu.memory_space<vmem_shared>>)
      tpu.yield
    }) : () -> ()
    %add3A_69 = arith.constant 520 : i32
    %add3A_70 = arith.addi %mul3A_2, %add3A_69 : i32
    "tpu.region"() ({
      %run_scoped3A_355 = tpu.sem_alloc : memref<!tpu.dma_semaphore, #tpu.memory_space<semaphore_mem>>
      %dma_start3A_356 = arith.constant 0 : i32
      %dma_start3A_357 = tpu.memref_slice %arg11[%add3A_70, %dma_start3A_356] : memref<10000x16xf32, #tpu.memory_space<vmem_shared>> -> memref<40x16xf32, #tpu.memory_space<vmem_shared>>
      %dma_start3A_358 = arith.constant 0 : i32
      %dma_start3A_359 = tpu.memref_slice %arg11[%add3A_70, %dma_start3A_358] : memref<10000x16xf32, #tpu.memory_space<vmem_shared>> -> memref<40x16xf32, #tpu.memory_space<vmem_shared>>
      tpu.enqueue_dma source(%arg20 : memref<40x16xf32, #tpu.memory_space<vmem>>) target(%dma_start3A_359 : memref<40x16xf32, #tpu.memory_space<vmem_shared>>) target_semaphore(%run_scoped3A_355 : memref<!tpu.dma_semaphore, #tpu.memory_space<semaphore_mem>>)
      %dma_wait3A_360 = arith.constant 0 : i32
      %dma_wait3A_361 = tpu.memref_slice %arg11[%add3A_70, %dma_wait3A_360] : memref<10000x16xf32, #tpu.memory_space<vmem_shared>> -> memref<40x16xf32, #tpu.memory_space<vmem_shared>>
      %dma_wait3A_362 = arith.constant 0 : i32
      %dma_wait3A_363 = tpu.memref_slice %arg11[%add3A_70, %dma_wait3A_362] : memref<10000x16xf32, #tpu.memory_space<vmem_shared>> -> memref<40x16xf32, #tpu.memory_space<vmem_shared>>
      tpu.wait_dma2 semaphore(%run_scoped3A_355 : memref<!tpu.dma_semaphore, #tpu.memory_space<semaphore_mem>>) src(%arg20 : memref<40x16xf32, #tpu.memory_space<vmem>>) dst(%dma_wait3A_363 : memref<40x16xf32, #tpu.memory_space<vmem_shared>>)
      tpu.yield
    }) : () -> ()
    %add3A_71 = arith.constant 520 : i32
    %add3A_72 = arith.addi %mul3A_2, %add3A_71 : i32
    "tpu.region"() ({
      %run_scoped3A_355 = tpu.sem_alloc : memref<!tpu.dma_semaphore, #tpu.memory_space<semaphore_mem>>
      %dma_start3A_356 = arith.constant 0 : i32
      %dma_start3A_357 = tpu.memref_slice %arg10[%add3A_72, %dma_start3A_356] : memref<10000x128xf32, #tpu.memory_space<vmem_shared>> -> memref<40x128xf32, #tpu.memory_space<vmem_shared>>
      %dma_start3A_358 = arith.constant 0 : i32
      %dma_start3A_359 = tpu.memref_slice %arg10[%add3A_72, %dma_start3A_358] : memref<10000x128xf32, #tpu.memory_space<vmem_shared>> -> memref<40x128xf32, #tpu.memory_space<vmem_shared>>
      tpu.enqueue_dma source(%arg22 : memref<40x128xf32, #tpu.memory_space<vmem>>) target(%dma_start3A_359 : memref<40x128xf32, #tpu.memory_space<vmem_shared>>) target_semaphore(%run_scoped3A_355 : memref<!tpu.dma_semaphore, #tpu.memory_space<semaphore_mem>>)
      %dma_wait3A_360 = arith.constant 0 : i32
      %dma_wait3A_361 = tpu.memref_slice %arg10[%add3A_72, %dma_wait3A_360] : memref<10000x128xf32, #tpu.memory_space<vmem_shared>> -> memref<40x128xf32, #tpu.memory_space<vmem_shared>>
      %dma_wait3A_362 = arith.constant 0 : i32
      %dma_wait3A_363 = tpu.memref_slice %arg10[%add3A_72, %dma_wait3A_362] : memref<10000x128xf32, #tpu.memory_space<vmem_shared>> -> memref<40x128xf32, #tpu.memory_space<vmem_shared>>
      tpu.wait_dma2 semaphore(%run_scoped3A_355 : memref<!tpu.dma_semaphore, #tpu.memory_space<semaphore_mem>>) src(%arg22 : memref<40x128xf32, #tpu.memory_space<vmem>>) dst(%dma_wait3A_363 : memref<40x128xf32, #tpu.memory_space<vmem_shared>>)
      tpu.yield
    }) : () -> ()
    %add3A_73 = arith.constant 560 : i32
    %add3A_74 = arith.addi %mul3A_2, %add3A_73 : i32
    "tpu.region"() ({
      %run_scoped3A_355 = tpu.sem_alloc : memref<!tpu.dma_semaphore, #tpu.memory_space<semaphore_mem>>
      %dma_start3A_356 = arith.constant 0 : i32
      %dma_start3A_357 = tpu.memref_slice %arg11[%add3A_74, %dma_start3A_356] : memref<10000x16xf32, #tpu.memory_space<vmem_shared>> -> memref<40x16xf32, #tpu.memory_space<vmem_shared>>
      %dma_start3A_358 = arith.constant 0 : i32
      %dma_start3A_359 = tpu.memref_slice %arg11[%add3A_74, %dma_start3A_358] : memref<10000x16xf32, #tpu.memory_space<vmem_shared>> -> memref<40x16xf32, #tpu.memory_space<vmem_shared>>
      tpu.enqueue_dma source(%arg20 : memref<40x16xf32, #tpu.memory_space<vmem>>) target(%dma_start3A_359 : memref<40x16xf32, #tpu.memory_space<vmem_shared>>) target_semaphore(%run_scoped3A_355 : memref<!tpu.dma_semaphore, #tpu.memory_space<semaphore_mem>>)
      %dma_wait3A_360 = arith.constant 0 : i32
      %dma_wait3A_361 = tpu.memref_slice %arg11[%add3A_74, %dma_wait3A_360] : memref<10000x16xf32, #tpu.memory_space<vmem_shared>> -> memref<40x16xf32, #tpu.memory_space<vmem_shared>>
      %dma_wait3A_362 = arith.constant 0 : i32
      %dma_wait3A_363 = tpu.memref_slice %arg11[%add3A_74, %dma_wait3A_362] : memref<10000x16xf32, #tpu.memory_space<vmem_shared>> -> memref<40x16xf32, #tpu.memory_space<vmem_shared>>
      tpu.wait_dma2 semaphore(%run_scoped3A_355 : memref<!tpu.dma_semaphore, #tpu.memory_space<semaphore_mem>>) src(%arg20 : memref<40x16xf32, #tpu.memory_space<vmem>>) dst(%dma_wait3A_363 : memref<40x16xf32, #tpu.memory_space<vmem_shared>>)
      tpu.yield
    }) : () -> ()
    %add3A_75 = arith.constant 560 : i32
    %add3A_76 = arith.addi %mul3A_2, %add3A_75 : i32
    "tpu.region"() ({
      %run_scoped3A_355 = tpu.sem_alloc : memref<!tpu.dma_semaphore, #tpu.memory_space<semaphore_mem>>
      %dma_start3A_356 = arith.constant 0 : i32
      %dma_start3A_357 = tpu.memref_slice %arg10[%add3A_76, %dma_start3A_356] : memref<10000x128xf32, #tpu.memory_space<vmem_shared>> -> memref<40x128xf32, #tpu.memory_space<vmem_shared>>
      %dma_start3A_358 = arith.constant 0 : i32
      %dma_start3A_359 = tpu.memref_slice %arg10[%add3A_76, %dma_start3A_358] : memref<10000x128xf32, #tpu.memory_space<vmem_shared>> -> memref<40x128xf32, #tpu.memory_space<vmem_shared>>
      tpu.enqueue_dma source(%arg22 : memref<40x128xf32, #tpu.memory_space<vmem>>) target(%dma_start3A_359 : memref<40x128xf32, #tpu.memory_space<vmem_shared>>) target_semaphore(%run_scoped3A_355 : memref<!tpu.dma_semaphore, #tpu.memory_space<semaphore_mem>>)
      %dma_wait3A_360 = arith.constant 0 : i32
      %dma_wait3A_361 = tpu.memref_slice %arg10[%add3A_76, %dma_wait3A_360] : memref<10000x128xf32, #tpu.memory_space<vmem_shared>> -> memref<40x128xf32, #tpu.memory_space<vmem_shared>>
      %dma_wait3A_362 = arith.constant 0 : i32
      %dma_wait3A_363 = tpu.memref_slice %arg10[%add3A_76, %dma_wait3A_362] : memref<10000x128xf32, #tpu.memory_space<vmem_shared>> -> memref<40x128xf32, #tpu.memory_space<vmem_shared>>
      tpu.wait_dma2 semaphore(%run_scoped3A_355 : memref<!tpu.dma_semaphore, #tpu.memory_space<semaphore_mem>>) src(%arg22 : memref<40x128xf32, #tpu.memory_space<vmem>>) dst(%dma_wait3A_363 : memref<40x128xf32, #tpu.memory_space<vmem_shared>>)
      tpu.yield
    }) : () -> ()
    %add3A_77 = arith.constant 600 : i32
    %add3A_78 = arith.addi %mul3A_2, %add3A_77 : i32
    "tpu.region"() ({
      %run_scoped3A_355 = tpu.sem_alloc : memref<!tpu.dma_semaphore, #tpu.memory_space<semaphore_mem>>
      %dma_start3A_356 = arith.constant 0 : i32
      %dma_start3A_357 = arith.constant 0 : i32
      %dma_start3A_358 = tpu.memref_slice %arg20[%dma_start3A_356, %dma_start3A_357] : memref<40x16xf32, #tpu.memory_space<vmem>> -> memref<24x16xf32, #tpu.memory_space<vmem>>
      %dma_start3A_359 = arith.constant 0 : i32
      %dma_start3A_360 = tpu.memref_slice %arg11[%add3A_78, %dma_start3A_359] : memref<10000x16xf32, #tpu.memory_space<vmem_shared>> -> memref<24x16xf32, #tpu.memory_space<vmem_shared>>
      %dma_start3A_361 = arith.constant 0 : i32
      %dma_start3A_362 = tpu.memref_slice %arg11[%add3A_78, %dma_start3A_361] : memref<10000x16xf32, #tpu.memory_space<vmem_shared>> -> memref<24x16xf32, #tpu.memory_space<vmem_shared>>
      %dma_start3A_363 = arith.constant 0 : i32
      %dma_start3A_364 = arith.constant 0 : i32
      %dma_start3A_365 = tpu.memref_slice %arg20[%dma_start3A_363, %dma_start3A_364] : memref<40x16xf32, #tpu.memory_space<vmem>> -> memref<24x16xf32, #tpu.memory_space<vmem>>
      tpu.enqueue_dma source(%dma_start3A_365 : memref<24x16xf32, #tpu.memory_space<vmem>>) target(%dma_start3A_362 : memref<24x16xf32, #tpu.memory_space<vmem_shared>>) target_semaphore(%run_scoped3A_355 : memref<!tpu.dma_semaphore, #tpu.memory_space<semaphore_mem>>)
      %dma_wait3A_366 = arith.constant 0 : i32
      %dma_wait3A_367 = arith.constant 0 : i32
      %dma_wait3A_368 = tpu.memref_slice %arg20[%dma_wait3A_366, %dma_wait3A_367] : memref<40x16xf32, #tpu.memory_space<vmem>> -> memref<24x16xf32, #tpu.memory_space<vmem>>
      %dma_wait3A_369 = arith.constant 0 : i32
      %dma_wait3A_370 = tpu.memref_slice %arg11[%add3A_78, %dma_wait3A_369] : memref<10000x16xf32, #tpu.memory_space<vmem_shared>> -> memref<24x16xf32, #tpu.memory_space<vmem_shared>>
      %dma_wait3A_371 = arith.constant 0 : i32
      %dma_wait3A_372 = tpu.memref_slice %arg11[%add3A_78, %dma_wait3A_371] : memref<10000x16xf32, #tpu.memory_space<vmem_shared>> -> memref<24x16xf32, #tpu.memory_space<vmem_shared>>
      %dma_wait3A_373 = arith.constant 0 : i32
      %dma_wait3A_374 = arith.constant 0 : i32
      %dma_wait3A_375 = tpu.memref_slice %arg20[%dma_wait3A_373, %dma_wait3A_374] : memref<40x16xf32, #tpu.memory_space<vmem>> -> memref<24x16xf32, #tpu.memory_space<vmem>>
      tpu.wait_dma2 semaphore(%run_scoped3A_355 : memref<!tpu.dma_semaphore, #tpu.memory_space<semaphore_mem>>) src(%dma_wait3A_375 : memref<24x16xf32, #tpu.memory_space<vmem>>) dst(%dma_wait3A_372 : memref<24x16xf32, #tpu.memory_space<vmem_shared>>)
      tpu.yield
    }) : () -> ()
    %add3A_79 = arith.constant 600 : i32
    %add3A_80 = arith.addi %mul3A_2, %add3A_79 : i32
    "tpu.region"() ({
      %run_scoped3A_355 = tpu.sem_alloc : memref<!tpu.dma_semaphore, #tpu.memory_space<semaphore_mem>>
      %dma_start3A_356 = arith.constant 0 : i32
      %dma_start3A_357 = arith.constant 0 : i32
      %dma_start3A_358 = tpu.memref_slice %arg22[%dma_start3A_356, %dma_start3A_357] : memref<40x128xf32, #tpu.memory_space<vmem>> -> memref<24x128xf32, #tpu.memory_space<vmem>>
      %dma_start3A_359 = arith.constant 0 : i32
      %dma_start3A_360 = tpu.memref_slice %arg10[%add3A_80, %dma_start3A_359] : memref<10000x128xf32, #tpu.memory_space<vmem_shared>> -> memref<24x128xf32, #tpu.memory_space<vmem_shared>>
      %dma_start3A_361 = arith.constant 0 : i32
      %dma_start3A_362 = tpu.memref_slice %arg10[%add3A_80, %dma_start3A_361] : memref<10000x128xf32, #tpu.memory_space<vmem_shared>> -> memref<24x128xf32, #tpu.memory_space<vmem_shared>>
      %dma_start3A_363 = arith.constant 0 : i32
      %dma_start3A_364 = arith.constant 0 : i32
      %dma_start3A_365 = tpu.memref_slice %arg22[%dma_start3A_363, %dma_start3A_364] : memref<40x128xf32, #tpu.memory_space<vmem>> -> memref<24x128xf32, #tpu.memory_space<vmem>>
      tpu.enqueue_dma source(%dma_start3A_365 : memref<24x128xf32, #tpu.memory_space<vmem>>) target(%dma_start3A_362 : memref<24x128xf32, #tpu.memory_space<vmem_shared>>) target_semaphore(%run_scoped3A_355 : memref<!tpu.dma_semaphore, #tpu.memory_space<semaphore_mem>>)
      %dma_wait3A_366 = arith.constant 0 : i32
      %dma_wait3A_367 = arith.constant 0 : i32
      %dma_wait3A_368 = tpu.memref_slice %arg22[%dma_wait3A_366, %dma_wait3A_367] : memref<40x128xf32, #tpu.memory_space<vmem>> -> memref<24x128xf32, #tpu.memory_space<vmem>>
      %dma_wait3A_369 = arith.constant 0 : i32
      %dma_wait3A_370 = tpu.memref_slice %arg10[%add3A_80, %dma_wait3A_369] : memref<10000x128xf32, #tpu.memory_space<vmem_shared>> -> memref<24x128xf32, #tpu.memory_space<vmem_shared>>
      %dma_wait3A_371 = arith.constant 0 : i32
      %dma_wait3A_372 = tpu.memref_slice %arg10[%add3A_80, %dma_wait3A_371] : memref<10000x128xf32, #tpu.memory_space<vmem_shared>> -> memref<24x128xf32, #tpu.memory_space<vmem_shared>>
      %dma_wait3A_373 = arith.constant 0 : i32
      %dma_wait3A_374 = arith.constant 0 : i32
      %dma_wait3A_375 = tpu.memref_slice %arg22[%dma_wait3A_373, %dma_wait3A_374] : memref<40x128xf32, #tpu.memory_space<vmem>> -> memref<24x128xf32, #tpu.memory_space<vmem>>
      tpu.wait_dma2 semaphore(%run_scoped3A_355 : memref<!tpu.dma_semaphore, #tpu.memory_space<semaphore_mem>>) src(%dma_wait3A_375 : memref<24x128xf32, #tpu.memory_space<vmem>>) dst(%dma_wait3A_372 : memref<24x128xf32, #tpu.memory_space<vmem_shared>>)
      tpu.yield
    }) : () -> ()
    %eq3A = arith.constant 0 : i32
    %eq3A_81 = arith.cmpi eq, %arg1, %eq3A : i32
    %convert_element_type3A = arith.extui %eq3A_81 : i1 to i32
    %cond3A = arith.constant 0 : i32
    %cond3A_82 = arith.cmpi ne, %convert_element_type3A, %cond3A : i32
    scf.if %cond3A_82 {
      "tpu.region"() ({
        %run_scoped3A_355 = tpu.sem_alloc : memref<!tpu.dma_semaphore, #tpu.memory_space<semaphore_mem>>
        %dma_start3A_356 = arith.constant 0 : i32
        %dma_start3A_357 = arith.constant 0 : i32
        %dma_start3A_358 = tpu.memref_slice %arg20[%dma_start3A_356, %dma_start3A_357] : memref<40x16xf32, #tpu.memory_space<vmem>> -> memref<16x16xf32, #tpu.memory_space<vmem>>
        %dma_start3A_359 = arith.constant 9984 : i32
        %dma_start3A_360 = arith.constant 0 : i32
        %dma_start3A_361 = tpu.memref_slice %arg11[%dma_start3A_359, %dma_start3A_360] : memref<10000x16xf32, #tpu.memory_space<vmem_shared>> -> memref<16x16xf32, #tpu.memory_space<vmem_shared>>
        %dma_start3A_362 = arith.constant 9984 : i32
        %dma_start3A_363 = arith.constant 0 : i32
        %dma_start3A_364 = tpu.memref_slice %arg11[%dma_start3A_362, %dma_start3A_363] : memref<10000x16xf32, #tpu.memory_space<vmem_shared>> -> memref<16x16xf32, #tpu.memory_space<vmem_shared>>
        %dma_start3A_365 = arith.constant 0 : i32
        %dma_start3A_366 = arith.constant 0 : i32
        %dma_start3A_367 = tpu.memref_slice %arg20[%dma_start3A_365, %dma_start3A_366] : memref<40x16xf32, #tpu.memory_space<vmem>> -> memref<16x16xf32, #tpu.memory_space<vmem>>
        tpu.enqueue_dma source(%dma_start3A_367 : memref<16x16xf32, #tpu.memory_space<vmem>>) target(%dma_start3A_364 : memref<16x16xf32, #tpu.memory_space<vmem_shared>>) target_semaphore(%run_scoped3A_355 : memref<!tpu.dma_semaphore, #tpu.memory_space<semaphore_mem>>)
        %dma_wait3A_368 = arith.constant 0 : i32
        %dma_wait3A_369 = arith.constant 0 : i32
        %dma_wait3A_370 = tpu.memref_slice %arg20[%dma_wait3A_368, %dma_wait3A_369] : memref<40x16xf32, #tpu.memory_space<vmem>> -> memref<16x16xf32, #tpu.memory_space<vmem>>
        %dma_wait3A_371 = arith.constant 9984 : i32
        %dma_wait3A_372 = arith.constant 0 : i32
        %dma_wait3A_373 = tpu.memref_slice %arg11[%dma_wait3A_371, %dma_wait3A_372] : memref<10000x16xf32, #tpu.memory_space<vmem_shared>> -> memref<16x16xf32, #tpu.memory_space<vmem_shared>>
        %dma_wait3A_374 = arith.constant 9984 : i32
        %dma_wait3A_375 = arith.constant 0 : i32
        %dma_wait3A_376 = tpu.memref_slice %arg11[%dma_wait3A_374, %dma_wait3A_375] : memref<10000x16xf32, #tpu.memory_space<vmem_shared>> -> memref<16x16xf32, #tpu.memory_space<vmem_shared>>
        %dma_wait3A_377 = arith.constant 0 : i32
        %dma_wait3A_378 = arith.constant 0 : i32
        %dma_wait3A_379 = tpu.memref_slice %arg20[%dma_wait3A_377, %dma_wait3A_378] : memref<40x16xf32, #tpu.memory_space<vmem>> -> memref<16x16xf32, #tpu.memory_space<vmem>>
        tpu.wait_dma2 semaphore(%run_scoped3A_355 : memref<!tpu.dma_semaphore, #tpu.memory_space<semaphore_mem>>) src(%dma_wait3A_379 : memref<16x16xf32, #tpu.memory_space<vmem>>) dst(%dma_wait3A_376 : memref<16x16xf32, #tpu.memory_space<vmem_shared>>)
        tpu.yield
      }) : () -> ()
      "tpu.region"() ({
        %run_scoped3A_355 = tpu.sem_alloc : memref<!tpu.dma_semaphore, #tpu.memory_space<semaphore_mem>>
        %dma_start3A_356 = arith.constant 0 : i32
        %dma_start3A_357 = arith.constant 0 : i32
        %dma_start3A_358 = tpu.memref_slice %arg22[%dma_start3A_356, %dma_start3A_357] : memref<40x128xf32, #tpu.memory_space<vmem>> -> memref<16x128xf32, #tpu.memory_space<vmem>>
        %dma_start3A_359 = arith.constant 9984 : i32
        %dma_start3A_360 = arith.constant 0 : i32
        %dma_start3A_361 = tpu.memref_slice %arg10[%dma_start3A_359, %dma_start3A_360] : memref<10000x128xf32, #tpu.memory_space<vmem_shared>> -> memref<16x128xf32, #tpu.memory_space<vmem_shared>>
        %dma_start3A_362 = arith.constant 9984 : i32
        %dma_start3A_363 = arith.constant 0 : i32
        %dma_start3A_364 = tpu.memref_slice %arg10[%dma_start3A_362, %dma_start3A_363] : memref<10000x128xf32, #tpu.memory_space<vmem_shared>> -> memref<16x128xf32, #tpu.memory_space<vmem_shared>>
        %dma_start3A_365 = arith.constant 0 : i32
        %dma_start3A_366 = arith.constant 0 : i32
        %dma_start3A_367 = tpu.memref_slice %arg22[%dma_start3A_365, %dma_start3A_366] : memref<40x128xf32, #tpu.memory_space<vmem>> -> memref<16x128xf32, #tpu.memory_space<vmem>>
        tpu.enqueue_dma source(%dma_start3A_367 : memref<16x128xf32, #tpu.memory_space<vmem>>) target(%dma_start3A_364 : memref<16x128xf32, #tpu.memory_space<vmem_shared>>) target_semaphore(%run_scoped3A_355 : memref<!tpu.dma_semaphore, #tpu.memory_space<semaphore_mem>>)
        %dma_wait3A_368 = arith.constant 0 : i32
        %dma_wait3A_369 = arith.constant 0 : i32
        %dma_wait3A_370 = tpu.memref_slice %arg22[%dma_wait3A_368, %dma_wait3A_369] : memref<40x128xf32, #tpu.memory_space<vmem>> -> memref<16x128xf32, #tpu.memory_space<vmem>>
        %dma_wait3A_371 = arith.constant 9984 : i32
        %dma_wait3A_372 = arith.constant 0 : i32
        %dma_wait3A_373 = tpu.memref_slice %arg10[%dma_wait3A_371, %dma_wait3A_372] : memref<10000x128xf32, #tpu.memory_space<vmem_shared>> -> memref<16x128xf32, #tpu.memory_space<vmem_shared>>
        %dma_wait3A_374 = arith.constant 9984 : i32
        %dma_wait3A_375 = arith.constant 0 : i32
        %dma_wait3A_376 = tpu.memref_slice %arg10[%dma_wait3A_374, %dma_wait3A_375] : memref<10000x128xf32, #tpu.memory_space<vmem_shared>> -> memref<16x128xf32, #tpu.memory_space<vmem_shared>>
        %dma_wait3A_377 = arith.constant 0 : i32
        %dma_wait3A_378 = arith.constant 0 : i32
        %dma_wait3A_379 = tpu.memref_slice %arg22[%dma_wait3A_377, %dma_wait3A_378] : memref<40x128xf32, #tpu.memory_space<vmem>> -> memref<16x128xf32, #tpu.memory_space<vmem>>
        tpu.wait_dma2 semaphore(%run_scoped3A_355 : memref<!tpu.dma_semaphore, #tpu.memory_space<semaphore_mem>>) src(%dma_wait3A_379 : memref<16x128xf32, #tpu.memory_space<vmem>>) dst(%dma_wait3A_376 : memref<16x128xf32, #tpu.memory_space<vmem_shared>>)
        tpu.yield
      }) : () -> ()
    } else {
    }
    %barrier3A = arith.constant 0 : index
    tpu.barrier barrier_id(%barrier3A)
    %run_scoped3A = arith.constant 0 : i32
    "tpu.region"() ({
      %run_scoped3A_355 = tpu.sem_alloc : memref<!tpu.dma_semaphore, #tpu.memory_space<semaphore_mem>>
      %dma_start3A_356 = arith.constant 0 : i32
      %dma_start3A_357 = tpu.memref_slice %arg7[%run_scoped3A, %dma_start3A_356] : memref<8x16xf32, #tpu.memory_space<hbm>> -> memref<1x16xf32, #tpu.memory_space<hbm>>
      %dma_start3A_358 = tpu.memref_squeeze %dma_start3A_357 : memref<1x16xf32, #tpu.memory_space<hbm>> -> memref<16xf32, #tpu.memory_space<hbm>>
      %dma_start3A_359 = arith.constant 0 : i32
      %dma_start3A_360 = tpu.memref_slice %arg7[%run_scoped3A, %dma_start3A_359] : memref<8x16xf32, #tpu.memory_space<hbm>> -> memref<1x16xf32, #tpu.memory_space<hbm>>
      %dma_start3A_361 = tpu.memref_squeeze %dma_start3A_360 : memref<1x16xf32, #tpu.memory_space<hbm>> -> memref<16xf32, #tpu.memory_space<hbm>>
      tpu.enqueue_dma source(%dma_start3A_361 : memref<16xf32, #tpu.memory_space<hbm>>) target(%arg24 : memref<16xf32, #tpu.memory_space<vmem>>) target_semaphore(%run_scoped3A_355 : memref<!tpu.dma_semaphore, #tpu.memory_space<semaphore_mem>>)
      %dma_wait3A_362 = arith.constant 0 : i32
      %dma_wait3A_363 = tpu.memref_slice %arg7[%run_scoped3A, %dma_wait3A_362] : memref<8x16xf32, #tpu.memory_space<hbm>> -> memref<1x16xf32, #tpu.memory_space<hbm>>
      %dma_wait3A_364 = tpu.memref_squeeze %dma_wait3A_363 : memref<1x16xf32, #tpu.memory_space<hbm>> -> memref<16xf32, #tpu.memory_space<hbm>>
      %dma_wait3A_365 = arith.constant 0 : i32
      %dma_wait3A_366 = tpu.memref_slice %arg7[%run_scoped3A, %dma_wait3A_365] : memref<8x16xf32, #tpu.memory_space<hbm>> -> memref<1x16xf32, #tpu.memory_space<hbm>>
      %dma_wait3A_367 = tpu.memref_squeeze %dma_wait3A_366 : memref<1x16xf32, #tpu.memory_space<hbm>> -> memref<16xf32, #tpu.memory_space<hbm>>
      tpu.wait_dma2 semaphore(%run_scoped3A_355 : memref<!tpu.dma_semaphore, #tpu.memory_space<semaphore_mem>>) src(%dma_wait3A_367 : memref<16xf32, #tpu.memory_space<hbm>>) dst(%arg24 : memref<16xf32, #tpu.memory_space<vmem>>)
      tpu.yield
    }) : () -> ()
    %get3A = arith.constant 0 : index
    %get3A_83 = tpu.vector_load %arg24[%get3A] {strides = array<i32>} : memref<16xf32, #tpu.memory_space<vmem>>, vector<16xf32>,
    %get3A_84 = vector.shape_cast %get3A_83 : vector<16xf32> to vector<16xf32>
    "tpu.region"() ({
      %run_scoped3A_355 = tpu.sem_alloc : memref<!tpu.dma_semaphore, #tpu.memory_space<semaphore_mem>>
      %dma_start3A_356 = arith.constant 0 : i32
      %dma_start3A_357 = arith.constant 0 : i32
      %dma_start3A_358 = tpu.memref_slice %arg2[%add3A, %dma_start3A_356, %dma_start3A_357] : memref<32x250x40xi32, #tpu.memory_space<hbm>> -> memref<1x125x40xi32, #tpu.memory_space<hbm>>
      %dma_start3A_359 = tpu.memref_squeeze %dma_start3A_358 : memref<1x125x40xi32, #tpu.memory_space<hbm>> -> memref<125x40xi32, #tpu.memory_space<hbm>>
      %dma_start3A_360 = arith.constant 0 : i32
      %dma_start3A_361 = arith.constant 0 : i32
      %dma_start3A_362 = tpu.memref_slice %arg2[%add3A, %dma_start3A_360, %dma_start3A_361] : memref<32x250x40xi32, #tpu.memory_space<hbm>> -> memref<1x125x40xi32, #tpu.memory_space<hbm>>
      %dma_start3A_363 = tpu.memref_squeeze %dma_start3A_362 : memref<1x125x40xi32, #tpu.memory_space<hbm>> -> memref<125x40xi32, #tpu.memory_space<hbm>>
      tpu.enqueue_dma source(%dma_start3A_363 : memref<125x40xi32, #tpu.memory_space<hbm>>) target(%arg12 : memref<125x40xi32, #tpu.memory_space<vmem>>) target_semaphore(%run_scoped3A_355 : memref<!tpu.dma_semaphore, #tpu.memory_space<semaphore_mem>>)
      %dma_wait3A_364 = arith.constant 0 : i32
      %dma_wait3A_365 = arith.constant 0 : i32
      %dma_wait3A_366 = tpu.memref_slice %arg2[%add3A, %dma_wait3A_364, %dma_wait3A_365] : memref<32x250x40xi32, #tpu.memory_space<hbm>> -> memref<1x125x40xi32, #tpu.memory_space<hbm>>
      %dma_wait3A_367 = tpu.memref_squeeze %dma_wait3A_366 : memref<1x125x40xi32, #tpu.memory_space<hbm>> -> memref<125x40xi32, #tpu.memory_space<hbm>>
      %dma_wait3A_368 = arith.constant 0 : i32
      %dma_wait3A_369 = arith.constant 0 : i32
      %dma_wait3A_370 = tpu.memref_slice %arg2[%add3A, %dma_wait3A_368, %dma_wait3A_369] : memref<32x250x40xi32, #tpu.memory_space<hbm>> -> memref<1x125x40xi32, #tpu.memory_space<hbm>>
      %dma_wait3A_371 = tpu.memref_squeeze %dma_wait3A_370 : memref<1x125x40xi32, #tpu.memory_space<hbm>> -> memref<125x40xi32, #tpu.memory_space<hbm>>
      tpu.wait_dma2 semaphore(%run_scoped3A_355 : memref<!tpu.dma_semaphore, #tpu.memory_space<semaphore_mem>>) src(%dma_wait3A_371 : memref<125x40xi32, #tpu.memory_space<hbm>>) dst(%arg12 : memref<125x40xi32, #tpu.memory_space<vmem>>)
      tpu.yield
    }) : () -> ()
    "tpu.region"() ({
      %run_scoped3A_355 = tpu.sem_alloc : memref<!tpu.dma_semaphore, #tpu.memory_space<semaphore_mem>>
      %dma_start3A_356 = arith.constant 0 : i32
      %dma_start3A_357 = arith.constant 0 : i32
      %dma_start3A_358 = tpu.memref_slice %arg3[%add3A, %dma_start3A_356, %dma_start3A_357] : memref<32x250x40xi32, #tpu.memory_space<hbm>> -> memref<1x125x40xi32, #tpu.memory_space<hbm>>
      %dma_start3A_359 = tpu.memref_squeeze %dma_start3A_358 : memref<1x125x40xi32, #tpu.memory_space<hbm>> -> memref<125x40xi32, #tpu.memory_space<hbm>>
      %dma_start3A_360 = arith.constant 0 : i32
      %dma_start3A_361 = arith.constant 0 : i32
      %dma_start3A_362 = tpu.memref_slice %arg3[%add3A, %dma_start3A_360, %dma_start3A_361] : memref<32x250x40xi32, #tpu.memory_space<hbm>> -> memref<1x125x40xi32, #tpu.memory_space<hbm>>
      %dma_start3A_363 = tpu.memref_squeeze %dma_start3A_362 : memref<1x125x40xi32, #tpu.memory_space<hbm>> -> memref<125x40xi32, #tpu.memory_space<hbm>>
      tpu.enqueue_dma source(%dma_start3A_363 : memref<125x40xi32, #tpu.memory_space<hbm>>) target(%arg13 : memref<125x40xi32, #tpu.memory_space<vmem>>) target_semaphore(%run_scoped3A_355 : memref<!tpu.dma_semaphore, #tpu.memory_space<semaphore_mem>>)
      %dma_wait3A_364 = arith.constant 0 : i32
      %dma_wait3A_365 = arith.constant 0 : i32
      %dma_wait3A_366 = tpu.memref_slice %arg3[%add3A, %dma_wait3A_364, %dma_wait3A_365] : memref<32x250x40xi32, #tpu.memory_space<hbm>> -> memref<1x125x40xi32, #tpu.memory_space<hbm>>
      %dma_wait3A_367 = tpu.memref_squeeze %dma_wait3A_366 : memref<1x125x40xi32, #tpu.memory_space<hbm>> -> memref<125x40xi32, #tpu.memory_space<hbm>>
      %dma_wait3A_368 = arith.constant 0 : i32
      %dma_wait3A_369 = arith.constant 0 : i32
      %dma_wait3A_370 = tpu.memref_slice %arg3[%add3A, %dma_wait3A_368, %dma_wait3A_369] : memref<32x250x40xi32, #tpu.memory_space<hbm>> -> memref<1x125x40xi32, #tpu.memory_space<hbm>>
      %dma_wait3A_371 = tpu.memref_squeeze %dma_wait3A_370 : memref<1x125x40xi32, #tpu.memory_space<hbm>> -> memref<125x40xi32, #tpu.memory_space<hbm>>
      tpu.wait_dma2 semaphore(%run_scoped3A_355 : memref<!tpu.dma_semaphore, #tpu.memory_space<semaphore_mem>>) src(%dma_wait3A_371 : memref<125x40xi32, #tpu.memory_space<hbm>>) dst(%arg13 : memref<125x40xi32, #tpu.memory_space<vmem>>)
      tpu.yield
    }) : () -> ()
    %dma_start3A = arith.constant 0 : i32
    %dma_start3A_85 = arith.constant 0 : i32
    %dma_start3A_86 = tpu.memref_slice %arg12[%dma_start3A, %dma_start3A_85] : memref<125x40xi32, #tpu.memory_space<vmem>> -> memref<1x40xi32, #tpu.memory_space<vmem>>
    %dma_start3A_87 = tpu.memref_squeeze %dma_start3A_86 : memref<1x40xi32, #tpu.memory_space<vmem>> -> memref<40xi32, #tpu.memory_space<vmem>>
    %dma_start3A_88 = arith.constant 0 : i32
    %dma_start3A_89 = arith.constant 0 : i32
    %dma_start3A_90 = tpu.memref_slice %arg4[%dma_start3A_88, %dma_start3A_89] : memref<10000x16xf32, #tpu.memory_space<hbm>> -> memref<10000x16xf32, #tpu.memory_space<hbm>>
    tpu.enqueue_indirect_dma source(%dma_start3A_90 : memref<10000x16xf32, #tpu.memory_space<hbm>>) target(%arg14 : memref<40x16xf32, #tpu.memory_space<vmem>>) offsets(%dma_start3A_87 : memref<40xi32, #tpu.memory_space<vmem>>) semaphore(%arg25 : memref<!tpu.dma_semaphore, #tpu.memory_space<semaphore_mem>>)
    %dma_start3A_91 = arith.constant 0 : i32
    %dma_start3A_92 = arith.constant 0 : i32
    %dma_start3A_93 = tpu.memref_slice %arg13[%dma_start3A_91, %dma_start3A_92] : memref<125x40xi32, #tpu.memory_space<vmem>> -> memref<1x40xi32, #tpu.memory_space<vmem>>
    %dma_start3A_94 = tpu.memref_squeeze %dma_start3A_93 : memref<1x40xi32, #tpu.memory_space<vmem>> -> memref<40xi32, #tpu.memory_space<vmem>>
    %dma_start3A_95 = arith.constant 0 : i32
    %dma_start3A_96 = arith.constant 0 : i32
    %dma_start3A_97 = tpu.memref_slice %arg5[%dma_start3A_95, %dma_start3A_96] : memref<10000x16xf32, #tpu.memory_space<hbm>> -> memref<10000x16xf32, #tpu.memory_space<hbm>>
    tpu.enqueue_indirect_dma source(%dma_start3A_97 : memref<10000x16xf32, #tpu.memory_space<hbm>>) target(%arg16 : memref<40x16xf32, #tpu.memory_space<vmem>>) offsets(%dma_start3A_94 : memref<40xi32, #tpu.memory_space<vmem>>) semaphore(%arg25 : memref<!tpu.dma_semaphore, #tpu.memory_space<semaphore_mem>>)
    %dma_start3A_98 = arith.constant 0 : i32
    %dma_start3A_99 = arith.constant 0 : i32
    %dma_start3A_100 = tpu.memref_slice %arg12[%dma_start3A_98, %dma_start3A_99] : memref<125x40xi32, #tpu.memory_space<vmem>> -> memref<1x40xi32, #tpu.memory_space<vmem>>
    %dma_start3A_101 = tpu.memref_squeeze %dma_start3A_100 : memref<1x40xi32, #tpu.memory_space<vmem>> -> memref<40xi32, #tpu.memory_space<vmem>>
    %dma_start3A_102 = arith.constant 0 : i32
    %dma_start3A_103 = arith.constant 0 : i32
    %dma_start3A_104 = tpu.memref_slice %arg6[%dma_start3A_102, %dma_start3A_103] : memref<10000x128xf32, #tpu.memory_space<hbm>> -> memref<10000x128xf32, #tpu.memory_space<hbm>>
    tpu.enqueue_indirect_dma source(%dma_start3A_104 : memref<10000x128xf32, #tpu.memory_space<hbm>>) target(%arg18 : memref<40x128xf32, #tpu.memory_space<vmem>>) offsets(%dma_start3A_101 : memref<40xi32, #tpu.memory_space<vmem>>) semaphore(%arg25 : memref<!tpu.dma_semaphore, #tpu.memory_space<semaphore_mem>>)
    %dma_start3A_105 = arith.constant 1 : i32
    %dma_start3A_106 = arith.constant 0 : i32
    %dma_start3A_107 = tpu.memref_slice %arg12[%dma_start3A_105, %dma_start3A_106] : memref<125x40xi32, #tpu.memory_space<vmem>> -> memref<1x40xi32, #tpu.memory_space<vmem>>
    %dma_start3A_108 = tpu.memref_squeeze %dma_start3A_107 : memref<1x40xi32, #tpu.memory_space<vmem>> -> memref<40xi32, #tpu.memory_space<vmem>>
    %dma_start3A_109 = arith.constant 0 : i32
    %dma_start3A_110 = arith.constant 0 : i32
    %dma_start3A_111 = tpu.memref_slice %arg4[%dma_start3A_109, %dma_start3A_110] : memref<10000x16xf32, #tpu.memory_space<hbm>> -> memref<10000x16xf32, #tpu.memory_space<hbm>>
    tpu.enqueue_indirect_dma source(%dma_start3A_111 : memref<10000x16xf32, #tpu.memory_space<hbm>>) target(%arg15 : memref<40x16xf32, #tpu.memory_space<vmem>>) offsets(%dma_start3A_108 : memref<40xi32, #tpu.memory_space<vmem>>) semaphore(%arg26 : memref<!tpu.dma_semaphore, #tpu.memory_space<semaphore_mem>>)
    %dma_start3A_112 = arith.constant 1 : i32
    %dma_start3A_113 = arith.constant 0 : i32
    %dma_start3A_114 = tpu.memref_slice %arg13[%dma_start3A_112, %dma_start3A_113] : memref<125x40xi32, #tpu.memory_space<vmem>> -> memref<1x40xi32, #tpu.memory_space<vmem>>
    %dma_start3A_115 = tpu.memref_squeeze %dma_start3A_114 : memref<1x40xi32, #tpu.memory_space<vmem>> -> memref<40xi32, #tpu.memory_space<vmem>>
    %dma_start3A_116 = arith.constant 0 : i32
    %dma_start3A_117 = arith.constant 0 : i32
    %dma_start3A_118 = tpu.memref_slice %arg5[%dma_start3A_116, %dma_start3A_117] : memref<10000x16xf32, #tpu.memory_space<hbm>> -> memref<10000x16xf32, #tpu.memory_space<hbm>>
    tpu.enqueue_indirect_dma source(%dma_start3A_118 : memref<10000x16xf32, #tpu.memory_space<hbm>>) target(%arg17 : memref<40x16xf32, #tpu.memory_space<vmem>>) offsets(%dma_start3A_115 : memref<40xi32, #tpu.memory_space<vmem>>) semaphore(%arg26 : memref<!tpu.dma_semaphore, #tpu.memory_space<semaphore_mem>>)
    %dma_start3A_119 = arith.constant 1 : i32
    %dma_start3A_120 = arith.constant 0 : i32
    %dma_start3A_121 = tpu.memref_slice %arg12[%dma_start3A_119, %dma_start3A_120] : memref<125x40xi32, #tpu.memory_space<vmem>> -> memref<1x40xi32, #tpu.memory_space<vmem>>
    %dma_start3A_122 = tpu.memref_squeeze %dma_start3A_121 : memref<1x40xi32, #tpu.memory_space<vmem>> -> memref<40xi32, #tpu.memory_space<vmem>>
    %dma_start3A_123 = arith.constant 0 : i32
    %dma_start3A_124 = arith.constant 0 : i32
    %dma_start3A_125 = tpu.memref_slice %arg6[%dma_start3A_123, %dma_start3A_124] : memref<10000x128xf32, #tpu.memory_space<hbm>> -> memref<10000x128xf32, #tpu.memory_space<hbm>>
    tpu.enqueue_indirect_dma source(%dma_start3A_125 : memref<10000x128xf32, #tpu.memory_space<hbm>>) target(%arg19 : memref<40x128xf32, #tpu.memory_space<vmem>>) offsets(%dma_start3A_122 : memref<40xi32, #tpu.memory_space<vmem>>) semaphore(%arg26 : memref<!tpu.dma_semaphore, #tpu.memory_space<semaphore_mem>>)
    %scan3A_126 = arith.constant 0 : i32
    %scan3A_127 = arith.constant 0 : i32
    %scan3A_128 = arith.constant 62 : i32
    %scan3A_129 = arith.addi %scan3A_127, %scan3A_128 : i32
    %scan3A_130 = arith.constant 1 : i32
    %scan3A_131 = scf.for %scan3A_355 = %scan3A_127 to %scan3A_129 step %scan3A_130 iter_args(%scan3A_356 = %scan3A_126) -> (i32)  : i32 {
      %mul3A_357 = arith.constant 2 : i32
      %mul3A_358 = arith.muli %mul3A_357, %scan3A_355 : i32
      %add3A_359 = arith.constant 0 : i32
      %add3A_360 = arith.addi %mul3A_358, %add3A_359 : i32
      %dma_wait3A_361 = arith.constant 0 : i32
      %dma_wait3A_362 = tpu.memref_slice %arg12[%add3A_360, %dma_wait3A_361] : memref<125x40xi32, #tpu.memory_space<vmem>> -> memref<1x40xi32, #tpu.memory_space<vmem>>
      %dma_wait3A_363 = tpu.memref_squeeze %dma_wait3A_362 : memref<1x40xi32, #tpu.memory_space<vmem>> -> memref<40xi32, #tpu.memory_space<vmem>>
      %dma_wait3A_364 = arith.constant 0 : i32
      %dma_wait3A_365 = arith.constant 0 : i32
      %dma_wait3A_366 = tpu.memref_slice %arg4[%dma_wait3A_364, %dma_wait3A_365] : memref<10000x16xf32, #tpu.memory_space<hbm>> -> memref<10000x16xf32, #tpu.memory_space<hbm>>
      tpu.wait_indirect_dma semaphore(%arg25 : memref<!tpu.dma_semaphore, #tpu.memory_space<semaphore_mem>>) src(%dma_wait3A_366 : memref<10000x16xf32, #tpu.memory_space<hbm>>) dst(%arg14 : memref<40x16xf32, #tpu.memory_space<vmem>>)
      %dma_wait3A_367 = arith.constant 0 : i32
      %dma_wait3A_368 = tpu.memref_slice %arg13[%add3A_360, %dma_wait3A_367] : memref<125x40xi32, #tpu.memory_space<vmem>> -> memref<1x40xi32, #tpu.memory_space<vmem>>
      %dma_wait3A_369 = tpu.memref_squeeze %dma_wait3A_368 : memref<1x40xi32, #tpu.memory_space<vmem>> -> memref<40xi32, #tpu.memory_space<vmem>>
      %dma_wait3A_370 = arith.constant 0 : i32
      %dma_wait3A_371 = arith.constant 0 : i32
      %dma_wait3A_372 = tpu.memref_slice %arg5[%dma_wait3A_370, %dma_wait3A_371] : memref<10000x16xf32, #tpu.memory_space<hbm>> -> memref<10000x16xf32, #tpu.memory_space<hbm>>
      tpu.wait_indirect_dma semaphore(%arg25 : memref<!tpu.dma_semaphore, #tpu.memory_space<semaphore_mem>>) src(%dma_wait3A_372 : memref<10000x16xf32, #tpu.memory_space<hbm>>) dst(%arg16 : memref<40x16xf32, #tpu.memory_space<vmem>>)
      %dma_wait3A_373 = arith.constant 0 : i32
      %dma_wait3A_374 = tpu.memref_slice %arg12[%add3A_360, %dma_wait3A_373] : memref<125x40xi32, #tpu.memory_space<vmem>> -> memref<1x40xi32, #tpu.memory_space<vmem>>
      %dma_wait3A_375 = tpu.memref_squeeze %dma_wait3A_374 : memref<1x40xi32, #tpu.memory_space<vmem>> -> memref<40xi32, #tpu.memory_space<vmem>>
      %dma_wait3A_376 = arith.constant 0 : i32
      %dma_wait3A_377 = arith.constant 0 : i32
      %dma_wait3A_378 = tpu.memref_slice %arg6[%dma_wait3A_376, %dma_wait3A_377] : memref<10000x128xf32, #tpu.memory_space<hbm>> -> memref<10000x128xf32, #tpu.memory_space<hbm>>
      tpu.wait_indirect_dma semaphore(%arg25 : memref<!tpu.dma_semaphore, #tpu.memory_space<semaphore_mem>>) src(%dma_wait3A_378 : memref<10000x128xf32, #tpu.memory_space<hbm>>) dst(%arg18 : memref<40x128xf32, #tpu.memory_space<vmem>>)
      %ge3A = arith.constant 2 : i32
      %ge3A_379 = arith.cmpi sge, %add3A_360, %ge3A : i32
      %convert_element_type3A_380 = arith.extui %ge3A_379 : i1 to i32
      %cond3A_381 = arith.constant 0 : i32
      %cond3A_382 = arith.cmpi ne, %convert_element_type3A_380, %cond3A_381 : i32
      scf.if %cond3A_382 {
        %sub3A = arith.constant 2 : i32
        %sub3A_458 = arith.subi %add3A_360, %sub3A : i32
        %dma_wait3A_459 = arith.constant 0 : i32
        %dma_wait3A_460 = tpu.memref_slice %arg13[%sub3A_458, %dma_wait3A_459] : memref<125x40xi32, #tpu.memory_space<vmem>> -> memref<1x40xi32, #tpu.memory_space<vmem>>
        %dma_wait3A_461 = tpu.memref_squeeze %dma_wait3A_460 : memref<1x40xi32, #tpu.memory_space<vmem>> -> memref<40xi32, #tpu.memory_space<vmem>>
        %dma_wait3A_462 = arith.constant 0 : i32
        %dma_wait3A_463 = arith.constant 0 : i32
        %dma_wait3A_464 = tpu.memref_slice %arg11[%dma_wait3A_462, %dma_wait3A_463] : memref<10000x16xf32, #tpu.memory_space<vmem_shared>> -> memref<10000x16xf32, #tpu.memory_space<vmem_shared>>
        tpu.wait_indirect_dma semaphore(%arg27 : memref<!tpu.dma_semaphore, #tpu.memory_space<semaphore_mem>>) src(%arg20 : memref<40x16xf32, #tpu.memory_space<vmem>>) dst(%dma_wait3A_464 : memref<10000x16xf32, #tpu.memory_space<vmem_shared>>)
        %dma_wait3A_465 = arith.constant 0 : i32
        %dma_wait3A_466 = tpu.memref_slice %arg13[%sub3A_458, %dma_wait3A_465] : memref<125x40xi32, #tpu.memory_space<vmem>> -> memref<1x40xi32, #tpu.memory_space<vmem>>
        %dma_wait3A_467 = tpu.memref_squeeze %dma_wait3A_466 : memref<1x40xi32, #tpu.memory_space<vmem>> -> memref<40xi32, #tpu.memory_space<vmem>>
        %dma_wait3A_468 = arith.constant 0 : i32
        %dma_wait3A_469 = arith.constant 0 : i32
        %dma_wait3A_470 = tpu.memref_slice %arg10[%dma_wait3A_468, %dma_wait3A_469] : memref<10000x128xf32, #tpu.memory_space<vmem_shared>> -> memref<10000x128xf32, #tpu.memory_space<vmem_shared>>
        tpu.wait_indirect_dma semaphore(%arg27 : memref<!tpu.dma_semaphore, #tpu.memory_space<semaphore_mem>>) src(%arg22 : memref<40x128xf32, #tpu.memory_space<vmem>>) dst(%dma_wait3A_470 : memref<10000x128xf32, #tpu.memory_space<vmem_shared>>)
      } else {
      }
      %scan3A_383 = arith.constant 0 : i32
      %scan3A_384 = arith.constant 0 : i32
      %scan3A_385 = arith.constant 20 : i32
      %scan3A_386 = arith.addi %scan3A_384, %scan3A_385 : i32
      %scan3A_387 = arith.constant 1 : i32
      %scan3A_388 = scf.for %scan3A_458 = %scan3A_384 to %scan3A_386 step %scan3A_387 iter_args(%scan3A_459 = %scan3A_383) -> (i32)  : i32 {
        %mul3A_460 = arith.constant 2 : i32
        %mul3A_461 = arith.muli %mul3A_460, %scan3A_458 : i32
        %add3A_462 = arith.constant 0 : i32
        %add3A_463 = arith.addi %mul3A_461, %add3A_462 : i32
        %get3A_464 = arith.index_cast %add3A_463 : i32 to index
        %get3A_465 = arith.constant 0 : index
        %get3A_466 = tpu.vector_load %arg14[%get3A_464, %get3A_465] {strides = array<i32>} : memref<40x16xf32, #tpu.memory_space<vmem>>, vector<1x16xf32>,
        %get3A_467 = vector.shape_cast %get3A_466 : vector<1x16xf32> to vector<16xf32>
        %add3A_468 = arith.constant 0 : i32
        %add3A_469 = arith.addi %mul3A_461, %add3A_468 : i32
        %get3A_470 = arith.index_cast %add3A_469 : i32 to index
        %get3A_471 = arith.constant 0 : index
        %get3A_472 = tpu.vector_load %arg16[%get3A_470, %get3A_471] {strides = array<i32>} : memref<40x16xf32, #tpu.memory_space<vmem>>, vector<1x16xf32>,
        %get3A_473 = vector.shape_cast %get3A_472 : vector<1x16xf32> to vector<16xf32>
        %add3A_474 = arith.addf %get3A_467, %get3A_473 : vector<16xf32>
        %add3A_475 = arith.constant 1 : i32
        %add3A_476 = arith.addi %mul3A_461, %add3A_475 : i32
        %get3A_477 = arith.index_cast %add3A_476 : i32 to index
        %get3A_478 = arith.constant 0 : index
        %get3A_479 = tpu.vector_load %arg14[%get3A_477, %get3A_478] {strides = array<i32>} : memref<40x16xf32, #tpu.memory_space<vmem>>, vector<1x16xf32>,
        %get3A_480 = vector.shape_cast %get3A_479 : vector<1x16xf32> to vector<16xf32>
        %add3A_481 = arith.constant 1 : i32
        %add3A_482 = arith.addi %mul3A_461, %add3A_481 : i32
        %get3A_483 = arith.index_cast %add3A_482 : i32 to index
        %get3A_484 = arith.constant 0 : index
        %get3A_485 = tpu.vector_load %arg16[%get3A_483, %get3A_484] {strides = array<i32>} : memref<40x16xf32, #tpu.memory_space<vmem>>, vector<1x16xf32>,
        %get3A_486 = vector.shape_cast %get3A_485 : vector<1x16xf32> to vector<16xf32>
        %add3A_487 = arith.addf %get3A_480, %get3A_486 : vector<16xf32>
        %add3A_488 = arith.constant 0 : i32
        %add3A_489 = arith.addi %mul3A_461, %add3A_488 : i32
        %get3A_490 = arith.index_cast %add3A_489 : i32 to index
        %get3A_491 = arith.constant 0 : index
        %get3A_492 = tpu.vector_load %arg18[%get3A_490, %get3A_491] {strides = array<i32>} : memref<40x128xf32, #tpu.memory_space<vmem>>, vector<1x16xf32>,
        %get3A_493 = vector.shape_cast %get3A_492 : vector<1x16xf32> to vector<16xf32>
        %add3A_494 = arith.constant 0 : i32
        %add3A_495 = arith.addi %mul3A_461, %add3A_494 : i32
        %get3A_496 = arith.index_cast %add3A_495 : i32 to index
        %get3A_497 = arith.constant 16 : index
        %get3A_498 = tpu.vector_load %arg18[%get3A_496, %get3A_497] {strides = array<i32>} : memref<40x128xf32, #tpu.memory_space<vmem>>, vector<1x16xf32>,
        %get3A_499 = vector.shape_cast %get3A_498 : vector<1x16xf32> to vector<16xf32>
        %add3A_500 = arith.constant 0 : i32
        %add3A_501 = arith.addi %mul3A_461, %add3A_500 : i32
        %get3A_502 = arith.index_cast %add3A_501 : i32 to index
        %get3A_503 = arith.constant 32 : index
        %get3A_504 = tpu.vector_load %arg18[%get3A_502, %get3A_503] {strides = array<i32>} : memref<40x128xf32, #tpu.memory_space<vmem>>, vector<1x16xf32>,
        %get3A_505 = vector.shape_cast %get3A_504 : vector<1x16xf32> to vector<16xf32>
        %add3A_506 = arith.constant 0 : i32
        %add3A_507 = arith.addi %mul3A_461, %add3A_506 : i32
        %get3A_508 = arith.index_cast %add3A_507 : i32 to index
        %get3A_509 = arith.constant 48 : index
        %get3A_510 = tpu.vector_load %arg18[%get3A_508, %get3A_509] {strides = array<i32>} : memref<40x128xf32, #tpu.memory_space<vmem>>, vector<1x16xf32>,
        %get3A_511 = vector.shape_cast %get3A_510 : vector<1x16xf32> to vector<16xf32>
        %add3A_512 = arith.constant 0 : i32
        %add3A_513 = arith.addi %mul3A_461, %add3A_512 : i32
        %get3A_514 = arith.index_cast %add3A_513 : i32 to index
        %get3A_515 = arith.constant 64 : index
        %get3A_516 = tpu.vector_load %arg18[%get3A_514, %get3A_515] {strides = array<i32>} : memref<40x128xf32, #tpu.memory_space<vmem>>, vector<1x16xf32>,
        %get3A_517 = vector.shape_cast %get3A_516 : vector<1x16xf32> to vector<16xf32>
        %add3A_518 = arith.constant 0 : i32
        %add3A_519 = arith.addi %mul3A_461, %add3A_518 : i32
        %get3A_520 = arith.index_cast %add3A_519 : i32 to index
        %get3A_521 = arith.constant 80 : index
        %get3A_522 = tpu.vector_load %arg18[%get3A_520, %get3A_521] {strides = array<i32>} : memref<40x128xf32, #tpu.memory_space<vmem>>, vector<1x16xf32>,
        %get3A_523 = vector.shape_cast %get3A_522 : vector<1x16xf32> to vector<16xf32>
        %add3A_524 = arith.constant 0 : i32
        %add3A_525 = arith.addi %mul3A_461, %add3A_524 : i32
        %get3A_526 = arith.index_cast %add3A_525 : i32 to index
        %get3A_527 = arith.constant 96 : index
        %get3A_528 = tpu.vector_load %arg18[%get3A_526, %get3A_527] {strides = array<i32>} : memref<40x128xf32, #tpu.memory_space<vmem>>, vector<1x16xf32>,
        %get3A_529 = vector.shape_cast %get3A_528 : vector<1x16xf32> to vector<16xf32>
        %add3A_530 = arith.constant 0 : i32
        %add3A_531 = arith.addi %mul3A_461, %add3A_530 : i32
        %get3A_532 = arith.index_cast %add3A_531 : i32 to index
        %get3A_533 = arith.constant 112 : index
        %get3A_534 = tpu.vector_load %arg18[%get3A_532, %get3A_533] {strides = array<i32>} : memref<40x128xf32, #tpu.memory_space<vmem>>, vector<1x16xf32>,
        %get3A_535 = vector.shape_cast %get3A_534 : vector<1x16xf32> to vector<16xf32>
        %add3A_536 = arith.constant 1 : i32
        %add3A_537 = arith.addi %mul3A_461, %add3A_536 : i32
        %get3A_538 = arith.index_cast %add3A_537 : i32 to index
        %get3A_539 = arith.constant 0 : index
        %get3A_540 = tpu.vector_load %arg18[%get3A_538, %get3A_539] {strides = array<i32>} : memref<40x128xf32, #tpu.memory_space<vmem>>, vector<1x16xf32>,
        %get3A_541 = vector.shape_cast %get3A_540 : vector<1x16xf32> to vector<16xf32>
        %add3A_542 = arith.constant 1 : i32
        %add3A_543 = arith.addi %mul3A_461, %add3A_542 : i32
        %get3A_544 = arith.index_cast %add3A_543 : i32 to index
        %get3A_545 = arith.constant 16 : index
        %get3A_546 = tpu.vector_load %arg18[%get3A_544, %get3A_545] {strides = array<i32>} : memref<40x128xf32, #tpu.memory_space<vmem>>, vector<1x16xf32>,
        %get3A_547 = vector.shape_cast %get3A_546 : vector<1x16xf32> to vector<16xf32>
        %add3A_548 = arith.constant 1 : i32
        %add3A_549 = arith.addi %mul3A_461, %add3A_548 : i32
        %get3A_550 = arith.index_cast %add3A_549 : i32 to index
        %get3A_551 = arith.constant 32 : index
        %get3A_552 = tpu.vector_load %arg18[%get3A_550, %get3A_551] {strides = array<i32>} : memref<40x128xf32, #tpu.memory_space<vmem>>, vector<1x16xf32>,
        %get3A_553 = vector.shape_cast %get3A_552 : vector<1x16xf32> to vector<16xf32>
        %add3A_554 = arith.constant 1 : i32
        %add3A_555 = arith.addi %mul3A_461, %add3A_554 : i32
        %get3A_556 = arith.index_cast %add3A_555 : i32 to index
        %get3A_557 = arith.constant 48 : index
        %get3A_558 = tpu.vector_load %arg18[%get3A_556, %get3A_557] {strides = array<i32>} : memref<40x128xf32, #tpu.memory_space<vmem>>, vector<1x16xf32>,
        %get3A_559 = vector.shape_cast %get3A_558 : vector<1x16xf32> to vector<16xf32>
        %add3A_560 = arith.constant 1 : i32
        %add3A_561 = arith.addi %mul3A_461, %add3A_560 : i32
        %get3A_562 = arith.index_cast %add3A_561 : i32 to index
        %get3A_563 = arith.constant 64 : index
        %get3A_564 = tpu.vector_load %arg18[%get3A_562, %get3A_563] {strides = array<i32>} : memref<40x128xf32, #tpu.memory_space<vmem>>, vector<1x16xf32>,
        %get3A_565 = vector.shape_cast %get3A_564 : vector<1x16xf32> to vector<16xf32>
        %add3A_566 = arith.constant 1 : i32
        %add3A_567 = arith.addi %mul3A_461, %add3A_566 : i32
        %get3A_568 = arith.index_cast %add3A_567 : i32 to index
        %get3A_569 = arith.constant 80 : index
        %get3A_570 = tpu.vector_load %arg18[%get3A_568, %get3A_569] {strides = array<i32>} : memref<40x128xf32, #tpu.memory_space<vmem>>, vector<1x16xf32>,
        %get3A_571 = vector.shape_cast %get3A_570 : vector<1x16xf32> to vector<16xf32>
        %add3A_572 = arith.constant 1 : i32
        %add3A_573 = arith.addi %mul3A_461, %add3A_572 : i32
        %get3A_574 = arith.index_cast %add3A_573 : i32 to index
        %get3A_575 = arith.constant 96 : index
        %get3A_576 = tpu.vector_load %arg18[%get3A_574, %get3A_575] {strides = array<i32>} : memref<40x128xf32, #tpu.memory_space<vmem>>, vector<1x16xf32>,
        %get3A_577 = vector.shape_cast %get3A_576 : vector<1x16xf32> to vector<16xf32>
        %add3A_578 = arith.constant 1 : i32
        %add3A_579 = arith.addi %mul3A_461, %add3A_578 : i32
        %get3A_580 = arith.index_cast %add3A_579 : i32 to index
        %get3A_581 = arith.constant 112 : index
        %get3A_582 = tpu.vector_load %arg18[%get3A_580, %get3A_581] {strides = array<i32>} : memref<40x128xf32, #tpu.memory_space<vmem>>, vector<1x16xf32>,
        %get3A_583 = vector.shape_cast %get3A_582 : vector<1x16xf32> to vector<16xf32>
        %mul3A_584 = arith.constant 2.000000e-01 : f32
        %mul3A_585 = vector.broadcast %mul3A_584 : f32 to vector<16xf32>
        %mul3A_586 = arith.mulf %mul3A_585, %add3A_474 : vector<16xf32>
        %max3A = arith.maximumf %add3A_474, %mul3A_586 : vector<16xf32>
        %sub3A = arith.subf %max3A, %get3A_84 : vector<16xf32>
        %exp3A = math.exp %sub3A : vector<16xf32>
        %mul3A_587 = arith.constant 2.000000e-01 : f32
        %mul3A_588 = vector.broadcast %mul3A_587 : f32 to vector<16xf32>
        %mul3A_589 = arith.mulf %mul3A_588, %add3A_487 : vector<16xf32>
        %max3A_590 = arith.maximumf %add3A_487, %mul3A_589 : vector<16xf32>
        %sub3A_591 = arith.subf %max3A_590, %get3A_84 : vector<16xf32>
        %exp3A_592 = math.exp %sub3A_591 : vector<16xf32>
        %add3A_593 = arith.constant 0 : i32
        %add3A_594 = arith.addi %mul3A_461, %add3A_593 : i32
        %swap3A = arith.index_cast %add3A_594 : i32 to index
        %swap3A_595 = arith.constant 0 : index
        %swap3A_596 = tpu.vector_load %arg20[%swap3A, %swap3A_595] {strides = array<i32>} : memref<40x16xf32, #tpu.memory_space<vmem>>, vector<1x16xf32>,
        %swap3A_597 = vector.shape_cast %swap3A_596 : vector<1x16xf32> to vector<16xf32>
        %swap3A_598 = vector.shape_cast %exp3A : vector<16xf32> to vector<1x16xf32>
        tpu.vector_store %arg20[%swap3A, %swap3A_595], %swap3A_598 {strides = array<i32>} : memref<40x16xf32, #tpu.memory_space<vmem>>, vector<1x16xf32>,
        %add3A_599 = arith.constant 1 : i32
        %add3A_600 = arith.addi %mul3A_461, %add3A_599 : i32
        %swap3A_601 = arith.index_cast %add3A_600 : i32 to index
        %swap3A_602 = arith.constant 0 : index
        %swap3A_603 = tpu.vector_load %arg20[%swap3A_601, %swap3A_602] {strides = array<i32>} : memref<40x16xf32, #tpu.memory_space<vmem>>, vector<1x16xf32>,
        %swap3A_604 = vector.shape_cast %swap3A_603 : vector<1x16xf32> to vector<16xf32>
        %swap3A_605 = vector.shape_cast %exp3A_592 : vector<16xf32> to vector<1x16xf32>
        tpu.vector_store %arg20[%swap3A_601, %swap3A_602], %swap3A_605 {strides = array<i32>} : memref<40x16xf32, #tpu.memory_space<vmem>>, vector<1x16xf32>,
        %slice3A = vector.extract_strided_slice %exp3A {offsets = [0], sizes = [1], strides = [1]} : vector<16xf32> to vector<1xf32>
        %squeeze3A = vector.extract %slice3A[0] : f32 from vector<1xf32>
        %mul3A_606 = vector.broadcast %squeeze3A : f32 to vector<16xf32>
        %mul3A_607 = arith.mulf %get3A_493, %mul3A_606 : vector<16xf32>
        %add3A_608 = arith.constant 0 : i32
        %add3A_609 = arith.addi %mul3A_461, %add3A_608 : i32
        %swap3A_610 = arith.index_cast %add3A_609 : i32 to index
        %swap3A_611 = arith.constant 0 : index
        %swap3A_612 = tpu.vector_load %arg22[%swap3A_610, %swap3A_611] {strides = array<i32>} : memref<40x128xf32, #tpu.memory_space<vmem>>, vector<1x16xf32>,
        %swap3A_613 = vector.shape_cast %swap3A_612 : vector<1x16xf32> to vector<16xf32>
        %swap3A_614 = vector.shape_cast %mul3A_607 : vector<16xf32> to vector<1x16xf32>
        tpu.vector_store %arg22[%swap3A_610, %swap3A_611], %swap3A_614 {strides = array<i32>} : memref<40x128xf32, #tpu.memory_space<vmem>>, vector<1x16xf32>,
        %slice3A_615 = vector.extract_strided_slice %exp3A {offsets = [1], sizes = [1], strides = [1]} : vector<16xf32> to vector<1xf32>
        %squeeze3A_616 = vector.extract %slice3A_615[0] : f32 from vector<1xf32>
        %mul3A_617 = vector.broadcast %squeeze3A_616 : f32 to vector<16xf32>
        %mul3A_618 = arith.mulf %get3A_499, %mul3A_617 : vector<16xf32>
        %add3A_619 = arith.constant 0 : i32
        %add3A_620 = arith.addi %mul3A_461, %add3A_619 : i32
        %swap3A_621 = arith.index_cast %add3A_620 : i32 to index
        %swap3A_622 = arith.constant 16 : index
        %swap3A_623 = tpu.vector_load %arg22[%swap3A_621, %swap3A_622] {strides = array<i32>} : memref<40x128xf32, #tpu.memory_space<vmem>>, vector<1x16xf32>,
        %swap3A_624 = vector.shape_cast %swap3A_623 : vector<1x16xf32> to vector<16xf32>
        %swap3A_625 = vector.shape_cast %mul3A_618 : vector<16xf32> to vector<1x16xf32>
        tpu.vector_store %arg22[%swap3A_621, %swap3A_622], %swap3A_625 {strides = array<i32>} : memref<40x128xf32, #tpu.memory_space<vmem>>, vector<1x16xf32>,
        %slice3A_626 = vector.extract_strided_slice %exp3A {offsets = [2], sizes = [1], strides = [1]} : vector<16xf32> to vector<1xf32>
        %squeeze3A_627 = vector.extract %slice3A_626[0] : f32 from vector<1xf32>
        %mul3A_628 = vector.broadcast %squeeze3A_627 : f32 to vector<16xf32>
        %mul3A_629 = arith.mulf %get3A_505, %mul3A_628 : vector<16xf32>
        %add3A_630 = arith.constant 0 : i32
        %add3A_631 = arith.addi %mul3A_461, %add3A_630 : i32
        %swap3A_632 = arith.index_cast %add3A_631 : i32 to index
        %swap3A_633 = arith.constant 32 : index
        %swap3A_634 = tpu.vector_load %arg22[%swap3A_632, %swap3A_633] {strides = array<i32>} : memref<40x128xf32, #tpu.memory_space<vmem>>, vector<1x16xf32>,
        %swap3A_635 = vector.shape_cast %swap3A_634 : vector<1x16xf32> to vector<16xf32>
        %swap3A_636 = vector.shape_cast %mul3A_629 : vector<16xf32> to vector<1x16xf32>
        tpu.vector_store %arg22[%swap3A_632, %swap3A_633], %swap3A_636 {strides = array<i32>} : memref<40x128xf32, #tpu.memory_space<vmem>>, vector<1x16xf32>,
        %slice3A_637 = vector.extract_strided_slice %exp3A {offsets = [3], sizes = [1], strides = [1]} : vector<16xf32> to vector<1xf32>
        %squeeze3A_638 = vector.extract %slice3A_637[0] : f32 from vector<1xf32>
        %mul3A_639 = vector.broadcast %squeeze3A_638 : f32 to vector<16xf32>
        %mul3A_640 = arith.mulf %get3A_511, %mul3A_639 : vector<16xf32>
        %add3A_641 = arith.constant 0 : i32
        %add3A_642 = arith.addi %mul3A_461, %add3A_641 : i32
        %swap3A_643 = arith.index_cast %add3A_642 : i32 to index
        %swap3A_644 = arith.constant 48 : index
        %swap3A_645 = tpu.vector_load %arg22[%swap3A_643, %swap3A_644] {strides = array<i32>} : memref<40x128xf32, #tpu.memory_space<vmem>>, vector<1x16xf32>,
        %swap3A_646 = vector.shape_cast %swap3A_645 : vector<1x16xf32> to vector<16xf32>
        %swap3A_647 = vector.shape_cast %mul3A_640 : vector<16xf32> to vector<1x16xf32>
        tpu.vector_store %arg22[%swap3A_643, %swap3A_644], %swap3A_647 {strides = array<i32>} : memref<40x128xf32, #tpu.memory_space<vmem>>, vector<1x16xf32>,
        %slice3A_648 = vector.extract_strided_slice %exp3A {offsets = [4], sizes = [1], strides = [1]} : vector<16xf32> to vector<1xf32>
        %squeeze3A_649 = vector.extract %slice3A_648[0] : f32 from vector<1xf32>
        %mul3A_650 = vector.broadcast %squeeze3A_649 : f32 to vector<16xf32>
        %mul3A_651 = arith.mulf %get3A_517, %mul3A_650 : vector<16xf32>
        %add3A_652 = arith.constant 0 : i32
        %add3A_653 = arith.addi %mul3A_461, %add3A_652 : i32
        %swap3A_654 = arith.index_cast %add3A_653 : i32 to index
        %swap3A_655 = arith.constant 64 : index
        %swap3A_656 = tpu.vector_load %arg22[%swap3A_654, %swap3A_655] {strides = array<i32>} : memref<40x128xf32, #tpu.memory_space<vmem>>, vector<1x16xf32>,
        %swap3A_657 = vector.shape_cast %swap3A_656 : vector<1x16xf32> to vector<16xf32>
        %swap3A_658 = vector.shape_cast %mul3A_651 : vector<16xf32> to vector<1x16xf32>
        tpu.vector_store %arg22[%swap3A_654, %swap3A_655], %swap3A_658 {strides = array<i32>} : memref<40x128xf32, #tpu.memory_space<vmem>>, vector<1x16xf32>,
        %slice3A_659 = vector.extract_strided_slice %exp3A {offsets = [5], sizes = [1], strides = [1]} : vector<16xf32> to vector<1xf32>
        %squeeze3A_660 = vector.extract %slice3A_659[0] : f32 from vector<1xf32>
        %mul3A_661 = vector.broadcast %squeeze3A_660 : f32 to vector<16xf32>
        %mul3A_662 = arith.mulf %get3A_523, %mul3A_661 : vector<16xf32>
        %add3A_663 = arith.constant 0 : i32
        %add3A_664 = arith.addi %mul3A_461, %add3A_663 : i32
        %swap3A_665 = arith.index_cast %add3A_664 : i32 to index
        %swap3A_666 = arith.constant 80 : index
        %swap3A_667 = tpu.vector_load %arg22[%swap3A_665, %swap3A_666] {strides = array<i32>} : memref<40x128xf32, #tpu.memory_space<vmem>>, vector<1x16xf32>,
        %swap3A_668 = vector.shape_cast %swap3A_667 : vector<1x16xf32> to vector<16xf32>
        %swap3A_669 = vector.shape_cast %mul3A_662 : vector<16xf32> to vector<1x16xf32>
        tpu.vector_store %arg22[%swap3A_665, %swap3A_666], %swap3A_669 {strides = array<i32>} : memref<40x128xf32, #tpu.memory_space<vmem>>, vector<1x16xf32>,
        %slice3A_670 = vector.extract_strided_slice %exp3A {offsets = [6], sizes = [1], strides = [1]} : vector<16xf32> to vector<1xf32>
        %squeeze3A_671 = vector.extract %slice3A_670[0] : f32 from vector<1xf32>
        %mul3A_672 = vector.broadcast %squeeze3A_671 : f32 to vector<16xf32>
        %mul3A_673 = arith.mulf %get3A_529, %mul3A_672 : vector<16xf32>
        %add3A_674 = arith.constant 0 : i32
        %add3A_675 = arith.addi %mul3A_461, %add3A_674 : i32
        %swap3A_676 = arith.index_cast %add3A_675 : i32 to index
        %swap3A_677 = arith.constant 96 : index
        %swap3A_678 = tpu.vector_load %arg22[%swap3A_676, %swap3A_677] {strides = array<i32>} : memref<40x128xf32, #tpu.memory_space<vmem>>, vector<1x16xf32>,
        %swap3A_679 = vector.shape_cast %swap3A_678 : vector<1x16xf32> to vector<16xf32>
        %swap3A_680 = vector.shape_cast %mul3A_673 : vector<16xf32> to vector<1x16xf32>
        tpu.vector_store %arg22[%swap3A_676, %swap3A_677], %swap3A_680 {strides = array<i32>} : memref<40x128xf32, #tpu.memory_space<vmem>>, vector<1x16xf32>,
        %slice3A_681 = vector.extract_strided_slice %exp3A {offsets = [7], sizes = [1], strides = [1]} : vector<16xf32> to vector<1xf32>
        %squeeze3A_682 = vector.extract %slice3A_681[0] : f32 from vector<1xf32>
        %mul3A_683 = vector.broadcast %squeeze3A_682 : f32 to vector<16xf32>
        %mul3A_684 = arith.mulf %get3A_535, %mul3A_683 : vector<16xf32>
        %add3A_685 = arith.constant 0 : i32
        %add3A_686 = arith.addi %mul3A_461, %add3A_685 : i32
        %swap3A_687 = arith.index_cast %add3A_686 : i32 to index
        %swap3A_688 = arith.constant 112 : index
        %swap3A_689 = tpu.vector_load %arg22[%swap3A_687, %swap3A_688] {strides = array<i32>} : memref<40x128xf32, #tpu.memory_space<vmem>>, vector<1x16xf32>,
        %swap3A_690 = vector.shape_cast %swap3A_689 : vector<1x16xf32> to vector<16xf32>
        %swap3A_691 = vector.shape_cast %mul3A_684 : vector<16xf32> to vector<1x16xf32>
        tpu.vector_store %arg22[%swap3A_687, %swap3A_688], %swap3A_691 {strides = array<i32>} : memref<40x128xf32, #tpu.memory_space<vmem>>, vector<1x16xf32>,
        %slice3A_692 = vector.extract_strided_slice %exp3A_592 {offsets = [0], sizes = [1], strides = [1]} : vector<16xf32> to vector<1xf32>
        %squeeze3A_693 = vector.extract %slice3A_692[0] : f32 from vector<1xf32>
        %mul3A_694 = vector.broadcast %squeeze3A_693 : f32 to vector<16xf32>
        %mul3A_695 = arith.mulf %get3A_541, %mul3A_694 : vector<16xf32>
        %add3A_696 = arith.constant 1 : i32
        %add3A_697 = arith.addi %mul3A_461, %add3A_696 : i32
        %swap3A_698 = arith.index_cast %add3A_697 : i32 to index
        %swap3A_699 = arith.constant 0 : index
        %swap3A_700 = tpu.vector_load %arg22[%swap3A_698, %swap3A_699] {strides = array<i32>} : memref<40x128xf32, #tpu.memory_space<vmem>>, vector<1x16xf32>,
        %swap3A_701 = vector.shape_cast %swap3A_700 : vector<1x16xf32> to vector<16xf32>
        %swap3A_702 = vector.shape_cast %mul3A_695 : vector<16xf32> to vector<1x16xf32>
        tpu.vector_store %arg22[%swap3A_698, %swap3A_699], %swap3A_702 {strides = array<i32>} : memref<40x128xf32, #tpu.memory_space<vmem>>, vector<1x16xf32>,
        %slice3A_703 = vector.extract_strided_slice %exp3A_592 {offsets = [1], sizes = [1], strides = [1]} : vector<16xf32> to vector<1xf32>
        %squeeze3A_704 = vector.extract %slice3A_703[0] : f32 from vector<1xf32>
        %mul3A_705 = vector.broadcast %squeeze3A_704 : f32 to vector<16xf32>
        %mul3A_706 = arith.mulf %get3A_547, %mul3A_705 : vector<16xf32>
        %add3A_707 = arith.constant 1 : i32
        %add3A_708 = arith.addi %mul3A_461, %add3A_707 : i32
        %swap3A_709 = arith.index_cast %add3A_708 : i32 to index
        %swap3A_710 = arith.constant 16 : index
        %swap3A_711 = tpu.vector_load %arg22[%swap3A_709, %swap3A_710] {strides = array<i32>} : memref<40x128xf32, #tpu.memory_space<vmem>>, vector<1x16xf32>,
        %swap3A_712 = vector.shape_cast %swap3A_711 : vector<1x16xf32> to vector<16xf32>
        %swap3A_713 = vector.shape_cast %mul3A_706 : vector<16xf32> to vector<1x16xf32>
        tpu.vector_store %arg22[%swap3A_709, %swap3A_710], %swap3A_713 {strides = array<i32>} : memref<40x128xf32, #tpu.memory_space<vmem>>, vector<1x16xf32>,
        %slice3A_714 = vector.extract_strided_slice %exp3A_592 {offsets = [2], sizes = [1], strides = [1]} : vector<16xf32> to vector<1xf32>
        %squeeze3A_715 = vector.extract %slice3A_714[0] : f32 from vector<1xf32>
        %mul3A_716 = vector.broadcast %squeeze3A_715 : f32 to vector<16xf32>
        %mul3A_717 = arith.mulf %get3A_553, %mul3A_716 : vector<16xf32>
        %add3A_718 = arith.constant 1 : i32
        %add3A_719 = arith.addi %mul3A_461, %add3A_718 : i32
        %swap3A_720 = arith.index_cast %add3A_719 : i32 to index
        %swap3A_721 = arith.constant 32 : index
        %swap3A_722 = tpu.vector_load %arg22[%swap3A_720, %swap3A_721] {strides = array<i32>} : memref<40x128xf32, #tpu.memory_space<vmem>>, vector<1x16xf32>,
        %swap3A_723 = vector.shape_cast %swap3A_722 : vector<1x16xf32> to vector<16xf32>
        %swap3A_724 = vector.shape_cast %mul3A_717 : vector<16xf32> to vector<1x16xf32>
        tpu.vector_store %arg22[%swap3A_720, %swap3A_721], %swap3A_724 {strides = array<i32>} : memref<40x128xf32, #tpu.memory_space<vmem>>, vector<1x16xf32>,
        %slice3A_725 = vector.extract_strided_slice %exp3A_592 {offsets = [3], sizes = [1], strides = [1]} : vector<16xf32> to vector<1xf32>
        %squeeze3A_726 = vector.extract %slice3A_725[0] : f32 from vector<1xf32>
        %mul3A_727 = vector.broadcast %squeeze3A_726 : f32 to vector<16xf32>
        %mul3A_728 = arith.mulf %get3A_559, %mul3A_727 : vector<16xf32>
        %add3A_729 = arith.constant 1 : i32
        %add3A_730 = arith.addi %mul3A_461, %add3A_729 : i32
        %swap3A_731 = arith.index_cast %add3A_730 : i32 to index
        %swap3A_732 = arith.constant 48 : index
        %swap3A_733 = tpu.vector_load %arg22[%swap3A_731, %swap3A_732] {strides = array<i32>} : memref<40x128xf32, #tpu.memory_space<vmem>>, vector<1x16xf32>,
        %swap3A_734 = vector.shape_cast %swap3A_733 : vector<1x16xf32> to vector<16xf32>
        %swap3A_735 = vector.shape_cast %mul3A_728 : vector<16xf32> to vector<1x16xf32>
        tpu.vector_store %arg22[%swap3A_731, %swap3A_732], %swap3A_735 {strides = array<i32>} : memref<40x128xf32, #tpu.memory_space<vmem>>, vector<1x16xf32>,
        %slice3A_736 = vector.extract_strided_slice %exp3A_592 {offsets = [4], sizes = [1], strides = [1]} : vector<16xf32> to vector<1xf32>
        %squeeze3A_737 = vector.extract %slice3A_736[0] : f32 from vector<1xf32>
        %mul3A_738 = vector.broadcast %squeeze3A_737 : f32 to vector<16xf32>
        %mul3A_739 = arith.mulf %get3A_565, %mul3A_738 : vector<16xf32>
        %add3A_740 = arith.constant 1 : i32
        %add3A_741 = arith.addi %mul3A_461, %add3A_740 : i32
        %swap3A_742 = arith.index_cast %add3A_741 : i32 to index
        %swap3A_743 = arith.constant 64 : index
        %swap3A_744 = tpu.vector_load %arg22[%swap3A_742, %swap3A_743] {strides = array<i32>} : memref<40x128xf32, #tpu.memory_space<vmem>>, vector<1x16xf32>,
        %swap3A_745 = vector.shape_cast %swap3A_744 : vector<1x16xf32> to vector<16xf32>
        %swap3A_746 = vector.shape_cast %mul3A_739 : vector<16xf32> to vector<1x16xf32>
        tpu.vector_store %arg22[%swap3A_742, %swap3A_743], %swap3A_746 {strides = array<i32>} : memref<40x128xf32, #tpu.memory_space<vmem>>, vector<1x16xf32>,
        %slice3A_747 = vector.extract_strided_slice %exp3A_592 {offsets = [5], sizes = [1], strides = [1]} : vector<16xf32> to vector<1xf32>
        %squeeze3A_748 = vector.extract %slice3A_747[0] : f32 from vector<1xf32>
        %mul3A_749 = vector.broadcast %squeeze3A_748 : f32 to vector<16xf32>
        %mul3A_750 = arith.mulf %get3A_571, %mul3A_749 : vector<16xf32>
        %add3A_751 = arith.constant 1 : i32
        %add3A_752 = arith.addi %mul3A_461, %add3A_751 : i32
        %swap3A_753 = arith.index_cast %add3A_752 : i32 to index
        %swap3A_754 = arith.constant 80 : index
        %swap3A_755 = tpu.vector_load %arg22[%swap3A_753, %swap3A_754] {strides = array<i32>} : memref<40x128xf32, #tpu.memory_space<vmem>>, vector<1x16xf32>,
        %swap3A_756 = vector.shape_cast %swap3A_755 : vector<1x16xf32> to vector<16xf32>
        %swap3A_757 = vector.shape_cast %mul3A_750 : vector<16xf32> to vector<1x16xf32>
        tpu.vector_store %arg22[%swap3A_753, %swap3A_754], %swap3A_757 {strides = array<i32>} : memref<40x128xf32, #tpu.memory_space<vmem>>, vector<1x16xf32>,
        %slice3A_758 = vector.extract_strided_slice %exp3A_592 {offsets = [6], sizes = [1], strides = [1]} : vector<16xf32> to vector<1xf32>
        %squeeze3A_759 = vector.extract %slice3A_758[0] : f32 from vector<1xf32>
        %mul3A_760 = vector.broadcast %squeeze3A_759 : f32 to vector<16xf32>
        %mul3A_761 = arith.mulf %get3A_577, %mul3A_760 : vector<16xf32>
        %add3A_762 = arith.constant 1 : i32
        %add3A_763 = arith.addi %mul3A_461, %add3A_762 : i32
        %swap3A_764 = arith.index_cast %add3A_763 : i32 to index
        %swap3A_765 = arith.constant 96 : index
        %swap3A_766 = tpu.vector_load %arg22[%swap3A_764, %swap3A_765] {strides = array<i32>} : memref<40x128xf32, #tpu.memory_space<vmem>>, vector<1x16xf32>,
        %swap3A_767 = vector.shape_cast %swap3A_766 : vector<1x16xf32> to vector<16xf32>
        %swap3A_768 = vector.shape_cast %mul3A_761 : vector<16xf32> to vector<1x16xf32>
        tpu.vector_store %arg22[%swap3A_764, %swap3A_765], %swap3A_768 {strides = array<i32>} : memref<40x128xf32, #tpu.memory_space<vmem>>, vector<1x16xf32>,
        %slice3A_769 = vector.extract_strided_slice %exp3A_592 {offsets = [7], sizes = [1], strides = [1]} : vector<16xf32> to vector<1xf32>
        %squeeze3A_770 = vector.extract %slice3A_769[0] : f32 from vector<1xf32>
        %mul3A_771 = vector.broadcast %squeeze3A_770 : f32 to vector<16xf32>
        %mul3A_772 = arith.mulf %get3A_583, %mul3A_771 : vector<16xf32>
        %add3A_773 = arith.constant 1 : i32
        %add3A_774 = arith.addi %mul3A_461, %add3A_773 : i32
        %swap3A_775 = arith.index_cast %add3A_774 : i32 to index
        %swap3A_776 = arith.constant 112 : index
        %swap3A_777 = tpu.vector_load %arg22[%swap3A_775, %swap3A_776] {strides = array<i32>} : memref<40x128xf32, #tpu.memory_space<vmem>>, vector<1x16xf32>,
        %swap3A_778 = vector.shape_cast %swap3A_777 : vector<1x16xf32> to vector<16xf32>
        %swap3A_779 = vector.shape_cast %mul3A_772 : vector<16xf32> to vector<1x16xf32>
        tpu.vector_store %arg22[%swap3A_775, %swap3A_776], %swap3A_779 {strides = array<i32>} : memref<40x128xf32, #tpu.memory_space<vmem>>, vector<1x16xf32>,
        %scan3A_780 = arith.constant 0 : i32
        scf.yield %scan3A_780 : i32
      }
      %scan3A_389 = arith.constant 20 : i32
      %dma_start3A_390 = arith.constant 0 : i32
      %dma_start3A_391 = tpu.memref_slice %arg13[%add3A_360, %dma_start3A_390] : memref<125x40xi32, #tpu.memory_space<vmem>> -> memref<1x40xi32, #tpu.memory_space<vmem>>
      %dma_start3A_392 = tpu.memref_squeeze %dma_start3A_391 : memref<1x40xi32, #tpu.memory_space<vmem>> -> memref<40xi32, #tpu.memory_space<vmem>>
      %dma_start3A_393 = arith.constant 0 : i32
      %dma_start3A_394 = arith.constant 0 : i32
      %dma_start3A_395 = tpu.memref_slice %arg11[%dma_start3A_393, %dma_start3A_394] : memref<10000x16xf32, #tpu.memory_space<vmem_shared>> -> memref<10000x16xf32, #tpu.memory_space<vmem_shared>>
      tpu.enqueue_indirect_dma source(%arg20 : memref<40x16xf32, #tpu.memory_space<vmem>>) target(%dma_start3A_395 : memref<10000x16xf32, #tpu.memory_space<vmem_shared>>) offsets(%dma_start3A_392 : memref<40xi32, #tpu.memory_space<vmem>>) semaphore(%arg27 : memref<!tpu.dma_semaphore, #tpu.memory_space<semaphore_mem>>) {add = true}
      %dma_start3A_396 = arith.constant 0 : i32
      %dma_start3A_397 = tpu.memref_slice %arg13[%add3A_360, %dma_start3A_396] : memref<125x40xi32, #tpu.memory_space<vmem>> -> memref<1x40xi32, #tpu.memory_space<vmem>>
      %dma_start3A_398 = tpu.memref_squeeze %dma_start3A_397 : memref<1x40xi32, #tpu.memory_space<vmem>> -> memref<40xi32, #tpu.memory_space<vmem>>
      %dma_start3A_399 = arith.constant 0 : i32
      %dma_start3A_400 = arith.constant 0 : i32
      %dma_start3A_401 = tpu.memref_slice %arg10[%dma_start3A_399, %dma_start3A_400] : memref<10000x128xf32, #tpu.memory_space<vmem_shared>> -> memref<10000x128xf32, #tpu.memory_space<vmem_shared>>
      tpu.enqueue_indirect_dma source(%arg22 : memref<40x128xf32, #tpu.memory_space<vmem>>) target(%dma_start3A_401 : memref<10000x128xf32, #tpu.memory_space<vmem_shared>>) offsets(%dma_start3A_398 : memref<40xi32, #tpu.memory_space<vmem>>) semaphore(%arg27 : memref<!tpu.dma_semaphore, #tpu.memory_space<semaphore_mem>>) {add = true}
      %lt3A = arith.constant 123 : i32
      %lt3A_402 = arith.cmpi slt, %add3A_360, %lt3A : i32
      %convert_element_type3A_403 = arith.extui %lt3A_402 : i1 to i32
      %cond3A_404 = arith.constant 0 : i32
      %cond3A_405 = arith.cmpi ne, %convert_element_type3A_403, %cond3A_404 : i32
      scf.if %cond3A_405 {
        %add3A_458 = arith.constant 2 : i32
        %add3A_459 = arith.addi %add3A_360, %add3A_458 : i32
        %dma_start3A_460 = arith.constant 0 : i32
        %dma_start3A_461 = tpu.memref_slice %arg12[%add3A_459, %dma_start3A_460] : memref<125x40xi32, #tpu.memory_space<vmem>> -> memref<1x40xi32, #tpu.memory_space<vmem>>
        %dma_start3A_462 = tpu.memref_squeeze %dma_start3A_461 : memref<1x40xi32, #tpu.memory_space<vmem>> -> memref<40xi32, #tpu.memory_space<vmem>>
        %dma_start3A_463 = arith.constant 0 : i32
        %dma_start3A_464 = arith.constant 0 : i32
        %dma_start3A_465 = tpu.memref_slice %arg4[%dma_start3A_463, %dma_start3A_464] : memref<10000x16xf32, #tpu.memory_space<hbm>> -> memref<10000x16xf32, #tpu.memory_space<hbm>>
        tpu.enqueue_indirect_dma source(%dma_start3A_465 : memref<10000x16xf32, #tpu.memory_space<hbm>>) target(%arg14 : memref<40x16xf32, #tpu.memory_space<vmem>>) offsets(%dma_start3A_462 : memref<40xi32, #tpu.memory_space<vmem>>) semaphore(%arg25 : memref<!tpu.dma_semaphore, #tpu.memory_space<semaphore_mem>>)
        %dma_start3A_466 = arith.constant 0 : i32
        %dma_start3A_467 = tpu.memref_slice %arg13[%add3A_459, %dma_start3A_466] : memref<125x40xi32, #tpu.memory_space<vmem>> -> memref<1x40xi32, #tpu.memory_space<vmem>>
        %dma_start3A_468 = tpu.memref_squeeze %dma_start3A_467 : memref<1x40xi32, #tpu.memory_space<vmem>> -> memref<40xi32, #tpu.memory_space<vmem>>
        %dma_start3A_469 = arith.constant 0 : i32
        %dma_start3A_470 = arith.constant 0 : i32
        %dma_start3A_471 = tpu.memref_slice %arg5[%dma_start3A_469, %dma_start3A_470] : memref<10000x16xf32, #tpu.memory_space<hbm>> -> memref<10000x16xf32, #tpu.memory_space<hbm>>
        tpu.enqueue_indirect_dma source(%dma_start3A_471 : memref<10000x16xf32, #tpu.memory_space<hbm>>) target(%arg16 : memref<40x16xf32, #tpu.memory_space<vmem>>) offsets(%dma_start3A_468 : memref<40xi32, #tpu.memory_space<vmem>>) semaphore(%arg25 : memref<!tpu.dma_semaphore, #tpu.memory_space<semaphore_mem>>)
        %dma_start3A_472 = arith.constant 0 : i32
        %dma_start3A_473 = tpu.memref_slice %arg12[%add3A_459, %dma_start3A_472] : memref<125x40xi32, #tpu.memory_space<vmem>> -> memref<1x40xi32, #tpu.memory_space<vmem>>
        %dma_start3A_474 = tpu.memref_squeeze %dma_start3A_473 : memref<1x40xi32, #tpu.memory_space<vmem>> -> memref<40xi32, #tpu.memory_space<vmem>>
        %dma_start3A_475 = arith.constant 0 : i32
        %dma_start3A_476 = arith.constant 0 : i32
        %dma_start3A_477 = tpu.memref_slice %arg6[%dma_start3A_475, %dma_start3A_476] : memref<10000x128xf32, #tpu.memory_space<hbm>> -> memref<10000x128xf32, #tpu.memory_space<hbm>>
        tpu.enqueue_indirect_dma source(%dma_start3A_477 : memref<10000x128xf32, #tpu.memory_space<hbm>>) target(%arg18 : memref<40x128xf32, #tpu.memory_space<vmem>>) offsets(%dma_start3A_474 : memref<40xi32, #tpu.memory_space<vmem>>) semaphore(%arg25 : memref<!tpu.dma_semaphore, #tpu.memory_space<semaphore_mem>>)
      } else {
      }
      %mul3A_406 = arith.constant 2 : i32
      %mul3A_407 = arith.muli %mul3A_406, %scan3A_355 : i32
      %add3A_408 = arith.constant 1 : i32
      %add3A_409 = arith.addi %mul3A_407, %add3A_408 : i32
      %dma_wait3A_410 = arith.constant 0 : i32
      %dma_wait3A_411 = tpu.memref_slice %arg12[%add3A_409, %dma_wait3A_410] : memref<125x40xi32, #tpu.memory_space<vmem>> -> memref<1x40xi32, #tpu.memory_space<vmem>>
      %dma_wait3A_412 = tpu.memref_squeeze %dma_wait3A_411 : memref<1x40xi32, #tpu.memory_space<vmem>> -> memref<40xi32, #tpu.memory_space<vmem>>
      %dma_wait3A_413 = arith.constant 0 : i32
      %dma_wait3A_414 = arith.constant 0 : i32
      %dma_wait3A_415 = tpu.memref_slice %arg4[%dma_wait3A_413, %dma_wait3A_414] : memref<10000x16xf32, #tpu.memory_space<hbm>> -> memref<10000x16xf32, #tpu.memory_space<hbm>>
      tpu.wait_indirect_dma semaphore(%arg26 : memref<!tpu.dma_semaphore, #tpu.memory_space<semaphore_mem>>) src(%dma_wait3A_415 : memref<10000x16xf32, #tpu.memory_space<hbm>>) dst(%arg15 : memref<40x16xf32, #tpu.memory_space<vmem>>)
      %dma_wait3A_416 = arith.constant 0 : i32
      %dma_wait3A_417 = tpu.memref_slice %arg13[%add3A_409, %dma_wait3A_416] : memref<125x40xi32, #tpu.memory_space<vmem>> -> memref<1x40xi32, #tpu.memory_space<vmem>>
      %dma_wait3A_418 = tpu.memref_squeeze %dma_wait3A_417 : memref<1x40xi32, #tpu.memory_space<vmem>> -> memref<40xi32, #tpu.memory_space<vmem>>
      %dma_wait3A_419 = arith.constant 0 : i32
      %dma_wait3A_420 = arith.constant 0 : i32
      %dma_wait3A_421 = tpu.memref_slice %arg5[%dma_wait3A_419, %dma_wait3A_420] : memref<10000x16xf32, #tpu.memory_space<hbm>> -> memref<10000x16xf32, #tpu.memory_space<hbm>>
      tpu.wait_indirect_dma semaphore(%arg26 : memref<!tpu.dma_semaphore, #tpu.memory_space<semaphore_mem>>) src(%dma_wait3A_421 : memref<10000x16xf32, #tpu.memory_space<hbm>>) dst(%arg17 : memref<40x16xf32, #tpu.memory_space<vmem>>)
      %dma_wait3A_422 = arith.constant 0 : i32
      %dma_wait3A_423 = tpu.memref_slice %arg12[%add3A_409, %dma_wait3A_422] : memref<125x40xi32, #tpu.memory_space<vmem>> -> memref<1x40xi32, #tpu.memory_space<vmem>>
      %dma_wait3A_424 = tpu.memref_squeeze %dma_wait3A_423 : memref<1x40xi32, #tpu.memory_space<vmem>> -> memref<40xi32, #tpu.memory_space<vmem>>
      %dma_wait3A_425 = arith.constant 0 : i32
      %dma_wait3A_426 = arith.constant 0 : i32
      %dma_wait3A_427 = tpu.memref_slice %arg6[%dma_wait3A_425, %dma_wait3A_426] : memref<10000x128xf32, #tpu.memory_space<hbm>> -> memref<10000x128xf32, #tpu.memory_space<hbm>>
      tpu.wait_indirect_dma semaphore(%arg26 : memref<!tpu.dma_semaphore, #tpu.memory_space<semaphore_mem>>) src(%dma_wait3A_427 : memref<10000x128xf32, #tpu.memory_space<hbm>>) dst(%arg19 : memref<40x128xf32, #tpu.memory_space<vmem>>)
      %ge3A_428 = arith.constant 2 : i32
      %ge3A_429 = arith.cmpi sge, %add3A_409, %ge3A_428 : i32
      %convert_element_type3A_430 = arith.extui %ge3A_429 : i1 to i32
      %cond3A_431 = arith.constant 0 : i32
      %cond3A_432 = arith.cmpi ne, %convert_element_type3A_430, %cond3A_431 : i32
      scf.if %cond3A_432 {
        %sub3A = arith.constant 2 : i32
        %sub3A_458 = arith.subi %add3A_409, %sub3A : i32
        %dma_wait3A_459 = arith.constant 0 : i32
        %dma_wait3A_460 = tpu.memref_slice %arg13[%sub3A_458, %dma_wait3A_459] : memref<125x40xi32, #tpu.memory_space<vmem>> -> memref<1x40xi32, #tpu.memory_space<vmem>>
        %dma_wait3A_461 = tpu.memref_squeeze %dma_wait3A_460 : memref<1x40xi32, #tpu.memory_space<vmem>> -> memref<40xi32, #tpu.memory_space<vmem>>
        %dma_wait3A_462 = arith.constant 0 : i32
        %dma_wait3A_463 = arith.constant 0 : i32
        %dma_wait3A_464 = tpu.memref_slice %arg11[%dma_wait3A_462, %dma_wait3A_463] : memref<10000x16xf32, #tpu.memory_space<vmem_shared>> -> memref<10000x16xf32, #tpu.memory_space<vmem_shared>>
        tpu.wait_indirect_dma semaphore(%arg28 : memref<!tpu.dma_semaphore, #tpu.memory_space<semaphore_mem>>) src(%arg21 : memref<40x16xf32, #tpu.memory_space<vmem>>) dst(%dma_wait3A_464 : memref<10000x16xf32, #tpu.memory_space<vmem_shared>>)
        %dma_wait3A_465 = arith.constant 0 : i32
        %dma_wait3A_466 = tpu.memref_slice %arg13[%sub3A_458, %dma_wait3A_465] : memref<125x40xi32, #tpu.memory_space<vmem>> -> memref<1x40xi32, #tpu.memory_space<vmem>>
        %dma_wait3A_467 = tpu.memref_squeeze %dma_wait3A_466 : memref<1x40xi32, #tpu.memory_space<vmem>> -> memref<40xi32, #tpu.memory_space<vmem>>
        %dma_wait3A_468 = arith.constant 0 : i32
        %dma_wait3A_469 = arith.constant 0 : i32
        %dma_wait3A_470 = tpu.memref_slice %arg10[%dma_wait3A_468, %dma_wait3A_469] : memref<10000x128xf32, #tpu.memory_space<vmem_shared>> -> memref<10000x128xf32, #tpu.memory_space<vmem_shared>>
        tpu.wait_indirect_dma semaphore(%arg28 : memref<!tpu.dma_semaphore, #tpu.memory_space<semaphore_mem>>) src(%arg23 : memref<40x128xf32, #tpu.memory_space<vmem>>) dst(%dma_wait3A_470 : memref<10000x128xf32, #tpu.memory_space<vmem_shared>>)
      } else {
      }
      %scan3A_433 = arith.constant 0 : i32
      %scan3A_434 = arith.constant 0 : i32
      %scan3A_435 = arith.constant 20 : i32
      %scan3A_436 = arith.addi %scan3A_434, %scan3A_435 : i32
      %scan3A_437 = arith.constant 1 : i32
      %scan3A_438 = scf.for %scan3A_458 = %scan3A_434 to %scan3A_436 step %scan3A_437 iter_args(%scan3A_459 = %scan3A_433) -> (i32)  : i32 {
        %mul3A_460 = arith.constant 2 : i32
        %mul3A_461 = arith.muli %mul3A_460, %scan3A_458 : i32
        %add3A_462 = arith.constant 0 : i32
        %add3A_463 = arith.addi %mul3A_461, %add3A_462 : i32
        %get3A_464 = arith.index_cast %add3A_463 : i32 to index
        %get3A_465 = arith.constant 0 : index
        %get3A_466 = tpu.vector_load %arg15[%get3A_464, %get3A_465] {strides = array<i32>} : memref<40x16xf32, #tpu.memory_space<vmem>>, vector<1x16xf32>,
        %get3A_467 = vector.shape_cast %get3A_466 : vector<1x16xf32> to vector<16xf32>
        %add3A_468 = arith.constant 0 : i32
        %add3A_469 = arith.addi %mul3A_461, %add3A_468 : i32
        %get3A_470 = arith.index_cast %add3A_469 : i32 to index
        %get3A_471 = arith.constant 0 : index
        %get3A_472 = tpu.vector_load %arg17[%get3A_470, %get3A_471] {strides = array<i32>} : memref<40x16xf32, #tpu.memory_space<vmem>>, vector<1x16xf32>,
        %get3A_473 = vector.shape_cast %get3A_472 : vector<1x16xf32> to vector<16xf32>
        %add3A_474 = arith.addf %get3A_467, %get3A_473 : vector<16xf32>
        %add3A_475 = arith.constant 1 : i32
        %add3A_476 = arith.addi %mul3A_461, %add3A_475 : i32
        %get3A_477 = arith.index_cast %add3A_476 : i32 to index
        %get3A_478 = arith.constant 0 : index
        %get3A_479 = tpu.vector_load %arg15[%get3A_477, %get3A_478] {strides = array<i32>} : memref<40x16xf32, #tpu.memory_space<vmem>>, vector<1x16xf32>,
        %get3A_480 = vector.shape_cast %get3A_479 : vector<1x16xf32> to vector<16xf32>
        %add3A_481 = arith.constant 1 : i32
        %add3A_482 = arith.addi %mul3A_461, %add3A_481 : i32
        %get3A_483 = arith.index_cast %add3A_482 : i32 to index
        %get3A_484 = arith.constant 0 : index
        %get3A_485 = tpu.vector_load %arg17[%get3A_483, %get3A_484] {strides = array<i32>} : memref<40x16xf32, #tpu.memory_space<vmem>>, vector<1x16xf32>,
        %get3A_486 = vector.shape_cast %get3A_485 : vector<1x16xf32> to vector<16xf32>
        %add3A_487 = arith.addf %get3A_480, %get3A_486 : vector<16xf32>
        %add3A_488 = arith.constant 0 : i32
        %add3A_489 = arith.addi %mul3A_461, %add3A_488 : i32
        %get3A_490 = arith.index_cast %add3A_489 : i32 to index
        %get3A_491 = arith.constant 0 : index
        %get3A_492 = tpu.vector_load %arg19[%get3A_490, %get3A_491] {strides = array<i32>} : memref<40x128xf32, #tpu.memory_space<vmem>>, vector<1x16xf32>,
        %get3A_493 = vector.shape_cast %get3A_492 : vector<1x16xf32> to vector<16xf32>
        %add3A_494 = arith.constant 0 : i32
        %add3A_495 = arith.addi %mul3A_461, %add3A_494 : i32
        %get3A_496 = arith.index_cast %add3A_495 : i32 to index
        %get3A_497 = arith.constant 16 : index
        %get3A_498 = tpu.vector_load %arg19[%get3A_496, %get3A_497] {strides = array<i32>} : memref<40x128xf32, #tpu.memory_space<vmem>>, vector<1x16xf32>,
        %get3A_499 = vector.shape_cast %get3A_498 : vector<1x16xf32> to vector<16xf32>
        %add3A_500 = arith.constant 0 : i32
        %add3A_501 = arith.addi %mul3A_461, %add3A_500 : i32
        %get3A_502 = arith.index_cast %add3A_501 : i32 to index
        %get3A_503 = arith.constant 32 : index
        %get3A_504 = tpu.vector_load %arg19[%get3A_502, %get3A_503] {strides = array<i32>} : memref<40x128xf32, #tpu.memory_space<vmem>>, vector<1x16xf32>,
        %get3A_505 = vector.shape_cast %get3A_504 : vector<1x16xf32> to vector<16xf32>
        %add3A_506 = arith.constant 0 : i32
        %add3A_507 = arith.addi %mul3A_461, %add3A_506 : i32
        %get3A_508 = arith.index_cast %add3A_507 : i32 to index
        %get3A_509 = arith.constant 48 : index
        %get3A_510 = tpu.vector_load %arg19[%get3A_508, %get3A_509] {strides = array<i32>} : memref<40x128xf32, #tpu.memory_space<vmem>>, vector<1x16xf32>,
        %get3A_511 = vector.shape_cast %get3A_510 : vector<1x16xf32> to vector<16xf32>
        %add3A_512 = arith.constant 0 : i32
        %add3A_513 = arith.addi %mul3A_461, %add3A_512 : i32
        %get3A_514 = arith.index_cast %add3A_513 : i32 to index
        %get3A_515 = arith.constant 64 : index
        %get3A_516 = tpu.vector_load %arg19[%get3A_514, %get3A_515] {strides = array<i32>} : memref<40x128xf32, #tpu.memory_space<vmem>>, vector<1x16xf32>,
        %get3A_517 = vector.shape_cast %get3A_516 : vector<1x16xf32> to vector<16xf32>
        %add3A_518 = arith.constant 0 : i32
        %add3A_519 = arith.addi %mul3A_461, %add3A_518 : i32
        %get3A_520 = arith.index_cast %add3A_519 : i32 to index
        %get3A_521 = arith.constant 80 : index
        %get3A_522 = tpu.vector_load %arg19[%get3A_520, %get3A_521] {strides = array<i32>} : memref<40x128xf32, #tpu.memory_space<vmem>>, vector<1x16xf32>,
        %get3A_523 = vector.shape_cast %get3A_522 : vector<1x16xf32> to vector<16xf32>
        %add3A_524 = arith.constant 0 : i32
        %add3A_525 = arith.addi %mul3A_461, %add3A_524 : i32
        %get3A_526 = arith.index_cast %add3A_525 : i32 to index
        %get3A_527 = arith.constant 96 : index
        %get3A_528 = tpu.vector_load %arg19[%get3A_526, %get3A_527] {strides = array<i32>} : memref<40x128xf32, #tpu.memory_space<vmem>>, vector<1x16xf32>,
        %get3A_529 = vector.shape_cast %get3A_528 : vector<1x16xf32> to vector<16xf32>
        %add3A_530 = arith.constant 0 : i32
        %add3A_531 = arith.addi %mul3A_461, %add3A_530 : i32
        %get3A_532 = arith.index_cast %add3A_531 : i32 to index
        %get3A_533 = arith.constant 112 : index
        %get3A_534 = tpu.vector_load %arg19[%get3A_532, %get3A_533] {strides = array<i32>} : memref<40x128xf32, #tpu.memory_space<vmem>>, vector<1x16xf32>,
        %get3A_535 = vector.shape_cast %get3A_534 : vector<1x16xf32> to vector<16xf32>
        %add3A_536 = arith.constant 1 : i32
        %add3A_537 = arith.addi %mul3A_461, %add3A_536 : i32
        %get3A_538 = arith.index_cast %add3A_537 : i32 to index
        %get3A_539 = arith.constant 0 : index
        %get3A_540 = tpu.vector_load %arg19[%get3A_538, %get3A_539] {strides = array<i32>} : memref<40x128xf32, #tpu.memory_space<vmem>>, vector<1x16xf32>,
        %get3A_541 = vector.shape_cast %get3A_540 : vector<1x16xf32> to vector<16xf32>
        %add3A_542 = arith.constant 1 : i32
        %add3A_543 = arith.addi %mul3A_461, %add3A_542 : i32
        %get3A_544 = arith.index_cast %add3A_543 : i32 to index
        %get3A_545 = arith.constant 16 : index
        %get3A_546 = tpu.vector_load %arg19[%get3A_544, %get3A_545] {strides = array<i32>} : memref<40x128xf32, #tpu.memory_space<vmem>>, vector<1x16xf32>,
        %get3A_547 = vector.shape_cast %get3A_546 : vector<1x16xf32> to vector<16xf32>
        %add3A_548 = arith.constant 1 : i32
        %add3A_549 = arith.addi %mul3A_461, %add3A_548 : i32
        %get3A_550 = arith.index_cast %add3A_549 : i32 to index
        %get3A_551 = arith.constant 32 : index
        %get3A_552 = tpu.vector_load %arg19[%get3A_550, %get3A_551] {strides = array<i32>} : memref<40x128xf32, #tpu.memory_space<vmem>>, vector<1x16xf32>,
        %get3A_553 = vector.shape_cast %get3A_552 : vector<1x16xf32> to vector<16xf32>
        %add3A_554 = arith.constant 1 : i32
        %add3A_555 = arith.addi %mul3A_461, %add3A_554 : i32
        %get3A_556 = arith.index_cast %add3A_555 : i32 to index
        %get3A_557 = arith.constant 48 : index
        %get3A_558 = tpu.vector_load %arg19[%get3A_556, %get3A_557] {strides = array<i32>} : memref<40x128xf32, #tpu.memory_space<vmem>>, vector<1x16xf32>,
        %get3A_559 = vector.shape_cast %get3A_558 : vector<1x16xf32> to vector<16xf32>
        %add3A_560 = arith.constant 1 : i32
        %add3A_561 = arith.addi %mul3A_461, %add3A_560 : i32
        %get3A_562 = arith.index_cast %add3A_561 : i32 to index
        %get3A_563 = arith.constant 64 : index
        %get3A_564 = tpu.vector_load %arg19[%get3A_562, %get3A_563] {strides = array<i32>} : memref<40x128xf32, #tpu.memory_space<vmem>>, vector<1x16xf32>,
        %get3A_565 = vector.shape_cast %get3A_564 : vector<1x16xf32> to vector<16xf32>
        %add3A_566 = arith.constant 1 : i32
        %add3A_567 = arith.addi %mul3A_461, %add3A_566 : i32
        %get3A_568 = arith.index_cast %add3A_567 : i32 to index
        %get3A_569 = arith.constant 80 : index
        %get3A_570 = tpu.vector_load %arg19[%get3A_568, %get3A_569] {strides = array<i32>} : memref<40x128xf32, #tpu.memory_space<vmem>>, vector<1x16xf32>,
        %get3A_571 = vector.shape_cast %get3A_570 : vector<1x16xf32> to vector<16xf32>
        %add3A_572 = arith.constant 1 : i32
        %add3A_573 = arith.addi %mul3A_461, %add3A_572 : i32
        %get3A_574 = arith.index_cast %add3A_573 : i32 to index
        %get3A_575 = arith.constant 96 : index
        %get3A_576 = tpu.vector_load %arg19[%get3A_574, %get3A_575] {strides = array<i32>} : memref<40x128xf32, #tpu.memory_space<vmem>>, vector<1x16xf32>,
        %get3A_577 = vector.shape_cast %get3A_576 : vector<1x16xf32> to vector<16xf32>
        %add3A_578 = arith.constant 1 : i32
        %add3A_579 = arith.addi %mul3A_461, %add3A_578 : i32
        %get3A_580 = arith.index_cast %add3A_579 : i32 to index
        %get3A_581 = arith.constant 112 : index
        %get3A_582 = tpu.vector_load %arg19[%get3A_580, %get3A_581] {strides = array<i32>} : memref<40x128xf32, #tpu.memory_space<vmem>>, vector<1x16xf32>,
        %get3A_583 = vector.shape_cast %get3A_582 : vector<1x16xf32> to vector<16xf32>
        %mul3A_584 = arith.constant 2.000000e-01 : f32
        %mul3A_585 = vector.broadcast %mul3A_584 : f32 to vector<16xf32>
        %mul3A_586 = arith.mulf %mul3A_585, %add3A_474 : vector<16xf32>
        %max3A = arith.maximumf %add3A_474, %mul3A_586 : vector<16xf32>
        %sub3A = arith.subf %max3A, %get3A_84 : vector<16xf32>
        %exp3A = math.exp %sub3A : vector<16xf32>
        %mul3A_587 = arith.constant 2.000000e-01 : f32
        %mul3A_588 = vector.broadcast %mul3A_587 : f32 to vector<16xf32>
        %mul3A_589 = arith.mulf %mul3A_588, %add3A_487 : vector<16xf32>
        %max3A_590 = arith.maximumf %add3A_487, %mul3A_589 : vector<16xf32>
        %sub3A_591 = arith.subf %max3A_590, %get3A_84 : vector<16xf32>
        %exp3A_592 = math.exp %sub3A_591 : vector<16xf32>
        %add3A_593 = arith.constant 0 : i32
        %add3A_594 = arith.addi %mul3A_461, %add3A_593 : i32
        %swap3A = arith.index_cast %add3A_594 : i32 to index
        %swap3A_595 = arith.constant 0 : index
        %swap3A_596 = tpu.vector_load %arg21[%swap3A, %swap3A_595] {strides = array<i32>} : memref<40x16xf32, #tpu.memory_space<vmem>>, vector<1x16xf32>,
        %swap3A_597 = vector.shape_cast %swap3A_596 : vector<1x16xf32> to vector<16xf32>
        %swap3A_598 = vector.shape_cast %exp3A : vector<16xf32> to vector<1x16xf32>
        tpu.vector_store %arg21[%swap3A, %swap3A_595], %swap3A_598 {strides = array<i32>} : memref<40x16xf32, #tpu.memory_space<vmem>>, vector<1x16xf32>,
        %add3A_599 = arith.constant 1 : i32
        %add3A_600 = arith.addi %mul3A_461, %add3A_599 : i32
        %swap3A_601 = arith.index_cast %add3A_600 : i32 to index
        %swap3A_602 = arith.constant 0 : index
        %swap3A_603 = tpu.vector_load %arg21[%swap3A_601, %swap3A_602] {strides = array<i32>} : memref<40x16xf32, #tpu.memory_space<vmem>>, vector<1x16xf32>,
        %swap3A_604 = vector.shape_cast %swap3A_603 : vector<1x16xf32> to vector<16xf32>
        %swap3A_605 = vector.shape_cast %exp3A_592 : vector<16xf32> to vector<1x16xf32>
        tpu.vector_store %arg21[%swap3A_601, %swap3A_602], %swap3A_605 {strides = array<i32>} : memref<40x16xf32, #tpu.memory_space<vmem>>, vector<1x16xf32>,
        %slice3A = vector.extract_strided_slice %exp3A {offsets = [0], sizes = [1], strides = [1]} : vector<16xf32> to vector<1xf32>
        %squeeze3A = vector.extract %slice3A[0] : f32 from vector<1xf32>
        %mul3A_606 = vector.broadcast %squeeze3A : f32 to vector<16xf32>
        %mul3A_607 = arith.mulf %get3A_493, %mul3A_606 : vector<16xf32>
        %add3A_608 = arith.constant 0 : i32
        %add3A_609 = arith.addi %mul3A_461, %add3A_608 : i32
        %swap3A_610 = arith.index_cast %add3A_609 : i32 to index
        %swap3A_611 = arith.constant 0 : index
        %swap3A_612 = tpu.vector_load %arg23[%swap3A_610, %swap3A_611] {strides = array<i32>} : memref<40x128xf32, #tpu.memory_space<vmem>>, vector<1x16xf32>,
        %swap3A_613 = vector.shape_cast %swap3A_612 : vector<1x16xf32> to vector<16xf32>
        %swap3A_614 = vector.shape_cast %mul3A_607 : vector<16xf32> to vector<1x16xf32>
        tpu.vector_store %arg23[%swap3A_610, %swap3A_611], %swap3A_614 {strides = array<i32>} : memref<40x128xf32, #tpu.memory_space<vmem>>, vector<1x16xf32>,
        %slice3A_615 = vector.extract_strided_slice %exp3A {offsets = [1], sizes = [1], strides = [1]} : vector<16xf32> to vector<1xf32>
        %squeeze3A_616 = vector.extract %slice3A_615[0] : f32 from vector<1xf32>
        %mul3A_617 = vector.broadcast %squeeze3A_616 : f32 to vector<16xf32>
        %mul3A_618 = arith.mulf %get3A_499, %mul3A_617 : vector<16xf32>
        %add3A_619 = arith.constant 0 : i32
        %add3A_620 = arith.addi %mul3A_461, %add3A_619 : i32
        %swap3A_621 = arith.index_cast %add3A_620 : i32 to index
        %swap3A_622 = arith.constant 16 : index
        %swap3A_623 = tpu.vector_load %arg23[%swap3A_621, %swap3A_622] {strides = array<i32>} : memref<40x128xf32, #tpu.memory_space<vmem>>, vector<1x16xf32>,
        %swap3A_624 = vector.shape_cast %swap3A_623 : vector<1x16xf32> to vector<16xf32>
        %swap3A_625 = vector.shape_cast %mul3A_618 : vector<16xf32> to vector<1x16xf32>
        tpu.vector_store %arg23[%swap3A_621, %swap3A_622], %swap3A_625 {strides = array<i32>} : memref<40x128xf32, #tpu.memory_space<vmem>>, vector<1x16xf32>,
        %slice3A_626 = vector.extract_strided_slice %exp3A {offsets = [2], sizes = [1], strides = [1]} : vector<16xf32> to vector<1xf32>
        %squeeze3A_627 = vector.extract %slice3A_626[0] : f32 from vector<1xf32>
        %mul3A_628 = vector.broadcast %squeeze3A_627 : f32 to vector<16xf32>
        %mul3A_629 = arith.mulf %get3A_505, %mul3A_628 : vector<16xf32>
        %add3A_630 = arith.constant 0 : i32
        %add3A_631 = arith.addi %mul3A_461, %add3A_630 : i32
        %swap3A_632 = arith.index_cast %add3A_631 : i32 to index
        %swap3A_633 = arith.constant 32 : index
        %swap3A_634 = tpu.vector_load %arg23[%swap3A_632, %swap3A_633] {strides = array<i32>} : memref<40x128xf32, #tpu.memory_space<vmem>>, vector<1x16xf32>,
        %swap3A_635 = vector.shape_cast %swap3A_634 : vector<1x16xf32> to vector<16xf32>
        %swap3A_636 = vector.shape_cast %mul3A_629 : vector<16xf32> to vector<1x16xf32>
        tpu.vector_store %arg23[%swap3A_632, %swap3A_633], %swap3A_636 {strides = array<i32>} : memref<40x128xf32, #tpu.memory_space<vmem>>, vector<1x16xf32>,
        %slice3A_637 = vector.extract_strided_slice %exp3A {offsets = [3], sizes = [1], strides = [1]} : vector<16xf32> to vector<1xf32>
        %squeeze3A_638 = vector.extract %slice3A_637[0] : f32 from vector<1xf32>
        %mul3A_639 = vector.broadcast %squeeze3A_638 : f32 to vector<16xf32>
        %mul3A_640 = arith.mulf %get3A_511, %mul3A_639 : vector<16xf32>
        %add3A_641 = arith.constant 0 : i32
        %add3A_642 = arith.addi %mul3A_461, %add3A_641 : i32
        %swap3A_643 = arith.index_cast %add3A_642 : i32 to index
        %swap3A_644 = arith.constant 48 : index
        %swap3A_645 = tpu.vector_load %arg23[%swap3A_643, %swap3A_644] {strides = array<i32>} : memref<40x128xf32, #tpu.memory_space<vmem>>, vector<1x16xf32>,
        %swap3A_646 = vector.shape_cast %swap3A_645 : vector<1x16xf32> to vector<16xf32>
        %swap3A_647 = vector.shape_cast %mul3A_640 : vector<16xf32> to vector<1x16xf32>
        tpu.vector_store %arg23[%swap3A_643, %swap3A_644], %swap3A_647 {strides = array<i32>} : memref<40x128xf32, #tpu.memory_space<vmem>>, vector<1x16xf32>,
        %slice3A_648 = vector.extract_strided_slice %exp3A {offsets = [4], sizes = [1], strides = [1]} : vector<16xf32> to vector<1xf32>
        %squeeze3A_649 = vector.extract %slice3A_648[0] : f32 from vector<1xf32>
        %mul3A_650 = vector.broadcast %squeeze3A_649 : f32 to vector<16xf32>
        %mul3A_651 = arith.mulf %get3A_517, %mul3A_650 : vector<16xf32>
        %add3A_652 = arith.constant 0 : i32
        %add3A_653 = arith.addi %mul3A_461, %add3A_652 : i32
        %swap3A_654 = arith.index_cast %add3A_653 : i32 to index
        %swap3A_655 = arith.constant 64 : index
        %swap3A_656 = tpu.vector_load %arg23[%swap3A_654, %swap3A_655] {strides = array<i32>} : memref<40x128xf32, #tpu.memory_space<vmem>>, vector<1x16xf32>,
        %swap3A_657 = vector.shape_cast %swap3A_656 : vector<1x16xf32> to vector<16xf32>
        %swap3A_658 = vector.shape_cast %mul3A_651 : vector<16xf32> to vector<1x16xf32>
        tpu.vector_store %arg23[%swap3A_654, %swap3A_655], %swap3A_658 {strides = array<i32>} : memref<40x128xf32, #tpu.memory_space<vmem>>, vector<1x16xf32>,
        %slice3A_659 = vector.extract_strided_slice %exp3A {offsets = [5], sizes = [1], strides = [1]} : vector<16xf32> to vector<1xf32>
        %squeeze3A_660 = vector.extract %slice3A_659[0] : f32 from vector<1xf32>
        %mul3A_661 = vector.broadcast %squeeze3A_660 : f32 to vector<16xf32>
        %mul3A_662 = arith.mulf %get3A_523, %mul3A_661 : vector<16xf32>
        %add3A_663 = arith.constant 0 : i32
        %add3A_664 = arith.addi %mul3A_461, %add3A_663 : i32
        %swap3A_665 = arith.index_cast %add3A_664 : i32 to index
        %swap3A_666 = arith.constant 80 : index
        %swap3A_667 = tpu.vector_load %arg23[%swap3A_665, %swap3A_666] {strides = array<i32>} : memref<40x128xf32, #tpu.memory_space<vmem>>, vector<1x16xf32>,
        %swap3A_668 = vector.shape_cast %swap3A_667 : vector<1x16xf32> to vector<16xf32>
        %swap3A_669 = vector.shape_cast %mul3A_662 : vector<16xf32> to vector<1x16xf32>
        tpu.vector_store %arg23[%swap3A_665, %swap3A_666], %swap3A_669 {strides = array<i32>} : memref<40x128xf32, #tpu.memory_space<vmem>>, vector<1x16xf32>,
        %slice3A_670 = vector.extract_strided_slice %exp3A {offsets = [6], sizes = [1], strides = [1]} : vector<16xf32> to vector<1xf32>
        %squeeze3A_671 = vector.extract %slice3A_670[0] : f32 from vector<1xf32>
        %mul3A_672 = vector.broadcast %squeeze3A_671 : f32 to vector<16xf32>
        %mul3A_673 = arith.mulf %get3A_529, %mul3A_672 : vector<16xf32>
        %add3A_674 = arith.constant 0 : i32
        %add3A_675 = arith.addi %mul3A_461, %add3A_674 : i32
        %swap3A_676 = arith.index_cast %add3A_675 : i32 to index
        %swap3A_677 = arith.constant 96 : index
        %swap3A_678 = tpu.vector_load %arg23[%swap3A_676, %swap3A_677] {strides = array<i32>} : memref<40x128xf32, #tpu.memory_space<vmem>>, vector<1x16xf32>,
        %swap3A_679 = vector.shape_cast %swap3A_678 : vector<1x16xf32> to vector<16xf32>
        %swap3A_680 = vector.shape_cast %mul3A_673 : vector<16xf32> to vector<1x16xf32>
        tpu.vector_store %arg23[%swap3A_676, %swap3A_677], %swap3A_680 {strides = array<i32>} : memref<40x128xf32, #tpu.memory_space<vmem>>, vector<1x16xf32>,
        %slice3A_681 = vector.extract_strided_slice %exp3A {offsets = [7], sizes = [1], strides = [1]} : vector<16xf32> to vector<1xf32>
        %squeeze3A_682 = vector.extract %slice3A_681[0] : f32 from vector<1xf32>
        %mul3A_683 = vector.broadcast %squeeze3A_682 : f32 to vector<16xf32>
        %mul3A_684 = arith.mulf %get3A_535, %mul3A_683 : vector<16xf32>
        %add3A_685 = arith.constant 0 : i32
        %add3A_686 = arith.addi %mul3A_461, %add3A_685 : i32
        %swap3A_687 = arith.index_cast %add3A_686 : i32 to index
        %swap3A_688 = arith.constant 112 : index
        %swap3A_689 = tpu.vector_load %arg23[%swap3A_687, %swap3A_688] {strides = array<i32>} : memref<40x128xf32, #tpu.memory_space<vmem>>, vector<1x16xf32>,
        %swap3A_690 = vector.shape_cast %swap3A_689 : vector<1x16xf32> to vector<16xf32>
        %swap3A_691 = vector.shape_cast %mul3A_684 : vector<16xf32> to vector<1x16xf32>
        tpu.vector_store %arg23[%swap3A_687, %swap3A_688], %swap3A_691 {strides = array<i32>} : memref<40x128xf32, #tpu.memory_space<vmem>>, vector<1x16xf32>,
        %slice3A_692 = vector.extract_strided_slice %exp3A_592 {offsets = [0], sizes = [1], strides = [1]} : vector<16xf32> to vector<1xf32>
        %squeeze3A_693 = vector.extract %slice3A_692[0] : f32 from vector<1xf32>
        %mul3A_694 = vector.broadcast %squeeze3A_693 : f32 to vector<16xf32>
        %mul3A_695 = arith.mulf %get3A_541, %mul3A_694 : vector<16xf32>
        %add3A_696 = arith.constant 1 : i32
        %add3A_697 = arith.addi %mul3A_461, %add3A_696 : i32
        %swap3A_698 = arith.index_cast %add3A_697 : i32 to index
        %swap3A_699 = arith.constant 0 : index
        %swap3A_700 = tpu.vector_load %arg23[%swap3A_698, %swap3A_699] {strides = array<i32>} : memref<40x128xf32, #tpu.memory_space<vmem>>, vector<1x16xf32>,
        %swap3A_701 = vector.shape_cast %swap3A_700 : vector<1x16xf32> to vector<16xf32>
        %swap3A_702 = vector.shape_cast %mul3A_695 : vector<16xf32> to vector<1x16xf32>
        tpu.vector_store %arg23[%swap3A_698, %swap3A_699], %swap3A_702 {strides = array<i32>} : memref<40x128xf32, #tpu.memory_space<vmem>>, vector<1x16xf32>,
        %slice3A_703 = vector.extract_strided_slice %exp3A_592 {offsets = [1], sizes = [1], strides = [1]} : vector<16xf32> to vector<1xf32>
        %squeeze3A_704 = vector.extract %slice3A_703[0] : f32 from vector<1xf32>
        %mul3A_705 = vector.broadcast %squeeze3A_704 : f32 to vector<16xf32>
        %mul3A_706 = arith.mulf %get3A_547, %mul3A_705 : vector<16xf32>
        %add3A_707 = arith.constant 1 : i32
        %add3A_708 = arith.addi %mul3A_461, %add3A_707 : i32
        %swap3A_709 = arith.index_cast %add3A_708 : i32 to index
        %swap3A_710 = arith.constant 16 : index
        %swap3A_711 = tpu.vector_load %arg23[%swap3A_709, %swap3A_710] {strides = array<i32>} : memref<40x128xf32, #tpu.memory_space<vmem>>, vector<1x16xf32>,
        %swap3A_712 = vector.shape_cast %swap3A_711 : vector<1x16xf32> to vector<16xf32>
        %swap3A_713 = vector.shape_cast %mul3A_706 : vector<16xf32> to vector<1x16xf32>
        tpu.vector_store %arg23[%swap3A_709, %swap3A_710], %swap3A_713 {strides = array<i32>} : memref<40x128xf32, #tpu.memory_space<vmem>>, vector<1x16xf32>,
        %slice3A_714 = vector.extract_strided_slice %exp3A_592 {offsets = [2], sizes = [1], strides = [1]} : vector<16xf32> to vector<1xf32>
        %squeeze3A_715 = vector.extract %slice3A_714[0] : f32 from vector<1xf32>
        %mul3A_716 = vector.broadcast %squeeze3A_715 : f32 to vector<16xf32>
        %mul3A_717 = arith.mulf %get3A_553, %mul3A_716 : vector<16xf32>
        %add3A_718 = arith.constant 1 : i32
        %add3A_719 = arith.addi %mul3A_461, %add3A_718 : i32
        %swap3A_720 = arith.index_cast %add3A_719 : i32 to index
        %swap3A_721 = arith.constant 32 : index
        %swap3A_722 = tpu.vector_load %arg23[%swap3A_720, %swap3A_721] {strides = array<i32>} : memref<40x128xf32, #tpu.memory_space<vmem>>, vector<1x16xf32>,
        %swap3A_723 = vector.shape_cast %swap3A_722 : vector<1x16xf32> to vector<16xf32>
        %swap3A_724 = vector.shape_cast %mul3A_717 : vector<16xf32> to vector<1x16xf32>
        tpu.vector_store %arg23[%swap3A_720, %swap3A_721], %swap3A_724 {strides = array<i32>} : memref<40x128xf32, #tpu.memory_space<vmem>>, vector<1x16xf32>,
        %slice3A_725 = vector.extract_strided_slice %exp3A_592 {offsets = [3], sizes = [1], strides = [1]} : vector<16xf32> to vector<1xf32>
        %squeeze3A_726 = vector.extract %slice3A_725[0] : f32 from vector<1xf32>
        %mul3A_727 = vector.broadcast %squeeze3A_726 : f32 to vector<16xf32>
        %mul3A_728 = arith.mulf %get3A_559, %mul3A_727 : vector<16xf32>
        %add3A_729 = arith.constant 1 : i32
        %add3A_730 = arith.addi %mul3A_461, %add3A_729 : i32
        %swap3A_731 = arith.index_cast %add3A_730 : i32 to index
        %swap3A_732 = arith.constant 48 : index
        %swap3A_733 = tpu.vector_load %arg23[%swap3A_731, %swap3A_732] {strides = array<i32>} : memref<40x128xf32, #tpu.memory_space<vmem>>, vector<1x16xf32>,
        %swap3A_734 = vector.shape_cast %swap3A_733 : vector<1x16xf32> to vector<16xf32>
        %swap3A_735 = vector.shape_cast %mul3A_728 : vector<16xf32> to vector<1x16xf32>
        tpu.vector_store %arg23[%swap3A_731, %swap3A_732], %swap3A_735 {strides = array<i32>} : memref<40x128xf32, #tpu.memory_space<vmem>>, vector<1x16xf32>,
        %slice3A_736 = vector.extract_strided_slice %exp3A_592 {offsets = [4], sizes = [1], strides = [1]} : vector<16xf32> to vector<1xf32>
        %squeeze3A_737 = vector.extract %slice3A_736[0] : f32 from vector<1xf32>
        %mul3A_738 = vector.broadcast %squeeze3A_737 : f32 to vector<16xf32>
        %mul3A_739 = arith.mulf %get3A_565, %mul3A_738 : vector<16xf32>
        %add3A_740 = arith.constant 1 : i32
        %add3A_741 = arith.addi %mul3A_461, %add3A_740 : i32
        %swap3A_742 = arith.index_cast %add3A_741 : i32 to index
        %swap3A_743 = arith.constant 64 : index
        %swap3A_744 = tpu.vector_load %arg23[%swap3A_742, %swap3A_743] {strides = array<i32>} : memref<40x128xf32, #tpu.memory_space<vmem>>, vector<1x16xf32>,
        %swap3A_745 = vector.shape_cast %swap3A_744 : vector<1x16xf32> to vector<16xf32>
        %swap3A_746 = vector.shape_cast %mul3A_739 : vector<16xf32> to vector<1x16xf32>
        tpu.vector_store %arg23[%swap3A_742, %swap3A_743], %swap3A_746 {strides = array<i32>} : memref<40x128xf32, #tpu.memory_space<vmem>>, vector<1x16xf32>,
        %slice3A_747 = vector.extract_strided_slice %exp3A_592 {offsets = [5], sizes = [1], strides = [1]} : vector<16xf32> to vector<1xf32>
        %squeeze3A_748 = vector.extract %slice3A_747[0] : f32 from vector<1xf32>
        %mul3A_749 = vector.broadcast %squeeze3A_748 : f32 to vector<16xf32>
        %mul3A_750 = arith.mulf %get3A_571, %mul3A_749 : vector<16xf32>
        %add3A_751 = arith.constant 1 : i32
        %add3A_752 = arith.addi %mul3A_461, %add3A_751 : i32
        %swap3A_753 = arith.index_cast %add3A_752 : i32 to index
        %swap3A_754 = arith.constant 80 : index
        %swap3A_755 = tpu.vector_load %arg23[%swap3A_753, %swap3A_754] {strides = array<i32>} : memref<40x128xf32, #tpu.memory_space<vmem>>, vector<1x16xf32>,
        %swap3A_756 = vector.shape_cast %swap3A_755 : vector<1x16xf32> to vector<16xf32>
        %swap3A_757 = vector.shape_cast %mul3A_750 : vector<16xf32> to vector<1x16xf32>
        tpu.vector_store %arg23[%swap3A_753, %swap3A_754], %swap3A_757 {strides = array<i32>} : memref<40x128xf32, #tpu.memory_space<vmem>>, vector<1x16xf32>,
        %slice3A_758 = vector.extract_strided_slice %exp3A_592 {offsets = [6], sizes = [1], strides = [1]} : vector<16xf32> to vector<1xf32>
        %squeeze3A_759 = vector.extract %slice3A_758[0] : f32 from vector<1xf32>
        %mul3A_760 = vector.broadcast %squeeze3A_759 : f32 to vector<16xf32>
        %mul3A_761 = arith.mulf %get3A_577, %mul3A_760 : vector<16xf32>
        %add3A_762 = arith.constant 1 : i32
        %add3A_763 = arith.addi %mul3A_461, %add3A_762 : i32
        %swap3A_764 = arith.index_cast %add3A_763 : i32 to index
        %swap3A_765 = arith.constant 96 : index
        %swap3A_766 = tpu.vector_load %arg23[%swap3A_764, %swap3A_765] {strides = array<i32>} : memref<40x128xf32, #tpu.memory_space<vmem>>, vector<1x16xf32>,
        %swap3A_767 = vector.shape_cast %swap3A_766 : vector<1x16xf32> to vector<16xf32>
        %swap3A_768 = vector.shape_cast %mul3A_761 : vector<16xf32> to vector<1x16xf32>
        tpu.vector_store %arg23[%swap3A_764, %swap3A_765], %swap3A_768 {strides = array<i32>} : memref<40x128xf32, #tpu.memory_space<vmem>>, vector<1x16xf32>,
        %slice3A_769 = vector.extract_strided_slice %exp3A_592 {offsets = [7], sizes = [1], strides = [1]} : vector<16xf32> to vector<1xf32>
        %squeeze3A_770 = vector.extract %slice3A_769[0] : f32 from vector<1xf32>
        %mul3A_771 = vector.broadcast %squeeze3A_770 : f32 to vector<16xf32>
        %mul3A_772 = arith.mulf %get3A_583, %mul3A_771 : vector<16xf32>
        %add3A_773 = arith.constant 1 : i32
        %add3A_774 = arith.addi %mul3A_461, %add3A_773 : i32
        %swap3A_775 = arith.index_cast %add3A_774 : i32 to index
        %swap3A_776 = arith.constant 112 : index
        %swap3A_777 = tpu.vector_load %arg23[%swap3A_775, %swap3A_776] {strides = array<i32>} : memref<40x128xf32, #tpu.memory_space<vmem>>, vector<1x16xf32>,
        %swap3A_778 = vector.shape_cast %swap3A_777 : vector<1x16xf32> to vector<16xf32>
        %swap3A_779 = vector.shape_cast %mul3A_772 : vector<16xf32> to vector<1x16xf32>
        tpu.vector_store %arg23[%swap3A_775, %swap3A_776], %swap3A_779 {strides = array<i32>} : memref<40x128xf32, #tpu.memory_space<vmem>>, vector<1x16xf32>,
        %scan3A_780 = arith.constant 0 : i32
        scf.yield %scan3A_780 : i32
      }
      %scan3A_439 = arith.constant 20 : i32
      %dma_start3A_440 = arith.constant 0 : i32
      %dma_start3A_441 = tpu.memref_slice %arg13[%add3A_409, %dma_start3A_440] : memref<125x40xi32, #tpu.memory_space<vmem>> -> memref<1x40xi32, #tpu.memory_space<vmem>>
      %dma_start3A_442 = tpu.memref_squeeze %dma_start3A_441 : memref<1x40xi32, #tpu.memory_space<vmem>> -> memref<40xi32, #tpu.memory_space<vmem>>
      %dma_start3A_443 = arith.constant 0 : i32
      %dma_start3A_444 = arith.constant 0 : i32
      %dma_start3A_445 = tpu.memref_slice %arg11[%dma_start3A_443, %dma_start3A_444] : memref<10000x16xf32, #tpu.memory_space<vmem_shared>> -> memref<10000x16xf32, #tpu.memory_space<vmem_shared>>
      tpu.enqueue_indirect_dma source(%arg21 : memref<40x16xf32, #tpu.memory_space<vmem>>) target(%dma_start3A_445 : memref<10000x16xf32, #tpu.memory_space<vmem_shared>>) offsets(%dma_start3A_442 : memref<40xi32, #tpu.memory_space<vmem>>) semaphore(%arg28 : memref<!tpu.dma_semaphore, #tpu.memory_space<semaphore_mem>>) {add = true}
      %dma_start3A_446 = arith.constant 0 : i32
      %dma_start3A_447 = tpu.memref_slice %arg13[%add3A_409, %dma_start3A_446] : memref<125x40xi32, #tpu.memory_space<vmem>> -> memref<1x40xi32, #tpu.memory_space<vmem>>
      %dma_start3A_448 = tpu.memref_squeeze %dma_start3A_447 : memref<1x40xi32, #tpu.memory_space<vmem>> -> memref<40xi32, #tpu.memory_space<vmem>>
      %dma_start3A_449 = arith.constant 0 : i32
      %dma_start3A_450 = arith.constant 0 : i32
      %dma_start3A_451 = tpu.memref_slice %arg10[%dma_start3A_449, %dma_start3A_450] : memref<10000x128xf32, #tpu.memory_space<vmem_shared>> -> memref<10000x128xf32, #tpu.memory_space<vmem_shared>>
      tpu.enqueue_indirect_dma source(%arg23 : memref<40x128xf32, #tpu.memory_space<vmem>>) target(%dma_start3A_451 : memref<10000x128xf32, #tpu.memory_space<vmem_shared>>) offsets(%dma_start3A_448 : memref<40xi32, #tpu.memory_space<vmem>>) semaphore(%arg28 : memref<!tpu.dma_semaphore, #tpu.memory_space<semaphore_mem>>) {add = true}
      %lt3A_452 = arith.constant 123 : i32
      %lt3A_453 = arith.cmpi slt, %add3A_409, %lt3A_452 : i32
      %convert_element_type3A_454 = arith.extui %lt3A_453 : i1 to i32
      %cond3A_455 = arith.constant 0 : i32
      %cond3A_456 = arith.cmpi ne, %convert_element_type3A_454, %cond3A_455 : i32
      scf.if %cond3A_456 {
        %add3A_458 = arith.constant 2 : i32
        %add3A_459 = arith.addi %add3A_409, %add3A_458 : i32
        %dma_start3A_460 = arith.constant 0 : i32
        %dma_start3A_461 = tpu.memref_slice %arg12[%add3A_459, %dma_start3A_460] : memref<125x40xi32, #tpu.memory_space<vmem>> -> memref<1x40xi32, #tpu.memory_space<vmem>>
        %dma_start3A_462 = tpu.memref_squeeze %dma_start3A_461 : memref<1x40xi32, #tpu.memory_space<vmem>> -> memref<40xi32, #tpu.memory_space<vmem>>
        %dma_start3A_463 = arith.constant 0 : i32
        %dma_start3A_464 = arith.constant 0 : i32
        %dma_start3A_465 = tpu.memref_slice %arg4[%dma_start3A_463, %dma_start3A_464] : memref<10000x16xf32, #tpu.memory_space<hbm>> -> memref<10000x16xf32, #tpu.memory_space<hbm>>
        tpu.enqueue_indirect_dma source(%dma_start3A_465 : memref<10000x16xf32, #tpu.memory_space<hbm>>) target(%arg15 : memref<40x16xf32, #tpu.memory_space<vmem>>) offsets(%dma_start3A_462 : memref<40xi32, #tpu.memory_space<vmem>>) semaphore(%arg26 : memref<!tpu.dma_semaphore, #tpu.memory_space<semaphore_mem>>)
        %dma_start3A_466 = arith.constant 0 : i32
        %dma_start3A_467 = tpu.memref_slice %arg13[%add3A_459, %dma_start3A_466] : memref<125x40xi32, #tpu.memory_space<vmem>> -> memref<1x40xi32, #tpu.memory_space<vmem>>
        %dma_start3A_468 = tpu.memref_squeeze %dma_start3A_467 : memref<1x40xi32, #tpu.memory_space<vmem>> -> memref<40xi32, #tpu.memory_space<vmem>>
        %dma_start3A_469 = arith.constant 0 : i32
        %dma_start3A_470 = arith.constant 0 : i32
        %dma_start3A_471 = tpu.memref_slice %arg5[%dma_start3A_469, %dma_start3A_470] : memref<10000x16xf32, #tpu.memory_space<hbm>> -> memref<10000x16xf32, #tpu.memory_space<hbm>>
        tpu.enqueue_indirect_dma source(%dma_start3A_471 : memref<10000x16xf32, #tpu.memory_space<hbm>>) target(%arg17 : memref<40x16xf32, #tpu.memory_space<vmem>>) offsets(%dma_start3A_468 : memref<40xi32, #tpu.memory_space<vmem>>) semaphore(%arg26 : memref<!tpu.dma_semaphore, #tpu.memory_space<semaphore_mem>>)
        %dma_start3A_472 = arith.constant 0 : i32
        %dma_start3A_473 = tpu.memref_slice %arg12[%add3A_459, %dma_start3A_472] : memref<125x40xi32, #tpu.memory_space<vmem>> -> memref<1x40xi32, #tpu.memory_space<vmem>>
        %dma_start3A_474 = tpu.memref_squeeze %dma_start3A_473 : memref<1x40xi32, #tpu.memory_space<vmem>> -> memref<40xi32, #tpu.memory_space<vmem>>
        %dma_start3A_475 = arith.constant 0 : i32
        %dma_start3A_476 = arith.constant 0 : i32
        %dma_start3A_477 = tpu.memref_slice %arg6[%dma_start3A_475, %dma_start3A_476] : memref<10000x128xf32, #tpu.memory_space<hbm>> -> memref<10000x128xf32, #tpu.memory_space<hbm>>
        tpu.enqueue_indirect_dma source(%dma_start3A_477 : memref<10000x128xf32, #tpu.memory_space<hbm>>) target(%arg19 : memref<40x128xf32, #tpu.memory_space<vmem>>) offsets(%dma_start3A_474 : memref<40xi32, #tpu.memory_space<vmem>>) semaphore(%arg26 : memref<!tpu.dma_semaphore, #tpu.memory_space<semaphore_mem>>)
      } else {
      }
      %scan3A_457 = arith.constant 0 : i32
      scf.yield %scan3A_457 : i32
    }
    %scan3A_132 = arith.constant 62 : i32
    %dma_wait3A = arith.constant 124 : i32
    %dma_wait3A_133 = arith.constant 0 : i32
    %dma_wait3A_134 = tpu.memref_slice %arg12[%dma_wait3A, %dma_wait3A_133] : memref<125x40xi32, #tpu.memory_space<vmem>> -> memref<1x40xi32, #tpu.memory_space<vmem>>
    %dma_wait3A_135 = tpu.memref_squeeze %dma_wait3A_134 : memref<1x40xi32, #tpu.memory_space<vmem>> -> memref<40xi32, #tpu.memory_space<vmem>>
    %dma_wait3A_136 = arith.constant 0 : i32
    %dma_wait3A_137 = arith.constant 0 : i32
    %dma_wait3A_138 = tpu.memref_slice %arg4[%dma_wait3A_136, %dma_wait3A_137] : memref<10000x16xf32, #tpu.memory_space<hbm>> -> memref<10000x16xf32, #tpu.memory_space<hbm>>
    tpu.wait_indirect_dma semaphore(%arg25 : memref<!tpu.dma_semaphore, #tpu.memory_space<semaphore_mem>>) src(%dma_wait3A_138 : memref<10000x16xf32, #tpu.memory_space<hbm>>) dst(%arg14 : memref<40x16xf32, #tpu.memory_space<vmem>>)
    %dma_wait3A_139 = arith.constant 124 : i32
    %dma_wait3A_140 = arith.constant 0 : i32
    %dma_wait3A_141 = tpu.memref_slice %arg13[%dma_wait3A_139, %dma_wait3A_140] : memref<125x40xi32, #tpu.memory_space<vmem>> -> memref<1x40xi32, #tpu.memory_space<vmem>>
    %dma_wait3A_142 = tpu.memref_squeeze %dma_wait3A_141 : memref<1x40xi32, #tpu.memory_space<vmem>> -> memref<40xi32, #tpu.memory_space<vmem>>
    %dma_wait3A_143 = arith.constant 0 : i32
    %dma_wait3A_144 = arith.constant 0 : i32
    %dma_wait3A_145 = tpu.memref_slice %arg5[%dma_wait3A_143, %dma_wait3A_144] : memref<10000x16xf32, #tpu.memory_space<hbm>> -> memref<10000x16xf32, #tpu.memory_space<hbm>>
    tpu.wait_indirect_dma semaphore(%arg25 : memref<!tpu.dma_semaphore, #tpu.memory_space<semaphore_mem>>) src(%dma_wait3A_145 : memref<10000x16xf32, #tpu.memory_space<hbm>>) dst(%arg16 : memref<40x16xf32, #tpu.memory_space<vmem>>)
    %dma_wait3A_146 = arith.constant 124 : i32
    %dma_wait3A_147 = arith.constant 0 : i32
    %dma_wait3A_148 = tpu.memref_slice %arg12[%dma_wait3A_146, %dma_wait3A_147] : memref<125x40xi32, #tpu.memory_space<vmem>> -> memref<1x40xi32, #tpu.memory_space<vmem>>
    %dma_wait3A_149 = tpu.memref_squeeze %dma_wait3A_148 : memref<1x40xi32, #tpu.memory_space<vmem>> -> memref<40xi32, #tpu.memory_space<vmem>>
    %dma_wait3A_150 = arith.constant 0 : i32
    %dma_wait3A_151 = arith.constant 0 : i32
    %dma_wait3A_152 = tpu.memref_slice %arg6[%dma_wait3A_150, %dma_wait3A_151] : memref<10000x128xf32, #tpu.memory_space<hbm>> -> memref<10000x128xf32, #tpu.memory_space<hbm>>
    tpu.wait_indirect_dma semaphore(%arg25 : memref<!tpu.dma_semaphore, #tpu.memory_space<semaphore_mem>>) src(%dma_wait3A_152 : memref<10000x128xf32, #tpu.memory_space<hbm>>) dst(%arg18 : memref<40x128xf32, #tpu.memory_space<vmem>>)
    %dma_wait3A_153 = arith.constant 122 : i32
    %dma_wait3A_154 = arith.constant 0 : i32
    %dma_wait3A_155 = tpu.memref_slice %arg13[%dma_wait3A_153, %dma_wait3A_154] : memref<125x40xi32, #tpu.memory_space<vmem>> -> memref<1x40xi32, #tpu.memory_space<vmem>>
    %dma_wait3A_156 = tpu.memref_squeeze %dma_wait3A_155 : memref<1x40xi32, #tpu.memory_space<vmem>> -> memref<40xi32, #tpu.memory_space<vmem>>
    %dma_wait3A_157 = arith.constant 0 : i32
    %dma_wait3A_158 = arith.constant 0 : i32
    %dma_wait3A_159 = tpu.memref_slice %arg11[%dma_wait3A_157, %dma_wait3A_158] : memref<10000x16xf32, #tpu.memory_space<vmem_shared>> -> memref<10000x16xf32, #tpu.memory_space<vmem_shared>>
    tpu.wait_indirect_dma semaphore(%arg27 : memref<!tpu.dma_semaphore, #tpu.memory_space<semaphore_mem>>) src(%arg20 : memref<40x16xf32, #tpu.memory_space<vmem>>) dst(%dma_wait3A_159 : memref<10000x16xf32, #tpu.memory_space<vmem_shared>>)
    %dma_wait3A_160 = arith.constant 122 : i32
    %dma_wait3A_161 = arith.constant 0 : i32
    %dma_wait3A_162 = tpu.memref_slice %arg13[%dma_wait3A_160, %dma_wait3A_161] : memref<125x40xi32, #tpu.memory_space<vmem>> -> memref<1x40xi32, #tpu.memory_space<vmem>>
    %dma_wait3A_163 = tpu.memref_squeeze %dma_wait3A_162 : memref<1x40xi32, #tpu.memory_space<vmem>> -> memref<40xi32, #tpu.memory_space<vmem>>
    %dma_wait3A_164 = arith.constant 0 : i32
    %dma_wait3A_165 = arith.constant 0 : i32
    %dma_wait3A_166 = tpu.memref_slice %arg10[%dma_wait3A_164, %dma_wait3A_165] : memref<10000x128xf32, #tpu.memory_space<vmem_shared>> -> memref<10000x128xf32, #tpu.memory_space<vmem_shared>>
    tpu.wait_indirect_dma semaphore(%arg27 : memref<!tpu.dma_semaphore, #tpu.memory_space<semaphore_mem>>) src(%arg22 : memref<40x128xf32, #tpu.memory_space<vmem>>) dst(%dma_wait3A_166 : memref<10000x128xf32, #tpu.memory_space<vmem_shared>>)
    %scan3A_167 = arith.constant 0 : i32
    %scan3A_168 = arith.constant 0 : i32
    %scan3A_169 = arith.constant 20 : i32
    %scan3A_170 = arith.addi %scan3A_168, %scan3A_169 : i32
    %scan3A_171 = arith.constant 1 : i32
    %scan3A_172 = scf.for %scan3A_355 = %scan3A_168 to %scan3A_170 step %scan3A_171 iter_args(%scan3A_356 = %scan3A_167) -> (i32)  : i32 {
      %mul3A_357 = arith.constant 2 : i32
      %mul3A_358 = arith.muli %mul3A_357, %scan3A_355 : i32
      %add3A_359 = arith.constant 0 : i32
      %add3A_360 = arith.addi %mul3A_358, %add3A_359 : i32
      %get3A_361 = arith.index_cast %add3A_360 : i32 to index
      %get3A_362 = arith.constant 0 : index
      %get3A_363 = tpu.vector_load %arg14[%get3A_361, %get3A_362] {strides = array<i32>} : memref<40x16xf32, #tpu.memory_space<vmem>>, vector<1x16xf32>,
      %get3A_364 = vector.shape_cast %get3A_363 : vector<1x16xf32> to vector<16xf32>
      %add3A_365 = arith.constant 0 : i32
      %add3A_366 = arith.addi %mul3A_358, %add3A_365 : i32
      %get3A_367 = arith.index_cast %add3A_366 : i32 to index
      %get3A_368 = arith.constant 0 : index
      %get3A_369 = tpu.vector_load %arg16[%get3A_367, %get3A_368] {strides = array<i32>} : memref<40x16xf32, #tpu.memory_space<vmem>>, vector<1x16xf32>,
      %get3A_370 = vector.shape_cast %get3A_369 : vector<1x16xf32> to vector<16xf32>
      %add3A_371 = arith.addf %get3A_364, %get3A_370 : vector<16xf32>
      %add3A_372 = arith.constant 1 : i32
      %add3A_373 = arith.addi %mul3A_358, %add3A_372 : i32
      %get3A_374 = arith.index_cast %add3A_373 : i32 to index
      %get3A_375 = arith.constant 0 : index
      %get3A_376 = tpu.vector_load %arg14[%get3A_374, %get3A_375] {strides = array<i32>} : memref<40x16xf32, #tpu.memory_space<vmem>>, vector<1x16xf32>,
      %get3A_377 = vector.shape_cast %get3A_376 : vector<1x16xf32> to vector<16xf32>
      %add3A_378 = arith.constant 1 : i32
      %add3A_379 = arith.addi %mul3A_358, %add3A_378 : i32
      %get3A_380 = arith.index_cast %add3A_379 : i32 to index
      %get3A_381 = arith.constant 0 : index
      %get3A_382 = tpu.vector_load %arg16[%get3A_380, %get3A_381] {strides = array<i32>} : memref<40x16xf32, #tpu.memory_space<vmem>>, vector<1x16xf32>,
      %get3A_383 = vector.shape_cast %get3A_382 : vector<1x16xf32> to vector<16xf32>
      %add3A_384 = arith.addf %get3A_377, %get3A_383 : vector<16xf32>
      %add3A_385 = arith.constant 0 : i32
      %add3A_386 = arith.addi %mul3A_358, %add3A_385 : i32
      %get3A_387 = arith.index_cast %add3A_386 : i32 to index
      %get3A_388 = arith.constant 0 : index
      %get3A_389 = tpu.vector_load %arg18[%get3A_387, %get3A_388] {strides = array<i32>} : memref<40x128xf32, #tpu.memory_space<vmem>>, vector<1x16xf32>,
      %get3A_390 = vector.shape_cast %get3A_389 : vector<1x16xf32> to vector<16xf32>
      %add3A_391 = arith.constant 0 : i32
      %add3A_392 = arith.addi %mul3A_358, %add3A_391 : i32
      %get3A_393 = arith.index_cast %add3A_392 : i32 to index
      %get3A_394 = arith.constant 16 : index
      %get3A_395 = tpu.vector_load %arg18[%get3A_393, %get3A_394] {strides = array<i32>} : memref<40x128xf32, #tpu.memory_space<vmem>>, vector<1x16xf32>,
      %get3A_396 = vector.shape_cast %get3A_395 : vector<1x16xf32> to vector<16xf32>
      %add3A_397 = arith.constant 0 : i32
      %add3A_398 = arith.addi %mul3A_358, %add3A_397 : i32
      %get3A_399 = arith.index_cast %add3A_398 : i32 to index
      %get3A_400 = arith.constant 32 : index
      %get3A_401 = tpu.vector_load %arg18[%get3A_399, %get3A_400] {strides = array<i32>} : memref<40x128xf32, #tpu.memory_space<vmem>>, vector<1x16xf32>,
      %get3A_402 = vector.shape_cast %get3A_401 : vector<1x16xf32> to vector<16xf32>
      %add3A_403 = arith.constant 0 : i32
      %add3A_404 = arith.addi %mul3A_358, %add3A_403 : i32
      %get3A_405 = arith.index_cast %add3A_404 : i32 to index
      %get3A_406 = arith.constant 48 : index
      %get3A_407 = tpu.vector_load %arg18[%get3A_405, %get3A_406] {strides = array<i32>} : memref<40x128xf32, #tpu.memory_space<vmem>>, vector<1x16xf32>,
      %get3A_408 = vector.shape_cast %get3A_407 : vector<1x16xf32> to vector<16xf32>
      %add3A_409 = arith.constant 0 : i32
      %add3A_410 = arith.addi %mul3A_358, %add3A_409 : i32
      %get3A_411 = arith.index_cast %add3A_410 : i32 to index
      %get3A_412 = arith.constant 64 : index
      %get3A_413 = tpu.vector_load %arg18[%get3A_411, %get3A_412] {strides = array<i32>} : memref<40x128xf32, #tpu.memory_space<vmem>>, vector<1x16xf32>,
      %get3A_414 = vector.shape_cast %get3A_413 : vector<1x16xf32> to vector<16xf32>
      %add3A_415 = arith.constant 0 : i32
      %add3A_416 = arith.addi %mul3A_358, %add3A_415 : i32
      %get3A_417 = arith.index_cast %add3A_416 : i32 to index
      %get3A_418 = arith.constant 80 : index
      %get3A_419 = tpu.vector_load %arg18[%get3A_417, %get3A_418] {strides = array<i32>} : memref<40x128xf32, #tpu.memory_space<vmem>>, vector<1x16xf32>,
      %get3A_420 = vector.shape_cast %get3A_419 : vector<1x16xf32> to vector<16xf32>
      %add3A_421 = arith.constant 0 : i32
      %add3A_422 = arith.addi %mul3A_358, %add3A_421 : i32
      %get3A_423 = arith.index_cast %add3A_422 : i32 to index
      %get3A_424 = arith.constant 96 : index
      %get3A_425 = tpu.vector_load %arg18[%get3A_423, %get3A_424] {strides = array<i32>} : memref<40x128xf32, #tpu.memory_space<vmem>>, vector<1x16xf32>,
      %get3A_426 = vector.shape_cast %get3A_425 : vector<1x16xf32> to vector<16xf32>
      %add3A_427 = arith.constant 0 : i32
      %add3A_428 = arith.addi %mul3A_358, %add3A_427 : i32
      %get3A_429 = arith.index_cast %add3A_428 : i32 to index
      %get3A_430 = arith.constant 112 : index
      %get3A_431 = tpu.vector_load %arg18[%get3A_429, %get3A_430] {strides = array<i32>} : memref<40x128xf32, #tpu.memory_space<vmem>>, vector<1x16xf32>,
      %get3A_432 = vector.shape_cast %get3A_431 : vector<1x16xf32> to vector<16xf32>
      %add3A_433 = arith.constant 1 : i32
      %add3A_434 = arith.addi %mul3A_358, %add3A_433 : i32
      %get3A_435 = arith.index_cast %add3A_434 : i32 to index
      %get3A_436 = arith.constant 0 : index
      %get3A_437 = tpu.vector_load %arg18[%get3A_435, %get3A_436] {strides = array<i32>} : memref<40x128xf32, #tpu.memory_space<vmem>>, vector<1x16xf32>,
      %get3A_438 = vector.shape_cast %get3A_437 : vector<1x16xf32> to vector<16xf32>
      %add3A_439 = arith.constant 1 : i32
      %add3A_440 = arith.addi %mul3A_358, %add3A_439 : i32
      %get3A_441 = arith.index_cast %add3A_440 : i32 to index
      %get3A_442 = arith.constant 16 : index
      %get3A_443 = tpu.vector_load %arg18[%get3A_441, %get3A_442] {strides = array<i32>} : memref<40x128xf32, #tpu.memory_space<vmem>>, vector<1x16xf32>,
      %get3A_444 = vector.shape_cast %get3A_443 : vector<1x16xf32> to vector<16xf32>
      %add3A_445 = arith.constant 1 : i32
      %add3A_446 = arith.addi %mul3A_358, %add3A_445 : i32
      %get3A_447 = arith.index_cast %add3A_446 : i32 to index
      %get3A_448 = arith.constant 32 : index
      %get3A_449 = tpu.vector_load %arg18[%get3A_447, %get3A_448] {strides = array<i32>} : memref<40x128xf32, #tpu.memory_space<vmem>>, vector<1x16xf32>,
      %get3A_450 = vector.shape_cast %get3A_449 : vector<1x16xf32> to vector<16xf32>
      %add3A_451 = arith.constant 1 : i32
      %add3A_452 = arith.addi %mul3A_358, %add3A_451 : i32
      %get3A_453 = arith.index_cast %add3A_452 : i32 to index
      %get3A_454 = arith.constant 48 : index
      %get3A_455 = tpu.vector_load %arg18[%get3A_453, %get3A_454] {strides = array<i32>} : memref<40x128xf32, #tpu.memory_space<vmem>>, vector<1x16xf32>,
      %get3A_456 = vector.shape_cast %get3A_455 : vector<1x16xf32> to vector<16xf32>
      %add3A_457 = arith.constant 1 : i32
      %add3A_458 = arith.addi %mul3A_358, %add3A_457 : i32
      %get3A_459 = arith.index_cast %add3A_458 : i32 to index
      %get3A_460 = arith.constant 64 : index
      %get3A_461 = tpu.vector_load %arg18[%get3A_459, %get3A_460] {strides = array<i32>} : memref<40x128xf32, #tpu.memory_space<vmem>>, vector<1x16xf32>,
      %get3A_462 = vector.shape_cast %get3A_461 : vector<1x16xf32> to vector<16xf32>
      %add3A_463 = arith.constant 1 : i32
      %add3A_464 = arith.addi %mul3A_358, %add3A_463 : i32
      %get3A_465 = arith.index_cast %add3A_464 : i32 to index
      %get3A_466 = arith.constant 80 : index
      %get3A_467 = tpu.vector_load %arg18[%get3A_465, %get3A_466] {strides = array<i32>} : memref<40x128xf32, #tpu.memory_space<vmem>>, vector<1x16xf32>,
      %get3A_468 = vector.shape_cast %get3A_467 : vector<1x16xf32> to vector<16xf32>
      %add3A_469 = arith.constant 1 : i32
      %add3A_470 = arith.addi %mul3A_358, %add3A_469 : i32
      %get3A_471 = arith.index_cast %add3A_470 : i32 to index
      %get3A_472 = arith.constant 96 : index
      %get3A_473 = tpu.vector_load %arg18[%get3A_471, %get3A_472] {strides = array<i32>} : memref<40x128xf32, #tpu.memory_space<vmem>>, vector<1x16xf32>,
      %get3A_474 = vector.shape_cast %get3A_473 : vector<1x16xf32> to vector<16xf32>
      %add3A_475 = arith.constant 1 : i32
      %add3A_476 = arith.addi %mul3A_358, %add3A_475 : i32
      %get3A_477 = arith.index_cast %add3A_476 : i32 to index
      %get3A_478 = arith.constant 112 : index
      %get3A_479 = tpu.vector_load %arg18[%get3A_477, %get3A_478] {strides = array<i32>} : memref<40x128xf32, #tpu.memory_space<vmem>>, vector<1x16xf32>,
      %get3A_480 = vector.shape_cast %get3A_479 : vector<1x16xf32> to vector<16xf32>
      %mul3A_481 = arith.constant 2.000000e-01 : f32
      %mul3A_482 = vector.broadcast %mul3A_481 : f32 to vector<16xf32>
      %mul3A_483 = arith.mulf %mul3A_482, %add3A_371 : vector<16xf32>
      %max3A = arith.maximumf %add3A_371, %mul3A_483 : vector<16xf32>
      %sub3A = arith.subf %max3A, %get3A_84 : vector<16xf32>
      %exp3A = math.exp %sub3A : vector<16xf32>
      %mul3A_484 = arith.constant 2.000000e-01 : f32
      %mul3A_485 = vector.broadcast %mul3A_484 : f32 to vector<16xf32>
      %mul3A_486 = arith.mulf %mul3A_485, %add3A_384 : vector<16xf32>
      %max3A_487 = arith.maximumf %add3A_384, %mul3A_486 : vector<16xf32>
      %sub3A_488 = arith.subf %max3A_487, %get3A_84 : vector<16xf32>
      %exp3A_489 = math.exp %sub3A_488 : vector<16xf32>
      %add3A_490 = arith.constant 0 : i32
      %add3A_491 = arith.addi %mul3A_358, %add3A_490 : i32
      %swap3A = arith.index_cast %add3A_491 : i32 to index
      %swap3A_492 = arith.constant 0 : index
      %swap3A_493 = tpu.vector_load %arg20[%swap3A, %swap3A_492] {strides = array<i32>} : memref<40x16xf32, #tpu.memory_space<vmem>>, vector<1x16xf32>,
      %swap3A_494 = vector.shape_cast %swap3A_493 : vector<1x16xf32> to vector<16xf32>
      %swap3A_495 = vector.shape_cast %exp3A : vector<16xf32> to vector<1x16xf32>
      tpu.vector_store %arg20[%swap3A, %swap3A_492], %swap3A_495 {strides = array<i32>} : memref<40x16xf32, #tpu.memory_space<vmem>>, vector<1x16xf32>,
      %add3A_496 = arith.constant 1 : i32
      %add3A_497 = arith.addi %mul3A_358, %add3A_496 : i32
      %swap3A_498 = arith.index_cast %add3A_497 : i32 to index
      %swap3A_499 = arith.constant 0 : index
      %swap3A_500 = tpu.vector_load %arg20[%swap3A_498, %swap3A_499] {strides = array<i32>} : memref<40x16xf32, #tpu.memory_space<vmem>>, vector<1x16xf32>,
      %swap3A_501 = vector.shape_cast %swap3A_500 : vector<1x16xf32> to vector<16xf32>
      %swap3A_502 = vector.shape_cast %exp3A_489 : vector<16xf32> to vector<1x16xf32>
      tpu.vector_store %arg20[%swap3A_498, %swap3A_499], %swap3A_502 {strides = array<i32>} : memref<40x16xf32, #tpu.memory_space<vmem>>, vector<1x16xf32>,
      %slice3A = vector.extract_strided_slice %exp3A {offsets = [0], sizes = [1], strides = [1]} : vector<16xf32> to vector<1xf32>
      %squeeze3A = vector.extract %slice3A[0] : f32 from vector<1xf32>
      %mul3A_503 = vector.broadcast %squeeze3A : f32 to vector<16xf32>
      %mul3A_504 = arith.mulf %get3A_390, %mul3A_503 : vector<16xf32>
      %add3A_505 = arith.constant 0 : i32
      %add3A_506 = arith.addi %mul3A_358, %add3A_505 : i32
      %swap3A_507 = arith.index_cast %add3A_506 : i32 to index
      %swap3A_508 = arith.constant 0 : index
      %swap3A_509 = tpu.vector_load %arg22[%swap3A_507, %swap3A_508] {strides = array<i32>} : memref<40x128xf32, #tpu.memory_space<vmem>>, vector<1x16xf32>,
      %swap3A_510 = vector.shape_cast %swap3A_509 : vector<1x16xf32> to vector<16xf32>
      %swap3A_511 = vector.shape_cast %mul3A_504 : vector<16xf32> to vector<1x16xf32>
      tpu.vector_store %arg22[%swap3A_507, %swap3A_508], %swap3A_511 {strides = array<i32>} : memref<40x128xf32, #tpu.memory_space<vmem>>, vector<1x16xf32>,
      %slice3A_512 = vector.extract_strided_slice %exp3A {offsets = [1], sizes = [1], strides = [1]} : vector<16xf32> to vector<1xf32>
      %squeeze3A_513 = vector.extract %slice3A_512[0] : f32 from vector<1xf32>
      %mul3A_514 = vector.broadcast %squeeze3A_513 : f32 to vector<16xf32>
      %mul3A_515 = arith.mulf %get3A_396, %mul3A_514 : vector<16xf32>
      %add3A_516 = arith.constant 0 : i32
      %add3A_517 = arith.addi %mul3A_358, %add3A_516 : i32
      %swap3A_518 = arith.index_cast %add3A_517 : i32 to index
      %swap3A_519 = arith.constant 16 : index
      %swap3A_520 = tpu.vector_load %arg22[%swap3A_518, %swap3A_519] {strides = array<i32>} : memref<40x128xf32, #tpu.memory_space<vmem>>, vector<1x16xf32>,
      %swap3A_521 = vector.shape_cast %swap3A_520 : vector<1x16xf32> to vector<16xf32>
      %swap3A_522 = vector.shape_cast %mul3A_515 : vector<16xf32> to vector<1x16xf32>
      tpu.vector_store %arg22[%swap3A_518, %swap3A_519], %swap3A_522 {strides = array<i32>} : memref<40x128xf32, #tpu.memory_space<vmem>>, vector<1x16xf32>,
      %slice3A_523 = vector.extract_strided_slice %exp3A {offsets = [2], sizes = [1], strides = [1]} : vector<16xf32> to vector<1xf32>
      %squeeze3A_524 = vector.extract %slice3A_523[0] : f32 from vector<1xf32>
      %mul3A_525 = vector.broadcast %squeeze3A_524 : f32 to vector<16xf32>
      %mul3A_526 = arith.mulf %get3A_402, %mul3A_525 : vector<16xf32>
      %add3A_527 = arith.constant 0 : i32
      %add3A_528 = arith.addi %mul3A_358, %add3A_527 : i32
      %swap3A_529 = arith.index_cast %add3A_528 : i32 to index
      %swap3A_530 = arith.constant 32 : index
      %swap3A_531 = tpu.vector_load %arg22[%swap3A_529, %swap3A_530] {strides = array<i32>} : memref<40x128xf32, #tpu.memory_space<vmem>>, vector<1x16xf32>,
      %swap3A_532 = vector.shape_cast %swap3A_531 : vector<1x16xf32> to vector<16xf32>
      %swap3A_533 = vector.shape_cast %mul3A_526 : vector<16xf32> to vector<1x16xf32>
      tpu.vector_store %arg22[%swap3A_529, %swap3A_530], %swap3A_533 {strides = array<i32>} : memref<40x128xf32, #tpu.memory_space<vmem>>, vector<1x16xf32>,
      %slice3A_534 = vector.extract_strided_slice %exp3A {offsets = [3], sizes = [1], strides = [1]} : vector<16xf32> to vector<1xf32>
      %squeeze3A_535 = vector.extract %slice3A_534[0] : f32 from vector<1xf32>
      %mul3A_536 = vector.broadcast %squeeze3A_535 : f32 to vector<16xf32>
      %mul3A_537 = arith.mulf %get3A_408, %mul3A_536 : vector<16xf32>
      %add3A_538 = arith.constant 0 : i32
      %add3A_539 = arith.addi %mul3A_358, %add3A_538 : i32
      %swap3A_540 = arith.index_cast %add3A_539 : i32 to index
      %swap3A_541 = arith.constant 48 : index
      %swap3A_542 = tpu.vector_load %arg22[%swap3A_540, %swap3A_541] {strides = array<i32>} : memref<40x128xf32, #tpu.memory_space<vmem>>, vector<1x16xf32>,
      %swap3A_543 = vector.shape_cast %swap3A_542 : vector<1x16xf32> to vector<16xf32>
      %swap3A_544 = vector.shape_cast %mul3A_537 : vector<16xf32> to vector<1x16xf32>
      tpu.vector_store %arg22[%swap3A_540, %swap3A_541], %swap3A_544 {strides = array<i32>} : memref<40x128xf32, #tpu.memory_space<vmem>>, vector<1x16xf32>,
      %slice3A_545 = vector.extract_strided_slice %exp3A {offsets = [4], sizes = [1], strides = [1]} : vector<16xf32> to vector<1xf32>
      %squeeze3A_546 = vector.extract %slice3A_545[0] : f32 from vector<1xf32>
      %mul3A_547 = vector.broadcast %squeeze3A_546 : f32 to vector<16xf32>
      %mul3A_548 = arith.mulf %get3A_414, %mul3A_547 : vector<16xf32>
      %add3A_549 = arith.constant 0 : i32
      %add3A_550 = arith.addi %mul3A_358, %add3A_549 : i32
      %swap3A_551 = arith.index_cast %add3A_550 : i32 to index
      %swap3A_552 = arith.constant 64 : index
      %swap3A_553 = tpu.vector_load %arg22[%swap3A_551, %swap3A_552] {strides = array<i32>} : memref<40x128xf32, #tpu.memory_space<vmem>>, vector<1x16xf32>,
      %swap3A_554 = vector.shape_cast %swap3A_553 : vector<1x16xf32> to vector<16xf32>
      %swap3A_555 = vector.shape_cast %mul3A_548 : vector<16xf32> to vector<1x16xf32>
      tpu.vector_store %arg22[%swap3A_551, %swap3A_552], %swap3A_555 {strides = array<i32>} : memref<40x128xf32, #tpu.memory_space<vmem>>, vector<1x16xf32>,
      %slice3A_556 = vector.extract_strided_slice %exp3A {offsets = [5], sizes = [1], strides = [1]} : vector<16xf32> to vector<1xf32>
      %squeeze3A_557 = vector.extract %slice3A_556[0] : f32 from vector<1xf32>
      %mul3A_558 = vector.broadcast %squeeze3A_557 : f32 to vector<16xf32>
      %mul3A_559 = arith.mulf %get3A_420, %mul3A_558 : vector<16xf32>
      %add3A_560 = arith.constant 0 : i32
      %add3A_561 = arith.addi %mul3A_358, %add3A_560 : i32
      %swap3A_562 = arith.index_cast %add3A_561 : i32 to index
      %swap3A_563 = arith.constant 80 : index
      %swap3A_564 = tpu.vector_load %arg22[%swap3A_562, %swap3A_563] {strides = array<i32>} : memref<40x128xf32, #tpu.memory_space<vmem>>, vector<1x16xf32>,
      %swap3A_565 = vector.shape_cast %swap3A_564 : vector<1x16xf32> to vector<16xf32>
      %swap3A_566 = vector.shape_cast %mul3A_559 : vector<16xf32> to vector<1x16xf32>
      tpu.vector_store %arg22[%swap3A_562, %swap3A_563], %swap3A_566 {strides = array<i32>} : memref<40x128xf32, #tpu.memory_space<vmem>>, vector<1x16xf32>,
      %slice3A_567 = vector.extract_strided_slice %exp3A {offsets = [6], sizes = [1], strides = [1]} : vector<16xf32> to vector<1xf32>
      %squeeze3A_568 = vector.extract %slice3A_567[0] : f32 from vector<1xf32>
      %mul3A_569 = vector.broadcast %squeeze3A_568 : f32 to vector<16xf32>
      %mul3A_570 = arith.mulf %get3A_426, %mul3A_569 : vector<16xf32>
      %add3A_571 = arith.constant 0 : i32
      %add3A_572 = arith.addi %mul3A_358, %add3A_571 : i32
      %swap3A_573 = arith.index_cast %add3A_572 : i32 to index
      %swap3A_574 = arith.constant 96 : index
      %swap3A_575 = tpu.vector_load %arg22[%swap3A_573, %swap3A_574] {strides = array<i32>} : memref<40x128xf32, #tpu.memory_space<vmem>>, vector<1x16xf32>,
      %swap3A_576 = vector.shape_cast %swap3A_575 : vector<1x16xf32> to vector<16xf32>
      %swap3A_577 = vector.shape_cast %mul3A_570 : vector<16xf32> to vector<1x16xf32>
      tpu.vector_store %arg22[%swap3A_573, %swap3A_574], %swap3A_577 {strides = array<i32>} : memref<40x128xf32, #tpu.memory_space<vmem>>, vector<1x16xf32>,
      %slice3A_578 = vector.extract_strided_slice %exp3A {offsets = [7], sizes = [1], strides = [1]} : vector<16xf32> to vector<1xf32>
      %squeeze3A_579 = vector.extract %slice3A_578[0] : f32 from vector<1xf32>
      %mul3A_580 = vector.broadcast %squeeze3A_579 : f32 to vector<16xf32>
      %mul3A_581 = arith.mulf %get3A_432, %mul3A_580 : vector<16xf32>
      %add3A_582 = arith.constant 0 : i32
      %add3A_583 = arith.addi %mul3A_358, %add3A_582 : i32
      %swap3A_584 = arith.index_cast %add3A_583 : i32 to index
      %swap3A_585 = arith.constant 112 : index
      %swap3A_586 = tpu.vector_load %arg22[%swap3A_584, %swap3A_585] {strides = array<i32>} : memref<40x128xf32, #tpu.memory_space<vmem>>, vector<1x16xf32>,
      %swap3A_587 = vector.shape_cast %swap3A_586 : vector<1x16xf32> to vector<16xf32>
      %swap3A_588 = vector.shape_cast %mul3A_581 : vector<16xf32> to vector<1x16xf32>
      tpu.vector_store %arg22[%swap3A_584, %swap3A_585], %swap3A_588 {strides = array<i32>} : memref<40x128xf32, #tpu.memory_space<vmem>>, vector<1x16xf32>,
      %slice3A_589 = vector.extract_strided_slice %exp3A_489 {offsets = [0], sizes = [1], strides = [1]} : vector<16xf32> to vector<1xf32>
      %squeeze3A_590 = vector.extract %slice3A_589[0] : f32 from vector<1xf32>
      %mul3A_591 = vector.broadcast %squeeze3A_590 : f32 to vector<16xf32>
      %mul3A_592 = arith.mulf %get3A_438, %mul3A_591 : vector<16xf32>
      %add3A_593 = arith.constant 1 : i32
      %add3A_594 = arith.addi %mul3A_358, %add3A_593 : i32
      %swap3A_595 = arith.index_cast %add3A_594 : i32 to index
      %swap3A_596 = arith.constant 0 : index
      %swap3A_597 = tpu.vector_load %arg22[%swap3A_595, %swap3A_596] {strides = array<i32>} : memref<40x128xf32, #tpu.memory_space<vmem>>, vector<1x16xf32>,
      %swap3A_598 = vector.shape_cast %swap3A_597 : vector<1x16xf32> to vector<16xf32>
      %swap3A_599 = vector.shape_cast %mul3A_592 : vector<16xf32> to vector<1x16xf32>
      tpu.vector_store %arg22[%swap3A_595, %swap3A_596], %swap3A_599 {strides = array<i32>} : memref<40x128xf32, #tpu.memory_space<vmem>>, vector<1x16xf32>,
      %slice3A_600 = vector.extract_strided_slice %exp3A_489 {offsets = [1], sizes = [1], strides = [1]} : vector<16xf32> to vector<1xf32>
      %squeeze3A_601 = vector.extract %slice3A_600[0] : f32 from vector<1xf32>
      %mul3A_602 = vector.broadcast %squeeze3A_601 : f32 to vector<16xf32>
      %mul3A_603 = arith.mulf %get3A_444, %mul3A_602 : vector<16xf32>
      %add3A_604 = arith.constant 1 : i32
      %add3A_605 = arith.addi %mul3A_358, %add3A_604 : i32
      %swap3A_606 = arith.index_cast %add3A_605 : i32 to index
      %swap3A_607 = arith.constant 16 : index
      %swap3A_608 = tpu.vector_load %arg22[%swap3A_606, %swap3A_607] {strides = array<i32>} : memref<40x128xf32, #tpu.memory_space<vmem>>, vector<1x16xf32>,
      %swap3A_609 = vector.shape_cast %swap3A_608 : vector<1x16xf32> to vector<16xf32>
      %swap3A_610 = vector.shape_cast %mul3A_603 : vector<16xf32> to vector<1x16xf32>
      tpu.vector_store %arg22[%swap3A_606, %swap3A_607], %swap3A_610 {strides = array<i32>} : memref<40x128xf32, #tpu.memory_space<vmem>>, vector<1x16xf32>,
      %slice3A_611 = vector.extract_strided_slice %exp3A_489 {offsets = [2], sizes = [1], strides = [1]} : vector<16xf32> to vector<1xf32>
      %squeeze3A_612 = vector.extract %slice3A_611[0] : f32 from vector<1xf32>
      %mul3A_613 = vector.broadcast %squeeze3A_612 : f32 to vector<16xf32>
      %mul3A_614 = arith.mulf %get3A_450, %mul3A_613 : vector<16xf32>
      %add3A_615 = arith.constant 1 : i32
      %add3A_616 = arith.addi %mul3A_358, %add3A_615 : i32
      %swap3A_617 = arith.index_cast %add3A_616 : i32 to index
      %swap3A_618 = arith.constant 32 : index
      %swap3A_619 = tpu.vector_load %arg22[%swap3A_617, %swap3A_618] {strides = array<i32>} : memref<40x128xf32, #tpu.memory_space<vmem>>, vector<1x16xf32>,
      %swap3A_620 = vector.shape_cast %swap3A_619 : vector<1x16xf32> to vector<16xf32>
      %swap3A_621 = vector.shape_cast %mul3A_614 : vector<16xf32> to vector<1x16xf32>
      tpu.vector_store %arg22[%swap3A_617, %swap3A_618], %swap3A_621 {strides = array<i32>} : memref<40x128xf32, #tpu.memory_space<vmem>>, vector<1x16xf32>,
      %slice3A_622 = vector.extract_strided_slice %exp3A_489 {offsets = [3], sizes = [1], strides = [1]} : vector<16xf32> to vector<1xf32>
      %squeeze3A_623 = vector.extract %slice3A_622[0] : f32 from vector<1xf32>
      %mul3A_624 = vector.broadcast %squeeze3A_623 : f32 to vector<16xf32>
      %mul3A_625 = arith.mulf %get3A_456, %mul3A_624 : vector<16xf32>
      %add3A_626 = arith.constant 1 : i32
      %add3A_627 = arith.addi %mul3A_358, %add3A_626 : i32
      %swap3A_628 = arith.index_cast %add3A_627 : i32 to index
      %swap3A_629 = arith.constant 48 : index
      %swap3A_630 = tpu.vector_load %arg22[%swap3A_628, %swap3A_629] {strides = array<i32>} : memref<40x128xf32, #tpu.memory_space<vmem>>, vector<1x16xf32>,
      %swap3A_631 = vector.shape_cast %swap3A_630 : vector<1x16xf32> to vector<16xf32>
      %swap3A_632 = vector.shape_cast %mul3A_625 : vector<16xf32> to vector<1x16xf32>
      tpu.vector_store %arg22[%swap3A_628, %swap3A_629], %swap3A_632 {strides = array<i32>} : memref<40x128xf32, #tpu.memory_space<vmem>>, vector<1x16xf32>,
      %slice3A_633 = vector.extract_strided_slice %exp3A_489 {offsets = [4], sizes = [1], strides = [1]} : vector<16xf32> to vector<1xf32>
      %squeeze3A_634 = vector.extract %slice3A_633[0] : f32 from vector<1xf32>
      %mul3A_635 = vector.broadcast %squeeze3A_634 : f32 to vector<16xf32>
      %mul3A_636 = arith.mulf %get3A_462, %mul3A_635 : vector<16xf32>
      %add3A_637 = arith.constant 1 : i32
      %add3A_638 = arith.addi %mul3A_358, %add3A_637 : i32
      %swap3A_639 = arith.index_cast %add3A_638 : i32 to index
      %swap3A_640 = arith.constant 64 : index
      %swap3A_641 = tpu.vector_load %arg22[%swap3A_639, %swap3A_640] {strides = array<i32>} : memref<40x128xf32, #tpu.memory_space<vmem>>, vector<1x16xf32>,
      %swap3A_642 = vector.shape_cast %swap3A_641 : vector<1x16xf32> to vector<16xf32>
      %swap3A_643 = vector.shape_cast %mul3A_636 : vector<16xf32> to vector<1x16xf32>
      tpu.vector_store %arg22[%swap3A_639, %swap3A_640], %swap3A_643 {strides = array<i32>} : memref<40x128xf32, #tpu.memory_space<vmem>>, vector<1x16xf32>,
      %slice3A_644 = vector.extract_strided_slice %exp3A_489 {offsets = [5], sizes = [1], strides = [1]} : vector<16xf32> to vector<1xf32>
      %squeeze3A_645 = vector.extract %slice3A_644[0] : f32 from vector<1xf32>
      %mul3A_646 = vector.broadcast %squeeze3A_645 : f32 to vector<16xf32>
      %mul3A_647 = arith.mulf %get3A_468, %mul3A_646 : vector<16xf32>
      %add3A_648 = arith.constant 1 : i32
      %add3A_649 = arith.addi %mul3A_358, %add3A_648 : i32
      %swap3A_650 = arith.index_cast %add3A_649 : i32 to index
      %swap3A_651 = arith.constant 80 : index
      %swap3A_652 = tpu.vector_load %arg22[%swap3A_650, %swap3A_651] {strides = array<i32>} : memref<40x128xf32, #tpu.memory_space<vmem>>, vector<1x16xf32>,
      %swap3A_653 = vector.shape_cast %swap3A_652 : vector<1x16xf32> to vector<16xf32>
      %swap3A_654 = vector.shape_cast %mul3A_647 : vector<16xf32> to vector<1x16xf32>
      tpu.vector_store %arg22[%swap3A_650, %swap3A_651], %swap3A_654 {strides = array<i32>} : memref<40x128xf32, #tpu.memory_space<vmem>>, vector<1x16xf32>,
      %slice3A_655 = vector.extract_strided_slice %exp3A_489 {offsets = [6], sizes = [1], strides = [1]} : vector<16xf32> to vector<1xf32>
      %squeeze3A_656 = vector.extract %slice3A_655[0] : f32 from vector<1xf32>
      %mul3A_657 = vector.broadcast %squeeze3A_656 : f32 to vector<16xf32>
      %mul3A_658 = arith.mulf %get3A_474, %mul3A_657 : vector<16xf32>
      %add3A_659 = arith.constant 1 : i32
      %add3A_660 = arith.addi %mul3A_358, %add3A_659 : i32
      %swap3A_661 = arith.index_cast %add3A_660 : i32 to index
      %swap3A_662 = arith.constant 96 : index
      %swap3A_663 = tpu.vector_load %arg22[%swap3A_661, %swap3A_662] {strides = array<i32>} : memref<40x128xf32, #tpu.memory_space<vmem>>, vector<1x16xf32>,
      %swap3A_664 = vector.shape_cast %swap3A_663 : vector<1x16xf32> to vector<16xf32>
      %swap3A_665 = vector.shape_cast %mul3A_658 : vector<16xf32> to vector<1x16xf32>
      tpu.vector_store %arg22[%swap3A_661, %swap3A_662], %swap3A_665 {strides = array<i32>} : memref<40x128xf32, #tpu.memory_space<vmem>>, vector<1x16xf32>,
      %slice3A_666 = vector.extract_strided_slice %exp3A_489 {offsets = [7], sizes = [1], strides = [1]} : vector<16xf32> to vector<1xf32>
      %squeeze3A_667 = vector.extract %slice3A_666[0] : f32 from vector<1xf32>
      %mul3A_668 = vector.broadcast %squeeze3A_667 : f32 to vector<16xf32>
      %mul3A_669 = arith.mulf %get3A_480, %mul3A_668 : vector<16xf32>
      %add3A_670 = arith.constant 1 : i32
      %add3A_671 = arith.addi %mul3A_358, %add3A_670 : i32
      %swap3A_672 = arith.index_cast %add3A_671 : i32 to index
      %swap3A_673 = arith.constant 112 : index
      %swap3A_674 = tpu.vector_load %arg22[%swap3A_672, %swap3A_673] {strides = array<i32>} : memref<40x128xf32, #tpu.memory_space<vmem>>, vector<1x16xf32>,
      %swap3A_675 = vector.shape_cast %swap3A_674 : vector<1x16xf32> to vector<16xf32>
      %swap3A_676 = vector.shape_cast %mul3A_669 : vector<16xf32> to vector<1x16xf32>
      tpu.vector_store %arg22[%swap3A_672, %swap3A_673], %swap3A_676 {strides = array<i32>} : memref<40x128xf32, #tpu.memory_space<vmem>>, vector<1x16xf32>,
      %scan3A_677 = arith.constant 0 : i32
      scf.yield %scan3A_677 : i32
    }
    %scan3A_173 = arith.constant 20 : i32
    %dma_start3A_174 = arith.constant 124 : i32
    %dma_start3A_175 = arith.constant 0 : i32
    %dma_start3A_176 = tpu.memref_slice %arg13[%dma_start3A_174, %dma_start3A_175] : memref<125x40xi32, #tpu.memory_space<vmem>> -> memref<1x40xi32, #tpu.memory_space<vmem>>
    %dma_start3A_177 = tpu.memref_squeeze %dma_start3A_176 : memref<1x40xi32, #tpu.memory_space<vmem>> -> memref<40xi32, #tpu.memory_space<vmem>>
    %dma_start3A_178 = arith.constant 0 : i32
    %dma_start3A_179 = arith.constant 0 : i32
    %dma_start3A_180 = tpu.memref_slice %arg11[%dma_start3A_178, %dma_start3A_179] : memref<10000x16xf32, #tpu.memory_space<vmem_shared>> -> memref<10000x16xf32, #tpu.memory_space<vmem_shared>>
    tpu.enqueue_indirect_dma source(%arg20 : memref<40x16xf32, #tpu.memory_space<vmem>>) target(%dma_start3A_180 : memref<10000x16xf32, #tpu.memory_space<vmem_shared>>) offsets(%dma_start3A_177 : memref<40xi32, #tpu.memory_space<vmem>>) semaphore(%arg27 : memref<!tpu.dma_semaphore, #tpu.memory_space<semaphore_mem>>) {add = true}
    %dma_start3A_181 = arith.constant 124 : i32
    %dma_start3A_182 = arith.constant 0 : i32
    %dma_start3A_183 = tpu.memref_slice %arg13[%dma_start3A_181, %dma_start3A_182] : memref<125x40xi32, #tpu.memory_space<vmem>> -> memref<1x40xi32, #tpu.memory_space<vmem>>
    %dma_start3A_184 = tpu.memref_squeeze %dma_start3A_183 : memref<1x40xi32, #tpu.memory_space<vmem>> -> memref<40xi32, #tpu.memory_space<vmem>>
    %dma_start3A_185 = arith.constant 0 : i32
    %dma_start3A_186 = arith.constant 0 : i32
    %dma_start3A_187 = tpu.memref_slice %arg10[%dma_start3A_185, %dma_start3A_186] : memref<10000x128xf32, #tpu.memory_space<vmem_shared>> -> memref<10000x128xf32, #tpu.memory_space<vmem_shared>>
    tpu.enqueue_indirect_dma source(%arg22 : memref<40x128xf32, #tpu.memory_space<vmem>>) target(%dma_start3A_187 : memref<10000x128xf32, #tpu.memory_space<vmem_shared>>) offsets(%dma_start3A_184 : memref<40xi32, #tpu.memory_space<vmem>>) semaphore(%arg27 : memref<!tpu.dma_semaphore, #tpu.memory_space<semaphore_mem>>) {add = true}
    %dma_wait3A_188 = arith.constant 123 : i32
    %dma_wait3A_189 = arith.constant 0 : i32
    %dma_wait3A_190 = tpu.memref_slice %arg13[%dma_wait3A_188, %dma_wait3A_189] : memref<125x40xi32, #tpu.memory_space<vmem>> -> memref<1x40xi32, #tpu.memory_space<vmem>>
    %dma_wait3A_191 = tpu.memref_squeeze %dma_wait3A_190 : memref<1x40xi32, #tpu.memory_space<vmem>> -> memref<40xi32, #tpu.memory_space<vmem>>
    %dma_wait3A_192 = arith.constant 0 : i32
    %dma_wait3A_193 = arith.constant 0 : i32
    %dma_wait3A_194 = tpu.memref_slice %arg11[%dma_wait3A_192, %dma_wait3A_193] : memref<10000x16xf32, #tpu.memory_space<vmem_shared>> -> memref<10000x16xf32, #tpu.memory_space<vmem_shared>>
    tpu.wait_indirect_dma semaphore(%arg28 : memref<!tpu.dma_semaphore, #tpu.memory_space<semaphore_mem>>) src(%arg21 : memref<40x16xf32, #tpu.memory_space<vmem>>) dst(%dma_wait3A_194 : memref<10000x16xf32, #tpu.memory_space<vmem_shared>>)
    %dma_wait3A_195 = arith.constant 123 : i32
    %dma_wait3A_196 = arith.constant 0 : i32
    %dma_wait3A_197 = tpu.memref_slice %arg13[%dma_wait3A_195, %dma_wait3A_196] : memref<125x40xi32, #tpu.memory_space<vmem>> -> memref<1x40xi32, #tpu.memory_space<vmem>>
    %dma_wait3A_198 = tpu.memref_squeeze %dma_wait3A_197 : memref<1x40xi32, #tpu.memory_space<vmem>> -> memref<40xi32, #tpu.memory_space<vmem>>
    %dma_wait3A_199 = arith.constant 0 : i32
    %dma_wait3A_200 = arith.constant 0 : i32
    %dma_wait3A_201 = tpu.memref_slice %arg10[%dma_wait3A_199, %dma_wait3A_200] : memref<10000x128xf32, #tpu.memory_space<vmem_shared>> -> memref<10000x128xf32, #tpu.memory_space<vmem_shared>>
    tpu.wait_indirect_dma semaphore(%arg28 : memref<!tpu.dma_semaphore, #tpu.memory_space<semaphore_mem>>) src(%arg23 : memref<40x128xf32, #tpu.memory_space<vmem>>) dst(%dma_wait3A_201 : memref<10000x128xf32, #tpu.memory_space<vmem_shared>>)
    %dma_wait3A_202 = arith.constant 124 : i32
    %dma_wait3A_203 = arith.constant 0 : i32
    %dma_wait3A_204 = tpu.memref_slice %arg13[%dma_wait3A_202, %dma_wait3A_203] : memref<125x40xi32, #tpu.memory_space<vmem>> -> memref<1x40xi32, #tpu.memory_space<vmem>>
    %dma_wait3A_205 = tpu.memref_squeeze %dma_wait3A_204 : memref<1x40xi32, #tpu.memory_space<vmem>> -> memref<40xi32, #tpu.memory_space<vmem>>
    %dma_wait3A_206 = arith.constant 0 : i32
    %dma_wait3A_207 = arith.constant 0 : i32
    %dma_wait3A_208 = tpu.memref_slice %arg11[%dma_wait3A_206, %dma_wait3A_207] : memref<10000x16xf32, #tpu.memory_space<vmem_shared>> -> memref<10000x16xf32, #tpu.memory_space<vmem_shared>>
    tpu.wait_indirect_dma semaphore(%arg27 : memref<!tpu.dma_semaphore, #tpu.memory_space<semaphore_mem>>) src(%arg20 : memref<40x16xf32, #tpu.memory_space<vmem>>) dst(%dma_wait3A_208 : memref<10000x16xf32, #tpu.memory_space<vmem_shared>>)
    %dma_wait3A_209 = arith.constant 124 : i32
    %dma_wait3A_210 = arith.constant 0 : i32
    %dma_wait3A_211 = tpu.memref_slice %arg13[%dma_wait3A_209, %dma_wait3A_210] : memref<125x40xi32, #tpu.memory_space<vmem>> -> memref<1x40xi32, #tpu.memory_space<vmem>>
    %dma_wait3A_212 = tpu.memref_squeeze %dma_wait3A_211 : memref<1x40xi32, #tpu.memory_space<vmem>> -> memref<40xi32, #tpu.memory_space<vmem>>
    %dma_wait3A_213 = arith.constant 0 : i32
    %dma_wait3A_214 = arith.constant 0 : i32
    %dma_wait3A_215 = tpu.memref_slice %arg10[%dma_wait3A_213, %dma_wait3A_214] : memref<10000x128xf32, #tpu.memory_space<vmem_shared>> -> memref<10000x128xf32, #tpu.memory_space<vmem_shared>>
    tpu.wait_indirect_dma semaphore(%arg27 : memref<!tpu.dma_semaphore, #tpu.memory_space<semaphore_mem>>) src(%arg22 : memref<40x128xf32, #tpu.memory_space<vmem>>) dst(%dma_wait3A_215 : memref<10000x128xf32, #tpu.memory_space<vmem_shared>>)
    "tpu.region"() ({
      %run_scoped3A_355 = tpu.sem_alloc : memref<!tpu.dma_semaphore, #tpu.memory_space<semaphore_mem>>
      %dma_start3A_356 = arith.constant 125 : i32
      %dma_start3A_357 = arith.constant 0 : i32
      %dma_start3A_358 = tpu.memref_slice %arg2[%add3A, %dma_start3A_356, %dma_start3A_357] : memref<32x250x40xi32, #tpu.memory_space<hbm>> -> memref<1x125x40xi32, #tpu.memory_space<hbm>>
      %dma_start3A_359 = tpu.memref_squeeze %dma_start3A_358 : memref<1x125x40xi32, #tpu.memory_space<hbm>> -> memref<125x40xi32, #tpu.memory_space<hbm>>
      %dma_start3A_360 = arith.constant 125 : i32
      %dma_start3A_361 = arith.constant 0 : i32
      %dma_start3A_362 = tpu.memref_slice %arg2[%add3A, %dma_start3A_360, %dma_start3A_361] : memref<32x250x40xi32, #tpu.memory_space<hbm>> -> memref<1x125x40xi32, #tpu.memory_space<hbm>>
      %dma_start3A_363 = tpu.memref_squeeze %dma_start3A_362 : memref<1x125x40xi32, #tpu.memory_space<hbm>> -> memref<125x40xi32, #tpu.memory_space<hbm>>
      tpu.enqueue_dma source(%dma_start3A_363 : memref<125x40xi32, #tpu.memory_space<hbm>>) target(%arg12 : memref<125x40xi32, #tpu.memory_space<vmem>>) target_semaphore(%run_scoped3A_355 : memref<!tpu.dma_semaphore, #tpu.memory_space<semaphore_mem>>)
      %dma_wait3A_364 = arith.constant 125 : i32
      %dma_wait3A_365 = arith.constant 0 : i32
      %dma_wait3A_366 = tpu.memref_slice %arg2[%add3A, %dma_wait3A_364, %dma_wait3A_365] : memref<32x250x40xi32, #tpu.memory_space<hbm>> -> memref<1x125x40xi32, #tpu.memory_space<hbm>>
      %dma_wait3A_367 = tpu.memref_squeeze %dma_wait3A_366 : memref<1x125x40xi32, #tpu.memory_space<hbm>> -> memref<125x40xi32, #tpu.memory_space<hbm>>
      %dma_wait3A_368 = arith.constant 125 : i32
      %dma_wait3A_369 = arith.constant 0 : i32
      %dma_wait3A_370 = tpu.memref_slice %arg2[%add3A, %dma_wait3A_368, %dma_wait3A_369] : memref<32x250x40xi32, #tpu.memory_space<hbm>> -> memref<1x125x40xi32, #tpu.memory_space<hbm>>
      %dma_wait3A_371 = tpu.memref_squeeze %dma_wait3A_370 : memref<1x125x40xi32, #tpu.memory_space<hbm>> -> memref<125x40xi32, #tpu.memory_space<hbm>>
      tpu.wait_dma2 semaphore(%run_scoped3A_355 : memref<!tpu.dma_semaphore, #tpu.memory_space<semaphore_mem>>) src(%dma_wait3A_371 : memref<125x40xi32, #tpu.memory_space<hbm>>) dst(%arg12 : memref<125x40xi32, #tpu.memory_space<vmem>>)
      tpu.yield
    }) : () -> ()
    "tpu.region"() ({
      %run_scoped3A_355 = tpu.sem_alloc : memref<!tpu.dma_semaphore, #tpu.memory_space<semaphore_mem>>
      %dma_start3A_356 = arith.constant 125 : i32
      %dma_start3A_357 = arith.constant 0 : i32
      %dma_start3A_358 = tpu.memref_slice %arg3[%add3A, %dma_start3A_356, %dma_start3A_357] : memref<32x250x40xi32, #tpu.memory_space<hbm>> -> memref<1x125x40xi32, #tpu.memory_space<hbm>>
      %dma_start3A_359 = tpu.memref_squeeze %dma_start3A_358 : memref<1x125x40xi32, #tpu.memory_space<hbm>> -> memref<125x40xi32, #tpu.memory_space<hbm>>
      %dma_start3A_360 = arith.constant 125 : i32
      %dma_start3A_361 = arith.constant 0 : i32
      %dma_start3A_362 = tpu.memref_slice %arg3[%add3A, %dma_start3A_360, %dma_start3A_361] : memref<32x250x40xi32, #tpu.memory_space<hbm>> -> memref<1x125x40xi32, #tpu.memory_space<hbm>>
      %dma_start3A_363 = tpu.memref_squeeze %dma_start3A_362 : memref<1x125x40xi32, #tpu.memory_space<hbm>> -> memref<125x40xi32, #tpu.memory_space<hbm>>
      tpu.enqueue_dma source(%dma_start3A_363 : memref<125x40xi32, #tpu.memory_space<hbm>>) target(%arg13 : memref<125x40xi32, #tpu.memory_space<vmem>>) target_semaphore(%run_scoped3A_355 : memref<!tpu.dma_semaphore, #tpu.memory_space<semaphore_mem>>)
      %dma_wait3A_364 = arith.constant 125 : i32
      %dma_wait3A_365 = arith.constant 0 : i32
      %dma_wait3A_366 = tpu.memref_slice %arg3[%add3A, %dma_wait3A_364, %dma_wait3A_365] : memref<32x250x40xi32, #tpu.memory_space<hbm>> -> memref<1x125x40xi32, #tpu.memory_space<hbm>>
      %dma_wait3A_367 = tpu.memref_squeeze %dma_wait3A_366 : memref<1x125x40xi32, #tpu.memory_space<hbm>> -> memref<125x40xi32, #tpu.memory_space<hbm>>
      %dma_wait3A_368 = arith.constant 125 : i32
      %dma_wait3A_369 = arith.constant 0 : i32
      %dma_wait3A_370 = tpu.memref_slice %arg3[%add3A, %dma_wait3A_368, %dma_wait3A_369] : memref<32x250x40xi32, #tpu.memory_space<hbm>> -> memref<1x125x40xi32, #tpu.memory_space<hbm>>
      %dma_wait3A_371 = tpu.memref_squeeze %dma_wait3A_370 : memref<1x125x40xi32, #tpu.memory_space<hbm>> -> memref<125x40xi32, #tpu.memory_space<hbm>>
      tpu.wait_dma2 semaphore(%run_scoped3A_355 : memref<!tpu.dma_semaphore, #tpu.memory_space<semaphore_mem>>) src(%dma_wait3A_371 : memref<125x40xi32, #tpu.memory_space<hbm>>) dst(%arg13 : memref<125x40xi32, #tpu.memory_space<vmem>>)
      tpu.yield
    }) : () -> ()
    %dma_start3A_216 = arith.constant 0 : i32
    %dma_start3A_217 = arith.constant 0 : i32
    %dma_start3A_218 = tpu.memref_slice %arg12[%dma_start3A_216, %dma_start3A_217] : memref<125x40xi32, #tpu.memory_space<vmem>> -> memref<1x40xi32, #tpu.memory_space<vmem>>
    %dma_start3A_219 = tpu.memref_squeeze %dma_start3A_218 : memref<1x40xi32, #tpu.memory_space<vmem>> -> memref<40xi32, #tpu.memory_space<vmem>>
    %dma_start3A_220 = arith.constant 0 : i32
    %dma_start3A_221 = arith.constant 0 : i32
    %dma_start3A_222 = tpu.memref_slice %arg4[%dma_start3A_220, %dma_start3A_221] : memref<10000x16xf32, #tpu.memory_space<hbm>> -> memref<10000x16xf32, #tpu.memory_space<hbm>>
    tpu.enqueue_indirect_dma source(%dma_start3A_222 : memref<10000x16xf32, #tpu.memory_space<hbm>>) target(%arg14 : memref<40x16xf32, #tpu.memory_space<vmem>>) offsets(%dma_start3A_219 : memref<40xi32, #tpu.memory_space<vmem>>) semaphore(%arg25 : memref<!tpu.dma_semaphore, #tpu.memory_space<semaphore_mem>>)
    %dma_start3A_223 = arith.constant 0 : i32
    %dma_start3A_224 = arith.constant 0 : i32
    %dma_start3A_225 = tpu.memref_slice %arg13[%dma_start3A_223, %dma_start3A_224] : memref<125x40xi32, #tpu.memory_space<vmem>> -> memref<1x40xi32, #tpu.memory_space<vmem>>
    %dma_start3A_226 = tpu.memref_squeeze %dma_start3A_225 : memref<1x40xi32, #tpu.memory_space<vmem>> -> memref<40xi32, #tpu.memory_space<vmem>>
    %dma_start3A_227 = arith.constant 0 : i32
    %dma_start3A_228 = arith.constant 0 : i32
    %dma_start3A_229 = tpu.memref_slice %arg5[%dma_start3A_227, %dma_start3A_228] : memref<10000x16xf32, #tpu.memory_space<hbm>> -> memref<10000x16xf32, #tpu.memory_space<hbm>>
    tpu.enqueue_indirect_dma source(%dma_start3A_229 : memref<10000x16xf32, #tpu.memory_space<hbm>>) target(%arg16 : memref<40x16xf32, #tpu.memory_space<vmem>>) offsets(%dma_start3A_226 : memref<40xi32, #tpu.memory_space<vmem>>) semaphore(%arg25 : memref<!tpu.dma_semaphore, #tpu.memory_space<semaphore_mem>>)
    %dma_start3A_230 = arith.constant 0 : i32
    %dma_start3A_231 = arith.constant 0 : i32
    %dma_start3A_232 = tpu.memref_slice %arg12[%dma_start3A_230, %dma_start3A_231] : memref<125x40xi32, #tpu.memory_space<vmem>> -> memref<1x40xi32, #tpu.memory_space<vmem>>
    %dma_start3A_233 = tpu.memref_squeeze %dma_start3A_232 : memref<1x40xi32, #tpu.memory_space<vmem>> -> memref<40xi32, #tpu.memory_space<vmem>>
    %dma_start3A_234 = arith.constant 0 : i32
    %dma_start3A_235 = arith.constant 0 : i32
    %dma_start3A_236 = tpu.memref_slice %arg6[%dma_start3A_234, %dma_start3A_235] : memref<10000x128xf32, #tpu.memory_space<hbm>> -> memref<10000x128xf32, #tpu.memory_space<hbm>>
    tpu.enqueue_indirect_dma source(%dma_start3A_236 : memref<10000x128xf32, #tpu.memory_space<hbm>>) target(%arg18 : memref<40x128xf32, #tpu.memory_space<vmem>>) offsets(%dma_start3A_233 : memref<40xi32, #tpu.memory_space<vmem>>) semaphore(%arg25 : memref<!tpu.dma_semaphore, #tpu.memory_space<semaphore_mem>>)
    %dma_start3A_237 = arith.constant 1 : i32
    %dma_start3A_238 = arith.constant 0 : i32
    %dma_start3A_239 = tpu.memref_slice %arg12[%dma_start3A_237, %dma_start3A_238] : memref<125x40xi32, #tpu.memory_space<vmem>> -> memref<1x40xi32, #tpu.memory_space<vmem>>
    %dma_start3A_240 = tpu.memref_squeeze %dma_start3A_239 : memref<1x40xi32, #tpu.memory_space<vmem>> -> memref<40xi32, #tpu.memory_space<vmem>>
    %dma_start3A_241 = arith.constant 0 : i32
    %dma_start3A_242 = arith.constant 0 : i32
    %dma_start3A_243 = tpu.memref_slice %arg4[%dma_start3A_241, %dma_start3A_242] : memref<10000x16xf32, #tpu.memory_space<hbm>> -> memref<10000x16xf32, #tpu.memory_space<hbm>>
    tpu.enqueue_indirect_dma source(%dma_start3A_243 : memref<10000x16xf32, #tpu.memory_space<hbm>>) target(%arg15 : memref<40x16xf32, #tpu.memory_space<vmem>>) offsets(%dma_start3A_240 : memref<40xi32, #tpu.memory_space<vmem>>) semaphore(%arg26 : memref<!tpu.dma_semaphore, #tpu.memory_space<semaphore_mem>>)
    %dma_start3A_244 = arith.constant 1 : i32
    %dma_start3A_245 = arith.constant 0 : i32
    %dma_start3A_246 = tpu.memref_slice %arg13[%dma_start3A_244, %dma_start3A_245] : memref<125x40xi32, #tpu.memory_space<vmem>> -> memref<1x40xi32, #tpu.memory_space<vmem>>
    %dma_start3A_247 = tpu.memref_squeeze %dma_start3A_246 : memref<1x40xi32, #tpu.memory_space<vmem>> -> memref<40xi32, #tpu.memory_space<vmem>>
    %dma_start3A_248 = arith.constant 0 : i32
    %dma_start3A_249 = arith.constant 0 : i32
    %dma_start3A_250 = tpu.memref_slice %arg5[%dma_start3A_248, %dma_start3A_249] : memref<10000x16xf32, #tpu.memory_space<hbm>> -> memref<10000x16xf32, #tpu.memory_space<hbm>>
    tpu.enqueue_indirect_dma source(%dma_start3A_250 : memref<10000x16xf32, #tpu.memory_space<hbm>>) target(%arg17 : memref<40x16xf32, #tpu.memory_space<vmem>>) offsets(%dma_start3A_247 : memref<40xi32, #tpu.memory_space<vmem>>) semaphore(%arg26 : memref<!tpu.dma_semaphore, #tpu.memory_space<semaphore_mem>>)
    %dma_start3A_251 = arith.constant 1 : i32
    %dma_start3A_252 = arith.constant 0 : i32
    %dma_start3A_253 = tpu.memref_slice %arg12[%dma_start3A_251, %dma_start3A_252] : memref<125x40xi32, #tpu.memory_space<vmem>> -> memref<1x40xi32, #tpu.memory_space<vmem>>
    %dma_start3A_254 = tpu.memref_squeeze %dma_start3A_253 : memref<1x40xi32, #tpu.memory_space<vmem>> -> memref<40xi32, #tpu.memory_space<vmem>>
    %dma_start3A_255 = arith.constant 0 : i32
    %dma_start3A_256 = arith.constant 0 : i32
    %dma_start3A_257 = tpu.memref_slice %arg6[%dma_start3A_255, %dma_start3A_256] : memref<10000x128xf32, #tpu.memory_space<hbm>> -> memref<10000x128xf32, #tpu.memory_space<hbm>>
    tpu.enqueue_indirect_dma source(%dma_start3A_257 : memref<10000x128xf32, #tpu.memory_space<hbm>>) target(%arg19 : memref<40x128xf32, #tpu.memory_space<vmem>>) offsets(%dma_start3A_254 : memref<40xi32, #tpu.memory_space<vmem>>) semaphore(%arg26 : memref<!tpu.dma_semaphore, #tpu.memory_space<semaphore_mem>>)
    %scan3A_258 = arith.constant 0 : i32
    %scan3A_259 = arith.constant 0 : i32
    %scan3A_260 = arith.constant 62 : i32
    %scan3A_261 = arith.addi %scan3A_259, %scan3A_260 : i32
    %scan3A_262 = arith.constant 1 : i32
    %scan3A_263 = scf.for %scan3A_355 = %scan3A_259 to %scan3A_261 step %scan3A_262 iter_args(%scan3A_356 = %scan3A_258) -> (i32)  : i32 {
      %mul3A_357 = arith.constant 2 : i32
      %mul3A_358 = arith.muli %mul3A_357, %scan3A_355 : i32
      %add3A_359 = arith.constant 0 : i32
      %add3A_360 = arith.addi %mul3A_358, %add3A_359 : i32
      %dma_wait3A_361 = arith.constant 0 : i32
      %dma_wait3A_362 = tpu.memref_slice %arg12[%add3A_360, %dma_wait3A_361] : memref<125x40xi32, #tpu.memory_space<vmem>> -> memref<1x40xi32, #tpu.memory_space<vmem>>
      %dma_wait3A_363 = tpu.memref_squeeze %dma_wait3A_362 : memref<1x40xi32, #tpu.memory_space<vmem>> -> memref<40xi32, #tpu.memory_space<vmem>>
      %dma_wait3A_364 = arith.constant 0 : i32
      %dma_wait3A_365 = arith.constant 0 : i32
      %dma_wait3A_366 = tpu.memref_slice %arg4[%dma_wait3A_364, %dma_wait3A_365] : memref<10000x16xf32, #tpu.memory_space<hbm>> -> memref<10000x16xf32, #tpu.memory_space<hbm>>
      tpu.wait_indirect_dma semaphore(%arg25 : memref<!tpu.dma_semaphore, #tpu.memory_space<semaphore_mem>>) src(%dma_wait3A_366 : memref<10000x16xf32, #tpu.memory_space<hbm>>) dst(%arg14 : memref<40x16xf32, #tpu.memory_space<vmem>>)
      %dma_wait3A_367 = arith.constant 0 : i32
      %dma_wait3A_368 = tpu.memref_slice %arg13[%add3A_360, %dma_wait3A_367] : memref<125x40xi32, #tpu.memory_space<vmem>> -> memref<1x40xi32, #tpu.memory_space<vmem>>
      %dma_wait3A_369 = tpu.memref_squeeze %dma_wait3A_368 : memref<1x40xi32, #tpu.memory_space<vmem>> -> memref<40xi32, #tpu.memory_space<vmem>>
      %dma_wait3A_370 = arith.constant 0 : i32
      %dma_wait3A_371 = arith.constant 0 : i32
      %dma_wait3A_372 = tpu.memref_slice %arg5[%dma_wait3A_370, %dma_wait3A_371] : memref<10000x16xf32, #tpu.memory_space<hbm>> -> memref<10000x16xf32, #tpu.memory_space<hbm>>
      tpu.wait_indirect_dma semaphore(%arg25 : memref<!tpu.dma_semaphore, #tpu.memory_space<semaphore_mem>>) src(%dma_wait3A_372 : memref<10000x16xf32, #tpu.memory_space<hbm>>) dst(%arg16 : memref<40x16xf32, #tpu.memory_space<vmem>>)
      %dma_wait3A_373 = arith.constant 0 : i32
      %dma_wait3A_374 = tpu.memref_slice %arg12[%add3A_360, %dma_wait3A_373] : memref<125x40xi32, #tpu.memory_space<vmem>> -> memref<1x40xi32, #tpu.memory_space<vmem>>
      %dma_wait3A_375 = tpu.memref_squeeze %dma_wait3A_374 : memref<1x40xi32, #tpu.memory_space<vmem>> -> memref<40xi32, #tpu.memory_space<vmem>>
      %dma_wait3A_376 = arith.constant 0 : i32
      %dma_wait3A_377 = arith.constant 0 : i32
      %dma_wait3A_378 = tpu.memref_slice %arg6[%dma_wait3A_376, %dma_wait3A_377] : memref<10000x128xf32, #tpu.memory_space<hbm>> -> memref<10000x128xf32, #tpu.memory_space<hbm>>
      tpu.wait_indirect_dma semaphore(%arg25 : memref<!tpu.dma_semaphore, #tpu.memory_space<semaphore_mem>>) src(%dma_wait3A_378 : memref<10000x128xf32, #tpu.memory_space<hbm>>) dst(%arg18 : memref<40x128xf32, #tpu.memory_space<vmem>>)
      %ge3A = arith.constant 2 : i32
      %ge3A_379 = arith.cmpi sge, %add3A_360, %ge3A : i32
      %convert_element_type3A_380 = arith.extui %ge3A_379 : i1 to i32
      %cond3A_381 = arith.constant 0 : i32
      %cond3A_382 = arith.cmpi ne, %convert_element_type3A_380, %cond3A_381 : i32
      scf.if %cond3A_382 {
        %sub3A = arith.constant 2 : i32
        %sub3A_458 = arith.subi %add3A_360, %sub3A : i32
        %dma_wait3A_459 = arith.constant 0 : i32
        %dma_wait3A_460 = tpu.memref_slice %arg13[%sub3A_458, %dma_wait3A_459] : memref<125x40xi32, #tpu.memory_space<vmem>> -> memref<1x40xi32, #tpu.memory_space<vmem>>
        %dma_wait3A_461 = tpu.memref_squeeze %dma_wait3A_460 : memref<1x40xi32, #tpu.memory_space<vmem>> -> memref<40xi32, #tpu.memory_space<vmem>>
        %dma_wait3A_462 = arith.constant 0 : i32
        %dma_wait3A_463 = arith.constant 0 : i32
        %dma_wait3A_464 = tpu.memref_slice %arg11[%dma_wait3A_462, %dma_wait3A_463] : memref<10000x16xf32, #tpu.memory_space<vmem_shared>> -> memref<10000x16xf32, #tpu.memory_space<vmem_shared>>
        tpu.wait_indirect_dma semaphore(%arg27 : memref<!tpu.dma_semaphore, #tpu.memory_space<semaphore_mem>>) src(%arg20 : memref<40x16xf32, #tpu.memory_space<vmem>>) dst(%dma_wait3A_464 : memref<10000x16xf32, #tpu.memory_space<vmem_shared>>)
        %dma_wait3A_465 = arith.constant 0 : i32
        %dma_wait3A_466 = tpu.memref_slice %arg13[%sub3A_458, %dma_wait3A_465] : memref<125x40xi32, #tpu.memory_space<vmem>> -> memref<1x40xi32, #tpu.memory_space<vmem>>
        %dma_wait3A_467 = tpu.memref_squeeze %dma_wait3A_466 : memref<1x40xi32, #tpu.memory_space<vmem>> -> memref<40xi32, #tpu.memory_space<vmem>>
        %dma_wait3A_468 = arith.constant 0 : i32
        %dma_wait3A_469 = arith.constant 0 : i32
        %dma_wait3A_470 = tpu.memref_slice %arg10[%dma_wait3A_468, %dma_wait3A_469] : memref<10000x128xf32, #tpu.memory_space<vmem_shared>> -> memref<10000x128xf32, #tpu.memory_space<vmem_shared>>
        tpu.wait_indirect_dma semaphore(%arg27 : memref<!tpu.dma_semaphore, #tpu.memory_space<semaphore_mem>>) src(%arg22 : memref<40x128xf32, #tpu.memory_space<vmem>>) dst(%dma_wait3A_470 : memref<10000x128xf32, #tpu.memory_space<vmem_shared>>)
      } else {
      }
      %scan3A_383 = arith.constant 0 : i32
      %scan3A_384 = arith.constant 0 : i32
      %scan3A_385 = arith.constant 20 : i32
      %scan3A_386 = arith.addi %scan3A_384, %scan3A_385 : i32
      %scan3A_387 = arith.constant 1 : i32
      %scan3A_388 = scf.for %scan3A_458 = %scan3A_384 to %scan3A_386 step %scan3A_387 iter_args(%scan3A_459 = %scan3A_383) -> (i32)  : i32 {
        %mul3A_460 = arith.constant 2 : i32
        %mul3A_461 = arith.muli %mul3A_460, %scan3A_458 : i32
        %add3A_462 = arith.constant 0 : i32
        %add3A_463 = arith.addi %mul3A_461, %add3A_462 : i32
        %get3A_464 = arith.index_cast %add3A_463 : i32 to index
        %get3A_465 = arith.constant 0 : index
        %get3A_466 = tpu.vector_load %arg14[%get3A_464, %get3A_465] {strides = array<i32>} : memref<40x16xf32, #tpu.memory_space<vmem>>, vector<1x16xf32>,
        %get3A_467 = vector.shape_cast %get3A_466 : vector<1x16xf32> to vector<16xf32>
        %add3A_468 = arith.constant 0 : i32
        %add3A_469 = arith.addi %mul3A_461, %add3A_468 : i32
        %get3A_470 = arith.index_cast %add3A_469 : i32 to index
        %get3A_471 = arith.constant 0 : index
        %get3A_472 = tpu.vector_load %arg16[%get3A_470, %get3A_471] {strides = array<i32>} : memref<40x16xf32, #tpu.memory_space<vmem>>, vector<1x16xf32>,
        %get3A_473 = vector.shape_cast %get3A_472 : vector<1x16xf32> to vector<16xf32>
        %add3A_474 = arith.addf %get3A_467, %get3A_473 : vector<16xf32>
        %add3A_475 = arith.constant 1 : i32
        %add3A_476 = arith.addi %mul3A_461, %add3A_475 : i32
        %get3A_477 = arith.index_cast %add3A_476 : i32 to index
        %get3A_478 = arith.constant 0 : index
        %get3A_479 = tpu.vector_load %arg14[%get3A_477, %get3A_478] {strides = array<i32>} : memref<40x16xf32, #tpu.memory_space<vmem>>, vector<1x16xf32>,
        %get3A_480 = vector.shape_cast %get3A_479 : vector<1x16xf32> to vector<16xf32>
        %add3A_481 = arith.constant 1 : i32
        %add3A_482 = arith.addi %mul3A_461, %add3A_481 : i32
        %get3A_483 = arith.index_cast %add3A_482 : i32 to index
        %get3A_484 = arith.constant 0 : index
        %get3A_485 = tpu.vector_load %arg16[%get3A_483, %get3A_484] {strides = array<i32>} : memref<40x16xf32, #tpu.memory_space<vmem>>, vector<1x16xf32>,
        %get3A_486 = vector.shape_cast %get3A_485 : vector<1x16xf32> to vector<16xf32>
        %add3A_487 = arith.addf %get3A_480, %get3A_486 : vector<16xf32>
        %add3A_488 = arith.constant 0 : i32
        %add3A_489 = arith.addi %mul3A_461, %add3A_488 : i32
        %get3A_490 = arith.index_cast %add3A_489 : i32 to index
        %get3A_491 = arith.constant 0 : index
        %get3A_492 = tpu.vector_load %arg18[%get3A_490, %get3A_491] {strides = array<i32>} : memref<40x128xf32, #tpu.memory_space<vmem>>, vector<1x16xf32>,
        %get3A_493 = vector.shape_cast %get3A_492 : vector<1x16xf32> to vector<16xf32>
        %add3A_494 = arith.constant 0 : i32
        %add3A_495 = arith.addi %mul3A_461, %add3A_494 : i32
        %get3A_496 = arith.index_cast %add3A_495 : i32 to index
        %get3A_497 = arith.constant 16 : index
        %get3A_498 = tpu.vector_load %arg18[%get3A_496, %get3A_497] {strides = array<i32>} : memref<40x128xf32, #tpu.memory_space<vmem>>, vector<1x16xf32>,
        %get3A_499 = vector.shape_cast %get3A_498 : vector<1x16xf32> to vector<16xf32>
        %add3A_500 = arith.constant 0 : i32
        %add3A_501 = arith.addi %mul3A_461, %add3A_500 : i32
        %get3A_502 = arith.index_cast %add3A_501 : i32 to index
        %get3A_503 = arith.constant 32 : index
        %get3A_504 = tpu.vector_load %arg18[%get3A_502, %get3A_503] {strides = array<i32>} : memref<40x128xf32, #tpu.memory_space<vmem>>, vector<1x16xf32>,
        %get3A_505 = vector.shape_cast %get3A_504 : vector<1x16xf32> to vector<16xf32>
        %add3A_506 = arith.constant 0 : i32
        %add3A_507 = arith.addi %mul3A_461, %add3A_506 : i32
        %get3A_508 = arith.index_cast %add3A_507 : i32 to index
        %get3A_509 = arith.constant 48 : index
        %get3A_510 = tpu.vector_load %arg18[%get3A_508, %get3A_509] {strides = array<i32>} : memref<40x128xf32, #tpu.memory_space<vmem>>, vector<1x16xf32>,
        %get3A_511 = vector.shape_cast %get3A_510 : vector<1x16xf32> to vector<16xf32>
        %add3A_512 = arith.constant 0 : i32
        %add3A_513 = arith.addi %mul3A_461, %add3A_512 : i32
        %get3A_514 = arith.index_cast %add3A_513 : i32 to index
        %get3A_515 = arith.constant 64 : index
        %get3A_516 = tpu.vector_load %arg18[%get3A_514, %get3A_515] {strides = array<i32>} : memref<40x128xf32, #tpu.memory_space<vmem>>, vector<1x16xf32>,
        %get3A_517 = vector.shape_cast %get3A_516 : vector<1x16xf32> to vector<16xf32>
        %add3A_518 = arith.constant 0 : i32
        %add3A_519 = arith.addi %mul3A_461, %add3A_518 : i32
        %get3A_520 = arith.index_cast %add3A_519 : i32 to index
        %get3A_521 = arith.constant 80 : index
        %get3A_522 = tpu.vector_load %arg18[%get3A_520, %get3A_521] {strides = array<i32>} : memref<40x128xf32, #tpu.memory_space<vmem>>, vector<1x16xf32>,
        %get3A_523 = vector.shape_cast %get3A_522 : vector<1x16xf32> to vector<16xf32>
        %add3A_524 = arith.constant 0 : i32
        %add3A_525 = arith.addi %mul3A_461, %add3A_524 : i32
        %get3A_526 = arith.index_cast %add3A_525 : i32 to index
        %get3A_527 = arith.constant 96 : index
        %get3A_528 = tpu.vector_load %arg18[%get3A_526, %get3A_527] {strides = array<i32>} : memref<40x128xf32, #tpu.memory_space<vmem>>, vector<1x16xf32>,
        %get3A_529 = vector.shape_cast %get3A_528 : vector<1x16xf32> to vector<16xf32>
        %add3A_530 = arith.constant 0 : i32
        %add3A_531 = arith.addi %mul3A_461, %add3A_530 : i32
        %get3A_532 = arith.index_cast %add3A_531 : i32 to index
        %get3A_533 = arith.constant 112 : index
        %get3A_534 = tpu.vector_load %arg18[%get3A_532, %get3A_533] {strides = array<i32>} : memref<40x128xf32, #tpu.memory_space<vmem>>, vector<1x16xf32>,
        %get3A_535 = vector.shape_cast %get3A_534 : vector<1x16xf32> to vector<16xf32>
        %add3A_536 = arith.constant 1 : i32
        %add3A_537 = arith.addi %mul3A_461, %add3A_536 : i32
        %get3A_538 = arith.index_cast %add3A_537 : i32 to index
        %get3A_539 = arith.constant 0 : index
        %get3A_540 = tpu.vector_load %arg18[%get3A_538, %get3A_539] {strides = array<i32>} : memref<40x128xf32, #tpu.memory_space<vmem>>, vector<1x16xf32>,
        %get3A_541 = vector.shape_cast %get3A_540 : vector<1x16xf32> to vector<16xf32>
        %add3A_542 = arith.constant 1 : i32
        %add3A_543 = arith.addi %mul3A_461, %add3A_542 : i32
        %get3A_544 = arith.index_cast %add3A_543 : i32 to index
        %get3A_545 = arith.constant 16 : index
        %get3A_546 = tpu.vector_load %arg18[%get3A_544, %get3A_545] {strides = array<i32>} : memref<40x128xf32, #tpu.memory_space<vmem>>, vector<1x16xf32>,
        %get3A_547 = vector.shape_cast %get3A_546 : vector<1x16xf32> to vector<16xf32>
        %add3A_548 = arith.constant 1 : i32
        %add3A_549 = arith.addi %mul3A_461, %add3A_548 : i32
        %get3A_550 = arith.index_cast %add3A_549 : i32 to index
        %get3A_551 = arith.constant 32 : index
        %get3A_552 = tpu.vector_load %arg18[%get3A_550, %get3A_551] {strides = array<i32>} : memref<40x128xf32, #tpu.memory_space<vmem>>, vector<1x16xf32>,
        %get3A_553 = vector.shape_cast %get3A_552 : vector<1x16xf32> to vector<16xf32>
        %add3A_554 = arith.constant 1 : i32
        %add3A_555 = arith.addi %mul3A_461, %add3A_554 : i32
        %get3A_556 = arith.index_cast %add3A_555 : i32 to index
        %get3A_557 = arith.constant 48 : index
        %get3A_558 = tpu.vector_load %arg18[%get3A_556, %get3A_557] {strides = array<i32>} : memref<40x128xf32, #tpu.memory_space<vmem>>, vector<1x16xf32>,
        %get3A_559 = vector.shape_cast %get3A_558 : vector<1x16xf32> to vector<16xf32>
        %add3A_560 = arith.constant 1 : i32
        %add3A_561 = arith.addi %mul3A_461, %add3A_560 : i32
        %get3A_562 = arith.index_cast %add3A_561 : i32 to index
        %get3A_563 = arith.constant 64 : index
        %get3A_564 = tpu.vector_load %arg18[%get3A_562, %get3A_563] {strides = array<i32>} : memref<40x128xf32, #tpu.memory_space<vmem>>, vector<1x16xf32>,
        %get3A_565 = vector.shape_cast %get3A_564 : vector<1x16xf32> to vector<16xf32>
        %add3A_566 = arith.constant 1 : i32
        %add3A_567 = arith.addi %mul3A_461, %add3A_566 : i32
        %get3A_568 = arith.index_cast %add3A_567 : i32 to index
        %get3A_569 = arith.constant 80 : index
        %get3A_570 = tpu.vector_load %arg18[%get3A_568, %get3A_569] {strides = array<i32>} : memref<40x128xf32, #tpu.memory_space<vmem>>, vector<1x16xf32>,
        %get3A_571 = vector.shape_cast %get3A_570 : vector<1x16xf32> to vector<16xf32>
        %add3A_572 = arith.constant 1 : i32
        %add3A_573 = arith.addi %mul3A_461, %add3A_572 : i32
        %get3A_574 = arith.index_cast %add3A_573 : i32 to index
        %get3A_575 = arith.constant 96 : index
        %get3A_576 = tpu.vector_load %arg18[%get3A_574, %get3A_575] {strides = array<i32>} : memref<40x128xf32, #tpu.memory_space<vmem>>, vector<1x16xf32>,
        %get3A_577 = vector.shape_cast %get3A_576 : vector<1x16xf32> to vector<16xf32>
        %add3A_578 = arith.constant 1 : i32
        %add3A_579 = arith.addi %mul3A_461, %add3A_578 : i32
        %get3A_580 = arith.index_cast %add3A_579 : i32 to index
        %get3A_581 = arith.constant 112 : index
        %get3A_582 = tpu.vector_load %arg18[%get3A_580, %get3A_581] {strides = array<i32>} : memref<40x128xf32, #tpu.memory_space<vmem>>, vector<1x16xf32>,
        %get3A_583 = vector.shape_cast %get3A_582 : vector<1x16xf32> to vector<16xf32>
        %mul3A_584 = arith.constant 2.000000e-01 : f32
        %mul3A_585 = vector.broadcast %mul3A_584 : f32 to vector<16xf32>
        %mul3A_586 = arith.mulf %mul3A_585, %add3A_474 : vector<16xf32>
        %max3A = arith.maximumf %add3A_474, %mul3A_586 : vector<16xf32>
        %sub3A = arith.subf %max3A, %get3A_84 : vector<16xf32>
        %exp3A = math.exp %sub3A : vector<16xf32>
        %mul3A_587 = arith.constant 2.000000e-01 : f32
        %mul3A_588 = vector.broadcast %mul3A_587 : f32 to vector<16xf32>
        %mul3A_589 = arith.mulf %mul3A_588, %add3A_487 : vector<16xf32>
        %max3A_590 = arith.maximumf %add3A_487, %mul3A_589 : vector<16xf32>
        %sub3A_591 = arith.subf %max3A_590, %get3A_84 : vector<16xf32>
        %exp3A_592 = math.exp %sub3A_591 : vector<16xf32>
        %add3A_593 = arith.constant 0 : i32
        %add3A_594 = arith.addi %mul3A_461, %add3A_593 : i32
        %swap3A = arith.index_cast %add3A_594 : i32 to index
        %swap3A_595 = arith.constant 0 : index
        %swap3A_596 = tpu.vector_load %arg20[%swap3A, %swap3A_595] {strides = array<i32>} : memref<40x16xf32, #tpu.memory_space<vmem>>, vector<1x16xf32>,
        %swap3A_597 = vector.shape_cast %swap3A_596 : vector<1x16xf32> to vector<16xf32>
        %swap3A_598 = vector.shape_cast %exp3A : vector<16xf32> to vector<1x16xf32>
        tpu.vector_store %arg20[%swap3A, %swap3A_595], %swap3A_598 {strides = array<i32>} : memref<40x16xf32, #tpu.memory_space<vmem>>, vector<1x16xf32>,
        %add3A_599 = arith.constant 1 : i32
        %add3A_600 = arith.addi %mul3A_461, %add3A_599 : i32
        %swap3A_601 = arith.index_cast %add3A_600 : i32 to index
        %swap3A_602 = arith.constant 0 : index
        %swap3A_603 = tpu.vector_load %arg20[%swap3A_601, %swap3A_602] {strides = array<i32>} : memref<40x16xf32, #tpu.memory_space<vmem>>, vector<1x16xf32>,
        %swap3A_604 = vector.shape_cast %swap3A_603 : vector<1x16xf32> to vector<16xf32>
        %swap3A_605 = vector.shape_cast %exp3A_592 : vector<16xf32> to vector<1x16xf32>
        tpu.vector_store %arg20[%swap3A_601, %swap3A_602], %swap3A_605 {strides = array<i32>} : memref<40x16xf32, #tpu.memory_space<vmem>>, vector<1x16xf32>,
        %slice3A = vector.extract_strided_slice %exp3A {offsets = [0], sizes = [1], strides = [1]} : vector<16xf32> to vector<1xf32>
        %squeeze3A = vector.extract %slice3A[0] : f32 from vector<1xf32>
        %mul3A_606 = vector.broadcast %squeeze3A : f32 to vector<16xf32>
        %mul3A_607 = arith.mulf %get3A_493, %mul3A_606 : vector<16xf32>
        %add3A_608 = arith.constant 0 : i32
        %add3A_609 = arith.addi %mul3A_461, %add3A_608 : i32
        %swap3A_610 = arith.index_cast %add3A_609 : i32 to index
        %swap3A_611 = arith.constant 0 : index
        %swap3A_612 = tpu.vector_load %arg22[%swap3A_610, %swap3A_611] {strides = array<i32>} : memref<40x128xf32, #tpu.memory_space<vmem>>, vector<1x16xf32>,
        %swap3A_613 = vector.shape_cast %swap3A_612 : vector<1x16xf32> to vector<16xf32>
        %swap3A_614 = vector.shape_cast %mul3A_607 : vector<16xf32> to vector<1x16xf32>
        tpu.vector_store %arg22[%swap3A_610, %swap3A_611], %swap3A_614 {strides = array<i32>} : memref<40x128xf32, #tpu.memory_space<vmem>>, vector<1x16xf32>,
        %slice3A_615 = vector.extract_strided_slice %exp3A {offsets = [1], sizes = [1], strides = [1]} : vector<16xf32> to vector<1xf32>
        %squeeze3A_616 = vector.extract %slice3A_615[0] : f32 from vector<1xf32>
        %mul3A_617 = vector.broadcast %squeeze3A_616 : f32 to vector<16xf32>
        %mul3A_618 = arith.mulf %get3A_499, %mul3A_617 : vector<16xf32>
        %add3A_619 = arith.constant 0 : i32
        %add3A_620 = arith.addi %mul3A_461, %add3A_619 : i32
        %swap3A_621 = arith.index_cast %add3A_620 : i32 to index
        %swap3A_622 = arith.constant 16 : index
        %swap3A_623 = tpu.vector_load %arg22[%swap3A_621, %swap3A_622] {strides = array<i32>} : memref<40x128xf32, #tpu.memory_space<vmem>>, vector<1x16xf32>,
        %swap3A_624 = vector.shape_cast %swap3A_623 : vector<1x16xf32> to vector<16xf32>
        %swap3A_625 = vector.shape_cast %mul3A_618 : vector<16xf32> to vector<1x16xf32>
        tpu.vector_store %arg22[%swap3A_621, %swap3A_622], %swap3A_625 {strides = array<i32>} : memref<40x128xf32, #tpu.memory_space<vmem>>, vector<1x16xf32>,
        %slice3A_626 = vector.extract_strided_slice %exp3A {offsets = [2], sizes = [1], strides = [1]} : vector<16xf32> to vector<1xf32>
        %squeeze3A_627 = vector.extract %slice3A_626[0] : f32 from vector<1xf32>
        %mul3A_628 = vector.broadcast %squeeze3A_627 : f32 to vector<16xf32>
        %mul3A_629 = arith.mulf %get3A_505, %mul3A_628 : vector<16xf32>
        %add3A_630 = arith.constant 0 : i32
        %add3A_631 = arith.addi %mul3A_461, %add3A_630 : i32
        %swap3A_632 = arith.index_cast %add3A_631 : i32 to index
        %swap3A_633 = arith.constant 32 : index
        %swap3A_634 = tpu.vector_load %arg22[%swap3A_632, %swap3A_633] {strides = array<i32>} : memref<40x128xf32, #tpu.memory_space<vmem>>, vector<1x16xf32>,
        %swap3A_635 = vector.shape_cast %swap3A_634 : vector<1x16xf32> to vector<16xf32>
        %swap3A_636 = vector.shape_cast %mul3A_629 : vector<16xf32> to vector<1x16xf32>
        tpu.vector_store %arg22[%swap3A_632, %swap3A_633], %swap3A_636 {strides = array<i32>} : memref<40x128xf32, #tpu.memory_space<vmem>>, vector<1x16xf32>,
        %slice3A_637 = vector.extract_strided_slice %exp3A {offsets = [3], sizes = [1], strides = [1]} : vector<16xf32> to vector<1xf32>
        %squeeze3A_638 = vector.extract %slice3A_637[0] : f32 from vector<1xf32>
        %mul3A_639 = vector.broadcast %squeeze3A_638 : f32 to vector<16xf32>
        %mul3A_640 = arith.mulf %get3A_511, %mul3A_639 : vector<16xf32>
        %add3A_641 = arith.constant 0 : i32
        %add3A_642 = arith.addi %mul3A_461, %add3A_641 : i32
        %swap3A_643 = arith.index_cast %add3A_642 : i32 to index
        %swap3A_644 = arith.constant 48 : index
        %swap3A_645 = tpu.vector_load %arg22[%swap3A_643, %swap3A_644] {strides = array<i32>} : memref<40x128xf32, #tpu.memory_space<vmem>>, vector<1x16xf32>,
        %swap3A_646 = vector.shape_cast %swap3A_645 : vector<1x16xf32> to vector<16xf32>
        %swap3A_647 = vector.shape_cast %mul3A_640 : vector<16xf32> to vector<1x16xf32>
        tpu.vector_store %arg22[%swap3A_643, %swap3A_644], %swap3A_647 {strides = array<i32>} : memref<40x128xf32, #tpu.memory_space<vmem>>, vector<1x16xf32>,
        %slice3A_648 = vector.extract_strided_slice %exp3A {offsets = [4], sizes = [1], strides = [1]} : vector<16xf32> to vector<1xf32>
        %squeeze3A_649 = vector.extract %slice3A_648[0] : f32 from vector<1xf32>
        %mul3A_650 = vector.broadcast %squeeze3A_649 : f32 to vector<16xf32>
        %mul3A_651 = arith.mulf %get3A_517, %mul3A_650 : vector<16xf32>
        %add3A_652 = arith.constant 0 : i32
        %add3A_653 = arith.addi %mul3A_461, %add3A_652 : i32
        %swap3A_654 = arith.index_cast %add3A_653 : i32 to index
        %swap3A_655 = arith.constant 64 : index
        %swap3A_656 = tpu.vector_load %arg22[%swap3A_654, %swap3A_655] {strides = array<i32>} : memref<40x128xf32, #tpu.memory_space<vmem>>, vector<1x16xf32>,
        %swap3A_657 = vector.shape_cast %swap3A_656 : vector<1x16xf32> to vector<16xf32>
        %swap3A_658 = vector.shape_cast %mul3A_651 : vector<16xf32> to vector<1x16xf32>
        tpu.vector_store %arg22[%swap3A_654, %swap3A_655], %swap3A_658 {strides = array<i32>} : memref<40x128xf32, #tpu.memory_space<vmem>>, vector<1x16xf32>,
        %slice3A_659 = vector.extract_strided_slice %exp3A {offsets = [5], sizes = [1], strides = [1]} : vector<16xf32> to vector<1xf32>
        %squeeze3A_660 = vector.extract %slice3A_659[0] : f32 from vector<1xf32>
        %mul3A_661 = vector.broadcast %squeeze3A_660 : f32 to vector<16xf32>
        %mul3A_662 = arith.mulf %get3A_523, %mul3A_661 : vector<16xf32>
        %add3A_663 = arith.constant 0 : i32
        %add3A_664 = arith.addi %mul3A_461, %add3A_663 : i32
        %swap3A_665 = arith.index_cast %add3A_664 : i32 to index
        %swap3A_666 = arith.constant 80 : index
        %swap3A_667 = tpu.vector_load %arg22[%swap3A_665, %swap3A_666] {strides = array<i32>} : memref<40x128xf32, #tpu.memory_space<vmem>>, vector<1x16xf32>,
        %swap3A_668 = vector.shape_cast %swap3A_667 : vector<1x16xf32> to vector<16xf32>
        %swap3A_669 = vector.shape_cast %mul3A_662 : vector<16xf32> to vector<1x16xf32>
        tpu.vector_store %arg22[%swap3A_665, %swap3A_666], %swap3A_669 {strides = array<i32>} : memref<40x128xf32, #tpu.memory_space<vmem>>, vector<1x16xf32>,
        %slice3A_670 = vector.extract_strided_slice %exp3A {offsets = [6], sizes = [1], strides = [1]} : vector<16xf32> to vector<1xf32>
        %squeeze3A_671 = vector.extract %slice3A_670[0] : f32 from vector<1xf32>
        %mul3A_672 = vector.broadcast %squeeze3A_671 : f32 to vector<16xf32>
        %mul3A_673 = arith.mulf %get3A_529, %mul3A_672 : vector<16xf32>
        %add3A_674 = arith.constant 0 : i32
        %add3A_675 = arith.addi %mul3A_461, %add3A_674 : i32
        %swap3A_676 = arith.index_cast %add3A_675 : i32 to index
        %swap3A_677 = arith.constant 96 : index
        %swap3A_678 = tpu.vector_load %arg22[%swap3A_676, %swap3A_677] {strides = array<i32>} : memref<40x128xf32, #tpu.memory_space<vmem>>, vector<1x16xf32>,
        %swap3A_679 = vector.shape_cast %swap3A_678 : vector<1x16xf32> to vector<16xf32>
        %swap3A_680 = vector.shape_cast %mul3A_673 : vector<16xf32> to vector<1x16xf32>
        tpu.vector_store %arg22[%swap3A_676, %swap3A_677], %swap3A_680 {strides = array<i32>} : memref<40x128xf32, #tpu.memory_space<vmem>>, vector<1x16xf32>,
        %slice3A_681 = vector.extract_strided_slice %exp3A {offsets = [7], sizes = [1], strides = [1]} : vector<16xf32> to vector<1xf32>
        %squeeze3A_682 = vector.extract %slice3A_681[0] : f32 from vector<1xf32>
        %mul3A_683 = vector.broadcast %squeeze3A_682 : f32 to vector<16xf32>
        %mul3A_684 = arith.mulf %get3A_535, %mul3A_683 : vector<16xf32>
        %add3A_685 = arith.constant 0 : i32
        %add3A_686 = arith.addi %mul3A_461, %add3A_685 : i32
        %swap3A_687 = arith.index_cast %add3A_686 : i32 to index
        %swap3A_688 = arith.constant 112 : index
        %swap3A_689 = tpu.vector_load %arg22[%swap3A_687, %swap3A_688] {strides = array<i32>} : memref<40x128xf32, #tpu.memory_space<vmem>>, vector<1x16xf32>,
        %swap3A_690 = vector.shape_cast %swap3A_689 : vector<1x16xf32> to vector<16xf32>
        %swap3A_691 = vector.shape_cast %mul3A_684 : vector<16xf32> to vector<1x16xf32>
        tpu.vector_store %arg22[%swap3A_687, %swap3A_688], %swap3A_691 {strides = array<i32>} : memref<40x128xf32, #tpu.memory_space<vmem>>, vector<1x16xf32>,
        %slice3A_692 = vector.extract_strided_slice %exp3A_592 {offsets = [0], sizes = [1], strides = [1]} : vector<16xf32> to vector<1xf32>
        %squeeze3A_693 = vector.extract %slice3A_692[0] : f32 from vector<1xf32>
        %mul3A_694 = vector.broadcast %squeeze3A_693 : f32 to vector<16xf32>
        %mul3A_695 = arith.mulf %get3A_541, %mul3A_694 : vector<16xf32>
        %add3A_696 = arith.constant 1 : i32
        %add3A_697 = arith.addi %mul3A_461, %add3A_696 : i32
        %swap3A_698 = arith.index_cast %add3A_697 : i32 to index
        %swap3A_699 = arith.constant 0 : index
        %swap3A_700 = tpu.vector_load %arg22[%swap3A_698, %swap3A_699] {strides = array<i32>} : memref<40x128xf32, #tpu.memory_space<vmem>>, vector<1x16xf32>,
        %swap3A_701 = vector.shape_cast %swap3A_700 : vector<1x16xf32> to vector<16xf32>
        %swap3A_702 = vector.shape_cast %mul3A_695 : vector<16xf32> to vector<1x16xf32>
        tpu.vector_store %arg22[%swap3A_698, %swap3A_699], %swap3A_702 {strides = array<i32>} : memref<40x128xf32, #tpu.memory_space<vmem>>, vector<1x16xf32>,
        %slice3A_703 = vector.extract_strided_slice %exp3A_592 {offsets = [1], sizes = [1], strides = [1]} : vector<16xf32> to vector<1xf32>
        %squeeze3A_704 = vector.extract %slice3A_703[0] : f32 from vector<1xf32>
        %mul3A_705 = vector.broadcast %squeeze3A_704 : f32 to vector<16xf32>
        %mul3A_706 = arith.mulf %get3A_547, %mul3A_705 : vector<16xf32>
        %add3A_707 = arith.constant 1 : i32
        %add3A_708 = arith.addi %mul3A_461, %add3A_707 : i32
        %swap3A_709 = arith.index_cast %add3A_708 : i32 to index
        %swap3A_710 = arith.constant 16 : index
        %swap3A_711 = tpu.vector_load %arg22[%swap3A_709, %swap3A_710] {strides = array<i32>} : memref<40x128xf32, #tpu.memory_space<vmem>>, vector<1x16xf32>,
        %swap3A_712 = vector.shape_cast %swap3A_711 : vector<1x16xf32> to vector<16xf32>
        %swap3A_713 = vector.shape_cast %mul3A_706 : vector<16xf32> to vector<1x16xf32>
        tpu.vector_store %arg22[%swap3A_709, %swap3A_710], %swap3A_713 {strides = array<i32>} : memref<40x128xf32, #tpu.memory_space<vmem>>, vector<1x16xf32>,
        %slice3A_714 = vector.extract_strided_slice %exp3A_592 {offsets = [2], sizes = [1], strides = [1]} : vector<16xf32> to vector<1xf32>
        %squeeze3A_715 = vector.extract %slice3A_714[0] : f32 from vector<1xf32>
        %mul3A_716 = vector.broadcast %squeeze3A_715 : f32 to vector<16xf32>
        %mul3A_717 = arith.mulf %get3A_553, %mul3A_716 : vector<16xf32>
        %add3A_718 = arith.constant 1 : i32
        %add3A_719 = arith.addi %mul3A_461, %add3A_718 : i32
        %swap3A_720 = arith.index_cast %add3A_719 : i32 to index
        %swap3A_721 = arith.constant 32 : index
        %swap3A_722 = tpu.vector_load %arg22[%swap3A_720, %swap3A_721] {strides = array<i32>} : memref<40x128xf32, #tpu.memory_space<vmem>>, vector<1x16xf32>,
        %swap3A_723 = vector.shape_cast %swap3A_722 : vector<1x16xf32> to vector<16xf32>
        %swap3A_724 = vector.shape_cast %mul3A_717 : vector<16xf32> to vector<1x16xf32>
        tpu.vector_store %arg22[%swap3A_720, %swap3A_721], %swap3A_724 {strides = array<i32>} : memref<40x128xf32, #tpu.memory_space<vmem>>, vector<1x16xf32>,
        %slice3A_725 = vector.extract_strided_slice %exp3A_592 {offsets = [3], sizes = [1], strides = [1]} : vector<16xf32> to vector<1xf32>
        %squeeze3A_726 = vector.extract %slice3A_725[0] : f32 from vector<1xf32>
        %mul3A_727 = vector.broadcast %squeeze3A_726 : f32 to vector<16xf32>
        %mul3A_728 = arith.mulf %get3A_559, %mul3A_727 : vector<16xf32>
        %add3A_729 = arith.constant 1 : i32
        %add3A_730 = arith.addi %mul3A_461, %add3A_729 : i32
        %swap3A_731 = arith.index_cast %add3A_730 : i32 to index
        %swap3A_732 = arith.constant 48 : index
        %swap3A_733 = tpu.vector_load %arg22[%swap3A_731, %swap3A_732] {strides = array<i32>} : memref<40x128xf32, #tpu.memory_space<vmem>>, vector<1x16xf32>,
        %swap3A_734 = vector.shape_cast %swap3A_733 : vector<1x16xf32> to vector<16xf32>
        %swap3A_735 = vector.shape_cast %mul3A_728 : vector<16xf32> to vector<1x16xf32>
        tpu.vector_store %arg22[%swap3A_731, %swap3A_732], %swap3A_735 {strides = array<i32>} : memref<40x128xf32, #tpu.memory_space<vmem>>, vector<1x16xf32>,
        %slice3A_736 = vector.extract_strided_slice %exp3A_592 {offsets = [4], sizes = [1], strides = [1]} : vector<16xf32> to vector<1xf32>
        %squeeze3A_737 = vector.extract %slice3A_736[0] : f32 from vector<1xf32>
        %mul3A_738 = vector.broadcast %squeeze3A_737 : f32 to vector<16xf32>
        %mul3A_739 = arith.mulf %get3A_565, %mul3A_738 : vector<16xf32>
        %add3A_740 = arith.constant 1 : i32
        %add3A_741 = arith.addi %mul3A_461, %add3A_740 : i32
        %swap3A_742 = arith.index_cast %add3A_741 : i32 to index
        %swap3A_743 = arith.constant 64 : index
        %swap3A_744 = tpu.vector_load %arg22[%swap3A_742, %swap3A_743] {strides = array<i32>} : memref<40x128xf32, #tpu.memory_space<vmem>>, vector<1x16xf32>,
        %swap3A_745 = vector.shape_cast %swap3A_744 : vector<1x16xf32> to vector<16xf32>
        %swap3A_746 = vector.shape_cast %mul3A_739 : vector<16xf32> to vector<1x16xf32>
        tpu.vector_store %arg22[%swap3A_742, %swap3A_743], %swap3A_746 {strides = array<i32>} : memref<40x128xf32, #tpu.memory_space<vmem>>, vector<1x16xf32>,
        %slice3A_747 = vector.extract_strided_slice %exp3A_592 {offsets = [5], sizes = [1], strides = [1]} : vector<16xf32> to vector<1xf32>
        %squeeze3A_748 = vector.extract %slice3A_747[0] : f32 from vector<1xf32>
        %mul3A_749 = vector.broadcast %squeeze3A_748 : f32 to vector<16xf32>
        %mul3A_750 = arith.mulf %get3A_571, %mul3A_749 : vector<16xf32>
        %add3A_751 = arith.constant 1 : i32
        %add3A_752 = arith.addi %mul3A_461, %add3A_751 : i32
        %swap3A_753 = arith.index_cast %add3A_752 : i32 to index
        %swap3A_754 = arith.constant 80 : index
        %swap3A_755 = tpu.vector_load %arg22[%swap3A_753, %swap3A_754] {strides = array<i32>} : memref<40x128xf32, #tpu.memory_space<vmem>>, vector<1x16xf32>,
        %swap3A_756 = vector.shape_cast %swap3A_755 : vector<1x16xf32> to vector<16xf32>
        %swap3A_757 = vector.shape_cast %mul3A_750 : vector<16xf32> to vector<1x16xf32>
        tpu.vector_store %arg22[%swap3A_753, %swap3A_754], %swap3A_757 {strides = array<i32>} : memref<40x128xf32, #tpu.memory_space<vmem>>, vector<1x16xf32>,
        %slice3A_758 = vector.extract_strided_slice %exp3A_592 {offsets = [6], sizes = [1], strides = [1]} : vector<16xf32> to vector<1xf32>
        %squeeze3A_759 = vector.extract %slice3A_758[0] : f32 from vector<1xf32>
        %mul3A_760 = vector.broadcast %squeeze3A_759 : f32 to vector<16xf32>
        %mul3A_761 = arith.mulf %get3A_577, %mul3A_760 : vector<16xf32>
        %add3A_762 = arith.constant 1 : i32
        %add3A_763 = arith.addi %mul3A_461, %add3A_762 : i32
        %swap3A_764 = arith.index_cast %add3A_763 : i32 to index
        %swap3A_765 = arith.constant 96 : index
        %swap3A_766 = tpu.vector_load %arg22[%swap3A_764, %swap3A_765] {strides = array<i32>} : memref<40x128xf32, #tpu.memory_space<vmem>>, vector<1x16xf32>,
        %swap3A_767 = vector.shape_cast %swap3A_766 : vector<1x16xf32> to vector<16xf32>
        %swap3A_768 = vector.shape_cast %mul3A_761 : vector<16xf32> to vector<1x16xf32>
        tpu.vector_store %arg22[%swap3A_764, %swap3A_765], %swap3A_768 {strides = array<i32>} : memref<40x128xf32, #tpu.memory_space<vmem>>, vector<1x16xf32>,
        %slice3A_769 = vector.extract_strided_slice %exp3A_592 {offsets = [7], sizes = [1], strides = [1]} : vector<16xf32> to vector<1xf32>
        %squeeze3A_770 = vector.extract %slice3A_769[0] : f32 from vector<1xf32>
        %mul3A_771 = vector.broadcast %squeeze3A_770 : f32 to vector<16xf32>
        %mul3A_772 = arith.mulf %get3A_583, %mul3A_771 : vector<16xf32>
        %add3A_773 = arith.constant 1 : i32
        %add3A_774 = arith.addi %mul3A_461, %add3A_773 : i32
        %swap3A_775 = arith.index_cast %add3A_774 : i32 to index
        %swap3A_776 = arith.constant 112 : index
        %swap3A_777 = tpu.vector_load %arg22[%swap3A_775, %swap3A_776] {strides = array<i32>} : memref<40x128xf32, #tpu.memory_space<vmem>>, vector<1x16xf32>,
        %swap3A_778 = vector.shape_cast %swap3A_777 : vector<1x16xf32> to vector<16xf32>
        %swap3A_779 = vector.shape_cast %mul3A_772 : vector<16xf32> to vector<1x16xf32>
        tpu.vector_store %arg22[%swap3A_775, %swap3A_776], %swap3A_779 {strides = array<i32>} : memref<40x128xf32, #tpu.memory_space<vmem>>, vector<1x16xf32>,
        %scan3A_780 = arith.constant 0 : i32
        scf.yield %scan3A_780 : i32
      }
      %scan3A_389 = arith.constant 20 : i32
      %dma_start3A_390 = arith.constant 0 : i32
      %dma_start3A_391 = tpu.memref_slice %arg13[%add3A_360, %dma_start3A_390] : memref<125x40xi32, #tpu.memory_space<vmem>> -> memref<1x40xi32, #tpu.memory_space<vmem>>
      %dma_start3A_392 = tpu.memref_squeeze %dma_start3A_391 : memref<1x40xi32, #tpu.memory_space<vmem>> -> memref<40xi32, #tpu.memory_space<vmem>>
      %dma_start3A_393 = arith.constant 0 : i32
      %dma_start3A_394 = arith.constant 0 : i32
      %dma_start3A_395 = tpu.memref_slice %arg11[%dma_start3A_393, %dma_start3A_394] : memref<10000x16xf32, #tpu.memory_space<vmem_shared>> -> memref<10000x16xf32, #tpu.memory_space<vmem_shared>>
      tpu.enqueue_indirect_dma source(%arg20 : memref<40x16xf32, #tpu.memory_space<vmem>>) target(%dma_start3A_395 : memref<10000x16xf32, #tpu.memory_space<vmem_shared>>) offsets(%dma_start3A_392 : memref<40xi32, #tpu.memory_space<vmem>>) semaphore(%arg27 : memref<!tpu.dma_semaphore, #tpu.memory_space<semaphore_mem>>) {add = true}
      %dma_start3A_396 = arith.constant 0 : i32
      %dma_start3A_397 = tpu.memref_slice %arg13[%add3A_360, %dma_start3A_396] : memref<125x40xi32, #tpu.memory_space<vmem>> -> memref<1x40xi32, #tpu.memory_space<vmem>>
      %dma_start3A_398 = tpu.memref_squeeze %dma_start3A_397 : memref<1x40xi32, #tpu.memory_space<vmem>> -> memref<40xi32, #tpu.memory_space<vmem>>
      %dma_start3A_399 = arith.constant 0 : i32
      %dma_start3A_400 = arith.constant 0 : i32
      %dma_start3A_401 = tpu.memref_slice %arg10[%dma_start3A_399, %dma_start3A_400] : memref<10000x128xf32, #tpu.memory_space<vmem_shared>> -> memref<10000x128xf32, #tpu.memory_space<vmem_shared>>
      tpu.enqueue_indirect_dma source(%arg22 : memref<40x128xf32, #tpu.memory_space<vmem>>) target(%dma_start3A_401 : memref<10000x128xf32, #tpu.memory_space<vmem_shared>>) offsets(%dma_start3A_398 : memref<40xi32, #tpu.memory_space<vmem>>) semaphore(%arg27 : memref<!tpu.dma_semaphore, #tpu.memory_space<semaphore_mem>>) {add = true}
      %lt3A = arith.constant 123 : i32
      %lt3A_402 = arith.cmpi slt, %add3A_360, %lt3A : i32
      %convert_element_type3A_403 = arith.extui %lt3A_402 : i1 to i32
      %cond3A_404 = arith.constant 0 : i32
      %cond3A_405 = arith.cmpi ne, %convert_element_type3A_403, %cond3A_404 : i32
      scf.if %cond3A_405 {
        %add3A_458 = arith.constant 2 : i32
        %add3A_459 = arith.addi %add3A_360, %add3A_458 : i32
        %dma_start3A_460 = arith.constant 0 : i32
        %dma_start3A_461 = tpu.memref_slice %arg12[%add3A_459, %dma_start3A_460] : memref<125x40xi32, #tpu.memory_space<vmem>> -> memref<1x40xi32, #tpu.memory_space<vmem>>
        %dma_start3A_462 = tpu.memref_squeeze %dma_start3A_461 : memref<1x40xi32, #tpu.memory_space<vmem>> -> memref<40xi32, #tpu.memory_space<vmem>>
        %dma_start3A_463 = arith.constant 0 : i32
        %dma_start3A_464 = arith.constant 0 : i32
        %dma_start3A_465 = tpu.memref_slice %arg4[%dma_start3A_463, %dma_start3A_464] : memref<10000x16xf32, #tpu.memory_space<hbm>> -> memref<10000x16xf32, #tpu.memory_space<hbm>>
        tpu.enqueue_indirect_dma source(%dma_start3A_465 : memref<10000x16xf32, #tpu.memory_space<hbm>>) target(%arg14 : memref<40x16xf32, #tpu.memory_space<vmem>>) offsets(%dma_start3A_462 : memref<40xi32, #tpu.memory_space<vmem>>) semaphore(%arg25 : memref<!tpu.dma_semaphore, #tpu.memory_space<semaphore_mem>>)
        %dma_start3A_466 = arith.constant 0 : i32
        %dma_start3A_467 = tpu.memref_slice %arg13[%add3A_459, %dma_start3A_466] : memref<125x40xi32, #tpu.memory_space<vmem>> -> memref<1x40xi32, #tpu.memory_space<vmem>>
        %dma_start3A_468 = tpu.memref_squeeze %dma_start3A_467 : memref<1x40xi32, #tpu.memory_space<vmem>> -> memref<40xi32, #tpu.memory_space<vmem>>
        %dma_start3A_469 = arith.constant 0 : i32
        %dma_start3A_470 = arith.constant 0 : i32
        %dma_start3A_471 = tpu.memref_slice %arg5[%dma_start3A_469, %dma_start3A_470] : memref<10000x16xf32, #tpu.memory_space<hbm>> -> memref<10000x16xf32, #tpu.memory_space<hbm>>
        tpu.enqueue_indirect_dma source(%dma_start3A_471 : memref<10000x16xf32, #tpu.memory_space<hbm>>) target(%arg16 : memref<40x16xf32, #tpu.memory_space<vmem>>) offsets(%dma_start3A_468 : memref<40xi32, #tpu.memory_space<vmem>>) semaphore(%arg25 : memref<!tpu.dma_semaphore, #tpu.memory_space<semaphore_mem>>)
        %dma_start3A_472 = arith.constant 0 : i32
        %dma_start3A_473 = tpu.memref_slice %arg12[%add3A_459, %dma_start3A_472] : memref<125x40xi32, #tpu.memory_space<vmem>> -> memref<1x40xi32, #tpu.memory_space<vmem>>
        %dma_start3A_474 = tpu.memref_squeeze %dma_start3A_473 : memref<1x40xi32, #tpu.memory_space<vmem>> -> memref<40xi32, #tpu.memory_space<vmem>>
        %dma_start3A_475 = arith.constant 0 : i32
        %dma_start3A_476 = arith.constant 0 : i32
        %dma_start3A_477 = tpu.memref_slice %arg6[%dma_start3A_475, %dma_start3A_476] : memref<10000x128xf32, #tpu.memory_space<hbm>> -> memref<10000x128xf32, #tpu.memory_space<hbm>>
        tpu.enqueue_indirect_dma source(%dma_start3A_477 : memref<10000x128xf32, #tpu.memory_space<hbm>>) target(%arg18 : memref<40x128xf32, #tpu.memory_space<vmem>>) offsets(%dma_start3A_474 : memref<40xi32, #tpu.memory_space<vmem>>) semaphore(%arg25 : memref<!tpu.dma_semaphore, #tpu.memory_space<semaphore_mem>>)
      } else {
      }
      %mul3A_406 = arith.constant 2 : i32
      %mul3A_407 = arith.muli %mul3A_406, %scan3A_355 : i32
      %add3A_408 = arith.constant 1 : i32
      %add3A_409 = arith.addi %mul3A_407, %add3A_408 : i32
      %dma_wait3A_410 = arith.constant 0 : i32
      %dma_wait3A_411 = tpu.memref_slice %arg12[%add3A_409, %dma_wait3A_410] : memref<125x40xi32, #tpu.memory_space<vmem>> -> memref<1x40xi32, #tpu.memory_space<vmem>>
      %dma_wait3A_412 = tpu.memref_squeeze %dma_wait3A_411 : memref<1x40xi32, #tpu.memory_space<vmem>> -> memref<40xi32, #tpu.memory_space<vmem>>
      %dma_wait3A_413 = arith.constant 0 : i32
      %dma_wait3A_414 = arith.constant 0 : i32
      %dma_wait3A_415 = tpu.memref_slice %arg4[%dma_wait3A_413, %dma_wait3A_414] : memref<10000x16xf32, #tpu.memory_space<hbm>> -> memref<10000x16xf32, #tpu.memory_space<hbm>>
      tpu.wait_indirect_dma semaphore(%arg26 : memref<!tpu.dma_semaphore, #tpu.memory_space<semaphore_mem>>) src(%dma_wait3A_415 : memref<10000x16xf32, #tpu.memory_space<hbm>>) dst(%arg15 : memref<40x16xf32, #tpu.memory_space<vmem>>)
      %dma_wait3A_416 = arith.constant 0 : i32
      %dma_wait3A_417 = tpu.memref_slice %arg13[%add3A_409, %dma_wait3A_416] : memref<125x40xi32, #tpu.memory_space<vmem>> -> memref<1x40xi32, #tpu.memory_space<vmem>>
      %dma_wait3A_418 = tpu.memref_squeeze %dma_wait3A_417 : memref<1x40xi32, #tpu.memory_space<vmem>> -> memref<40xi32, #tpu.memory_space<vmem>>
      %dma_wait3A_419 = arith.constant 0 : i32
      %dma_wait3A_420 = arith.constant 0 : i32
      %dma_wait3A_421 = tpu.memref_slice %arg5[%dma_wait3A_419, %dma_wait3A_420] : memref<10000x16xf32, #tpu.memory_space<hbm>> -> memref<10000x16xf32, #tpu.memory_space<hbm>>
      tpu.wait_indirect_dma semaphore(%arg26 : memref<!tpu.dma_semaphore, #tpu.memory_space<semaphore_mem>>) src(%dma_wait3A_421 : memref<10000x16xf32, #tpu.memory_space<hbm>>) dst(%arg17 : memref<40x16xf32, #tpu.memory_space<vmem>>)
      %dma_wait3A_422 = arith.constant 0 : i32
      %dma_wait3A_423 = tpu.memref_slice %arg12[%add3A_409, %dma_wait3A_422] : memref<125x40xi32, #tpu.memory_space<vmem>> -> memref<1x40xi32, #tpu.memory_space<vmem>>
      %dma_wait3A_424 = tpu.memref_squeeze %dma_wait3A_423 : memref<1x40xi32, #tpu.memory_space<vmem>> -> memref<40xi32, #tpu.memory_space<vmem>>
      %dma_wait3A_425 = arith.constant 0 : i32
      %dma_wait3A_426 = arith.constant 0 : i32
      %dma_wait3A_427 = tpu.memref_slice %arg6[%dma_wait3A_425, %dma_wait3A_426] : memref<10000x128xf32, #tpu.memory_space<hbm>> -> memref<10000x128xf32, #tpu.memory_space<hbm>>
      tpu.wait_indirect_dma semaphore(%arg26 : memref<!tpu.dma_semaphore, #tpu.memory_space<semaphore_mem>>) src(%dma_wait3A_427 : memref<10000x128xf32, #tpu.memory_space<hbm>>) dst(%arg19 : memref<40x128xf32, #tpu.memory_space<vmem>>)
      %ge3A_428 = arith.constant 2 : i32
      %ge3A_429 = arith.cmpi sge, %add3A_409, %ge3A_428 : i32
      %convert_element_type3A_430 = arith.extui %ge3A_429 : i1 to i32
      %cond3A_431 = arith.constant 0 : i32
      %cond3A_432 = arith.cmpi ne, %convert_element_type3A_430, %cond3A_431 : i32
      scf.if %cond3A_432 {
        %sub3A = arith.constant 2 : i32
        %sub3A_458 = arith.subi %add3A_409, %sub3A : i32
        %dma_wait3A_459 = arith.constant 0 : i32
        %dma_wait3A_460 = tpu.memref_slice %arg13[%sub3A_458, %dma_wait3A_459] : memref<125x40xi32, #tpu.memory_space<vmem>> -> memref<1x40xi32, #tpu.memory_space<vmem>>
        %dma_wait3A_461 = tpu.memref_squeeze %dma_wait3A_460 : memref<1x40xi32, #tpu.memory_space<vmem>> -> memref<40xi32, #tpu.memory_space<vmem>>
        %dma_wait3A_462 = arith.constant 0 : i32
        %dma_wait3A_463 = arith.constant 0 : i32
        %dma_wait3A_464 = tpu.memref_slice %arg11[%dma_wait3A_462, %dma_wait3A_463] : memref<10000x16xf32, #tpu.memory_space<vmem_shared>> -> memref<10000x16xf32, #tpu.memory_space<vmem_shared>>
        tpu.wait_indirect_dma semaphore(%arg28 : memref<!tpu.dma_semaphore, #tpu.memory_space<semaphore_mem>>) src(%arg21 : memref<40x16xf32, #tpu.memory_space<vmem>>) dst(%dma_wait3A_464 : memref<10000x16xf32, #tpu.memory_space<vmem_shared>>)
        %dma_wait3A_465 = arith.constant 0 : i32
        %dma_wait3A_466 = tpu.memref_slice %arg13[%sub3A_458, %dma_wait3A_465] : memref<125x40xi32, #tpu.memory_space<vmem>> -> memref<1x40xi32, #tpu.memory_space<vmem>>
        %dma_wait3A_467 = tpu.memref_squeeze %dma_wait3A_466 : memref<1x40xi32, #tpu.memory_space<vmem>> -> memref<40xi32, #tpu.memory_space<vmem>>
        %dma_wait3A_468 = arith.constant 0 : i32
        %dma_wait3A_469 = arith.constant 0 : i32
        %dma_wait3A_470 = tpu.memref_slice %arg10[%dma_wait3A_468, %dma_wait3A_469] : memref<10000x128xf32, #tpu.memory_space<vmem_shared>> -> memref<10000x128xf32, #tpu.memory_space<vmem_shared>>
        tpu.wait_indirect_dma semaphore(%arg28 : memref<!tpu.dma_semaphore, #tpu.memory_space<semaphore_mem>>) src(%arg23 : memref<40x128xf32, #tpu.memory_space<vmem>>) dst(%dma_wait3A_470 : memref<10000x128xf32, #tpu.memory_space<vmem_shared>>)
      } else {
      }
      %scan3A_433 = arith.constant 0 : i32
      %scan3A_434 = arith.constant 0 : i32
      %scan3A_435 = arith.constant 20 : i32
      %scan3A_436 = arith.addi %scan3A_434, %scan3A_435 : i32
      %scan3A_437 = arith.constant 1 : i32
      %scan3A_438 = scf.for %scan3A_458 = %scan3A_434 to %scan3A_436 step %scan3A_437 iter_args(%scan3A_459 = %scan3A_433) -> (i32)  : i32 {
        %mul3A_460 = arith.constant 2 : i32
        %mul3A_461 = arith.muli %mul3A_460, %scan3A_458 : i32
        %add3A_462 = arith.constant 0 : i32
        %add3A_463 = arith.addi %mul3A_461, %add3A_462 : i32
        %get3A_464 = arith.index_cast %add3A_463 : i32 to index
        %get3A_465 = arith.constant 0 : index
        %get3A_466 = tpu.vector_load %arg15[%get3A_464, %get3A_465] {strides = array<i32>} : memref<40x16xf32, #tpu.memory_space<vmem>>, vector<1x16xf32>,
        %get3A_467 = vector.shape_cast %get3A_466 : vector<1x16xf32> to vector<16xf32>
        %add3A_468 = arith.constant 0 : i32
        %add3A_469 = arith.addi %mul3A_461, %add3A_468 : i32
        %get3A_470 = arith.index_cast %add3A_469 : i32 to index
        %get3A_471 = arith.constant 0 : index
        %get3A_472 = tpu.vector_load %arg17[%get3A_470, %get3A_471] {strides = array<i32>} : memref<40x16xf32, #tpu.memory_space<vmem>>, vector<1x16xf32>,
        %get3A_473 = vector.shape_cast %get3A_472 : vector<1x16xf32> to vector<16xf32>
        %add3A_474 = arith.addf %get3A_467, %get3A_473 : vector<16xf32>
        %add3A_475 = arith.constant 1 : i32
        %add3A_476 = arith.addi %mul3A_461, %add3A_475 : i32
        %get3A_477 = arith.index_cast %add3A_476 : i32 to index
        %get3A_478 = arith.constant 0 : index
        %get3A_479 = tpu.vector_load %arg15[%get3A_477, %get3A_478] {strides = array<i32>} : memref<40x16xf32, #tpu.memory_space<vmem>>, vector<1x16xf32>,
        %get3A_480 = vector.shape_cast %get3A_479 : vector<1x16xf32> to vector<16xf32>
        %add3A_481 = arith.constant 1 : i32
        %add3A_482 = arith.addi %mul3A_461, %add3A_481 : i32
        %get3A_483 = arith.index_cast %add3A_482 : i32 to index
        %get3A_484 = arith.constant 0 : index
        %get3A_485 = tpu.vector_load %arg17[%get3A_483, %get3A_484] {strides = array<i32>} : memref<40x16xf32, #tpu.memory_space<vmem>>, vector<1x16xf32>,
        %get3A_486 = vector.shape_cast %get3A_485 : vector<1x16xf32> to vector<16xf32>
        %add3A_487 = arith.addf %get3A_480, %get3A_486 : vector<16xf32>
        %add3A_488 = arith.constant 0 : i32
        %add3A_489 = arith.addi %mul3A_461, %add3A_488 : i32
        %get3A_490 = arith.index_cast %add3A_489 : i32 to index
        %get3A_491 = arith.constant 0 : index
        %get3A_492 = tpu.vector_load %arg19[%get3A_490, %get3A_491] {strides = array<i32>} : memref<40x128xf32, #tpu.memory_space<vmem>>, vector<1x16xf32>,
        %get3A_493 = vector.shape_cast %get3A_492 : vector<1x16xf32> to vector<16xf32>
        %add3A_494 = arith.constant 0 : i32
        %add3A_495 = arith.addi %mul3A_461, %add3A_494 : i32
        %get3A_496 = arith.index_cast %add3A_495 : i32 to index
        %get3A_497 = arith.constant 16 : index
        %get3A_498 = tpu.vector_load %arg19[%get3A_496, %get3A_497] {strides = array<i32>} : memref<40x128xf32, #tpu.memory_space<vmem>>, vector<1x16xf32>,
        %get3A_499 = vector.shape_cast %get3A_498 : vector<1x16xf32> to vector<16xf32>
        %add3A_500 = arith.constant 0 : i32
        %add3A_501 = arith.addi %mul3A_461, %add3A_500 : i32
        %get3A_502 = arith.index_cast %add3A_501 : i32 to index
        %get3A_503 = arith.constant 32 : index
        %get3A_504 = tpu.vector_load %arg19[%get3A_502, %get3A_503] {strides = array<i32>} : memref<40x128xf32, #tpu.memory_space<vmem>>, vector<1x16xf32>,
        %get3A_505 = vector.shape_cast %get3A_504 : vector<1x16xf32> to vector<16xf32>
        %add3A_506 = arith.constant 0 : i32
        %add3A_507 = arith.addi %mul3A_461, %add3A_506 : i32
        %get3A_508 = arith.index_cast %add3A_507 : i32 to index
        %get3A_509 = arith.constant 48 : index
        %get3A_510 = tpu.vector_load %arg19[%get3A_508, %get3A_509] {strides = array<i32>} : memref<40x128xf32, #tpu.memory_space<vmem>>, vector<1x16xf32>,
        %get3A_511 = vector.shape_cast %get3A_510 : vector<1x16xf32> to vector<16xf32>
        %add3A_512 = arith.constant 0 : i32
        %add3A_513 = arith.addi %mul3A_461, %add3A_512 : i32
        %get3A_514 = arith.index_cast %add3A_513 : i32 to index
        %get3A_515 = arith.constant 64 : index
        %get3A_516 = tpu.vector_load %arg19[%get3A_514, %get3A_515] {strides = array<i32>} : memref<40x128xf32, #tpu.memory_space<vmem>>, vector<1x16xf32>,
        %get3A_517 = vector.shape_cast %get3A_516 : vector<1x16xf32> to vector<16xf32>
        %add3A_518 = arith.constant 0 : i32
        %add3A_519 = arith.addi %mul3A_461, %add3A_518 : i32
        %get3A_520 = arith.index_cast %add3A_519 : i32 to index
        %get3A_521 = arith.constant 80 : index
        %get3A_522 = tpu.vector_load %arg19[%get3A_520, %get3A_521] {strides = array<i32>} : memref<40x128xf32, #tpu.memory_space<vmem>>, vector<1x16xf32>,
        %get3A_523 = vector.shape_cast %get3A_522 : vector<1x16xf32> to vector<16xf32>
        %add3A_524 = arith.constant 0 : i32
        %add3A_525 = arith.addi %mul3A_461, %add3A_524 : i32
        %get3A_526 = arith.index_cast %add3A_525 : i32 to index
        %get3A_527 = arith.constant 96 : index
        %get3A_528 = tpu.vector_load %arg19[%get3A_526, %get3A_527] {strides = array<i32>} : memref<40x128xf32, #tpu.memory_space<vmem>>, vector<1x16xf32>,
        %get3A_529 = vector.shape_cast %get3A_528 : vector<1x16xf32> to vector<16xf32>
        %add3A_530 = arith.constant 0 : i32
        %add3A_531 = arith.addi %mul3A_461, %add3A_530 : i32
        %get3A_532 = arith.index_cast %add3A_531 : i32 to index
        %get3A_533 = arith.constant 112 : index
        %get3A_534 = tpu.vector_load %arg19[%get3A_532, %get3A_533] {strides = array<i32>} : memref<40x128xf32, #tpu.memory_space<vmem>>, vector<1x16xf32>,
        %get3A_535 = vector.shape_cast %get3A_534 : vector<1x16xf32> to vector<16xf32>
        %add3A_536 = arith.constant 1 : i32
        %add3A_537 = arith.addi %mul3A_461, %add3A_536 : i32
        %get3A_538 = arith.index_cast %add3A_537 : i32 to index
        %get3A_539 = arith.constant 0 : index
        %get3A_540 = tpu.vector_load %arg19[%get3A_538, %get3A_539] {strides = array<i32>} : memref<40x128xf32, #tpu.memory_space<vmem>>, vector<1x16xf32>,
        %get3A_541 = vector.shape_cast %get3A_540 : vector<1x16xf32> to vector<16xf32>
        %add3A_542 = arith.constant 1 : i32
        %add3A_543 = arith.addi %mul3A_461, %add3A_542 : i32
        %get3A_544 = arith.index_cast %add3A_543 : i32 to index
        %get3A_545 = arith.constant 16 : index
        %get3A_546 = tpu.vector_load %arg19[%get3A_544, %get3A_545] {strides = array<i32>} : memref<40x128xf32, #tpu.memory_space<vmem>>, vector<1x16xf32>,
        %get3A_547 = vector.shape_cast %get3A_546 : vector<1x16xf32> to vector<16xf32>
        %add3A_548 = arith.constant 1 : i32
        %add3A_549 = arith.addi %mul3A_461, %add3A_548 : i32
        %get3A_550 = arith.index_cast %add3A_549 : i32 to index
        %get3A_551 = arith.constant 32 : index
        %get3A_552 = tpu.vector_load %arg19[%get3A_550, %get3A_551] {strides = array<i32>} : memref<40x128xf32, #tpu.memory_space<vmem>>, vector<1x16xf32>,
        %get3A_553 = vector.shape_cast %get3A_552 : vector<1x16xf32> to vector<16xf32>
        %add3A_554 = arith.constant 1 : i32
        %add3A_555 = arith.addi %mul3A_461, %add3A_554 : i32
        %get3A_556 = arith.index_cast %add3A_555 : i32 to index
        %get3A_557 = arith.constant 48 : index
        %get3A_558 = tpu.vector_load %arg19[%get3A_556, %get3A_557] {strides = array<i32>} : memref<40x128xf32, #tpu.memory_space<vmem>>, vector<1x16xf32>,
        %get3A_559 = vector.shape_cast %get3A_558 : vector<1x16xf32> to vector<16xf32>
        %add3A_560 = arith.constant 1 : i32
        %add3A_561 = arith.addi %mul3A_461, %add3A_560 : i32
        %get3A_562 = arith.index_cast %add3A_561 : i32 to index
        %get3A_563 = arith.constant 64 : index
        %get3A_564 = tpu.vector_load %arg19[%get3A_562, %get3A_563] {strides = array<i32>} : memref<40x128xf32, #tpu.memory_space<vmem>>, vector<1x16xf32>,
        %get3A_565 = vector.shape_cast %get3A_564 : vector<1x16xf32> to vector<16xf32>
        %add3A_566 = arith.constant 1 : i32
        %add3A_567 = arith.addi %mul3A_461, %add3A_566 : i32
        %get3A_568 = arith.index_cast %add3A_567 : i32 to index
        %get3A_569 = arith.constant 80 : index
        %get3A_570 = tpu.vector_load %arg19[%get3A_568, %get3A_569] {strides = array<i32>} : memref<40x128xf32, #tpu.memory_space<vmem>>, vector<1x16xf32>,
        %get3A_571 = vector.shape_cast %get3A_570 : vector<1x16xf32> to vector<16xf32>
        %add3A_572 = arith.constant 1 : i32
        %add3A_573 = arith.addi %mul3A_461, %add3A_572 : i32
        %get3A_574 = arith.index_cast %add3A_573 : i32 to index
        %get3A_575 = arith.constant 96 : index
        %get3A_576 = tpu.vector_load %arg19[%get3A_574, %get3A_575] {strides = array<i32>} : memref<40x128xf32, #tpu.memory_space<vmem>>, vector<1x16xf32>,
        %get3A_577 = vector.shape_cast %get3A_576 : vector<1x16xf32> to vector<16xf32>
        %add3A_578 = arith.constant 1 : i32
        %add3A_579 = arith.addi %mul3A_461, %add3A_578 : i32
        %get3A_580 = arith.index_cast %add3A_579 : i32 to index
        %get3A_581 = arith.constant 112 : index
        %get3A_582 = tpu.vector_load %arg19[%get3A_580, %get3A_581] {strides = array<i32>} : memref<40x128xf32, #tpu.memory_space<vmem>>, vector<1x16xf32>,
        %get3A_583 = vector.shape_cast %get3A_582 : vector<1x16xf32> to vector<16xf32>
        %mul3A_584 = arith.constant 2.000000e-01 : f32
        %mul3A_585 = vector.broadcast %mul3A_584 : f32 to vector<16xf32>
        %mul3A_586 = arith.mulf %mul3A_585, %add3A_474 : vector<16xf32>
        %max3A = arith.maximumf %add3A_474, %mul3A_586 : vector<16xf32>
        %sub3A = arith.subf %max3A, %get3A_84 : vector<16xf32>
        %exp3A = math.exp %sub3A : vector<16xf32>
        %mul3A_587 = arith.constant 2.000000e-01 : f32
        %mul3A_588 = vector.broadcast %mul3A_587 : f32 to vector<16xf32>
        %mul3A_589 = arith.mulf %mul3A_588, %add3A_487 : vector<16xf32>
        %max3A_590 = arith.maximumf %add3A_487, %mul3A_589 : vector<16xf32>
        %sub3A_591 = arith.subf %max3A_590, %get3A_84 : vector<16xf32>
        %exp3A_592 = math.exp %sub3A_591 : vector<16xf32>
        %add3A_593 = arith.constant 0 : i32
        %add3A_594 = arith.addi %mul3A_461, %add3A_593 : i32
        %swap3A = arith.index_cast %add3A_594 : i32 to index
        %swap3A_595 = arith.constant 0 : index
        %swap3A_596 = tpu.vector_load %arg21[%swap3A, %swap3A_595] {strides = array<i32>} : memref<40x16xf32, #tpu.memory_space<vmem>>, vector<1x16xf32>,
        %swap3A_597 = vector.shape_cast %swap3A_596 : vector<1x16xf32> to vector<16xf32>
        %swap3A_598 = vector.shape_cast %exp3A : vector<16xf32> to vector<1x16xf32>
        tpu.vector_store %arg21[%swap3A, %swap3A_595], %swap3A_598 {strides = array<i32>} : memref<40x16xf32, #tpu.memory_space<vmem>>, vector<1x16xf32>,
        %add3A_599 = arith.constant 1 : i32
        %add3A_600 = arith.addi %mul3A_461, %add3A_599 : i32
        %swap3A_601 = arith.index_cast %add3A_600 : i32 to index
        %swap3A_602 = arith.constant 0 : index
        %swap3A_603 = tpu.vector_load %arg21[%swap3A_601, %swap3A_602] {strides = array<i32>} : memref<40x16xf32, #tpu.memory_space<vmem>>, vector<1x16xf32>,
        %swap3A_604 = vector.shape_cast %swap3A_603 : vector<1x16xf32> to vector<16xf32>
        %swap3A_605 = vector.shape_cast %exp3A_592 : vector<16xf32> to vector<1x16xf32>
        tpu.vector_store %arg21[%swap3A_601, %swap3A_602], %swap3A_605 {strides = array<i32>} : memref<40x16xf32, #tpu.memory_space<vmem>>, vector<1x16xf32>,
        %slice3A = vector.extract_strided_slice %exp3A {offsets = [0], sizes = [1], strides = [1]} : vector<16xf32> to vector<1xf32>
        %squeeze3A = vector.extract %slice3A[0] : f32 from vector<1xf32>
        %mul3A_606 = vector.broadcast %squeeze3A : f32 to vector<16xf32>
        %mul3A_607 = arith.mulf %get3A_493, %mul3A_606 : vector<16xf32>
        %add3A_608 = arith.constant 0 : i32
        %add3A_609 = arith.addi %mul3A_461, %add3A_608 : i32
        %swap3A_610 = arith.index_cast %add3A_609 : i32 to index
        %swap3A_611 = arith.constant 0 : index
        %swap3A_612 = tpu.vector_load %arg23[%swap3A_610, %swap3A_611] {strides = array<i32>} : memref<40x128xf32, #tpu.memory_space<vmem>>, vector<1x16xf32>,
        %swap3A_613 = vector.shape_cast %swap3A_612 : vector<1x16xf32> to vector<16xf32>
        %swap3A_614 = vector.shape_cast %mul3A_607 : vector<16xf32> to vector<1x16xf32>
        tpu.vector_store %arg23[%swap3A_610, %swap3A_611], %swap3A_614 {strides = array<i32>} : memref<40x128xf32, #tpu.memory_space<vmem>>, vector<1x16xf32>,
        %slice3A_615 = vector.extract_strided_slice %exp3A {offsets = [1], sizes = [1], strides = [1]} : vector<16xf32> to vector<1xf32>
        %squeeze3A_616 = vector.extract %slice3A_615[0] : f32 from vector<1xf32>
        %mul3A_617 = vector.broadcast %squeeze3A_616 : f32 to vector<16xf32>
        %mul3A_618 = arith.mulf %get3A_499, %mul3A_617 : vector<16xf32>
        %add3A_619 = arith.constant 0 : i32
        %add3A_620 = arith.addi %mul3A_461, %add3A_619 : i32
        %swap3A_621 = arith.index_cast %add3A_620 : i32 to index
        %swap3A_622 = arith.constant 16 : index
        %swap3A_623 = tpu.vector_load %arg23[%swap3A_621, %swap3A_622] {strides = array<i32>} : memref<40x128xf32, #tpu.memory_space<vmem>>, vector<1x16xf32>,
        %swap3A_624 = vector.shape_cast %swap3A_623 : vector<1x16xf32> to vector<16xf32>
        %swap3A_625 = vector.shape_cast %mul3A_618 : vector<16xf32> to vector<1x16xf32>
        tpu.vector_store %arg23[%swap3A_621, %swap3A_622], %swap3A_625 {strides = array<i32>} : memref<40x128xf32, #tpu.memory_space<vmem>>, vector<1x16xf32>,
        %slice3A_626 = vector.extract_strided_slice %exp3A {offsets = [2], sizes = [1], strides = [1]} : vector<16xf32> to vector<1xf32>
        %squeeze3A_627 = vector.extract %slice3A_626[0] : f32 from vector<1xf32>
        %mul3A_628 = vector.broadcast %squeeze3A_627 : f32 to vector<16xf32>
        %mul3A_629 = arith.mulf %get3A_505, %mul3A_628 : vector<16xf32>
        %add3A_630 = arith.constant 0 : i32
        %add3A_631 = arith.addi %mul3A_461, %add3A_630 : i32
        %swap3A_632 = arith.index_cast %add3A_631 : i32 to index
        %swap3A_633 = arith.constant 32 : index
        %swap3A_634 = tpu.vector_load %arg23[%swap3A_632, %swap3A_633] {strides = array<i32>} : memref<40x128xf32, #tpu.memory_space<vmem>>, vector<1x16xf32>,
        %swap3A_635 = vector.shape_cast %swap3A_634 : vector<1x16xf32> to vector<16xf32>
        %swap3A_636 = vector.shape_cast %mul3A_629 : vector<16xf32> to vector<1x16xf32>
        tpu.vector_store %arg23[%swap3A_632, %swap3A_633], %swap3A_636 {strides = array<i32>} : memref<40x128xf32, #tpu.memory_space<vmem>>, vector<1x16xf32>,
        %slice3A_637 = vector.extract_strided_slice %exp3A {offsets = [3], sizes = [1], strides = [1]} : vector<16xf32> to vector<1xf32>
        %squeeze3A_638 = vector.extract %slice3A_637[0] : f32 from vector<1xf32>
        %mul3A_639 = vector.broadcast %squeeze3A_638 : f32 to vector<16xf32>
        %mul3A_640 = arith.mulf %get3A_511, %mul3A_639 : vector<16xf32>
        %add3A_641 = arith.constant 0 : i32
        %add3A_642 = arith.addi %mul3A_461, %add3A_641 : i32
        %swap3A_643 = arith.index_cast %add3A_642 : i32 to index
        %swap3A_644 = arith.constant 48 : index
        %swap3A_645 = tpu.vector_load %arg23[%swap3A_643, %swap3A_644] {strides = array<i32>} : memref<40x128xf32, #tpu.memory_space<vmem>>, vector<1x16xf32>,
        %swap3A_646 = vector.shape_cast %swap3A_645 : vector<1x16xf32> to vector<16xf32>
        %swap3A_647 = vector.shape_cast %mul3A_640 : vector<16xf32> to vector<1x16xf32>
        tpu.vector_store %arg23[%swap3A_643, %swap3A_644], %swap3A_647 {strides = array<i32>} : memref<40x128xf32, #tpu.memory_space<vmem>>, vector<1x16xf32>,
        %slice3A_648 = vector.extract_strided_slice %exp3A {offsets = [4], sizes = [1], strides = [1]} : vector<16xf32> to vector<1xf32>
        %squeeze3A_649 = vector.extract %slice3A_648[0] : f32 from vector<1xf32>
        %mul3A_650 = vector.broadcast %squeeze3A_649 : f32 to vector<16xf32>
        %mul3A_651 = arith.mulf %get3A_517, %mul3A_650 : vector<16xf32>
        %add3A_652 = arith.constant 0 : i32
        %add3A_653 = arith.addi %mul3A_461, %add3A_652 : i32
        %swap3A_654 = arith.index_cast %add3A_653 : i32 to index
        %swap3A_655 = arith.constant 64 : index
        %swap3A_656 = tpu.vector_load %arg23[%swap3A_654, %swap3A_655] {strides = array<i32>} : memref<40x128xf32, #tpu.memory_space<vmem>>, vector<1x16xf32>,
        %swap3A_657 = vector.shape_cast %swap3A_656 : vector<1x16xf32> to vector<16xf32>
        %swap3A_658 = vector.shape_cast %mul3A_651 : vector<16xf32> to vector<1x16xf32>
        tpu.vector_store %arg23[%swap3A_654, %swap3A_655], %swap3A_658 {strides = array<i32>} : memref<40x128xf32, #tpu.memory_space<vmem>>, vector<1x16xf32>,
        %slice3A_659 = vector.extract_strided_slice %exp3A {offsets = [5], sizes = [1], strides = [1]} : vector<16xf32> to vector<1xf32>
        %squeeze3A_660 = vector.extract %slice3A_659[0] : f32 from vector<1xf32>
        %mul3A_661 = vector.broadcast %squeeze3A_660 : f32 to vector<16xf32>
        %mul3A_662 = arith.mulf %get3A_523, %mul3A_661 : vector<16xf32>
        %add3A_663 = arith.constant 0 : i32
        %add3A_664 = arith.addi %mul3A_461, %add3A_663 : i32
        %swap3A_665 = arith.index_cast %add3A_664 : i32 to index
        %swap3A_666 = arith.constant 80 : index
        %swap3A_667 = tpu.vector_load %arg23[%swap3A_665, %swap3A_666] {strides = array<i32>} : memref<40x128xf32, #tpu.memory_space<vmem>>, vector<1x16xf32>,
        %swap3A_668 = vector.shape_cast %swap3A_667 : vector<1x16xf32> to vector<16xf32>
        %swap3A_669 = vector.shape_cast %mul3A_662 : vector<16xf32> to vector<1x16xf32>
        tpu.vector_store %arg23[%swap3A_665, %swap3A_666], %swap3A_669 {strides = array<i32>} : memref<40x128xf32, #tpu.memory_space<vmem>>, vector<1x16xf32>,
        %slice3A_670 = vector.extract_strided_slice %exp3A {offsets = [6], sizes = [1], strides = [1]} : vector<16xf32> to vector<1xf32>
        %squeeze3A_671 = vector.extract %slice3A_670[0] : f32 from vector<1xf32>
        %mul3A_672 = vector.broadcast %squeeze3A_671 : f32 to vector<16xf32>
        %mul3A_673 = arith.mulf %get3A_529, %mul3A_672 : vector<16xf32>
        %add3A_674 = arith.constant 0 : i32
        %add3A_675 = arith.addi %mul3A_461, %add3A_674 : i32
        %swap3A_676 = arith.index_cast %add3A_675 : i32 to index
        %swap3A_677 = arith.constant 96 : index
        %swap3A_678 = tpu.vector_load %arg23[%swap3A_676, %swap3A_677] {strides = array<i32>} : memref<40x128xf32, #tpu.memory_space<vmem>>, vector<1x16xf32>,
        %swap3A_679 = vector.shape_cast %swap3A_678 : vector<1x16xf32> to vector<16xf32>
        %swap3A_680 = vector.shape_cast %mul3A_673 : vector<16xf32> to vector<1x16xf32>
        tpu.vector_store %arg23[%swap3A_676, %swap3A_677], %swap3A_680 {strides = array<i32>} : memref<40x128xf32, #tpu.memory_space<vmem>>, vector<1x16xf32>,
        %slice3A_681 = vector.extract_strided_slice %exp3A {offsets = [7], sizes = [1], strides = [1]} : vector<16xf32> to vector<1xf32>
        %squeeze3A_682 = vector.extract %slice3A_681[0] : f32 from vector<1xf32>
        %mul3A_683 = vector.broadcast %squeeze3A_682 : f32 to vector<16xf32>
        %mul3A_684 = arith.mulf %get3A_535, %mul3A_683 : vector<16xf32>
        %add3A_685 = arith.constant 0 : i32
        %add3A_686 = arith.addi %mul3A_461, %add3A_685 : i32
        %swap3A_687 = arith.index_cast %add3A_686 : i32 to index
        %swap3A_688 = arith.constant 112 : index
        %swap3A_689 = tpu.vector_load %arg23[%swap3A_687, %swap3A_688] {strides = array<i32>} : memref<40x128xf32, #tpu.memory_space<vmem>>, vector<1x16xf32>,
        %swap3A_690 = vector.shape_cast %swap3A_689 : vector<1x16xf32> to vector<16xf32>
        %swap3A_691 = vector.shape_cast %mul3A_684 : vector<16xf32> to vector<1x16xf32>
        tpu.vector_store %arg23[%swap3A_687, %swap3A_688], %swap3A_691 {strides = array<i32>} : memref<40x128xf32, #tpu.memory_space<vmem>>, vector<1x16xf32>,
        %slice3A_692 = vector.extract_strided_slice %exp3A_592 {offsets = [0], sizes = [1], strides = [1]} : vector<16xf32> to vector<1xf32>
        %squeeze3A_693 = vector.extract %slice3A_692[0] : f32 from vector<1xf32>
        %mul3A_694 = vector.broadcast %squeeze3A_693 : f32 to vector<16xf32>
        %mul3A_695 = arith.mulf %get3A_541, %mul3A_694 : vector<16xf32>
        %add3A_696 = arith.constant 1 : i32
        %add3A_697 = arith.addi %mul3A_461, %add3A_696 : i32
        %swap3A_698 = arith.index_cast %add3A_697 : i32 to index
        %swap3A_699 = arith.constant 0 : index
        %swap3A_700 = tpu.vector_load %arg23[%swap3A_698, %swap3A_699] {strides = array<i32>} : memref<40x128xf32, #tpu.memory_space<vmem>>, vector<1x16xf32>,
        %swap3A_701 = vector.shape_cast %swap3A_700 : vector<1x16xf32> to vector<16xf32>
        %swap3A_702 = vector.shape_cast %mul3A_695 : vector<16xf32> to vector<1x16xf32>
        tpu.vector_store %arg23[%swap3A_698, %swap3A_699], %swap3A_702 {strides = array<i32>} : memref<40x128xf32, #tpu.memory_space<vmem>>, vector<1x16xf32>,
        %slice3A_703 = vector.extract_strided_slice %exp3A_592 {offsets = [1], sizes = [1], strides = [1]} : vector<16xf32> to vector<1xf32>
        %squeeze3A_704 = vector.extract %slice3A_703[0] : f32 from vector<1xf32>
        %mul3A_705 = vector.broadcast %squeeze3A_704 : f32 to vector<16xf32>
        %mul3A_706 = arith.mulf %get3A_547, %mul3A_705 : vector<16xf32>
        %add3A_707 = arith.constant 1 : i32
        %add3A_708 = arith.addi %mul3A_461, %add3A_707 : i32
        %swap3A_709 = arith.index_cast %add3A_708 : i32 to index
        %swap3A_710 = arith.constant 16 : index
        %swap3A_711 = tpu.vector_load %arg23[%swap3A_709, %swap3A_710] {strides = array<i32>} : memref<40x128xf32, #tpu.memory_space<vmem>>, vector<1x16xf32>,
        %swap3A_712 = vector.shape_cast %swap3A_711 : vector<1x16xf32> to vector<16xf32>
        %swap3A_713 = vector.shape_cast %mul3A_706 : vector<16xf32> to vector<1x16xf32>
        tpu.vector_store %arg23[%swap3A_709, %swap3A_710], %swap3A_713 {strides = array<i32>} : memref<40x128xf32, #tpu.memory_space<vmem>>, vector<1x16xf32>,
        %slice3A_714 = vector.extract_strided_slice %exp3A_592 {offsets = [2], sizes = [1], strides = [1]} : vector<16xf32> to vector<1xf32>
        %squeeze3A_715 = vector.extract %slice3A_714[0] : f32 from vector<1xf32>
        %mul3A_716 = vector.broadcast %squeeze3A_715 : f32 to vector<16xf32>
        %mul3A_717 = arith.mulf %get3A_553, %mul3A_716 : vector<16xf32>
        %add3A_718 = arith.constant 1 : i32
        %add3A_719 = arith.addi %mul3A_461, %add3A_718 : i32
        %swap3A_720 = arith.index_cast %add3A_719 : i32 to index
        %swap3A_721 = arith.constant 32 : index
        %swap3A_722 = tpu.vector_load %arg23[%swap3A_720, %swap3A_721] {strides = array<i32>} : memref<40x128xf32, #tpu.memory_space<vmem>>, vector<1x16xf32>,
        %swap3A_723 = vector.shape_cast %swap3A_722 : vector<1x16xf32> to vector<16xf32>
        %swap3A_724 = vector.shape_cast %mul3A_717 : vector<16xf32> to vector<1x16xf32>
        tpu.vector_store %arg23[%swap3A_720, %swap3A_721], %swap3A_724 {strides = array<i32>} : memref<40x128xf32, #tpu.memory_space<vmem>>, vector<1x16xf32>,
        %slice3A_725 = vector.extract_strided_slice %exp3A_592 {offsets = [3], sizes = [1], strides = [1]} : vector<16xf32> to vector<1xf32>
        %squeeze3A_726 = vector.extract %slice3A_725[0] : f32 from vector<1xf32>
        %mul3A_727 = vector.broadcast %squeeze3A_726 : f32 to vector<16xf32>
        %mul3A_728 = arith.mulf %get3A_559, %mul3A_727 : vector<16xf32>
        %add3A_729 = arith.constant 1 : i32
        %add3A_730 = arith.addi %mul3A_461, %add3A_729 : i32
        %swap3A_731 = arith.index_cast %add3A_730 : i32 to index
        %swap3A_732 = arith.constant 48 : index
        %swap3A_733 = tpu.vector_load %arg23[%swap3A_731, %swap3A_732] {strides = array<i32>} : memref<40x128xf32, #tpu.memory_space<vmem>>, vector<1x16xf32>,
        %swap3A_734 = vector.shape_cast %swap3A_733 : vector<1x16xf32> to vector<16xf32>
        %swap3A_735 = vector.shape_cast %mul3A_728 : vector<16xf32> to vector<1x16xf32>
        tpu.vector_store %arg23[%swap3A_731, %swap3A_732], %swap3A_735 {strides = array<i32>} : memref<40x128xf32, #tpu.memory_space<vmem>>, vector<1x16xf32>,
        %slice3A_736 = vector.extract_strided_slice %exp3A_592 {offsets = [4], sizes = [1], strides = [1]} : vector<16xf32> to vector<1xf32>
        %squeeze3A_737 = vector.extract %slice3A_736[0] : f32 from vector<1xf32>
        %mul3A_738 = vector.broadcast %squeeze3A_737 : f32 to vector<16xf32>
        %mul3A_739 = arith.mulf %get3A_565, %mul3A_738 : vector<16xf32>
        %add3A_740 = arith.constant 1 : i32
        %add3A_741 = arith.addi %mul3A_461, %add3A_740 : i32
        %swap3A_742 = arith.index_cast %add3A_741 : i32 to index
        %swap3A_743 = arith.constant 64 : index
        %swap3A_744 = tpu.vector_load %arg23[%swap3A_742, %swap3A_743] {strides = array<i32>} : memref<40x128xf32, #tpu.memory_space<vmem>>, vector<1x16xf32>,
        %swap3A_745 = vector.shape_cast %swap3A_744 : vector<1x16xf32> to vector<16xf32>
        %swap3A_746 = vector.shape_cast %mul3A_739 : vector<16xf32> to vector<1x16xf32>
        tpu.vector_store %arg23[%swap3A_742, %swap3A_743], %swap3A_746 {strides = array<i32>} : memref<40x128xf32, #tpu.memory_space<vmem>>, vector<1x16xf32>,
        %slice3A_747 = vector.extract_strided_slice %exp3A_592 {offsets = [5], sizes = [1], strides = [1]} : vector<16xf32> to vector<1xf32>
        %squeeze3A_748 = vector.extract %slice3A_747[0] : f32 from vector<1xf32>
        %mul3A_749 = vector.broadcast %squeeze3A_748 : f32 to vector<16xf32>
        %mul3A_750 = arith.mulf %get3A_571, %mul3A_749 : vector<16xf32>
        %add3A_751 = arith.constant 1 : i32
        %add3A_752 = arith.addi %mul3A_461, %add3A_751 : i32
        %swap3A_753 = arith.index_cast %add3A_752 : i32 to index
        %swap3A_754 = arith.constant 80 : index
        %swap3A_755 = tpu.vector_load %arg23[%swap3A_753, %swap3A_754] {strides = array<i32>} : memref<40x128xf32, #tpu.memory_space<vmem>>, vector<1x16xf32>,
        %swap3A_756 = vector.shape_cast %swap3A_755 : vector<1x16xf32> to vector<16xf32>
        %swap3A_757 = vector.shape_cast %mul3A_750 : vector<16xf32> to vector<1x16xf32>
        tpu.vector_store %arg23[%swap3A_753, %swap3A_754], %swap3A_757 {strides = array<i32>} : memref<40x128xf32, #tpu.memory_space<vmem>>, vector<1x16xf32>,
        %slice3A_758 = vector.extract_strided_slice %exp3A_592 {offsets = [6], sizes = [1], strides = [1]} : vector<16xf32> to vector<1xf32>
        %squeeze3A_759 = vector.extract %slice3A_758[0] : f32 from vector<1xf32>
        %mul3A_760 = vector.broadcast %squeeze3A_759 : f32 to vector<16xf32>
        %mul3A_761 = arith.mulf %get3A_577, %mul3A_760 : vector<16xf32>
        %add3A_762 = arith.constant 1 : i32
        %add3A_763 = arith.addi %mul3A_461, %add3A_762 : i32
        %swap3A_764 = arith.index_cast %add3A_763 : i32 to index
        %swap3A_765 = arith.constant 96 : index
        %swap3A_766 = tpu.vector_load %arg23[%swap3A_764, %swap3A_765] {strides = array<i32>} : memref<40x128xf32, #tpu.memory_space<vmem>>, vector<1x16xf32>,
        %swap3A_767 = vector.shape_cast %swap3A_766 : vector<1x16xf32> to vector<16xf32>
        %swap3A_768 = vector.shape_cast %mul3A_761 : vector<16xf32> to vector<1x16xf32>
        tpu.vector_store %arg23[%swap3A_764, %swap3A_765], %swap3A_768 {strides = array<i32>} : memref<40x128xf32, #tpu.memory_space<vmem>>, vector<1x16xf32>,
        %slice3A_769 = vector.extract_strided_slice %exp3A_592 {offsets = [7], sizes = [1], strides = [1]} : vector<16xf32> to vector<1xf32>
        %squeeze3A_770 = vector.extract %slice3A_769[0] : f32 from vector<1xf32>
        %mul3A_771 = vector.broadcast %squeeze3A_770 : f32 to vector<16xf32>
        %mul3A_772 = arith.mulf %get3A_583, %mul3A_771 : vector<16xf32>
        %add3A_773 = arith.constant 1 : i32
        %add3A_774 = arith.addi %mul3A_461, %add3A_773 : i32
        %swap3A_775 = arith.index_cast %add3A_774 : i32 to index
        %swap3A_776 = arith.constant 112 : index
        %swap3A_777 = tpu.vector_load %arg23[%swap3A_775, %swap3A_776] {strides = array<i32>} : memref<40x128xf32, #tpu.memory_space<vmem>>, vector<1x16xf32>,
        %swap3A_778 = vector.shape_cast %swap3A_777 : vector<1x16xf32> to vector<16xf32>
        %swap3A_779 = vector.shape_cast %mul3A_772 : vector<16xf32> to vector<1x16xf32>
        tpu.vector_store %arg23[%swap3A_775, %swap3A_776], %swap3A_779 {strides = array<i32>} : memref<40x128xf32, #tpu.memory_space<vmem>>, vector<1x16xf32>,
        %scan3A_780 = arith.constant 0 : i32
        scf.yield %scan3A_780 : i32
      }
      %scan3A_439 = arith.constant 20 : i32
      %dma_start3A_440 = arith.constant 0 : i32
      %dma_start3A_441 = tpu.memref_slice %arg13[%add3A_409, %dma_start3A_440] : memref<125x40xi32, #tpu.memory_space<vmem>> -> memref<1x40xi32, #tpu.memory_space<vmem>>
      %dma_start3A_442 = tpu.memref_squeeze %dma_start3A_441 : memref<1x40xi32, #tpu.memory_space<vmem>> -> memref<40xi32, #tpu.memory_space<vmem>>
      %dma_start3A_443 = arith.constant 0 : i32
      %dma_start3A_444 = arith.constant 0 : i32
      %dma_start3A_445 = tpu.memref_slice %arg11[%dma_start3A_443, %dma_start3A_444] : memref<10000x16xf32, #tpu.memory_space<vmem_shared>> -> memref<10000x16xf32, #tpu.memory_space<vmem_shared>>
      tpu.enqueue_indirect_dma source(%arg21 : memref<40x16xf32, #tpu.memory_space<vmem>>) target(%dma_start3A_445 : memref<10000x16xf32, #tpu.memory_space<vmem_shared>>) offsets(%dma_start3A_442 : memref<40xi32, #tpu.memory_space<vmem>>) semaphore(%arg28 : memref<!tpu.dma_semaphore, #tpu.memory_space<semaphore_mem>>) {add = true}
      %dma_start3A_446 = arith.constant 0 : i32
      %dma_start3A_447 = tpu.memref_slice %arg13[%add3A_409, %dma_start3A_446] : memref<125x40xi32, #tpu.memory_space<vmem>> -> memref<1x40xi32, #tpu.memory_space<vmem>>
      %dma_start3A_448 = tpu.memref_squeeze %dma_start3A_447 : memref<1x40xi32, #tpu.memory_space<vmem>> -> memref<40xi32, #tpu.memory_space<vmem>>
      %dma_start3A_449 = arith.constant 0 : i32
      %dma_start3A_450 = arith.constant 0 : i32
      %dma_start3A_451 = tpu.memref_slice %arg10[%dma_start3A_449, %dma_start3A_450] : memref<10000x128xf32, #tpu.memory_space<vmem_shared>> -> memref<10000x128xf32, #tpu.memory_space<vmem_shared>>
      tpu.enqueue_indirect_dma source(%arg23 : memref<40x128xf32, #tpu.memory_space<vmem>>) target(%dma_start3A_451 : memref<10000x128xf32, #tpu.memory_space<vmem_shared>>) offsets(%dma_start3A_448 : memref<40xi32, #tpu.memory_space<vmem>>) semaphore(%arg28 : memref<!tpu.dma_semaphore, #tpu.memory_space<semaphore_mem>>) {add = true}
      %lt3A_452 = arith.constant 123 : i32
      %lt3A_453 = arith.cmpi slt, %add3A_409, %lt3A_452 : i32
      %convert_element_type3A_454 = arith.extui %lt3A_453 : i1 to i32
      %cond3A_455 = arith.constant 0 : i32
      %cond3A_456 = arith.cmpi ne, %convert_element_type3A_454, %cond3A_455 : i32
      scf.if %cond3A_456 {
        %add3A_458 = arith.constant 2 : i32
        %add3A_459 = arith.addi %add3A_409, %add3A_458 : i32
        %dma_start3A_460 = arith.constant 0 : i32
        %dma_start3A_461 = tpu.memref_slice %arg12[%add3A_459, %dma_start3A_460] : memref<125x40xi32, #tpu.memory_space<vmem>> -> memref<1x40xi32, #tpu.memory_space<vmem>>
        %dma_start3A_462 = tpu.memref_squeeze %dma_start3A_461 : memref<1x40xi32, #tpu.memory_space<vmem>> -> memref<40xi32, #tpu.memory_space<vmem>>
        %dma_start3A_463 = arith.constant 0 : i32
        %dma_start3A_464 = arith.constant 0 : i32
        %dma_start3A_465 = tpu.memref_slice %arg4[%dma_start3A_463, %dma_start3A_464] : memref<10000x16xf32, #tpu.memory_space<hbm>> -> memref<10000x16xf32, #tpu.memory_space<hbm>>
        tpu.enqueue_indirect_dma source(%dma_start3A_465 : memref<10000x16xf32, #tpu.memory_space<hbm>>) target(%arg15 : memref<40x16xf32, #tpu.memory_space<vmem>>) offsets(%dma_start3A_462 : memref<40xi32, #tpu.memory_space<vmem>>) semaphore(%arg26 : memref<!tpu.dma_semaphore, #tpu.memory_space<semaphore_mem>>)
        %dma_start3A_466 = arith.constant 0 : i32
        %dma_start3A_467 = tpu.memref_slice %arg13[%add3A_459, %dma_start3A_466] : memref<125x40xi32, #tpu.memory_space<vmem>> -> memref<1x40xi32, #tpu.memory_space<vmem>>
        %dma_start3A_468 = tpu.memref_squeeze %dma_start3A_467 : memref<1x40xi32, #tpu.memory_space<vmem>> -> memref<40xi32, #tpu.memory_space<vmem>>
        %dma_start3A_469 = arith.constant 0 : i32
        %dma_start3A_470 = arith.constant 0 : i32
        %dma_start3A_471 = tpu.memref_slice %arg5[%dma_start3A_469, %dma_start3A_470] : memref<10000x16xf32, #tpu.memory_space<hbm>> -> memref<10000x16xf32, #tpu.memory_space<hbm>>
        tpu.enqueue_indirect_dma source(%dma_start3A_471 : memref<10000x16xf32, #tpu.memory_space<hbm>>) target(%arg17 : memref<40x16xf32, #tpu.memory_space<vmem>>) offsets(%dma_start3A_468 : memref<40xi32, #tpu.memory_space<vmem>>) semaphore(%arg26 : memref<!tpu.dma_semaphore, #tpu.memory_space<semaphore_mem>>)
        %dma_start3A_472 = arith.constant 0 : i32
        %dma_start3A_473 = tpu.memref_slice %arg12[%add3A_459, %dma_start3A_472] : memref<125x40xi32, #tpu.memory_space<vmem>> -> memref<1x40xi32, #tpu.memory_space<vmem>>
        %dma_start3A_474 = tpu.memref_squeeze %dma_start3A_473 : memref<1x40xi32, #tpu.memory_space<vmem>> -> memref<40xi32, #tpu.memory_space<vmem>>
        %dma_start3A_475 = arith.constant 0 : i32
        %dma_start3A_476 = arith.constant 0 : i32
        %dma_start3A_477 = tpu.memref_slice %arg6[%dma_start3A_475, %dma_start3A_476] : memref<10000x128xf32, #tpu.memory_space<hbm>> -> memref<10000x128xf32, #tpu.memory_space<hbm>>
        tpu.enqueue_indirect_dma source(%dma_start3A_477 : memref<10000x128xf32, #tpu.memory_space<hbm>>) target(%arg19 : memref<40x128xf32, #tpu.memory_space<vmem>>) offsets(%dma_start3A_474 : memref<40xi32, #tpu.memory_space<vmem>>) semaphore(%arg26 : memref<!tpu.dma_semaphore, #tpu.memory_space<semaphore_mem>>)
      } else {
      }
      %scan3A_457 = arith.constant 0 : i32
      scf.yield %scan3A_457 : i32
    }
    %scan3A_264 = arith.constant 62 : i32
    %dma_wait3A_265 = arith.constant 124 : i32
    %dma_wait3A_266 = arith.constant 0 : i32
    %dma_wait3A_267 = tpu.memref_slice %arg12[%dma_wait3A_265, %dma_wait3A_266] : memref<125x40xi32, #tpu.memory_space<vmem>> -> memref<1x40xi32, #tpu.memory_space<vmem>>
    %dma_wait3A_268 = tpu.memref_squeeze %dma_wait3A_267 : memref<1x40xi32, #tpu.memory_space<vmem>> -> memref<40xi32, #tpu.memory_space<vmem>>
    %dma_wait3A_269 = arith.constant 0 : i32
    %dma_wait3A_270 = arith.constant 0 : i32
    %dma_wait3A_271 = tpu.memref_slice %arg4[%dma_wait3A_269, %dma_wait3A_270] : memref<10000x16xf32, #tpu.memory_space<hbm>> -> memref<10000x16xf32, #tpu.memory_space<hbm>>
    tpu.wait_indirect_dma semaphore(%arg25 : memref<!tpu.dma_semaphore, #tpu.memory_space<semaphore_mem>>) src(%dma_wait3A_271 : memref<10000x16xf32, #tpu.memory_space<hbm>>) dst(%arg14 : memref<40x16xf32, #tpu.memory_space<vmem>>)
    %dma_wait3A_272 = arith.constant 124 : i32
    %dma_wait3A_273 = arith.constant 0 : i32
    %dma_wait3A_274 = tpu.memref_slice %arg13[%dma_wait3A_272, %dma_wait3A_273] : memref<125x40xi32, #tpu.memory_space<vmem>> -> memref<1x40xi32, #tpu.memory_space<vmem>>
    %dma_wait3A_275 = tpu.memref_squeeze %dma_wait3A_274 : memref<1x40xi32, #tpu.memory_space<vmem>> -> memref<40xi32, #tpu.memory_space<vmem>>
    %dma_wait3A_276 = arith.constant 0 : i32
    %dma_wait3A_277 = arith.constant 0 : i32
    %dma_wait3A_278 = tpu.memref_slice %arg5[%dma_wait3A_276, %dma_wait3A_277] : memref<10000x16xf32, #tpu.memory_space<hbm>> -> memref<10000x16xf32, #tpu.memory_space<hbm>>
    tpu.wait_indirect_dma semaphore(%arg25 : memref<!tpu.dma_semaphore, #tpu.memory_space<semaphore_mem>>) src(%dma_wait3A_278 : memref<10000x16xf32, #tpu.memory_space<hbm>>) dst(%arg16 : memref<40x16xf32, #tpu.memory_space<vmem>>)
    %dma_wait3A_279 = arith.constant 124 : i32
    %dma_wait3A_280 = arith.constant 0 : i32
    %dma_wait3A_281 = tpu.memref_slice %arg12[%dma_wait3A_279, %dma_wait3A_280] : memref<125x40xi32, #tpu.memory_space<vmem>> -> memref<1x40xi32, #tpu.memory_space<vmem>>
    %dma_wait3A_282 = tpu.memref_squeeze %dma_wait3A_281 : memref<1x40xi32, #tpu.memory_space<vmem>> -> memref<40xi32, #tpu.memory_space<vmem>>
    %dma_wait3A_283 = arith.constant 0 : i32
    %dma_wait3A_284 = arith.constant 0 : i32
    %dma_wait3A_285 = tpu.memref_slice %arg6[%dma_wait3A_283, %dma_wait3A_284] : memref<10000x128xf32, #tpu.memory_space<hbm>> -> memref<10000x128xf32, #tpu.memory_space<hbm>>
    tpu.wait_indirect_dma semaphore(%arg25 : memref<!tpu.dma_semaphore, #tpu.memory_space<semaphore_mem>>) src(%dma_wait3A_285 : memref<10000x128xf32, #tpu.memory_space<hbm>>) dst(%arg18 : memref<40x128xf32, #tpu.memory_space<vmem>>)
    %dma_wait3A_286 = arith.constant 122 : i32
    %dma_wait3A_287 = arith.constant 0 : i32
    %dma_wait3A_288 = tpu.memref_slice %arg13[%dma_wait3A_286, %dma_wait3A_287] : memref<125x40xi32, #tpu.memory_space<vmem>> -> memref<1x40xi32, #tpu.memory_space<vmem>>
    %dma_wait3A_289 = tpu.memref_squeeze %dma_wait3A_288 : memref<1x40xi32, #tpu.memory_space<vmem>> -> memref<40xi32, #tpu.memory_space<vmem>>
    %dma_wait3A_290 = arith.constant 0 : i32
    %dma_wait3A_291 = arith.constant 0 : i32
    %dma_wait3A_292 = tpu.memref_slice %arg11[%dma_wait3A_290, %dma_wait3A_291] : memref<10000x16xf32, #tpu.memory_space<vmem_shared>> -> memref<10000x16xf32, #tpu.memory_space<vmem_shared>>
    tpu.wait_indirect_dma semaphore(%arg27 : memref<!tpu.dma_semaphore, #tpu.memory_space<semaphore_mem>>) src(%arg20 : memref<40x16xf32, #tpu.memory_space<vmem>>) dst(%dma_wait3A_292 : memref<10000x16xf32, #tpu.memory_space<vmem_shared>>)
    %dma_wait3A_293 = arith.constant 122 : i32
    %dma_wait3A_294 = arith.constant 0 : i32
    %dma_wait3A_295 = tpu.memref_slice %arg13[%dma_wait3A_293, %dma_wait3A_294] : memref<125x40xi32, #tpu.memory_space<vmem>> -> memref<1x40xi32, #tpu.memory_space<vmem>>
    %dma_wait3A_296 = tpu.memref_squeeze %dma_wait3A_295 : memref<1x40xi32, #tpu.memory_space<vmem>> -> memref<40xi32, #tpu.memory_space<vmem>>
    %dma_wait3A_297 = arith.constant 0 : i32
    %dma_wait3A_298 = arith.constant 0 : i32
    %dma_wait3A_299 = tpu.memref_slice %arg10[%dma_wait3A_297, %dma_wait3A_298] : memref<10000x128xf32, #tpu.memory_space<vmem_shared>> -> memref<10000x128xf32, #tpu.memory_space<vmem_shared>>
    tpu.wait_indirect_dma semaphore(%arg27 : memref<!tpu.dma_semaphore, #tpu.memory_space<semaphore_mem>>) src(%arg22 : memref<40x128xf32, #tpu.memory_space<vmem>>) dst(%dma_wait3A_299 : memref<10000x128xf32, #tpu.memory_space<vmem_shared>>)
    %scan3A_300 = arith.constant 0 : i32
    %scan3A_301 = arith.constant 0 : i32
    %scan3A_302 = arith.constant 20 : i32
    %scan3A_303 = arith.addi %scan3A_301, %scan3A_302 : i32
    %scan3A_304 = arith.constant 1 : i32
    %scan3A_305 = scf.for %scan3A_355 = %scan3A_301 to %scan3A_303 step %scan3A_304 iter_args(%scan3A_356 = %scan3A_300) -> (i32)  : i32 {
      %mul3A_357 = arith.constant 2 : i32
      %mul3A_358 = arith.muli %mul3A_357, %scan3A_355 : i32
      %add3A_359 = arith.constant 0 : i32
      %add3A_360 = arith.addi %mul3A_358, %add3A_359 : i32
      %get3A_361 = arith.index_cast %add3A_360 : i32 to index
      %get3A_362 = arith.constant 0 : index
      %get3A_363 = tpu.vector_load %arg14[%get3A_361, %get3A_362] {strides = array<i32>} : memref<40x16xf32, #tpu.memory_space<vmem>>, vector<1x16xf32>,
      %get3A_364 = vector.shape_cast %get3A_363 : vector<1x16xf32> to vector<16xf32>
      %add3A_365 = arith.constant 0 : i32
      %add3A_366 = arith.addi %mul3A_358, %add3A_365 : i32
      %get3A_367 = arith.index_cast %add3A_366 : i32 to index
      %get3A_368 = arith.constant 0 : index
      %get3A_369 = tpu.vector_load %arg16[%get3A_367, %get3A_368] {strides = array<i32>} : memref<40x16xf32, #tpu.memory_space<vmem>>, vector<1x16xf32>,
      %get3A_370 = vector.shape_cast %get3A_369 : vector<1x16xf32> to vector<16xf32>
      %add3A_371 = arith.addf %get3A_364, %get3A_370 : vector<16xf32>
      %add3A_372 = arith.constant 1 : i32
      %add3A_373 = arith.addi %mul3A_358, %add3A_372 : i32
      %get3A_374 = arith.index_cast %add3A_373 : i32 to index
      %get3A_375 = arith.constant 0 : index
      %get3A_376 = tpu.vector_load %arg14[%get3A_374, %get3A_375] {strides = array<i32>} : memref<40x16xf32, #tpu.memory_space<vmem>>, vector<1x16xf32>,
      %get3A_377 = vector.shape_cast %get3A_376 : vector<1x16xf32> to vector<16xf32>
      %add3A_378 = arith.constant 1 : i32
      %add3A_379 = arith.addi %mul3A_358, %add3A_378 : i32
      %get3A_380 = arith.index_cast %add3A_379 : i32 to index
      %get3A_381 = arith.constant 0 : index
      %get3A_382 = tpu.vector_load %arg16[%get3A_380, %get3A_381] {strides = array<i32>} : memref<40x16xf32, #tpu.memory_space<vmem>>, vector<1x16xf32>,
      %get3A_383 = vector.shape_cast %get3A_382 : vector<1x16xf32> to vector<16xf32>
      %add3A_384 = arith.addf %get3A_377, %get3A_383 : vector<16xf32>
      %add3A_385 = arith.constant 0 : i32
      %add3A_386 = arith.addi %mul3A_358, %add3A_385 : i32
      %get3A_387 = arith.index_cast %add3A_386 : i32 to index
      %get3A_388 = arith.constant 0 : index
      %get3A_389 = tpu.vector_load %arg18[%get3A_387, %get3A_388] {strides = array<i32>} : memref<40x128xf32, #tpu.memory_space<vmem>>, vector<1x16xf32>,
      %get3A_390 = vector.shape_cast %get3A_389 : vector<1x16xf32> to vector<16xf32>
      %add3A_391 = arith.constant 0 : i32
      %add3A_392 = arith.addi %mul3A_358, %add3A_391 : i32
      %get3A_393 = arith.index_cast %add3A_392 : i32 to index
      %get3A_394 = arith.constant 16 : index
      %get3A_395 = tpu.vector_load %arg18[%get3A_393, %get3A_394] {strides = array<i32>} : memref<40x128xf32, #tpu.memory_space<vmem>>, vector<1x16xf32>,
      %get3A_396 = vector.shape_cast %get3A_395 : vector<1x16xf32> to vector<16xf32>
      %add3A_397 = arith.constant 0 : i32
      %add3A_398 = arith.addi %mul3A_358, %add3A_397 : i32
      %get3A_399 = arith.index_cast %add3A_398 : i32 to index
      %get3A_400 = arith.constant 32 : index
      %get3A_401 = tpu.vector_load %arg18[%get3A_399, %get3A_400] {strides = array<i32>} : memref<40x128xf32, #tpu.memory_space<vmem>>, vector<1x16xf32>,
      %get3A_402 = vector.shape_cast %get3A_401 : vector<1x16xf32> to vector<16xf32>
      %add3A_403 = arith.constant 0 : i32
      %add3A_404 = arith.addi %mul3A_358, %add3A_403 : i32
      %get3A_405 = arith.index_cast %add3A_404 : i32 to index
      %get3A_406 = arith.constant 48 : index
      %get3A_407 = tpu.vector_load %arg18[%get3A_405, %get3A_406] {strides = array<i32>} : memref<40x128xf32, #tpu.memory_space<vmem>>, vector<1x16xf32>,
      %get3A_408 = vector.shape_cast %get3A_407 : vector<1x16xf32> to vector<16xf32>
      %add3A_409 = arith.constant 0 : i32
      %add3A_410 = arith.addi %mul3A_358, %add3A_409 : i32
      %get3A_411 = arith.index_cast %add3A_410 : i32 to index
      %get3A_412 = arith.constant 64 : index
      %get3A_413 = tpu.vector_load %arg18[%get3A_411, %get3A_412] {strides = array<i32>} : memref<40x128xf32, #tpu.memory_space<vmem>>, vector<1x16xf32>,
      %get3A_414 = vector.shape_cast %get3A_413 : vector<1x16xf32> to vector<16xf32>
      %add3A_415 = arith.constant 0 : i32
      %add3A_416 = arith.addi %mul3A_358, %add3A_415 : i32
      %get3A_417 = arith.index_cast %add3A_416 : i32 to index
      %get3A_418 = arith.constant 80 : index
      %get3A_419 = tpu.vector_load %arg18[%get3A_417, %get3A_418] {strides = array<i32>} : memref<40x128xf32, #tpu.memory_space<vmem>>, vector<1x16xf32>,
      %get3A_420 = vector.shape_cast %get3A_419 : vector<1x16xf32> to vector<16xf32>
      %add3A_421 = arith.constant 0 : i32
      %add3A_422 = arith.addi %mul3A_358, %add3A_421 : i32
      %get3A_423 = arith.index_cast %add3A_422 : i32 to index
      %get3A_424 = arith.constant 96 : index
      %get3A_425 = tpu.vector_load %arg18[%get3A_423, %get3A_424] {strides = array<i32>} : memref<40x128xf32, #tpu.memory_space<vmem>>, vector<1x16xf32>,
      %get3A_426 = vector.shape_cast %get3A_425 : vector<1x16xf32> to vector<16xf32>
      %add3A_427 = arith.constant 0 : i32
      %add3A_428 = arith.addi %mul3A_358, %add3A_427 : i32
      %get3A_429 = arith.index_cast %add3A_428 : i32 to index
      %get3A_430 = arith.constant 112 : index
      %get3A_431 = tpu.vector_load %arg18[%get3A_429, %get3A_430] {strides = array<i32>} : memref<40x128xf32, #tpu.memory_space<vmem>>, vector<1x16xf32>,
      %get3A_432 = vector.shape_cast %get3A_431 : vector<1x16xf32> to vector<16xf32>
      %add3A_433 = arith.constant 1 : i32
      %add3A_434 = arith.addi %mul3A_358, %add3A_433 : i32
      %get3A_435 = arith.index_cast %add3A_434 : i32 to index
      %get3A_436 = arith.constant 0 : index
      %get3A_437 = tpu.vector_load %arg18[%get3A_435, %get3A_436] {strides = array<i32>} : memref<40x128xf32, #tpu.memory_space<vmem>>, vector<1x16xf32>,
      %get3A_438 = vector.shape_cast %get3A_437 : vector<1x16xf32> to vector<16xf32>
      %add3A_439 = arith.constant 1 : i32
      %add3A_440 = arith.addi %mul3A_358, %add3A_439 : i32
      %get3A_441 = arith.index_cast %add3A_440 : i32 to index
      %get3A_442 = arith.constant 16 : index
      %get3A_443 = tpu.vector_load %arg18[%get3A_441, %get3A_442] {strides = array<i32>} : memref<40x128xf32, #tpu.memory_space<vmem>>, vector<1x16xf32>,
      %get3A_444 = vector.shape_cast %get3A_443 : vector<1x16xf32> to vector<16xf32>
      %add3A_445 = arith.constant 1 : i32
      %add3A_446 = arith.addi %mul3A_358, %add3A_445 : i32
      %get3A_447 = arith.index_cast %add3A_446 : i32 to index
      %get3A_448 = arith.constant 32 : index
      %get3A_449 = tpu.vector_load %arg18[%get3A_447, %get3A_448] {strides = array<i32>} : memref<40x128xf32, #tpu.memory_space<vmem>>, vector<1x16xf32>,
      %get3A_450 = vector.shape_cast %get3A_449 : vector<1x16xf32> to vector<16xf32>
      %add3A_451 = arith.constant 1 : i32
      %add3A_452 = arith.addi %mul3A_358, %add3A_451 : i32
      %get3A_453 = arith.index_cast %add3A_452 : i32 to index
      %get3A_454 = arith.constant 48 : index
      %get3A_455 = tpu.vector_load %arg18[%get3A_453, %get3A_454] {strides = array<i32>} : memref<40x128xf32, #tpu.memory_space<vmem>>, vector<1x16xf32>,
      %get3A_456 = vector.shape_cast %get3A_455 : vector<1x16xf32> to vector<16xf32>
      %add3A_457 = arith.constant 1 : i32
      %add3A_458 = arith.addi %mul3A_358, %add3A_457 : i32
      %get3A_459 = arith.index_cast %add3A_458 : i32 to index
      %get3A_460 = arith.constant 64 : index
      %get3A_461 = tpu.vector_load %arg18[%get3A_459, %get3A_460] {strides = array<i32>} : memref<40x128xf32, #tpu.memory_space<vmem>>, vector<1x16xf32>,
      %get3A_462 = vector.shape_cast %get3A_461 : vector<1x16xf32> to vector<16xf32>
      %add3A_463 = arith.constant 1 : i32
      %add3A_464 = arith.addi %mul3A_358, %add3A_463 : i32
      %get3A_465 = arith.index_cast %add3A_464 : i32 to index
      %get3A_466 = arith.constant 80 : index
      %get3A_467 = tpu.vector_load %arg18[%get3A_465, %get3A_466] {strides = array<i32>} : memref<40x128xf32, #tpu.memory_space<vmem>>, vector<1x16xf32>,
      %get3A_468 = vector.shape_cast %get3A_467 : vector<1x16xf32> to vector<16xf32>
      %add3A_469 = arith.constant 1 : i32
      %add3A_470 = arith.addi %mul3A_358, %add3A_469 : i32
      %get3A_471 = arith.index_cast %add3A_470 : i32 to index
      %get3A_472 = arith.constant 96 : index
      %get3A_473 = tpu.vector_load %arg18[%get3A_471, %get3A_472] {strides = array<i32>} : memref<40x128xf32, #tpu.memory_space<vmem>>, vector<1x16xf32>,
      %get3A_474 = vector.shape_cast %get3A_473 : vector<1x16xf32> to vector<16xf32>
      %add3A_475 = arith.constant 1 : i32
      %add3A_476 = arith.addi %mul3A_358, %add3A_475 : i32
      %get3A_477 = arith.index_cast %add3A_476 : i32 to index
      %get3A_478 = arith.constant 112 : index
      %get3A_479 = tpu.vector_load %arg18[%get3A_477, %get3A_478] {strides = array<i32>} : memref<40x128xf32, #tpu.memory_space<vmem>>, vector<1x16xf32>,
      %get3A_480 = vector.shape_cast %get3A_479 : vector<1x16xf32> to vector<16xf32>
      %mul3A_481 = arith.constant 2.000000e-01 : f32
      %mul3A_482 = vector.broadcast %mul3A_481 : f32 to vector<16xf32>
      %mul3A_483 = arith.mulf %mul3A_482, %add3A_371 : vector<16xf32>
      %max3A = arith.maximumf %add3A_371, %mul3A_483 : vector<16xf32>
      %sub3A = arith.subf %max3A, %get3A_84 : vector<16xf32>
      %exp3A = math.exp %sub3A : vector<16xf32>
      %mul3A_484 = arith.constant 2.000000e-01 : f32
      %mul3A_485 = vector.broadcast %mul3A_484 : f32 to vector<16xf32>
      %mul3A_486 = arith.mulf %mul3A_485, %add3A_384 : vector<16xf32>
      %max3A_487 = arith.maximumf %add3A_384, %mul3A_486 : vector<16xf32>
      %sub3A_488 = arith.subf %max3A_487, %get3A_84 : vector<16xf32>
      %exp3A_489 = math.exp %sub3A_488 : vector<16xf32>
      %add3A_490 = arith.constant 0 : i32
      %add3A_491 = arith.addi %mul3A_358, %add3A_490 : i32
      %swap3A = arith.index_cast %add3A_491 : i32 to index
      %swap3A_492 = arith.constant 0 : index
      %swap3A_493 = tpu.vector_load %arg20[%swap3A, %swap3A_492] {strides = array<i32>} : memref<40x16xf32, #tpu.memory_space<vmem>>, vector<1x16xf32>,
      %swap3A_494 = vector.shape_cast %swap3A_493 : vector<1x16xf32> to vector<16xf32>
      %swap3A_495 = vector.shape_cast %exp3A : vector<16xf32> to vector<1x16xf32>
      tpu.vector_store %arg20[%swap3A, %swap3A_492], %swap3A_495 {strides = array<i32>} : memref<40x16xf32, #tpu.memory_space<vmem>>, vector<1x16xf32>,
      %add3A_496 = arith.constant 1 : i32
      %add3A_497 = arith.addi %mul3A_358, %add3A_496 : i32
      %swap3A_498 = arith.index_cast %add3A_497 : i32 to index
      %swap3A_499 = arith.constant 0 : index
      %swap3A_500 = tpu.vector_load %arg20[%swap3A_498, %swap3A_499] {strides = array<i32>} : memref<40x16xf32, #tpu.memory_space<vmem>>, vector<1x16xf32>,
      %swap3A_501 = vector.shape_cast %swap3A_500 : vector<1x16xf32> to vector<16xf32>
      %swap3A_502 = vector.shape_cast %exp3A_489 : vector<16xf32> to vector<1x16xf32>
      tpu.vector_store %arg20[%swap3A_498, %swap3A_499], %swap3A_502 {strides = array<i32>} : memref<40x16xf32, #tpu.memory_space<vmem>>, vector<1x16xf32>,
      %slice3A = vector.extract_strided_slice %exp3A {offsets = [0], sizes = [1], strides = [1]} : vector<16xf32> to vector<1xf32>
      %squeeze3A = vector.extract %slice3A[0] : f32 from vector<1xf32>
      %mul3A_503 = vector.broadcast %squeeze3A : f32 to vector<16xf32>
      %mul3A_504 = arith.mulf %get3A_390, %mul3A_503 : vector<16xf32>
      %add3A_505 = arith.constant 0 : i32
      %add3A_506 = arith.addi %mul3A_358, %add3A_505 : i32
      %swap3A_507 = arith.index_cast %add3A_506 : i32 to index
      %swap3A_508 = arith.constant 0 : index
      %swap3A_509 = tpu.vector_load %arg22[%swap3A_507, %swap3A_508] {strides = array<i32>} : memref<40x128xf32, #tpu.memory_space<vmem>>, vector<1x16xf32>,
      %swap3A_510 = vector.shape_cast %swap3A_509 : vector<1x16xf32> to vector<16xf32>
      %swap3A_511 = vector.shape_cast %mul3A_504 : vector<16xf32> to vector<1x16xf32>
      tpu.vector_store %arg22[%swap3A_507, %swap3A_508], %swap3A_511 {strides = array<i32>} : memref<40x128xf32, #tpu.memory_space<vmem>>, vector<1x16xf32>,
      %slice3A_512 = vector.extract_strided_slice %exp3A {offsets = [1], sizes = [1], strides = [1]} : vector<16xf32> to vector<1xf32>
      %squeeze3A_513 = vector.extract %slice3A_512[0] : f32 from vector<1xf32>
      %mul3A_514 = vector.broadcast %squeeze3A_513 : f32 to vector<16xf32>
      %mul3A_515 = arith.mulf %get3A_396, %mul3A_514 : vector<16xf32>
      %add3A_516 = arith.constant 0 : i32
      %add3A_517 = arith.addi %mul3A_358, %add3A_516 : i32
      %swap3A_518 = arith.index_cast %add3A_517 : i32 to index
      %swap3A_519 = arith.constant 16 : index
      %swap3A_520 = tpu.vector_load %arg22[%swap3A_518, %swap3A_519] {strides = array<i32>} : memref<40x128xf32, #tpu.memory_space<vmem>>, vector<1x16xf32>,
      %swap3A_521 = vector.shape_cast %swap3A_520 : vector<1x16xf32> to vector<16xf32>
      %swap3A_522 = vector.shape_cast %mul3A_515 : vector<16xf32> to vector<1x16xf32>
      tpu.vector_store %arg22[%swap3A_518, %swap3A_519], %swap3A_522 {strides = array<i32>} : memref<40x128xf32, #tpu.memory_space<vmem>>, vector<1x16xf32>,
      %slice3A_523 = vector.extract_strided_slice %exp3A {offsets = [2], sizes = [1], strides = [1]} : vector<16xf32> to vector<1xf32>
      %squeeze3A_524 = vector.extract %slice3A_523[0] : f32 from vector<1xf32>
      %mul3A_525 = vector.broadcast %squeeze3A_524 : f32 to vector<16xf32>
      %mul3A_526 = arith.mulf %get3A_402, %mul3A_525 : vector<16xf32>
      %add3A_527 = arith.constant 0 : i32
      %add3A_528 = arith.addi %mul3A_358, %add3A_527 : i32
      %swap3A_529 = arith.index_cast %add3A_528 : i32 to index
      %swap3A_530 = arith.constant 32 : index
      %swap3A_531 = tpu.vector_load %arg22[%swap3A_529, %swap3A_530] {strides = array<i32>} : memref<40x128xf32, #tpu.memory_space<vmem>>, vector<1x16xf32>,
      %swap3A_532 = vector.shape_cast %swap3A_531 : vector<1x16xf32> to vector<16xf32>
      %swap3A_533 = vector.shape_cast %mul3A_526 : vector<16xf32> to vector<1x16xf32>
      tpu.vector_store %arg22[%swap3A_529, %swap3A_530], %swap3A_533 {strides = array<i32>} : memref<40x128xf32, #tpu.memory_space<vmem>>, vector<1x16xf32>,
      %slice3A_534 = vector.extract_strided_slice %exp3A {offsets = [3], sizes = [1], strides = [1]} : vector<16xf32> to vector<1xf32>
      %squeeze3A_535 = vector.extract %slice3A_534[0] : f32 from vector<1xf32>
      %mul3A_536 = vector.broadcast %squeeze3A_535 : f32 to vector<16xf32>
      %mul3A_537 = arith.mulf %get3A_408, %mul3A_536 : vector<16xf32>
      %add3A_538 = arith.constant 0 : i32
      %add3A_539 = arith.addi %mul3A_358, %add3A_538 : i32
      %swap3A_540 = arith.index_cast %add3A_539 : i32 to index
      %swap3A_541 = arith.constant 48 : index
      %swap3A_542 = tpu.vector_load %arg22[%swap3A_540, %swap3A_541] {strides = array<i32>} : memref<40x128xf32, #tpu.memory_space<vmem>>, vector<1x16xf32>,
      %swap3A_543 = vector.shape_cast %swap3A_542 : vector<1x16xf32> to vector<16xf32>
      %swap3A_544 = vector.shape_cast %mul3A_537 : vector<16xf32> to vector<1x16xf32>
      tpu.vector_store %arg22[%swap3A_540, %swap3A_541], %swap3A_544 {strides = array<i32>} : memref<40x128xf32, #tpu.memory_space<vmem>>, vector<1x16xf32>,
      %slice3A_545 = vector.extract_strided_slice %exp3A {offsets = [4], sizes = [1], strides = [1]} : vector<16xf32> to vector<1xf32>
      %squeeze3A_546 = vector.extract %slice3A_545[0] : f32 from vector<1xf32>
      %mul3A_547 = vector.broadcast %squeeze3A_546 : f32 to vector<16xf32>
      %mul3A_548 = arith.mulf %get3A_414, %mul3A_547 : vector<16xf32>
      %add3A_549 = arith.constant 0 : i32
      %add3A_550 = arith.addi %mul3A_358, %add3A_549 : i32
      %swap3A_551 = arith.index_cast %add3A_550 : i32 to index
      %swap3A_552 = arith.constant 64 : index
      %swap3A_553 = tpu.vector_load %arg22[%swap3A_551, %swap3A_552] {strides = array<i32>} : memref<40x128xf32, #tpu.memory_space<vmem>>, vector<1x16xf32>,
      %swap3A_554 = vector.shape_cast %swap3A_553 : vector<1x16xf32> to vector<16xf32>
      %swap3A_555 = vector.shape_cast %mul3A_548 : vector<16xf32> to vector<1x16xf32>
      tpu.vector_store %arg22[%swap3A_551, %swap3A_552], %swap3A_555 {strides = array<i32>} : memref<40x128xf32, #tpu.memory_space<vmem>>, vector<1x16xf32>,
      %slice3A_556 = vector.extract_strided_slice %exp3A {offsets = [5], sizes = [1], strides = [1]} : vector<16xf32> to vector<1xf32>
      %squeeze3A_557 = vector.extract %slice3A_556[0] : f32 from vector<1xf32>
      %mul3A_558 = vector.broadcast %squeeze3A_557 : f32 to vector<16xf32>
      %mul3A_559 = arith.mulf %get3A_420, %mul3A_558 : vector<16xf32>
      %add3A_560 = arith.constant 0 : i32
      %add3A_561 = arith.addi %mul3A_358, %add3A_560 : i32
      %swap3A_562 = arith.index_cast %add3A_561 : i32 to index
      %swap3A_563 = arith.constant 80 : index
      %swap3A_564 = tpu.vector_load %arg22[%swap3A_562, %swap3A_563] {strides = array<i32>} : memref<40x128xf32, #tpu.memory_space<vmem>>, vector<1x16xf32>,
      %swap3A_565 = vector.shape_cast %swap3A_564 : vector<1x16xf32> to vector<16xf32>
      %swap3A_566 = vector.shape_cast %mul3A_559 : vector<16xf32> to vector<1x16xf32>
      tpu.vector_store %arg22[%swap3A_562, %swap3A_563], %swap3A_566 {strides = array<i32>} : memref<40x128xf32, #tpu.memory_space<vmem>>, vector<1x16xf32>,
      %slice3A_567 = vector.extract_strided_slice %exp3A {offsets = [6], sizes = [1], strides = [1]} : vector<16xf32> to vector<1xf32>
      %squeeze3A_568 = vector.extract %slice3A_567[0] : f32 from vector<1xf32>
      %mul3A_569 = vector.broadcast %squeeze3A_568 : f32 to vector<16xf32>
      %mul3A_570 = arith.mulf %get3A_426, %mul3A_569 : vector<16xf32>
      %add3A_571 = arith.constant 0 : i32
      %add3A_572 = arith.addi %mul3A_358, %add3A_571 : i32
      %swap3A_573 = arith.index_cast %add3A_572 : i32 to index
      %swap3A_574 = arith.constant 96 : index
      %swap3A_575 = tpu.vector_load %arg22[%swap3A_573, %swap3A_574] {strides = array<i32>} : memref<40x128xf32, #tpu.memory_space<vmem>>, vector<1x16xf32>,
      %swap3A_576 = vector.shape_cast %swap3A_575 : vector<1x16xf32> to vector<16xf32>
      %swap3A_577 = vector.shape_cast %mul3A_570 : vector<16xf32> to vector<1x16xf32>
      tpu.vector_store %arg22[%swap3A_573, %swap3A_574], %swap3A_577 {strides = array<i32>} : memref<40x128xf32, #tpu.memory_space<vmem>>, vector<1x16xf32>,
      %slice3A_578 = vector.extract_strided_slice %exp3A {offsets = [7], sizes = [1], strides = [1]} : vector<16xf32> to vector<1xf32>
      %squeeze3A_579 = vector.extract %slice3A_578[0] : f32 from vector<1xf32>
      %mul3A_580 = vector.broadcast %squeeze3A_579 : f32 to vector<16xf32>
      %mul3A_581 = arith.mulf %get3A_432, %mul3A_580 : vector<16xf32>
      %add3A_582 = arith.constant 0 : i32
      %add3A_583 = arith.addi %mul3A_358, %add3A_582 : i32
      %swap3A_584 = arith.index_cast %add3A_583 : i32 to index
      %swap3A_585 = arith.constant 112 : index
      %swap3A_586 = tpu.vector_load %arg22[%swap3A_584, %swap3A_585] {strides = array<i32>} : memref<40x128xf32, #tpu.memory_space<vmem>>, vector<1x16xf32>,
      %swap3A_587 = vector.shape_cast %swap3A_586 : vector<1x16xf32> to vector<16xf32>
      %swap3A_588 = vector.shape_cast %mul3A_581 : vector<16xf32> to vector<1x16xf32>
      tpu.vector_store %arg22[%swap3A_584, %swap3A_585], %swap3A_588 {strides = array<i32>} : memref<40x128xf32, #tpu.memory_space<vmem>>, vector<1x16xf32>,
      %slice3A_589 = vector.extract_strided_slice %exp3A_489 {offsets = [0], sizes = [1], strides = [1]} : vector<16xf32> to vector<1xf32>
      %squeeze3A_590 = vector.extract %slice3A_589[0] : f32 from vector<1xf32>
      %mul3A_591 = vector.broadcast %squeeze3A_590 : f32 to vector<16xf32>
      %mul3A_592 = arith.mulf %get3A_438, %mul3A_591 : vector<16xf32>
      %add3A_593 = arith.constant 1 : i32
      %add3A_594 = arith.addi %mul3A_358, %add3A_593 : i32
      %swap3A_595 = arith.index_cast %add3A_594 : i32 to index
      %swap3A_596 = arith.constant 0 : index
      %swap3A_597 = tpu.vector_load %arg22[%swap3A_595, %swap3A_596] {strides = array<i32>} : memref<40x128xf32, #tpu.memory_space<vmem>>, vector<1x16xf32>,
      %swap3A_598 = vector.shape_cast %swap3A_597 : vector<1x16xf32> to vector<16xf32>
      %swap3A_599 = vector.shape_cast %mul3A_592 : vector<16xf32> to vector<1x16xf32>
      tpu.vector_store %arg22[%swap3A_595, %swap3A_596], %swap3A_599 {strides = array<i32>} : memref<40x128xf32, #tpu.memory_space<vmem>>, vector<1x16xf32>,
      %slice3A_600 = vector.extract_strided_slice %exp3A_489 {offsets = [1], sizes = [1], strides = [1]} : vector<16xf32> to vector<1xf32>
      %squeeze3A_601 = vector.extract %slice3A_600[0] : f32 from vector<1xf32>
      %mul3A_602 = vector.broadcast %squeeze3A_601 : f32 to vector<16xf32>
      %mul3A_603 = arith.mulf %get3A_444, %mul3A_602 : vector<16xf32>
      %add3A_604 = arith.constant 1 : i32
      %add3A_605 = arith.addi %mul3A_358, %add3A_604 : i32
      %swap3A_606 = arith.index_cast %add3A_605 : i32 to index
      %swap3A_607 = arith.constant 16 : index
      %swap3A_608 = tpu.vector_load %arg22[%swap3A_606, %swap3A_607] {strides = array<i32>} : memref<40x128xf32, #tpu.memory_space<vmem>>, vector<1x16xf32>,
      %swap3A_609 = vector.shape_cast %swap3A_608 : vector<1x16xf32> to vector<16xf32>
      %swap3A_610 = vector.shape_cast %mul3A_603 : vector<16xf32> to vector<1x16xf32>
      tpu.vector_store %arg22[%swap3A_606, %swap3A_607], %swap3A_610 {strides = array<i32>} : memref<40x128xf32, #tpu.memory_space<vmem>>, vector<1x16xf32>,
      %slice3A_611 = vector.extract_strided_slice %exp3A_489 {offsets = [2], sizes = [1], strides = [1]} : vector<16xf32> to vector<1xf32>
      %squeeze3A_612 = vector.extract %slice3A_611[0] : f32 from vector<1xf32>
      %mul3A_613 = vector.broadcast %squeeze3A_612 : f32 to vector<16xf32>
      %mul3A_614 = arith.mulf %get3A_450, %mul3A_613 : vector<16xf32>
      %add3A_615 = arith.constant 1 : i32
      %add3A_616 = arith.addi %mul3A_358, %add3A_615 : i32
      %swap3A_617 = arith.index_cast %add3A_616 : i32 to index
      %swap3A_618 = arith.constant 32 : index
      %swap3A_619 = tpu.vector_load %arg22[%swap3A_617, %swap3A_618] {strides = array<i32>} : memref<40x128xf32, #tpu.memory_space<vmem>>, vector<1x16xf32>,
      %swap3A_620 = vector.shape_cast %swap3A_619 : vector<1x16xf32> to vector<16xf32>
      %swap3A_621 = vector.shape_cast %mul3A_614 : vector<16xf32> to vector<1x16xf32>
      tpu.vector_store %arg22[%swap3A_617, %swap3A_618], %swap3A_621 {strides = array<i32>} : memref<40x128xf32, #tpu.memory_space<vmem>>, vector<1x16xf32>,
      %slice3A_622 = vector.extract_strided_slice %exp3A_489 {offsets = [3], sizes = [1], strides = [1]} : vector<16xf32> to vector<1xf32>
      %squeeze3A_623 = vector.extract %slice3A_622[0] : f32 from vector<1xf32>
      %mul3A_624 = vector.broadcast %squeeze3A_623 : f32 to vector<16xf32>
      %mul3A_625 = arith.mulf %get3A_456, %mul3A_624 : vector<16xf32>
      %add3A_626 = arith.constant 1 : i32
      %add3A_627 = arith.addi %mul3A_358, %add3A_626 : i32
      %swap3A_628 = arith.index_cast %add3A_627 : i32 to index
      %swap3A_629 = arith.constant 48 : index
      %swap3A_630 = tpu.vector_load %arg22[%swap3A_628, %swap3A_629] {strides = array<i32>} : memref<40x128xf32, #tpu.memory_space<vmem>>, vector<1x16xf32>,
      %swap3A_631 = vector.shape_cast %swap3A_630 : vector<1x16xf32> to vector<16xf32>
      %swap3A_632 = vector.shape_cast %mul3A_625 : vector<16xf32> to vector<1x16xf32>
      tpu.vector_store %arg22[%swap3A_628, %swap3A_629], %swap3A_632 {strides = array<i32>} : memref<40x128xf32, #tpu.memory_space<vmem>>, vector<1x16xf32>,
      %slice3A_633 = vector.extract_strided_slice %exp3A_489 {offsets = [4], sizes = [1], strides = [1]} : vector<16xf32> to vector<1xf32>
      %squeeze3A_634 = vector.extract %slice3A_633[0] : f32 from vector<1xf32>
      %mul3A_635 = vector.broadcast %squeeze3A_634 : f32 to vector<16xf32>
      %mul3A_636 = arith.mulf %get3A_462, %mul3A_635 : vector<16xf32>
      %add3A_637 = arith.constant 1 : i32
      %add3A_638 = arith.addi %mul3A_358, %add3A_637 : i32
      %swap3A_639 = arith.index_cast %add3A_638 : i32 to index
      %swap3A_640 = arith.constant 64 : index
      %swap3A_641 = tpu.vector_load %arg22[%swap3A_639, %swap3A_640] {strides = array<i32>} : memref<40x128xf32, #tpu.memory_space<vmem>>, vector<1x16xf32>,
      %swap3A_642 = vector.shape_cast %swap3A_641 : vector<1x16xf32> to vector<16xf32>
      %swap3A_643 = vector.shape_cast %mul3A_636 : vector<16xf32> to vector<1x16xf32>
      tpu.vector_store %arg22[%swap3A_639, %swap3A_640], %swap3A_643 {strides = array<i32>} : memref<40x128xf32, #tpu.memory_space<vmem>>, vector<1x16xf32>,
      %slice3A_644 = vector.extract_strided_slice %exp3A_489 {offsets = [5], sizes = [1], strides = [1]} : vector<16xf32> to vector<1xf32>
      %squeeze3A_645 = vector.extract %slice3A_644[0] : f32 from vector<1xf32>
      %mul3A_646 = vector.broadcast %squeeze3A_645 : f32 to vector<16xf32>
      %mul3A_647 = arith.mulf %get3A_468, %mul3A_646 : vector<16xf32>
      %add3A_648 = arith.constant 1 : i32
      %add3A_649 = arith.addi %mul3A_358, %add3A_648 : i32
      %swap3A_650 = arith.index_cast %add3A_649 : i32 to index
      %swap3A_651 = arith.constant 80 : index
      %swap3A_652 = tpu.vector_load %arg22[%swap3A_650, %swap3A_651] {strides = array<i32>} : memref<40x128xf32, #tpu.memory_space<vmem>>, vector<1x16xf32>,
      %swap3A_653 = vector.shape_cast %swap3A_652 : vector<1x16xf32> to vector<16xf32>
      %swap3A_654 = vector.shape_cast %mul3A_647 : vector<16xf32> to vector<1x16xf32>
      tpu.vector_store %arg22[%swap3A_650, %swap3A_651], %swap3A_654 {strides = array<i32>} : memref<40x128xf32, #tpu.memory_space<vmem>>, vector<1x16xf32>,
      %slice3A_655 = vector.extract_strided_slice %exp3A_489 {offsets = [6], sizes = [1], strides = [1]} : vector<16xf32> to vector<1xf32>
      %squeeze3A_656 = vector.extract %slice3A_655[0] : f32 from vector<1xf32>
      %mul3A_657 = vector.broadcast %squeeze3A_656 : f32 to vector<16xf32>
      %mul3A_658 = arith.mulf %get3A_474, %mul3A_657 : vector<16xf32>
      %add3A_659 = arith.constant 1 : i32
      %add3A_660 = arith.addi %mul3A_358, %add3A_659 : i32
      %swap3A_661 = arith.index_cast %add3A_660 : i32 to index
      %swap3A_662 = arith.constant 96 : index
      %swap3A_663 = tpu.vector_load %arg22[%swap3A_661, %swap3A_662] {strides = array<i32>} : memref<40x128xf32, #tpu.memory_space<vmem>>, vector<1x16xf32>,
      %swap3A_664 = vector.shape_cast %swap3A_663 : vector<1x16xf32> to vector<16xf32>
      %swap3A_665 = vector.shape_cast %mul3A_658 : vector<16xf32> to vector<1x16xf32>
      tpu.vector_store %arg22[%swap3A_661, %swap3A_662], %swap3A_665 {strides = array<i32>} : memref<40x128xf32, #tpu.memory_space<vmem>>, vector<1x16xf32>,
      %slice3A_666 = vector.extract_strided_slice %exp3A_489 {offsets = [7], sizes = [1], strides = [1]} : vector<16xf32> to vector<1xf32>
      %squeeze3A_667 = vector.extract %slice3A_666[0] : f32 from vector<1xf32>
      %mul3A_668 = vector.broadcast %squeeze3A_667 : f32 to vector<16xf32>
      %mul3A_669 = arith.mulf %get3A_480, %mul3A_668 : vector<16xf32>
      %add3A_670 = arith.constant 1 : i32
      %add3A_671 = arith.addi %mul3A_358, %add3A_670 : i32
      %swap3A_672 = arith.index_cast %add3A_671 : i32 to index
      %swap3A_673 = arith.constant 112 : index
      %swap3A_674 = tpu.vector_load %arg22[%swap3A_672, %swap3A_673] {strides = array<i32>} : memref<40x128xf32, #tpu.memory_space<vmem>>, vector<1x16xf32>,
      %swap3A_675 = vector.shape_cast %swap3A_674 : vector<1x16xf32> to vector<16xf32>
      %swap3A_676 = vector.shape_cast %mul3A_669 : vector<16xf32> to vector<1x16xf32>
      tpu.vector_store %arg22[%swap3A_672, %swap3A_673], %swap3A_676 {strides = array<i32>} : memref<40x128xf32, #tpu.memory_space<vmem>>, vector<1x16xf32>,
      %scan3A_677 = arith.constant 0 : i32
      scf.yield %scan3A_677 : i32
    }
    %scan3A_306 = arith.constant 20 : i32
    %dma_start3A_307 = arith.constant 124 : i32
    %dma_start3A_308 = arith.constant 0 : i32
    %dma_start3A_309 = tpu.memref_slice %arg13[%dma_start3A_307, %dma_start3A_308] : memref<125x40xi32, #tpu.memory_space<vmem>> -> memref<1x40xi32, #tpu.memory_space<vmem>>
    %dma_start3A_310 = tpu.memref_squeeze %dma_start3A_309 : memref<1x40xi32, #tpu.memory_space<vmem>> -> memref<40xi32, #tpu.memory_space<vmem>>
    %dma_start3A_311 = arith.constant 0 : i32
    %dma_start3A_312 = arith.constant 0 : i32
    %dma_start3A_313 = tpu.memref_slice %arg11[%dma_start3A_311, %dma_start3A_312] : memref<10000x16xf32, #tpu.memory_space<vmem_shared>> -> memref<10000x16xf32, #tpu.memory_space<vmem_shared>>
    tpu.enqueue_indirect_dma source(%arg20 : memref<40x16xf32, #tpu.memory_space<vmem>>) target(%dma_start3A_313 : memref<10000x16xf32, #tpu.memory_space<vmem_shared>>) offsets(%dma_start3A_310 : memref<40xi32, #tpu.memory_space<vmem>>) semaphore(%arg27 : memref<!tpu.dma_semaphore, #tpu.memory_space<semaphore_mem>>) {add = true}
    %dma_start3A_314 = arith.constant 124 : i32
    %dma_start3A_315 = arith.constant 0 : i32
    %dma_start3A_316 = tpu.memref_slice %arg13[%dma_start3A_314, %dma_start3A_315] : memref<125x40xi32, #tpu.memory_space<vmem>> -> memref<1x40xi32, #tpu.memory_space<vmem>>
    %dma_start3A_317 = tpu.memref_squeeze %dma_start3A_316 : memref<1x40xi32, #tpu.memory_space<vmem>> -> memref<40xi32, #tpu.memory_space<vmem>>
    %dma_start3A_318 = arith.constant 0 : i32
    %dma_start3A_319 = arith.constant 0 : i32
    %dma_start3A_320 = tpu.memref_slice %arg10[%dma_start3A_318, %dma_start3A_319] : memref<10000x128xf32, #tpu.memory_space<vmem_shared>> -> memref<10000x128xf32, #tpu.memory_space<vmem_shared>>
    tpu.enqueue_indirect_dma source(%arg22 : memref<40x128xf32, #tpu.memory_space<vmem>>) target(%dma_start3A_320 : memref<10000x128xf32, #tpu.memory_space<vmem_shared>>) offsets(%dma_start3A_317 : memref<40xi32, #tpu.memory_space<vmem>>) semaphore(%arg27 : memref<!tpu.dma_semaphore, #tpu.memory_space<semaphore_mem>>) {add = true}
    %dma_wait3A_321 = arith.constant 123 : i32
    %dma_wait3A_322 = arith.constant 0 : i32
    %dma_wait3A_323 = tpu.memref_slice %arg13[%dma_wait3A_321, %dma_wait3A_322] : memref<125x40xi32, #tpu.memory_space<vmem>> -> memref<1x40xi32, #tpu.memory_space<vmem>>
    %dma_wait3A_324 = tpu.memref_squeeze %dma_wait3A_323 : memref<1x40xi32, #tpu.memory_space<vmem>> -> memref<40xi32, #tpu.memory_space<vmem>>
    %dma_wait3A_325 = arith.constant 0 : i32
    %dma_wait3A_326 = arith.constant 0 : i32
    %dma_wait3A_327 = tpu.memref_slice %arg11[%dma_wait3A_325, %dma_wait3A_326] : memref<10000x16xf32, #tpu.memory_space<vmem_shared>> -> memref<10000x16xf32, #tpu.memory_space<vmem_shared>>
    tpu.wait_indirect_dma semaphore(%arg28 : memref<!tpu.dma_semaphore, #tpu.memory_space<semaphore_mem>>) src(%arg21 : memref<40x16xf32, #tpu.memory_space<vmem>>) dst(%dma_wait3A_327 : memref<10000x16xf32, #tpu.memory_space<vmem_shared>>)
    %dma_wait3A_328 = arith.constant 123 : i32
    %dma_wait3A_329 = arith.constant 0 : i32
    %dma_wait3A_330 = tpu.memref_slice %arg13[%dma_wait3A_328, %dma_wait3A_329] : memref<125x40xi32, #tpu.memory_space<vmem>> -> memref<1x40xi32, #tpu.memory_space<vmem>>
    %dma_wait3A_331 = tpu.memref_squeeze %dma_wait3A_330 : memref<1x40xi32, #tpu.memory_space<vmem>> -> memref<40xi32, #tpu.memory_space<vmem>>
    %dma_wait3A_332 = arith.constant 0 : i32
    %dma_wait3A_333 = arith.constant 0 : i32
    %dma_wait3A_334 = tpu.memref_slice %arg10[%dma_wait3A_332, %dma_wait3A_333] : memref<10000x128xf32, #tpu.memory_space<vmem_shared>> -> memref<10000x128xf32, #tpu.memory_space<vmem_shared>>
    tpu.wait_indirect_dma semaphore(%arg28 : memref<!tpu.dma_semaphore, #tpu.memory_space<semaphore_mem>>) src(%arg23 : memref<40x128xf32, #tpu.memory_space<vmem>>) dst(%dma_wait3A_334 : memref<10000x128xf32, #tpu.memory_space<vmem_shared>>)
    %dma_wait3A_335 = arith.constant 124 : i32
    %dma_wait3A_336 = arith.constant 0 : i32
    %dma_wait3A_337 = tpu.memref_slice %arg13[%dma_wait3A_335, %dma_wait3A_336] : memref<125x40xi32, #tpu.memory_space<vmem>> -> memref<1x40xi32, #tpu.memory_space<vmem>>
    %dma_wait3A_338 = tpu.memref_squeeze %dma_wait3A_337 : memref<1x40xi32, #tpu.memory_space<vmem>> -> memref<40xi32, #tpu.memory_space<vmem>>
    %dma_wait3A_339 = arith.constant 0 : i32
    %dma_wait3A_340 = arith.constant 0 : i32
    %dma_wait3A_341 = tpu.memref_slice %arg11[%dma_wait3A_339, %dma_wait3A_340] : memref<10000x16xf32, #tpu.memory_space<vmem_shared>> -> memref<10000x16xf32, #tpu.memory_space<vmem_shared>>
    tpu.wait_indirect_dma semaphore(%arg27 : memref<!tpu.dma_semaphore, #tpu.memory_space<semaphore_mem>>) src(%arg20 : memref<40x16xf32, #tpu.memory_space<vmem>>) dst(%dma_wait3A_341 : memref<10000x16xf32, #tpu.memory_space<vmem_shared>>)
    %dma_wait3A_342 = arith.constant 124 : i32
    %dma_wait3A_343 = arith.constant 0 : i32
    %dma_wait3A_344 = tpu.memref_slice %arg13[%dma_wait3A_342, %dma_wait3A_343] : memref<125x40xi32, #tpu.memory_space<vmem>> -> memref<1x40xi32, #tpu.memory_space<vmem>>
    %dma_wait3A_345 = tpu.memref_squeeze %dma_wait3A_344 : memref<1x40xi32, #tpu.memory_space<vmem>> -> memref<40xi32, #tpu.memory_space<vmem>>
    %dma_wait3A_346 = arith.constant 0 : i32
    %dma_wait3A_347 = arith.constant 0 : i32
    %dma_wait3A_348 = tpu.memref_slice %arg10[%dma_wait3A_346, %dma_wait3A_347] : memref<10000x128xf32, #tpu.memory_space<vmem_shared>> -> memref<10000x128xf32, #tpu.memory_space<vmem_shared>>
    tpu.wait_indirect_dma semaphore(%arg27 : memref<!tpu.dma_semaphore, #tpu.memory_space<semaphore_mem>>) src(%arg22 : memref<40x128xf32, #tpu.memory_space<vmem>>) dst(%dma_wait3A_348 : memref<10000x128xf32, #tpu.memory_space<vmem_shared>>)
    %barrier3A_349 = arith.constant 0 : index
    tpu.barrier barrier_id(%barrier3A_349)
    "tpu.region"() ({
      %run_scoped3A_355 = tpu.sem_alloc : memref<!tpu.dma_semaphore, #tpu.memory_space<semaphore_mem>>
      %dma_start3A_356 = arith.constant 0 : i32
      %dma_start3A_357 = tpu.memref_slice %arg8[%arg0, %mul3A_2, %dma_start3A_356] : memref<2x10000x128xf32, #tpu.memory_space<hbm>> -> memref<1x624x128xf32, #tpu.memory_space<hbm>>
      %dma_start3A_358 = tpu.memref_squeeze %dma_start3A_357 : memref<1x624x128xf32, #tpu.memory_space<hbm>> -> memref<624x128xf32, #tpu.memory_space<hbm>>
      %dma_start3A_359 = arith.constant 0 : i32
      %dma_start3A_360 = tpu.memref_slice %arg10[%mul3A_2, %dma_start3A_359] : memref<10000x128xf32, #tpu.memory_space<vmem_shared>> -> memref<624x128xf32, #tpu.memory_space<vmem_shared>>
      tpu.enqueue_dma source(%dma_start3A_360 : memref<624x128xf32, #tpu.memory_space<vmem_shared>>) target(%dma_start3A_358 : memref<624x128xf32, #tpu.memory_space<hbm>>) target_semaphore(%run_scoped3A_355 : memref<!tpu.dma_semaphore, #tpu.memory_space<semaphore_mem>>)
      %dma_wait3A_361 = arith.constant 0 : i32
      %dma_wait3A_362 = tpu.memref_slice %arg8[%arg0, %mul3A_2, %dma_wait3A_361] : memref<2x10000x128xf32, #tpu.memory_space<hbm>> -> memref<1x624x128xf32, #tpu.memory_space<hbm>>
      %dma_wait3A_363 = tpu.memref_squeeze %dma_wait3A_362 : memref<1x624x128xf32, #tpu.memory_space<hbm>> -> memref<624x128xf32, #tpu.memory_space<hbm>>
      %dma_wait3A_364 = arith.constant 0 : i32
      %dma_wait3A_365 = tpu.memref_slice %arg10[%mul3A_2, %dma_wait3A_364] : memref<10000x128xf32, #tpu.memory_space<vmem_shared>> -> memref<624x128xf32, #tpu.memory_space<vmem_shared>>
      tpu.wait_dma2 semaphore(%run_scoped3A_355 : memref<!tpu.dma_semaphore, #tpu.memory_space<semaphore_mem>>) src(%dma_wait3A_365 : memref<624x128xf32, #tpu.memory_space<vmem_shared>>) dst(%dma_wait3A_363 : memref<624x128xf32, #tpu.memory_space<hbm>>)
      tpu.yield
    }) : () -> ()
    "tpu.region"() ({
      %run_scoped3A_355 = tpu.sem_alloc : memref<!tpu.dma_semaphore, #tpu.memory_space<semaphore_mem>>
      %dma_start3A_356 = arith.constant 0 : i32
      %dma_start3A_357 = tpu.memref_slice %arg9[%arg0, %mul3A_2, %dma_start3A_356] : memref<2x10000x16xf32, #tpu.memory_space<hbm>> -> memref<1x624x16xf32, #tpu.memory_space<hbm>>
      %dma_start3A_358 = tpu.memref_squeeze %dma_start3A_357 : memref<1x624x16xf32, #tpu.memory_space<hbm>> -> memref<624x16xf32, #tpu.memory_space<hbm>>
      %dma_start3A_359 = arith.constant 0 : i32
      %dma_start3A_360 = tpu.memref_slice %arg11[%mul3A_2, %dma_start3A_359] : memref<10000x16xf32, #tpu.memory_space<vmem_shared>> -> memref<624x16xf32, #tpu.memory_space<vmem_shared>>
      tpu.enqueue_dma source(%dma_start3A_360 : memref<624x16xf32, #tpu.memory_space<vmem_shared>>) target(%dma_start3A_358 : memref<624x16xf32, #tpu.memory_space<hbm>>) target_semaphore(%run_scoped3A_355 : memref<!tpu.dma_semaphore, #tpu.memory_space<semaphore_mem>>)
      %dma_wait3A_361 = arith.constant 0 : i32
      %dma_wait3A_362 = tpu.memref_slice %arg9[%arg0, %mul3A_2, %dma_wait3A_361] : memref<2x10000x16xf32, #tpu.memory_space<hbm>> -> memref<1x624x16xf32, #tpu.memory_space<hbm>>
      %dma_wait3A_363 = tpu.memref_squeeze %dma_wait3A_362 : memref<1x624x16xf32, #tpu.memory_space<hbm>> -> memref<624x16xf32, #tpu.memory_space<hbm>>
      %dma_wait3A_364 = arith.constant 0 : i32
      %dma_wait3A_365 = tpu.memref_slice %arg11[%mul3A_2, %dma_wait3A_364] : memref<10000x16xf32, #tpu.memory_space<vmem_shared>> -> memref<624x16xf32, #tpu.memory_space<vmem_shared>>
      tpu.wait_dma2 semaphore(%run_scoped3A_355 : memref<!tpu.dma_semaphore, #tpu.memory_space<semaphore_mem>>) src(%dma_wait3A_365 : memref<624x16xf32, #tpu.memory_space<vmem_shared>>) dst(%dma_wait3A_363 : memref<624x16xf32, #tpu.memory_space<hbm>>)
      tpu.yield
    }) : () -> ()
    %eq3A_350 = arith.constant 0 : i32
    %eq3A_351 = arith.cmpi eq, %arg1, %eq3A_350 : i32
    %convert_element_type3A_352 = arith.extui %eq3A_351 : i1 to i32
    %cond3A_353 = arith.constant 0 : i32
    %cond3A_354 = arith.cmpi ne, %convert_element_type3A_352, %cond3A_353 : i32
    scf.if %cond3A_354 {
      "tpu.region"() ({
        %run_scoped3A_355 = tpu.sem_alloc : memref<!tpu.dma_semaphore, #tpu.memory_space<semaphore_mem>>
        %dma_start3A_356 = arith.constant 9984 : i32
        %dma_start3A_357 = arith.constant 0 : i32
        %dma_start3A_358 = tpu.memref_slice %arg8[%arg0, %dma_start3A_356, %dma_start3A_357] : memref<2x10000x128xf32, #tpu.memory_space<hbm>> -> memref<1x16x128xf32, #tpu.memory_space<hbm>>
        %dma_start3A_359 = tpu.memref_squeeze %dma_start3A_358 : memref<1x16x128xf32, #tpu.memory_space<hbm>> -> memref<16x128xf32, #tpu.memory_space<hbm>>
        %dma_start3A_360 = arith.constant 9984 : i32
        %dma_start3A_361 = arith.constant 0 : i32
        %dma_start3A_362 = tpu.memref_slice %arg10[%dma_start3A_360, %dma_start3A_361] : memref<10000x128xf32, #tpu.memory_space<vmem_shared>> -> memref<16x128xf32, #tpu.memory_space<vmem_shared>>
        tpu.enqueue_dma source(%dma_start3A_362 : memref<16x128xf32, #tpu.memory_space<vmem_shared>>) target(%dma_start3A_359 : memref<16x128xf32, #tpu.memory_space<hbm>>) target_semaphore(%run_scoped3A_355 : memref<!tpu.dma_semaphore, #tpu.memory_space<semaphore_mem>>)
        %dma_wait3A_363 = arith.constant 9984 : i32
        %dma_wait3A_364 = arith.constant 0 : i32
        %dma_wait3A_365 = tpu.memref_slice %arg8[%arg0, %dma_wait3A_363, %dma_wait3A_364] : memref<2x10000x128xf32, #tpu.memory_space<hbm>> -> memref<1x16x128xf32, #tpu.memory_space<hbm>>
        %dma_wait3A_366 = tpu.memref_squeeze %dma_wait3A_365 : memref<1x16x128xf32, #tpu.memory_space<hbm>> -> memref<16x128xf32, #tpu.memory_space<hbm>>
        %dma_wait3A_367 = arith.constant 9984 : i32
        %dma_wait3A_368 = arith.constant 0 : i32
        %dma_wait3A_369 = tpu.memref_slice %arg10[%dma_wait3A_367, %dma_wait3A_368] : memref<10000x128xf32, #tpu.memory_space<vmem_shared>> -> memref<16x128xf32, #tpu.memory_space<vmem_shared>>
        tpu.wait_dma2 semaphore(%run_scoped3A_355 : memref<!tpu.dma_semaphore, #tpu.memory_space<semaphore_mem>>) src(%dma_wait3A_369 : memref<16x128xf32, #tpu.memory_space<vmem_shared>>) dst(%dma_wait3A_366 : memref<16x128xf32, #tpu.memory_space<hbm>>)
        tpu.yield
      }) : () -> ()
      "tpu.region"() ({
        %run_scoped3A_355 = tpu.sem_alloc : memref<!tpu.dma_semaphore, #tpu.memory_space<semaphore_mem>>
        %dma_start3A_356 = arith.constant 9984 : i32
        %dma_start3A_357 = arith.constant 0 : i32
        %dma_start3A_358 = tpu.memref_slice %arg9[%arg0, %dma_start3A_356, %dma_start3A_357] : memref<2x10000x16xf32, #tpu.memory_space<hbm>> -> memref<1x16x16xf32, #tpu.memory_space<hbm>>
        %dma_start3A_359 = tpu.memref_squeeze %dma_start3A_358 : memref<1x16x16xf32, #tpu.memory_space<hbm>> -> memref<16x16xf32, #tpu.memory_space<hbm>>
        %dma_start3A_360 = arith.constant 9984 : i32
        %dma_start3A_361 = arith.constant 0 : i32
        %dma_start3A_362 = tpu.memref_slice %arg11[%dma_start3A_360, %dma_start3A_361] : memref<10000x16xf32, #tpu.memory_space<vmem_shared>> -> memref<16x16xf32, #tpu.memory_space<vmem_shared>>
        tpu.enqueue_dma source(%dma_start3A_362 : memref<16x16xf32, #tpu.memory_space<vmem_shared>>) target(%dma_start3A_359 : memref<16x16xf32, #tpu.memory_space<hbm>>) target_semaphore(%run_scoped3A_355 : memref<!tpu.dma_semaphore, #tpu.memory_space<semaphore_mem>>)
        %dma_wait3A_363 = arith.constant 9984 : i32
        %dma_wait3A_364 = arith.constant 0 : i32
        %dma_wait3A_365 = tpu.memref_slice %arg9[%arg0, %dma_wait3A_363, %dma_wait3A_364] : memref<2x10000x16xf32, #tpu.memory_space<hbm>> -> memref<1x16x16xf32, #tpu.memory_space<hbm>>
        %dma_wait3A_366 = tpu.memref_squeeze %dma_wait3A_365 : memref<1x16x16xf32, #tpu.memory_space<hbm>> -> memref<16x16xf32, #tpu.memory_space<hbm>>
        %dma_wait3A_367 = arith.constant 9984 : i32
        %dma_wait3A_368 = arith.constant 0 : i32
        %dma_wait3A_369 = tpu.memref_slice %arg11[%dma_wait3A_367, %dma_wait3A_368] : memref<10000x16xf32, #tpu.memory_space<vmem_shared>> -> memref<16x16xf32, #tpu.memory_space<vmem_shared>>
        tpu.wait_dma2 semaphore(%run_scoped3A_355 : memref<!tpu.dma_semaphore, #tpu.memory_space<semaphore_mem>>) src(%dma_wait3A_369 : memref<16x16xf32, #tpu.memory_space<vmem_shared>>) dst(%dma_wait3A_366 : memref<16x16xf32, #tpu.memory_space<hbm>>)
        tpu.yield
      }) : () -> ()
    } else {
    }
    return
  }
}

module attributes {stable_mosaic.version = 14 : i64} {
  func.func @_prep_body(%arg0: memref<10000x128xf32, #tpu.memory_space<vmem>>, %arg1: memref<128x128xf32, #tpu.memory_space<vmem>>, %arg2: memref<128x16xf32, #tpu.memory_space<vmem>>, %arg3: memref<128x16xf32, #tpu.memory_space<vmem>>, %arg4: memref<10000x128xf32, #tpu.memory_space<vmem>>, %arg5: memref<10000x16xf32, #tpu.memory_space<vmem>>, %arg6: memref<10000x16xf32, #tpu.memory_space<vmem>>, %arg7: memref<8x16xf32, #tpu.memory_space<vmem>>) attributes {dimension_semantics = [], scalar_prefetch = 0 : i64, scratch_operands = 0 : i64, tpu.core_type = #tpu.core_type<tc>} {
    %get3A = arith.constant 0 : index
    %get3A_0 = arith.constant 0 : index
    %get3A_1 = vector.load %arg0[%get3A, %get3A_0] : memref<10000x128xf32, #tpu.memory_space<vmem>>, vector<10000x128xf32>
    %get3A_2 = arith.constant 0 : index
    %get3A_3 = arith.constant 0 : index
    %get3A_4 = vector.load %arg1[%get3A_2, %get3A_3] : memref<128x128xf32, #tpu.memory_space<vmem>>, vector<128x128xf32>
    %dot_general3A = arith.constant dense<0.000000e+00> : vector<10000x128xf32>
    %dot_general3A_5 = tpu.matmul %get3A_1, %get3A_4, %dot_general3A {dimension_numbers = #tpu.dot_dimension_numbers<[1], [0], [0], [1], [0, 0, 1, 1], [], []>, transpose_lhs_hint = false} : vector<10000x128xf32>, vector<128x128xf32>, vector<10000x128xf32> -> vector<10000x128xf32>
    %swap3A = arith.constant 0 : index
    %swap3A_6 = arith.constant 0 : index
    %swap3A_7 = vector.load %arg4[%swap3A, %swap3A_6] : memref<10000x128xf32, #tpu.memory_space<vmem>>, vector<10000x128xf32>
    tpu.vector_store %arg4[%swap3A, %swap3A_6], %dot_general3A_5 {strides = array<i32>} : memref<10000x128xf32, #tpu.memory_space<vmem>>, vector<10000x128xf32>,
    %get3A_8 = arith.constant 0 : index
    %get3A_9 = arith.constant 0 : index
    %get3A_10 = vector.load %arg2[%get3A_8, %get3A_9] : memref<128x16xf32, #tpu.memory_space<vmem>>, vector<128x16xf32>
    %dot_general3A_11 = arith.constant dense<0.000000e+00> : vector<10000x16xf32>
    %dot_general3A_12 = tpu.matmul %dot_general3A_5, %get3A_10, %dot_general3A_11 {dimension_numbers = #tpu.dot_dimension_numbers<[1], [0], [0], [1], [0, 0, 1, 1], [], []>, transpose_lhs_hint = false} : vector<10000x128xf32>, vector<128x16xf32>, vector<10000x16xf32> -> vector<10000x16xf32>
    %get3A_13 = arith.constant 0 : index
    %get3A_14 = arith.constant 0 : index
    %get3A_15 = vector.load %arg3[%get3A_13, %get3A_14] : memref<128x16xf32, #tpu.memory_space<vmem>>, vector<128x16xf32>
    %dot_general3A_16 = arith.constant dense<0.000000e+00> : vector<10000x16xf32>
    %dot_general3A_17 = tpu.matmul %dot_general3A_5, %get3A_15, %dot_general3A_16 {dimension_numbers = #tpu.dot_dimension_numbers<[1], [0], [0], [1], [0, 0, 1, 1], [], []>, transpose_lhs_hint = false} : vector<10000x128xf32>, vector<128x16xf32>, vector<10000x16xf32> -> vector<10000x16xf32>
    %swap3A_18 = arith.constant 0 : index
    %swap3A_19 = arith.constant 0 : index
    %swap3A_20 = vector.load %arg5[%swap3A_18, %swap3A_19] : memref<10000x16xf32, #tpu.memory_space<vmem>>, vector<10000x16xf32>
    tpu.vector_store %arg5[%swap3A_18, %swap3A_19], %dot_general3A_12 {strides = array<i32>} : memref<10000x16xf32, #tpu.memory_space<vmem>>, vector<10000x16xf32>,
    %swap3A_21 = arith.constant 0 : index
    %swap3A_22 = arith.constant 0 : index
    %swap3A_23 = vector.load %arg6[%swap3A_21, %swap3A_22] : memref<10000x16xf32, #tpu.memory_space<vmem>>, vector<10000x16xf32>
    tpu.vector_store %arg6[%swap3A_21, %swap3A_22], %dot_general3A_17 {strides = array<i32>} : memref<10000x16xf32, #tpu.memory_space<vmem>>, vector<10000x16xf32>,
    %reduce_max3A = arith.constant dense<0xFF800000> : vector<16xf32>
    %reduce_max3A_24 = vector.multi_reduction <maximumf>, %dot_general3A_12, %reduce_max3A [0] : vector<10000x16xf32> to vector<16xf32>
    %broadcast_in_dim3A = vector.shape_cast %reduce_max3A_24 : vector<16xf32> to vector<1x16xf32>
    %reduce_max3A_25 = arith.constant dense<0xFF800000> : vector<16xf32>
    %reduce_max3A_26 = vector.multi_reduction <maximumf>, %dot_general3A_17, %reduce_max3A_25 [0] : vector<10000x16xf32> to vector<16xf32>
    %broadcast_in_dim3A_27 = vector.shape_cast %reduce_max3A_26 : vector<16xf32> to vector<1x16xf32>
    %add3A = arith.addf %broadcast_in_dim3A, %broadcast_in_dim3A_27 : vector<1x16xf32>
    %mul3A = arith.constant 2.000000e-01 : f32
    %mul3A_28 = vector.broadcast %mul3A : f32 to vector<1x16xf32>
    %mul3A_29 = arith.mulf %mul3A_28, %add3A : vector<1x16xf32>
    %max3A = arith.maximumf %add3A, %mul3A_29 : vector<1x16xf32>
    %broadcast_in_dim3A_30 = vector.shape_cast %max3A : vector<1x16xf32> to vector<1x16xf32>
    %broadcast_in_dim3A_31 = vector.broadcast %broadcast_in_dim3A_30 : vector<1x16xf32> to vector<8x16xf32>
    %swap3A_32 = arith.constant 0 : index
    %swap3A_33 = arith.constant 0 : index
    %swap3A_34 = vector.load %arg7[%swap3A_32, %swap3A_33] : memref<8x16xf32, #tpu.memory_space<vmem>>, vector<8x16xf32>
    tpu.vector_store %arg7[%swap3A_32, %swap3A_33], %broadcast_in_dim3A_31 {strides = array<i32>} : memref<8x16xf32, #tpu.memory_space<vmem>>, vector<8x16xf32>,
    return
  }
}

module attributes {stable_mosaic.version = 14 : i64} {
  func.func @_fin_body(%arg0: memref<2x10000x128xf32, #tpu.memory_space<vmem>>, %arg1: memref<2x10000x16xf32, #tpu.memory_space<vmem>>, %arg2: memref<8x128xf32, #tpu.memory_space<vmem>>, %arg3: memref<1x128xf32, #tpu.memory_space<vmem>>, %arg4: memref<10000x128xf32, #tpu.memory_space<vmem>>) attributes {dimension_semantics = [], scalar_prefetch = 0 : i64, scratch_operands = 0 : i64, tpu.core_type = #tpu.core_type<tc>} {
    %get3A = arith.constant 0 : index
    %get3A_0 = arith.constant 0 : index
    %get3A_1 = arith.constant 0 : index
    %get3A_2 = vector.load %arg1[%get3A, %get3A_0, %get3A_1] : memref<2x10000x16xf32, #tpu.memory_space<vmem>>, vector<1x10000x16xf32>
    %get3A_3 = vector.shape_cast %get3A_2 : vector<1x10000x16xf32> to vector<10000x16xf32>
    %slice3A = vector.extract_strided_slice %get3A_3 {offsets = [0, 0], sizes = [10000, 8], strides = [1, 1]} : vector<10000x16xf32> to vector<10000x8xf32>
    %get3A_4 = arith.constant 1 : index
    %get3A_5 = arith.constant 0 : index
    %get3A_6 = arith.constant 0 : index
    %get3A_7 = vector.load %arg1[%get3A_4, %get3A_5, %get3A_6] : memref<2x10000x16xf32, #tpu.memory_space<vmem>>, vector<1x10000x16xf32>
    %get3A_8 = vector.shape_cast %get3A_7 : vector<1x10000x16xf32> to vector<10000x16xf32>
    %slice3A_9 = vector.extract_strided_slice %get3A_8 {offsets = [0, 0], sizes = [10000, 8], strides = [1, 1]} : vector<10000x16xf32> to vector<10000x8xf32>
    %add3A = arith.addf %slice3A, %slice3A_9 : vector<10000x8xf32>
    %get3A_10 = arith.constant 0 : index
    %get3A_11 = arith.constant 0 : index
    %get3A_12 = vector.load %arg2[%get3A_10, %get3A_11] : memref<8x128xf32, #tpu.memory_space<vmem>>, vector<8x128xf32>
    %dot_general3A = arith.constant dense<0.000000e+00> : vector<10000x128xf32>
    %dot_general3A_13 = tpu.matmul %add3A, %get3A_12, %dot_general3A {dimension_numbers = #tpu.dot_dimension_numbers<[1], [0], [0], [1], [0, 0, 1, 1], [], []>, transpose_lhs_hint = false} : vector<10000x8xf32>, vector<8x128xf32>, vector<10000x128xf32> -> vector<10000x128xf32>
    %get3A_14 = arith.constant 0 : index
    %get3A_15 = arith.constant 0 : index
    %get3A_16 = arith.constant 0 : index
    %get3A_17 = vector.load %arg0[%get3A_14, %get3A_15, %get3A_16] : memref<2x10000x128xf32, #tpu.memory_space<vmem>>, vector<1x10000x128xf32>
    %get3A_18 = vector.shape_cast %get3A_17 : vector<1x10000x128xf32> to vector<10000x128xf32>
    %get3A_19 = arith.constant 1 : index
    %get3A_20 = arith.constant 0 : index
    %get3A_21 = arith.constant 0 : index
    %get3A_22 = vector.load %arg0[%get3A_19, %get3A_20, %get3A_21] : memref<2x10000x128xf32, #tpu.memory_space<vmem>>, vector<1x10000x128xf32>
    %get3A_23 = vector.shape_cast %get3A_22 : vector<1x10000x128xf32> to vector<10000x128xf32>
    %add3A_24 = arith.addf %get3A_18, %get3A_23 : vector<10000x128xf32>
    %add3A_25 = arith.constant 1.000000e-16 : f32
    %add3A_26 = vector.broadcast %add3A_25 : f32 to vector<10000x128xf32>
    %add3A_27 = arith.addf %dot_general3A_13, %add3A_26 : vector<10000x128xf32>
    %div3A = arith.divf %add3A_24, %add3A_27 : vector<10000x128xf32>
    %get3A_28 = arith.constant 0 : index
    %get3A_29 = arith.constant 0 : index
    %get3A_30 = vector.load %arg3[%get3A_28, %get3A_29] : memref<1x128xf32, #tpu.memory_space<vmem>>, vector<1x128xf32>
    %add3A_31 = vector.broadcast %get3A_30 : vector<1x128xf32> to vector<10000x128xf32>
    %add3A_32 = arith.addf %div3A, %add3A_31 : vector<10000x128xf32>
    %swap3A = arith.constant 0 : index
    %swap3A_33 = arith.constant 0 : index
    %swap3A_34 = vector.load %arg4[%swap3A, %swap3A_33] : memref<10000x128xf32, #tpu.memory_space<vmem>>, vector<10000x128xf32>
    tpu.vector_store %arg4[%swap3A, %swap3A_33], %add3A_32 {strides = array<i32>} : memref<10000x128xf32, #tpu.memory_space<vmem>>, vector<10000x128xf32>,
    return
  }
}

</mosaic_0001>

<sc_bundles>
// kernel: kernel.5.cloned.1.call-start
scs
__scs_entry_jumppad:
0x0: {  	(pc) =	sbr.rel $0x88, $3  }
0x1: {  	(tag) =	ssettag $0x0;
	lr =	simm.s32 $0x1  }
0x2: {  	[smem:$0x3F9B] =	sst lr;
	_ =	strace $0xD0000000  }
0x3: {  	_ = 	snop  }
0x4: {  	_ = 	snop  }
0x5: {  	_ = 	snop  }
0x6: {  	_ = 	snop  }
0x7: {  	_ = 	snop  }
__scs_overlays_trampoline_lowered:
0x8: {  	[smem:$0x3FAA] =	sst s0  }
0x9: {  	[smem:$0x3FAB] =	sst s1  }
0xa: {  	[smem:$0x3FAC] =	sst s2  }
0xb: {  	[smem:$0x3FAD] =	sst s3  }
0xc: {  	[smem:$0x3FAE] =	sst s4  }
0xd: {  	[smem:$0x3FAF] =	sst s5  }
0xe: {  	[smem:$0x3FB0] =	sst s6  }
0xf: {  	[smem:$0x3FB1] =	sst s7  }
0x10: {  	[smem:$0x3FB2] =	sst s8  }
0x11: {  	[smem:$0x3FB3] =	sst s9;
	s0 =	simm.s32 @!p0 $0x0  }
0x12: {  	s1 =	sld [smem:$0x3F99];
	s0 =	simm.s32 @p0 $0x1  }
0x13: {  	[smem:$0x3FB4] =	sst s0;
	s0 =	simm.s32 @!p1 $0x0  }
0x14: {  	s2 =	sld [smem:$0x3F98];
	s0 =	simm.s32 @p1 $0x1  }
0x15: {  	[smem:$0x3FB5] =	sst s0;
	s0 =	simm.s32 @!p2 $0x0  }
0x16: {  	s3 =	sld [smem:$0x3FDB];
	s0 =	simm.s32 @p2 $0x1  }
0x17: {  	s4 =	simm.s32 $0x1BF5;
	[smem:$0x3FB7] =	sst s0  }
0x18: {  	s0 =	sld [smem:$0x3F9A];
	_ =	swait.ge [sflag:s4], $0x0  }
0x19: {  	s7 =	sld [smem:$0x3F9B]  }
0x1a: {  	s8 =	sadd.s32 $0xFFFFE003, lr  }
0x1b: {  	s9 =	sadd.s32 $0xFFFFFEF7, lr;
	s5 =	simm.s32 $0xFFFFFFFF;
	p2 =	slt.u32 s8, $0xFFFFF086  }
0x1c: {  	p1 =	slt.u32 s9, $0xF7A;
	s5 =	simm.s32 @!p2 $0x0  }
0x1d: {  	s5 =	simm.s32 @p1 $0x1;
	p0 =	seq.s32 s7, s2  }
0x1e: {  	s7 =	smul.u32 @!p0 $0xF7A, s2;
	p2 =	seq.s32 @!p0 s5, $0x0  }
0x1f: {  	s9 =	smul.u32 $0xF7A, s1;
	s8 =	simm.s32 @!p0 $0x1BF5;
	p2 =	por !p2, p0  }
0x20: {  	[sflag:s8] =	ssyncset.s32 @!p0 $0xFFFFF086;
	s6 =	sadd.s32 @!p0 s3, s7;
	s7 =	simm.s32 @!p0 $0x108  }
0x21: {  	s3 =	sadd.s32 s3, s9;
	s6 =	sadd.s32 @!p0 $0x88, s6;
	s7 =	simm.s32 @p2 $0x1082  }
0x22: {  	[simem:s7], [sflag:s8] =	dma.local @!p0 [hbm:s6], $0xF7A  }
0x23: {  	s9 =	sor.u32 $0xD0000000, s2;
	s6 =	simm.s32 $0x108;
	_ =	swait.ge @!p0 [sflag:s8], $0x0  }
0x24: {  	s3 =	sadd.s32 $0x88, s3;
	s6 =	simm.s32 @!p1 $0x1082;
	[sflag:s4] =	ssyncset.s32 $0xFFFFF086  }
0x25: {  	[simem:s6], [sflag:s4] =	dma.local [hbm:s3], $0xF7A  }
0x26: {  	[smem:$0x3F9B] =	sst s1;
	(tag) =	ssettag s2;
	_ =	strace s9  }
0x27: {  	s1 =	sld [smem:$0x3FAB]  }
0x28: {  	s2 =	sld [smem:$0x3FAC]  }
0x29: {  	s4 =	sld [smem:$0x3FAE]  }
0x2a: {  	p0 =	seq.s32 s5, $0x0;
	s5 =	sld [smem:$0x3FAF]  }
0x2b: {  	s6 =	sld [smem:$0x3FB0]  }
0x2c: {  	s7 =	sld [smem:$0x3FB1]  }
0x2d: {  	s3 =	simm.s32 $0x108;
	s8 =	sld [smem:$0x3FB2]  }
0x2e: {  	s3 =	simm.s32 @!p0 $0x1082;
	s9 =	sld [smem:$0x3FB3]  }
0x2f: {  	lr =	sadd.s32 s0, s3;
	s0 =	sld [smem:$0x3FAA]  }
0x30: {  	s3 =	sld [smem:$0x3FAD]  }
0x31: {  	[smem:$0x3FB6] =	sst s10  }
0x32: {  	s10 =	sld [smem:$0x3FB4];
	_ =	sdelay $0x3  }
0x33: {  	p0 =	seq.s32 s10, $0x1;
	s10 =	sld [smem:$0x3FB6];
	_ =	sdelay $0x3  }
0x34: {  	[smem:$0x3FB6] =	sst s10  }
0x35: {  	s10 =	sld [smem:$0x3FB5];
	_ =	sdelay $0x3  }
0x36: {  	p1 =	seq.s32 s10, $0x1;
	s10 =	sld [smem:$0x3FB6];
	_ =	sdelay $0x3  }
0x37: {  	[smem:$0x3FB6] =	sst s10  }
0x38: {  	s10 =	sld [smem:$0x3FB7]  }
0x39: {  	_ = 	snop;
	(pc) =	sbr.ind lr, $3  }
0x3a: {  	_ = 	snop  }
0x3b: {  	_ = 	snop  }
0x3c: {  	p2 =	seq.s32 s10, $0x1;
	s10 =	sld [smem:$0x3FB6]  }
0x3d: {  	_ =	shalt  }
0x3e: {  	_ =	shalt  }
0x3f: {  	_ =	shalt  }
0x40: {  	_ =	shalt  }
0x41: {  	_ =	shalt  }
0x42: {  	_ =	shalt  }
0x43: {  	_ =	shalt  }
0x44: {  	_ =	shalt  }
0x45: {  	_ =	shalt  }
0x46: {  	_ =	shalt  }
0x47: {  	_ =	shalt  }
0x48: {  	_ =	shalt  }
0x49: {  	_ =	shalt  }
0x4a: {  	_ =	shalt  }
0x4b: {  	_ =	shalt  }
0x4c: {  	_ =	shalt  }
0x4d: {  	_ =	shalt  }
0x4e: {  	_ =	shalt  }
0x4f: {  	_ =	shalt  }
0x50: {  	_ =	shalt  }
0x51: {  	_ =	shalt  }
0x52: {  	_ =	shalt  }
0x53: {  	_ =	shalt  }
0x54: {  	_ =	shalt  }
0x55: {  	_ =	shalt  }
0x56: {  	_ =	shalt  }
0x57: {  	_ =	shalt  }
0x58: {  	_ =	shalt  }
0x59: {  	_ =	shalt  }
0x5a: {  	_ =	shalt  }
0x5b: {  	_ =	shalt  }
0x5c: {  	_ =	shalt  }
0x5d: {  	_ =	shalt  }
0x5e: {  	_ =	shalt  }
0x5f: {  	_ =	shalt  }
0x60: {  	_ =	shalt  }
0x61: {  	_ =	shalt  }
0x62: {  	_ =	shalt  }
0x63: {  	_ =	shalt  }
0x64: {  	_ =	shalt  }
0x65: {  	_ =	shalt  }
0x66: {  	_ =	shalt  }
0x67: {  	_ =	shalt  }
0x68: {  	_ =	shalt  }
0x69: {  	_ =	shalt  }
0x6a: {  	_ =	shalt  }
0x6b: {  	_ =	shalt  }
0x6c: {  	_ =	shalt  }
0x6d: {  	_ =	shalt  }
0x6e: {  	_ =	shalt  }
0x6f: {  	_ =	shalt  }
0x70: {  	_ =	shalt  }
0x71: {  	_ =	shalt  }
0x72: {  	_ =	shalt  }
0x73: {  	_ =	shalt  }
0x74: {  	_ =	shalt  }
0x75: {  	_ =	shalt  }
0x76: {  	_ =	shalt  }
0x77: {  	_ =	shalt  }
0x78: {  	_ =	shalt  }
0x79: {  	_ =	shalt  }
0x7a: {  	_ =	shalt  }
0x7b: {  	_ =	shalt  }
0x7c: {  	_ =	shalt  }
0x7d: {  	_ =	shalt  }
0x7e: {  	_ =	shalt  }
0x7f: {  	_ =	shalt  }
0x80: {  	_ =	shalt  }
0x81: {  	_ =	shalt  }
0x82: {  	_ =	shalt  }
0x83: {  	_ =	shalt  }
0x84: {  	_ =	shalt  }
0x85: {  	_ =	shalt  }
0x86: {  	_ =	shalt  }
0x87: {  	_ =	shalt  }
.Lfunc_end0:
.L_simem_size_0:
called_computation_lowered:
.L_overlay_start_0:
0x88: {  	s2 =	sld [smem:$0x3FD9]  }
0x89: {  	s3 =	sld [smem:$0x3FFE];
	_ =	sdelay $0x1  }
0x8a: {  	s1 =	srdreg.scid  }
0x8b: {  	s0 =	sand.u32 $0x1, s1  }
0x8c: {  	s17 =	sshll.u32 s0, $0xA;
	s2 =	sadd.s32 s3, s2  }
0x8d: {  	s2 =	sadd.s32 s2, s17  }
0x8e: {  	[smem:$0x3FC2] =	sst s2  }
0x8f: {  	_ = 	snop  }
0x90: {  	s2 =	sld [smem:$0x3FD0];
	(tm) =	ssettm $0x1  }
0x91: {  	s18 =	sld [smem:$0x3FFB];
	_ =	sdelay $0x3  }
0x92: {  	_ =	strace s18  }
0x93: {  	s3 =	sld [smem:$0x3FFC];
	_ =	sdelay $0x3  }
0x94: {  	_ =	strace s3  }
0x95: {  	s3 =	sld [smem:$0x3FFD];
	_ =	sdelay $0x3  }
0x96: {  	_ =	strace s3  }
0x97: {  	_ =	strace $0x8FFFFFFF  }
0x98: {  	s19 =	sld [smem:$0x3FDB];
	_ =	sdelay $0x1  }
0x99: {  	s4 =	simm.s32 $_scs_section_size  }
0x9a: {  	s5 =	simm.s32 $_size__tile_overlayer_lowered;
	s6 =	simm.s32 $_tile_overlayer_lowered  }
0x9b: {  	s22 =	simm.s32 $0x1BFF;
	s21 =	sshll.u32 s6, $0x1;
	s3 =	sadd.s32 s4, s19  }
0x9c: {  	s7 =	simm.s32 $0x0;
	s20 =	sshll.u32 s5, $0x1;
	s5 =	sadd.s32 s21, s3  }
0x9d: {  	[timem:s7], [sflag:s22] =	dma.local [hbm:s5], s20  }
0x9e: {  	_ =	swait.ge [sflag:s22], s20  }
0x9f: {  	s4 =	ssub.s32 $0x0, s20;
	[sflag:s22] =	ssyncset.done $0x0  }
0xa0: {  	[sflag:s22] =	ssyncadd.s32 s4;
	_ =	sdelay $0x1  }
0xa1: {  	s23 =	simm.s32 $0x1B8B  }
0xa2: {  	_ =	swait.ge [sflag:s23], $0x1  }
0xa3: {  	[sflag:s23] =	ssyncset.done $0x0  }
0xa4: {  	s25 =	simm.s32 $0x1B8E;
	s24 =	sld [smem:$0x3FFE];
	[sflag:s23] =	ssyncadd.s32 $0xFFFFFFFF  }
0xa5: {  	s26 =	simm.s32 $execute0_lowered;
	[smem:$0x3FD2] =	sst s25  }
0xa6: {  	s5 =	sshll.u32 s26, $0x1;
	_ =	strace $0x80000046;
	[dreg:$0x1] =	wrdreg $0xFFFFFFFF  }
0xa7: {  	s28 =	simm.s32 $_size_execute0_lowered;
	s3 =	sadd.s32 s3, s5;
	[dreg:$0x0] =	wrdreg $0x0  }
0xa8: {  	s5 =	sshll.u32 s28, $0x1;
	[dreg:$0x2] =	wrdreg s3  }
0xa9: {  	[dreg:$0x3] =	wrdreg s5  }
0xaa: {  	[dreg:$0x4] =	wrdreg $0xC0  }
0xab: {  	_ =	task [dreg:s7], $0x5FFFF  }
0xac: {  	[dreg:$0x1] =	wrdreg $0xFFFFFFFF  }
0xad: {  	[dreg:$0x0] =	wrdreg $0x60  }
0xae: {  	[dreg:$0x2] =	wrdreg s24  }
0xaf: {  	[dreg:$0x3] =	wrdreg s2  }
0xb0: {  	[dreg:$0x4] =	wrdreg $0x138800  }
0xb1: {  	[dreg:$0x5] =	wrdreg $0x0  }
0xb2: {  	[dreg:$0x6] =	wrdreg $0x9  }
0xb3: {  	_ =	task.clear_ibuf [dreg:s7], $0x7FFFF;
	_ =	strace $0x90000046  }
0xb4: {  	s29 =	simm.s32 $0x9;
	_ =	strace $0x80000048  }
0xb5: {  	_ =	swait.ge [sflag:s29], $0x1  }
0xb6: {  	[sflag:s29] =	ssyncadd.s32 $0xFFFFFFFF  }
0xb7: {  	_ =	strace $0x90000048  }
0xb8: {  	_ =	sfence  }
0xb9: {  	s30 =	sld [smem:$0x0];
	_ =	sdelay $0x2  }
0xba: {  	s31 =	sshll.u32 s1, $0xD;
	s1 =	sshrl.u32 s1, $0x2  }
0xbb: {  	s3 =	sand.u32 $0x4000, s31;
	s1 =	sadd.s32 s1, s30  }
0xbc: {  	s0 =	sor.u32 s3, s0;
	s1 =	sshll.u32 s1, $0x11  }
0xbd: {  	s0 =	sor.u32 s1, s0  }
0xbe: {  	s0 =	sadd.s32 $0x8F2B, s0  }
0xbf: {  	[sflag:s0] =	ssyncadd.remote.s32 $0x1  }
0xc0: {  	_ =	sfence.sel $0xFFFF  }
0xc1: {  	[dreg:$0x0] =	wrdreg $0xFFFFFFFF;
	(pc) =	sbr.abs _section_cstart, $3  }
0xc2: {  	[dreg:$0x1] =	wrdreg $0xFFFFFFFF  }
0xc3: {  	_ =	task.clear_ibuf [dreg:s7], $0x2FFFF;
	_ =	strace $0x9FFFFFFF  }
0xc4: {  	(tm) =	ssettm $0x7FFFFFFF  }
0xc5: {  	_ =	shalt  }
tec
execute0_lowered:
.L_overlay_start_1:
0x0: {  	(tag) =	ssettag $0x1  }
0x1: {  	s0 =	rddreg [dreg:$0x0]  }
0x2: {  	s1 =	rddreg [dreg:$0x1]  }
0x3: {  	s2 =	rddreg [dreg:$0x2]  }
0x4: {  	s3 =	rddreg [dreg:$0x3];
	s4 =	simm.s32 $0x0  }
0x5: {  	s16 =	srdreg.scid;
	s19 =	stileid.u32;
	s30 =	simm.s32 $0x1B8A0  }
0x6: {  	s31 =	simm.s32 $0x5;
	[smem:$0x7FF] =	sst s4;
	s8 =	sadd.s32 $0xA000, s0  }
0x7: {  	s9 =	sadd.s32 $0x200, s0;
	s5 =	sadd.s32 $0x13E00, s0;
	s6 =	sadd.s32 $0x19000, s0  }
0x8: {  	s7 =	sadd.s32 $0x18E00, s0;
	s10 =	sadd.s32 $0x27E00, s0;
	s14 =	smul.u32 $0x2700, s19  }
0x9: {  	s11 =	sadd.s32 $0x1E000, s0;
	s12 =	sand.u32 $0x1, s16;
	s16 =	smul.u32 $0x13800, s19  }
0xa: {  	p0 =	sne.s32 s19, $0x0;
	_ =	strace $0x80000047;
	[dreg:$0x5] =	wrdreg s7  }
0xb: {  	s7 =	smul.u32 $0x270, s19;
	s17 =	ssub.s32 $0x2, s12;
	s13 =	sshll.u32 s12, $0x4  }
0xc: {  	s15 =	sshrl.u32 s17, $0x1;
	s13 =	sor.u32 s19, s13;
	s23 =	sadd.s32 s14, s2  }
0xd: {  	s24 =	sadd.s32 s16, s3;
	s19 =	simm.s32 $0x1BB20;
	s0 =	ssub.s32 s17, s15  }
0xe: {  	s18 =	sadd.s32 $0x28, s7;
	s13 =	smul.u32 $0x2710, s13;
	[dreg:$0x6] =	wrdreg s23  }
0xf: {  	s17 =	sshll.u32 s18, $0x4;
	s15 =	sshll.u32 s18, $0x7;
	s18 =	smul.u32 $0x138800, s12  }
0x10: {  	s22 =	sadd.s32 $0x50, s7;
	[smem:$0x7FC] =	sst s24;
	s12 =	smul.u32 $0x27100, s12  }
0x11: {  	s28 =	sshll.u32 s22, $0x4;
	s0 =	smax.u32 s0, $0x1;
	s17 =	sadd.s32 s17, s2  }
0x12: {  	s20 =	sadd.s32 $0x1388, s13;
	s13 =	sshrl.u32 s13, $0x3;
	[smem:$0x7FB] =	sst s0  }
0x13: {  	s29 =	sadd.s32 s15, s3;
	s0 =	simm.s32 $0x1BDA0;
	[dreg:$0x7] =	wrdreg s17  }
0x14: {  	s17 =	sshrl.u32 s20, $0x3;
	s20 =	sadd.s32 s8, s13;
	s13 =	sadd.s32 s9, s13  }
0x15: {  	s25 =	sadd.s32 s16, s18;
	s26 =	sshrl.u32 s18, $0x3;
	[dreg:$0xd] =	wrdreg s29  }
0x16: {  	s15 =	sadd.s32 s14, s12;
	s16 =	sshll.u32 s22, $0x7;
	[dreg:$0x8] =	wrdreg s20  }
0x17: {  	s18 =	sshrl.u32 s12, $0x3;
	s12 =	sadd.s32 $0xF0, s7;
	[dreg:$0x9] =	wrdreg s13  }
0x18: {  	s8 =	sadd.s32 s8, s17;
	s21 =	sadd.s32 s9, s17;
	s17 =	sshrl.u32 s15, $0x3  }
0x19: {  	s20 =	sadd.s32 $0x78, s7;
	s13 =	sshll.u32 s12, $0x4;
	[dreg:$0xa] =	wrdreg s8  }
0x1a: {  	s15 =	sadd.s32 $0x118, s7;
	[dreg:$0xb] =	wrdreg s21;
	s8 =	sshrl.u32 s25, $0x3  }
0x1b: {  	s9 =	sadd.s32 s11, s17;
	s21 =	sadd.s32 s16, s3;
	s22 =	sshll.u32 s20, $0x4  }
0x1c: {  	s25 =	sadd.s32 $0xA0, s7;
	s16 =	sshll.u32 s15, $0x4;
	s17 =	sadd.s32 $0x140, s7  }
0x1d: {  	s8 =	sadd.s32 s10, s8;
	[dreg:$0xf] =	wrdreg s9;
	s9 =	sadd.s32 s11, s18  }
0x1e: {  	[dreg:$0x10] =	wrdreg s21;
	s11 =	sadd.s32 s22, s2;
	s18 =	sshll.u32 s17, $0x4  }
0x1f: {  	s21 =	sadd.s32 $0x168, s7;
	[dreg:$0xc] =	wrdreg s8;
	s8 =	sadd.s32 s10, s26  }
0x20: {  	s10 =	sadd.s32 s28, s2;
	[dreg:$0x11] =	wrdreg s11;
	s26 =	sshll.u32 s25, $0x4  }
0x21: {  	s28 =	sadd.s32 $0xC8, s7;
	s22 =	sshll.u32 s21, $0x4;
	[dreg:$0xe] =	wrdreg s10  }
0x22: {  	s10 =	sshll.u32 s20, $0x7;
	s11 =	sadd.s32 s26, s2;
	s29 =	sshll.u32 s28, $0x4  }
0x23: {  	s20 =	sshll.u32 s17, $0x7;
	s10 =	sadd.s32 s10, s3;
	[dreg:$0x13] =	wrdreg s11  }
0x24: {  	s26 =	sadd.s32 $0x190, s7;
	[dreg:$0x12] =	wrdreg s10;
	s10 =	sshll.u32 s25, $0x7  }
0x25: {  	s11 =	sshll.u32 s28, $0x7;
	s28 =	sshll.u32 s26, $0x4;
	s10 =	sadd.s32 s10, s3  }
0x26: {  	[dreg:$0x14] =	wrdreg s10;
	s10 =	sadd.s32 s29, s2;
	s29 =	sadd.s32 $0x1B8, s7  }
0x27: {  	[dreg:$0x15] =	wrdreg s10;
	s10 =	sadd.s32 s11, s3;
	s11 =	sshll.u32 s12, $0x7  }
0x28: {  	s12 =	simm.s32 $0x186A0;
	[dreg:$0x16] =	wrdreg s10;
	s10 =	sadd.s32 s13, s2  }
0x29: {  	s14 =	sadd.s32 s11, s3;
	s11 =	sadd.s32 s16, s2;
	[dreg:$0x17] =	wrdreg s10  }
0x2a: {  	s13 =	sshll.u32 s29, $0x4;
	[dreg:$0x18] =	wrdreg s14;
	s10 =	sshll.u32 s15, $0x7  }
0x2b: {  	[dreg:$0x19] =	wrdreg s11;
	s11 =	sshll.u32 s21, $0x7;
	s14 =	sshll.u32 s29, $0x7  }
0x2c: {  	s15 =	sadd.s32 $0x1E0, s7;
	s21 =	sadd.s32 $0x230, s7;
	s29 =	sadd.s32 $0x4E00, s9  }
0x2d: {  	s10 =	sadd.s32 s10, s3;
	s25 =	sadd.s32 s11, s3;
	[smem:$0x7FA] =	sst s29  }
0x2e: {  	s11 =	sadd.s32 s28, s2;
	s16 =	sshll.u32 s15, $0x4;
	[dreg:$0x1a] =	wrdreg s10  }
0x2f: {  	s28 =	sadd.s32 $0x27000, s8;
	s8 =	simm.s32 $0x15F90;
	[dreg:$0x1e] =	wrdreg s25  }
0x30: {  	s10 =	sadd.s32 s18, s2;
	[dreg:$0x1f] =	wrdreg s11;
	s11 =	sshll.u32 s15, $0x7  }
0x31: {  	s18 =	sadd.s32 $0x208, s7;
	s25 =	sshll.u32 s21, $0x7;
	[smem:$0x7F9] =	sst s28  }
0x32: {  	s7 =	sadd.s32 $0x258, s7;
	[dreg:$0x1b] =	wrdreg s10;
	s10 =	sadd.s32 s20, s3  }
0x33: {  	s17 =	sadd.s32 s11, s3;
	s20 =	sshll.u32 s18, $0x4;
	[dreg:$0x1c] =	wrdreg s10  }
0x34: {  	s10 =	sadd.s32 s22, s2;
	[smem:$0x7F2] =	sst s17;
	s11 =	sadd.s32 s20, s2  }
0x35: {  	s22 =	sshll.u32 s21, $0x4;
	[dreg:$0x1d] =	wrdreg s10;
	s10 =	sshll.u32 s26, $0x7  }
0x36: {  	s17 =	simm.s32 $0x1D1A0;
	[smem:$0x7F3] =	sst s11;
	s10 =	sadd.s32 s10, s3  }
0x37: {  	s20 =	simm.s32 $0x3;
	[smem:$0x7EE] =	sst s10;
	s10 =	sadd.s32 s13, s2  }
0x38: {  	s26 =	sshll.u32 s7, $0x4;
	[smem:$0x7EF] =	sst s10;
	s10 =	sadd.s32 s14, s3  }
0x39: {  	s7 =	sshll.u32 s7, $0x7;
	[smem:$0x7F0] =	sst s10;
	s10 =	sadd.s32 s16, s2  }
0x3a: {  	s7 =	sadd.s32 s7, s3;
	[smem:$0x7F1] =	sst s10;
	s10 =	sshll.u32 s18, $0x7  }
0x3b: {  	s11 =	simm.s32 $0x28;
	[smem:$0x7F8] =	sst s7;
	s10 =	sadd.s32 s10, s3  }
0x3c: {  	s13 =	simm.s32 $0x18BA0;
	[smem:$0x7F4] =	sst s10;
	s10 =	sadd.s32 s22, s2  }
0x3d: {  	s14 =	simm.s32 $0x190A0;
	[smem:$0x7F5] =	sst s10;
	s10 =	sadd.s32 s25, s3  }
0x3e: {  	s16 =	simm.s32 $0x2;
	s25 =	sadd.s32 $0x27000, s2;
	[smem:$0x7F6] =	sst s10  }
0x3f: {  	s18 =	simm.s32 $0x1;
	s10 =	sadd.s32 s26, s2;
	[smem:$0x7FD] =	sst s25  }
0x40: {  	v0 =	vimm.f32 $0.0e+00;
	s22 =	simm.s32 $0x4;
	s26 =	sadd.s32 $0x138000, s3;
	[smem:$0x7F7] =	sst s10  }
.LBB2_1:
0x41: {  	[tilespmem:$0x1B8A0] =	vst v0  }
0x42: {  	[tilespmem:$0x1B8B0] =	vst v0  }
0x43: {  	[tilespmem:$0x1B8C0] =	vst v0  }
0x44: {  	[tilespmem:$0x1B8D0] =	vst v0  }
0x45: {  	[tilespmem:$0x1B8E0] =	vst v0  }
0x46: {  	[tilespmem:$0x1B8F0] =	vst v0  }
0x47: {  	[tilespmem:$0x1B900] =	vst v0  }
0x48: {  	[tilespmem:$0x1B910] =	vst v0  }
0x49: {  	[tilespmem:$0x1B920] =	vst v0  }
0x4a: {  	[tilespmem:$0x1B930] =	vst v0  }
0x4b: {  	[tilespmem:$0x1B940] =	vst v0  }
0x4c: {  	[tilespmem:$0x1B950] =	vst v0  }
0x4d: {  	[tilespmem:$0x1B960] =	vst v0  }
0x4e: {  	[tilespmem:$0x1B970] =	vst v0  }
0x4f: {  	[tilespmem:$0x1B980] =	vst v0  }
0x50: {  	[tilespmem:$0x1B990] =	vst v0  }
0x51: {  	[tilespmem:$0x1B9A0] =	vst v0  }
0x52: {  	[tilespmem:$0x1B9B0] =	vst v0  }
0x53: {  	[tilespmem:$0x1B9C0] =	vst v0  }
0x54: {  	[tilespmem:$0x1B9D0] =	vst v0  }
0x55: {  	[tilespmem:$0x1B9E0] =	vst v0  }
0x56: {  	[tilespmem:$0x1B9F0] =	vst v0  }
0x57: {  	[tilespmem:$0x1BA00] =	vst v0  }
0x58: {  	[tilespmem:$0x1BA10] =	vst v0  }
0x59: {  	[tilespmem:$0x1BA20] =	vst v0  }
0x5a: {  	[tilespmem:$0x1BA30] =	vst v0  }
0x5b: {  	[tilespmem:$0x1BA40] =	vst v0  }
0x5c: {  	[tilespmem:$0x1BA50] =	vst v0  }
0x5d: {  	[tilespmem:$0x1BA60] =	vst v0  }
0x5e: {  	[tilespmem:$0x1BA70] =	vst v0  }
0x5f: {  	[tilespmem:$0x1BA80] =	vst v0  }
0x60: {  	[tilespmem:$0x1BA90] =	vst v0  }
0x61: {  	[tilespmem:$0x1BAA0] =	vst v0  }
0x62: {  	[tilespmem:$0x1BAB0] =	vst v0  }
0x63: {  	[tilespmem:$0x1BAC0] =	vst v0  }
0x64: {  	[tilespmem:$0x1BAD0] =	vst v0  }
0x65: {  	[tilespmem:$0x1BAE0] =	vst v0  }
0x66: {  	[tilespmem:$0x1BAF0] =	vst v0  }
0x67: {  	[tilespmem:$0x1BB00] =	vst v0  }
0x68: {  	[tilespmem:$0x1BB10] =	vst v0;
	s7 =	simm.s32 $0x0;
	s9 =	simm.s32 $0x200  }
.LBB2_2:
0x69: {  	p1 =	sne.s32 s9, $0x4E00;
	[tilespmem:s7+$0x1BE10] =	vst v0  }
0x6a: {  	[tilespmem:s7+$0x1BDA0] =	vst v0  }
0x6b: {  	[tilespmem:s7+$0x1BDB0] =	vst v0  }
.Ltmp0:
0x6c: {  	[tilespmem:s7+$0x1BDC0] =	vst v0;
	(pc) =	sbr.rel @p1 .LBB2_2-.Ltmp0, $4  }
0x6d: {  	[tilespmem:s7+$0x1BDD0] =	vst v0  }
0x6e: {  	[tilespmem:s7+$0x1BDE0] =	vst v0  }
0x6f: {  	[tilespmem:s7+$0x1BDF0] =	vst v0  }
0x70: {  	[tilespmem:s7+$0x1BE00] =	vst v0;
	s7 =	sshra.s32 s9, $0x2;
	s9 =	sadd.s32 $0x200, s9  }
0x71: {  	[tilespmem:s7+$0x1BE10] =	vst v0  }
0x72: {  	[tilespmem:s7+$0x1BDA0] =	vst v0  }
0x73: {  	[tilespmem:s7+$0x1BDB0] =	vst v0  }
0x74: {  	[tilespmem:s7+$0x1BDC0] =	vst v0  }
0x75: {  	[tilespmem:s7+$0x1BDD0] =	vst v0  }
0x76: {  	[tilespmem:s7+$0x1BDE0] =	vst v0  }
0x77: {  	[tilespmem:s7+$0x1BDF0] =	vst v0  }
0x78: {  	[tilespmem:s7+$0x1BE00] =	vst v0  }
0x79: {  	[spmem:s23] =	stream.linear.scatter [tilespmem:s30], [sflag:$0x5], $0x280, $0x38;
	[tilespmem:$0x1E5B0] =	vst v63  }
0x7a: {  	_ =	swait.ge [sflag:s31], $0x280  }
0x7b: {  	[sflag:s31] =	ssyncset.done $0x0  }
0x7c: {  	[sflag:s31] =	ssyncadd.s32 $0xFFFFFD80  }
0x7d: {  	[spmem:s24] =	stream.linear.scatter [tilespmem:s0], [sflag:$0x5], $0x1400, $0x38;
	[tilespmem:$0x1E5B0] =	vst v63  }
0x7e: {  	_ =	swait.ge [sflag:s31], $0x1400  }
0x7f: {  	[sflag:s31] =	ssyncset.done $0x0  }
0x80: {  	s9 =	rddreg [dreg:$0x7];
	[sflag:s31] =	ssyncadd.s32 $0xFFFFEC00  }
0x81: {  	[spmem:s9] =	stream.linear.scatter [tilespmem:s30], [sflag:$0x5], $0x280, $0x38;
	[tilespmem:$0x1E5B0] =	vst v63  }
0x82: {  	_ =	swait.ge [sflag:s31], $0x280  }
0x83: {  	[sflag:s31] =	ssyncset.done $0x0  }
0x84: {  	s10 =	rddreg [dreg:$0xd];
	[sflag:s31] =	ssyncadd.s32 $0xFFFFFD80  }
0x85: {  	[spmem:s10] =	stream.linear.scatter [tilespmem:s0], [sflag:$0x5], $0x1400, $0x38;
	[tilespmem:$0x1E5B0] =	vst v63  }
0x86: {  	_ =	swait.ge [sflag:s31], $0x1400  }
0x87: {  	[sflag:s31] =	ssyncset.done $0x0  }
0x88: {  	s15 =	rddreg [dreg:$0xe];
	[sflag:s31] =	ssyncadd.s32 $0xFFFFEC00  }
0x89: {  	[spmem:s15] =	stream.linear.scatter [tilespmem:s30], [sflag:$0x5], $0x280, $0x38;
	[tilespmem:$0x1E5B0] =	vst v63  }
0x8a: {  	_ =	swait.ge [sflag:s31], $0x280  }
0x8b: {  	[sflag:s31] =	ssyncset.done $0x0  }
0x8c: {  	s21 =	rddreg [dreg:$0x10];
	[sflag:s31] =	ssyncadd.s32 $0xFFFFFD80  }
0x8d: {  	[spmem:s21] =	stream.linear.scatter [tilespmem:s0], [sflag:$0x5], $0x1400, $0x38;
	[tilespmem:$0x1E5B0] =	vst v63  }
0x8e: {  	_ =	swait.ge [sflag:s31], $0x1400  }
0x8f: {  	[sflag:s31] =	ssyncset.done $0x0  }
0x90: {  	s23 =	rddreg [dreg:$0x11];
	[sflag:s31] =	ssyncadd.s32 $0xFFFFEC00  }
0x91: {  	[spmem:s23] =	stream.linear.scatter [tilespmem:s30], [sflag:$0x5], $0x280, $0x38;
	[tilespmem:$0x1E5B0] =	vst v63  }
0x92: {  	_ =	swait.ge [sflag:s31], $0x280  }
0x93: {  	[sflag:s31] =	ssyncset.done $0x0  }
0x94: {  	s24 =	rddreg [dreg:$0x12];
	[sflag:s31] =	ssyncadd.s32 $0xFFFFFD80  }
0x95: {  	[spmem:s24] =	stream.linear.scatter [tilespmem:s0], [sflag:$0x5], $0x1400, $0x38;
	[tilespmem:$0x1E5B0] =	vst v63  }
0x96: {  	_ =	swait.ge [sflag:s31], $0x1400  }
0x97: {  	[sflag:s31] =	ssyncset.done $0x0  }
0x98: {  	s28 =	rddreg [dreg:$0x13];
	[sflag:s31] =	ssyncadd.s32 $0xFFFFEC00  }
0x99: {  	[spmem:s28] =	stream.linear.scatter [tilespmem:s30], [sflag:$0x5], $0x280, $0x38;
	[tilespmem:$0x1E5B0] =	vst v63  }
0x9a: {  	_ =	swait.ge [sflag:s31], $0x280  }
0x9b: {  	[sflag:s31] =	ssyncset.done $0x0  }
0x9c: {  	s29 =	rddreg [dreg:$0x14];
	[sflag:s31] =	ssyncadd.s32 $0xFFFFFD80  }
0x9d: {  	[spmem:s29] =	stream.linear.scatter [tilespmem:s0], [sflag:$0x5], $0x1400, $0x38;
	[tilespmem:$0x1E5B0] =	vst v63  }
0x9e: {  	_ =	swait.ge [sflag:s31], $0x1400  }
0x9f: {  	[sflag:s31] =	ssyncset.done $0x0  }
0xa0: {  	s9 =	rddreg [dreg:$0x15];
	[sflag:s31] =	ssyncadd.s32 $0xFFFFEC00  }
0xa1: {  	[spmem:s9] =	stream.linear.scatter [tilespmem:s30], [sflag:$0x5], $0x280, $0x38;
	[tilespmem:$0x1E5B0] =	vst v63  }
0xa2: {  	_ =	swait.ge [sflag:s31], $0x280  }
0xa3: {  	[sflag:s31] =	ssyncset.done $0x0  }
0xa4: {  	s10 =	rddreg [dreg:$0x16];
	[sflag:s31] =	ssyncadd.s32 $0xFFFFFD80  }
0xa5: {  	[spmem:s10] =	stream.linear.scatter [tilespmem:s0], [sflag:$0x5], $0x1400, $0x38;
	[tilespmem:$0x1E5B0] =	vst v63  }
0xa6: {  	_ =	swait.ge [sflag:s31], $0x1400  }
0xa7: {  	[sflag:s31] =	ssyncset.done $0x0  }
0xa8: {  	s15 =	rddreg [dreg:$0x17];
	[sflag:s31] =	ssyncadd.s32 $0xFFFFEC00  }
0xa9: {  	[spmem:s15] =	stream.linear.scatter [tilespmem:s30], [sflag:$0x5], $0x280, $0x38;
	[tilespmem:$0x1E5B0] =	vst v63  }
0xaa: {  	_ =	swait.ge [sflag:s31], $0x280  }
0xab: {  	[sflag:s31] =	ssyncset.done $0x0  }
0xac: {  	s21 =	rddreg [dreg:$0x18];
	[sflag:s31] =	ssyncadd.s32 $0xFFFFFD80  }
0xad: {  	[spmem:s21] =	stream.linear.scatter [tilespmem:s0], [sflag:$0x5], $0x1400, $0x38;
	[tilespmem:$0x1E5B0] =	vst v63  }
0xae: {  	_ =	swait.ge [sflag:s31], $0x1400  }
0xaf: {  	[sflag:s31] =	ssyncset.done $0x0  }
0xb0: {  	s23 =	rddreg [dreg:$0x19];
	[sflag:s31] =	ssyncadd.s32 $0xFFFFEC00  }
0xb1: {  	[spmem:s23] =	stream.linear.scatter [tilespmem:s30], [sflag:$0x5], $0x280, $0x38;
	[tilespmem:$0x1E5B0] =	vst v63  }
0xb2: {  	_ =	swait.ge [sflag:s31], $0x280  }
0xb3: {  	[sflag:s31] =	ssyncset.done $0x0  }
0xb4: {  	s24 =	rddreg [dreg:$0x1a];
	[sflag:s31] =	ssyncadd.s32 $0xFFFFFD80  }
0xb5: {  	[spmem:s24] =	stream.linear.scatter [tilespmem:s0], [sflag:$0x5], $0x1400, $0x38;
	[tilespmem:$0x1E5B0] =	vst v63  }
0xb6: {  	_ =	swait.ge [sflag:s31], $0x1400  }
0xb7: {  	[sflag:s31] =	ssyncset.done $0x0  }
0xb8: {  	s28 =	rddreg [dreg:$0x1b];
	[sflag:s31] =	ssyncadd.s32 $0xFFFFEC00  }
0xb9: {  	[spmem:s28] =	stream.linear.scatter [tilespmem:s30], [sflag:$0x5], $0x280, $0x38;
	[tilespmem:$0x1E5B0] =	vst v63  }
0xba: {  	_ =	swait.ge [sflag:s31], $0x280  }
0xbb: {  	[sflag:s31] =	ssyncset.done $0x0  }
0xbc: {  	s29 =	rddreg [dreg:$0x1c];
	[sflag:s31] =	ssyncadd.s32 $0xFFFFFD80  }
0xbd: {  	[spmem:s29] =	stream.linear.scatter [tilespmem:s0], [sflag:$0x5], $0x1400, $0x38;
	[tilespmem:$0x1E5B0] =	vst v63  }
0xbe: {  	_ =	swait.ge [sflag:s31], $0x1400  }
0xbf: {  	[sflag:s31] =	ssyncset.done $0x0  }
0xc0: {  	s9 =	rddreg [dreg:$0x1d];
	[sflag:s31] =	ssyncadd.s32 $0xFFFFEC00  }
0xc1: {  	[spmem:s9] =	stream.linear.scatter [tilespmem:s30], [sflag:$0x5], $0x280, $0x38;
	[tilespmem:$0x1E5B0] =	vst v63  }
0xc2: {  	_ =	swait.ge [sflag:s31], $0x280  }
0xc3: {  	[sflag:s31] =	ssyncset.done $0x0  }
0xc4: {  	s10 =	rddreg [dreg:$0x1e];
	[sflag:s31] =	ssyncadd.s32 $0xFFFFFD80  }
0xc5: {  	[spmem:s10] =	stream.linear.scatter [tilespmem:s0], [sflag:$0x5], $0x1400, $0x38;
	[tilespmem:$0x1E5B0] =	vst v63  }
0xc6: {  	_ =	swait.ge [sflag:s31], $0x1400  }
0xc7: {  	[sflag:s31] =	ssyncset.done $0x0  }
0xc8: {  	s15 =	rddreg [dreg:$0x1f];
	[sflag:s31] =	ssyncadd.s32 $0xFFFFEC00  }
0xc9: {  	[spmem:s15] =	stream.linear.scatter [tilespmem:s30], [sflag:$0x5], $0x280, $0x38;
	[tilespmem:$0x1E5B0] =	vst v63  }
0xca: {  	_ =	swait.ge [sflag:s31], $0x280  }
0xcb: {  	s21 =	sld [smem:$0x7EE]  }
0xcc: {  	[sflag:s31] =	ssyncset.done $0x0  }
0xcd: {  	[sflag:s31] =	ssyncadd.s32 $0xFFFFFD80  }
0xce: {  	[spmem:s21] =	stream.linear.scatter [tilespmem:s0], [sflag:$0x5], $0x1400, $0x38;
	[tilespmem:$0x1E5B0] =	vst v63  }
0xcf: {  	_ =	swait.ge [sflag:s31], $0x1400  }
0xd0: {  	s23 =	sld [smem:$0x7EF]  }
0xd1: {  	[sflag:s31] =	ssyncset.done $0x0  }
0xd2: {  	[sflag:s31] =	ssyncadd.s32 $0xFFFFEC00  }
0xd3: {  	[spmem:s23] =	stream.linear.scatter [tilespmem:s30], [sflag:$0x5], $0x280, $0x38;
	[tilespmem:$0x1E5B0] =	vst v63  }
0xd4: {  	_ =	swait.ge [sflag:s31], $0x280  }
0xd5: {  	s24 =	sld [smem:$0x7F0]  }
0xd6: {  	[sflag:s31] =	ssyncset.done $0x0  }
0xd7: {  	[sflag:s31] =	ssyncadd.s32 $0xFFFFFD80  }
0xd8: {  	[spmem:s24] =	stream.linear.scatter [tilespmem:s0], [sflag:$0x5], $0x1400, $0x38;
	[tilespmem:$0x1E5B0] =	vst v63  }
0xd9: {  	_ =	swait.ge [sflag:s31], $0x1400  }
0xda: {  	s28 =	sld [smem:$0x7F1]  }
0xdb: {  	[sflag:s31] =	ssyncset.done $0x0  }
0xdc: {  	[sflag:s31] =	ssyncadd.s32 $0xFFFFEC00  }
0xdd: {  	[spmem:s28] =	stream.linear.scatter [tilespmem:s30], [sflag:$0x5], $0x280, $0x38;
	[tilespmem:$0x1E5B0] =	vst v63  }
0xde: {  	_ =	swait.ge [sflag:s31], $0x280  }
0xdf: {  	s29 =	sld [smem:$0x7F2]  }
0xe0: {  	[sflag:s31] =	ssyncset.done $0x0  }
0xe1: {  	[sflag:s31] =	ssyncadd.s32 $0xFFFFFD80  }
0xe2: {  	[spmem:s29] =	stream.linear.scatter [tilespmem:s0], [sflag:$0x5], $0x1400, $0x38;
	[tilespmem:$0x1E5B0] =	vst v63  }
0xe3: {  	_ =	swait.ge [sflag:s31], $0x1400  }
0xe4: {  	s9 =	sld [smem:$0x7F3]  }
0xe5: {  	[sflag:s31] =	ssyncset.done $0x0  }
0xe6: {  	[sflag:s31] =	ssyncadd.s32 $0xFFFFEC00  }
0xe7: {  	[spmem:s9] =	stream.linear.scatter [tilespmem:s30], [sflag:$0x5], $0x280, $0x38;
	[tilespmem:$0x1E5B0] =	vst v63  }
0xe8: {  	_ =	swait.ge [sflag:s31], $0x280  }
0xe9: {  	s10 =	sld [smem:$0x7F4]  }
0xea: {  	[sflag:s31] =	ssyncset.done $0x0  }
0xeb: {  	[sflag:s31] =	ssyncadd.s32 $0xFFFFFD80  }
0xec: {  	[spmem:s10] =	stream.linear.scatter [tilespmem:s0], [sflag:$0x5], $0x1400, $0x38;
	[tilespmem:$0x1E5B0] =	vst v63  }
0xed: {  	_ =	swait.ge [sflag:s31], $0x1400  }
0xee: {  	s15 =	sld [smem:$0x7F5]  }
0xef: {  	[sflag:s31] =	ssyncset.done $0x0  }
0xf0: {  	[sflag:s31] =	ssyncadd.s32 $0xFFFFEC00  }
0xf1: {  	[spmem:s15] =	stream.linear.scatter [tilespmem:s30], [sflag:$0x5], $0x280, $0x38;
	[tilespmem:$0x1E5B0] =	vst v63  }
0xf2: {  	_ =	swait.ge [sflag:s31], $0x280  }
0xf3: {  	s21 =	sld [smem:$0x7F6]  }
0xf4: {  	[sflag:s31] =	ssyncset.done $0x0  }
0xf5: {  	[sflag:s31] =	ssyncadd.s32 $0xFFFFFD80  }
0xf6: {  	[spmem:s21] =	stream.linear.scatter [tilespmem:s0], [sflag:$0x5], $0x1400, $0x38;
	[tilespmem:$0x1E5B0] =	vst v63  }
0xf7: {  	_ =	swait.ge [sflag:s31], $0x1400  }
0xf8: {  	s23 =	sld [smem:$0x7F7]  }
0xf9: {  	[sflag:s31] =	ssyncset.done $0x0  }
0xfa: {  	[sflag:s31] =	ssyncadd.s32 $0xFFFFEC00  }
0xfb: {  	[spmem:s23] =	stream.linear.scatter [tilespmem:s30], [sflag:$0x5], $0x180, $0x38;
	[tilespmem:$0x1E5B0] =	vst v63  }
0xfc: {  	_ =	swait.ge [sflag:s31], $0x180  }
0xfd: {  	s24 =	sld [smem:$0x7F8]  }
0xfe: {  	[sflag:s31] =	ssyncset.done $0x0  }
0xff: {  	[sflag:s31] =	ssyncadd.s32 $0xFFFFFE80  }
0x100: {  	[spmem:s24] =	stream.linear.scatter [tilespmem:s0], [sflag:$0x5], $0xC00, $0x38;
	[tilespmem:$0x1E5B0] =	vst v63  }
0x101: {  	_ =	swait.ge [sflag:s31], $0xC00  }
0x102: {  	[sflag:s31] =	ssyncset.done $0x0  }
0x103: {  	s7 =	simm.s32 @!p0 $0x1B8A0;
	[sflag:s31] =	ssyncadd.s32 $0xFFFFF400  }
0x104: {  	[spmem:s25] =	stream.linear.scatter @!p0 [tilespmem:s7], [sflag:$0x5], $0x100, $0x38;
	[tilespmem:$0x1E5B0] =	vst v63  }
0x105: {  	s7 =	simm.s32 @!p0 $0x5  }
0x106: {  	_ =	swait.ge @!p0 [sflag:s7], $0x100  }
0x107: {  	[sflag:s7] =	ssyncset.done @!p0 $0x0  }
0x108: {  	s9 =	simm.s32 @!p0 $0x1BDA0;
	[sflag:s7] =	ssyncadd.s32 @!p0 $0xFFFFFF00  }
0x109: {  	[spmem:s26] =	stream.linear.scatter @!p0 [tilespmem:s9], [sflag:$0x5], $0x800, $0x38;
	[tilespmem:$0x1E5B0] =	vst v63  }
0x10a: {  	_ =	swait.ge @!p0 [sflag:s7], $0x800  }
0x10b: {  	[sflag:s7] =	ssyncset.done @!p0 $0x0  }
0x10c: {  	[sflag:s7] =	ssyncadd.s32 @!p0 $0xFFFFF800  }
0x10d: {  	[bflag:$0x0] =	sbarrier.arrive $0xFFFF  }
0x10e: {  	s29 =	simm.s32 $0x1E5A0;
	s23 =	simm.s32 $0x0;
	s28 =	rddreg [dreg:$0x5]  }
0x10f: {  	[tilespmem:s29], [sflag:$0x5] =	stream.linear.gather [hbm4b:s28+s23], $0x10, $0x38;
	[tilespmem:$0x1E5B0] =	vst v63  }
0x110: {  	_ =	swait.ge [sflag:s31], $0x10  }
0x111: {  	[sflag:s31] =	ssyncset.done $0x0  }
0x112: {  	s10 =	rddreg [dreg:$0x8];
	[sflag:s31] =	ssyncadd.s32 $0xFFFFFFF0  }
0x113: {  	v1 =	vld [tilespmem:$0x1E5A0];
	[tilespmem:s8], [sflag:$0x5] =	stream.linear.gather [hbm4b:s10+s23], $0x1388, $0x38  }
0x114: {  	_ =	swait.ge [sflag:s31], $0x1388  }
0x115: {  	[sflag:s31] =	ssyncset.done $0x0  }
0x116: {  	s24 =	simm.s32 $0x17318;
	s15 =	rddreg [dreg:$0x9];
	[sflag:s31] =	ssyncadd.s32 $0xFFFFEC78  }
0x117: {  	[tilespmem:s24], [sflag:$0x5] =	stream.linear.gather [hbm4b:s15+s23], $0x1388, $0x38;
	[tilespmem:$0x1E5B0] =	vst v63  }
0x118: {  	_ =	swait.ge [sflag:s31], $0x1388  }
0x119: {  	[sflag:s31] =	ssyncset.done $0x0  }
0x11a: {  	[sflag:s31] =	ssyncadd.s32 $0xFFFFEC78  }
0x11b: {  	[tilespmem:s12], [sflag:$0x1] =	stream.indirect.gather [hbm4b:s5+s11], $0x10, s8, s11, $0xb8;
	[tilespmem:$0x1E5B0] =	vst v63  }
0x11c: {  	_ = 	snop  }
0x11d: {  	[tilespmem:s13], [sflag:$0x1] =	stream.indirect.gather [hbm4b:s6+s11], $0x10, s24, s11, $0xb8;
	[tilespmem:$0x1E5B0] =	vst v63  }
0x11e: {  	_ = 	snop  }
0x11f: {  	[tilespmem:s14], [sflag:$0x1] =	stream.indirect.gather [hbm4b:s1+s11], $0x80, s8, s11, $0xb8;
	[tilespmem:$0x1E5B0] =	vst v63  }
0x120: {  	s21 =	smov.u32 s26;
	s25 =	simm.s32 $0x15FB8;
	s26 =	simm.s32 $0x18920  }
0x121: {  	[tilespmem:s26], [sflag:$0x2] =	stream.indirect.gather [hbm4b:s5+s11], $0x10, s25, s11, $0xb8;
	[tilespmem:$0x1E5B0] =	vst v63  }
0x122: {  	s28 =	simm.s32 $0x17340;
	s10 =	simm.s32 $0x18E20  }
0x123: {  	[tilespmem:s10], [sflag:$0x2] =	stream.indirect.gather [hbm4b:s6+s11], $0x10, s28, s11, $0xb8;
	[tilespmem:$0x1E5B0] =	vst v63  }
0x124: {  	s29 =	simm.s32 $0x1A4A0  }
0x125: {  	[tilespmem:s29], [sflag:$0x2] =	stream.indirect.gather [hbm4b:s1+s11], $0x80, s25, s11, $0xb8;
	[tilespmem:$0x1E5B0] =	vst v63  }
.LBB2_4:
0x126: {  	_ =	swait.ge [sflag:s18], $0x280  }
0x127: {  	[sflag:s18] =	ssyncset.done $0x0  }
0x128: {  	[sflag:s18] =	ssyncadd.s32 $0xFFFFFD80  }
0x129: {  	_ =	swait.ge [sflag:s18], $0x280  }
0x12a: {  	[sflag:s18] =	ssyncset.done $0x0  }
0x12b: {  	[sflag:s18] =	ssyncadd.s32 $0xFFFFFD80  }
0x12c: {  	_ =	swait.ge [sflag:s18], $0x1400  }
0x12d: {  	p1 =	seq.s32 s23, $0x0;
	[sflag:s18] =	ssyncset.done $0x0  }
0x12e: {  	s7 =	simm.s32 @!p1 $0x3;
	[sflag:s18] =	ssyncadd.s32 $0xFFFFEC00  }
0x12f: {  	_ =	swait.ge @!p1 [sflag:s7], $0x280  }
0x130: {  	[sflag:s7] =	ssyncset.done @!p1 $0x0  }
0x131: {  	[sflag:s7] =	ssyncadd.s32 @!p1 $0xFFFFFD80  }
0x132: {  	_ =	swait.ge @!p1 [sflag:s7], $0x1400  }
0x133: {  	[sflag:s7] =	ssyncset.done @!p1 $0x0  }
0x134: {  	s26 =	simm.s32 $0x0;
	[sflag:s7] =	ssyncadd.s32 @!p1 $0xFFFFEC00  }
0x135: {  	v2 =	vld [tilespmem:s26+$0x18BA0]  }
0x136: {  	v4 =	vld [tilespmem:s26+$0x18BB0]  }
0x137: {  	v3 =	vld [tilespmem:s26+$0x186A0]  }
0x138: {  	v5 =	vld [tilespmem:s26+$0x186B0];
	_ =	sdelay $0x3  }
0x139: {  	v3 =	vadd.f32 v2, v3  }
0x13a: {  	v2 =	vadd.f32 v4, v5  }
0x13b: {  	s25 =	sshll.u32 s23, $0x1;
	s10 =	simm.s32 $0x19120;
	s15 =	simm.s32 $0x80;
	v5 =	vmul.f32 $2.000000030e-01, v3  }
0x13c: {  	s9 =	simm.s32 $0x19120;
	s24 =	simm.s32 $0x1BE20;
	s7 =	simm.s32 $0x1BE20;
	v4 =	vmul.f32 $2.000000030e-01, v2  }
.LBB2_5:
0x13d: {  	p2 =	sne.s32 s15, $0x980;
	v3 =	vmax.f32 v3, v5;
	s10 =	sadd.s32 $0x100, s10;
	s7 =	sadd.s32 $0x100, s7  }
0x13e: {  	s28 =	smov.u32 s15;
	s15 =	sadd.s32 $0x80, s15;
	v5 =	vld [tilespmem:s9+$0x70];
	v3 =	vsub.f32 v3, v1;
	v2 =	vmax.f32 v2, v4  }
0x13f: {  	v4 =	vld [tilespmem:s9+$0x60];
	v2 =	vsub.f32 v2, v1  }
0x140: {  	v6 =	vld [tilespmem:s9+$0x50];
	v3 =	vmul.f32 $1.442695020e+00, v3  }
0x141: {  	v7 =	vld [tilespmem:s9+$0x40];
	v2 =	vmul.f32 $1.442695020e+00, v2  }
0x142: {  	v8 =	vld [tilespmem:s9+$0x30];
	(erf) = vpow2.f32 v3  }
0x143: {  	v3 =	vld [tilespmem:s9+$0x20];
	(erf) = vpow2.f32 v2  }
0x144: {  	v2 =	vld [tilespmem:s9+$0x10]  }
0x145: {  	v9 =	vld [tilespmem:s9+$0x0]  }
0x146: {  	v10 =	vld [tilespmem:s9+$0xFFFFFFF0]  }
0x147: {  	v11 =	vld [tilespmem:s9+$0xFFFFFFE0]  }
0x148: {  	v12 =	vld [tilespmem:s9+$0xFFFFFFC0]  }
0x149: {  	v13 =	vld [tilespmem:s9+$0xFFFFFF80]  }
0x14a: {  	v14 =	vld [tilespmem:s9+$0xFFFFFFB0]  }
0x14b: {  	v15 =	vld [tilespmem:s9+$0xFFFFFFA0];
	v16 =	vpop (erf)  }
0x14c: {  	v17 =	vld [tilespmem:s9+$0xFFFFFFD0];
	v18 =	vbroadcast v16, $0x0;
	v19 =	vbroadcast v16, $0x1;
	v20 =	vpop (erf)  }
0x14d: {  	v22 =	vbroadcast v16, $0x2;
	v23 =	vbroadcast v16, $0x3;
	v21 =	vld [tilespmem:s9+$0xFFFFFF90];
	s9 =	smov.u32 s10  }
0x14e: {  	s28 =	sshra.s32 s28, $0x2;
	[tilespmem:s26+$0x1B8A0] =	vst v16;
	v13 =	vmul.f32 v18, v13;
	v18 =	vbroadcast v16, $0x4  }
0x14f: {  	[tilespmem:s26+$0x1B8B0] =	vst v20;
	v14 =	vmul.f32 v23, v14;
	v23 =	vbroadcast v16, $0x5;
	s26 =	smov.u32 s28  }
0x150: {  	[tilespmem:s24+$0xFFFFFF80] =	vst v13;
	v13 =	vmul.f32 v22, v15;
	v12 =	vmul.f32 v18, v12  }
0x151: {  	v15 =	vbroadcast v16, $0x6;
	[tilespmem:s24+$0xFFFFFFB0] =	vst v14;
	v14 =	vmul.f32 v17, v23  }
0x152: {  	[tilespmem:s24+$0xFFFFFFC0] =	vst v12;
	v12 =	vbroadcast v16, $0x7;
	v16 =	vbroadcast v20, $0x0  }
0x153: {  	v11 =	vmul.f32 v11, v15;
	[tilespmem:s24+$0xFFFFFFD0] =	vst v14;
	v14 =	vbroadcast v20, $0x1  }
0x154: {  	[tilespmem:s24+$0xFFFFFFA0] =	vst v13;
	v10 =	vmul.f32 v10, v12;
	v12 =	vbroadcast v20, $0x2  }
0x155: {  	v9 =	vmul.f32 v9, v16;
	[tilespmem:s24+$0xFFFFFFE0] =	vst v11;
	v2 =	vmul.f32 v2, v14  }
0x156: {  	v11 =	vmul.f32 v19, v21;
	[tilespmem:s24+$0xFFFFFFF0] =	vst v10;
	v3 =	vmul.f32 v3, v12  }
0x157: {  	v10 =	vbroadcast v20, $0x4;
	[tilespmem:s24+$0x10] =	vst v2;
	v2 =	vbroadcast v20, $0x3  }
0x158: {  	v12 =	vbroadcast v20, $0x6;
	[tilespmem:s24+$0x0] =	vst v9;
	v9 =	vbroadcast v20, $0x5  }
0x159: {  	v7 =	vmul.f32 v7, v10;
	[tilespmem:s24+$0xFFFFFF90] =	vst v11;
	v2 =	vmul.f32 v8, v2  }
0x15a: {  	v4 =	vmul.f32 v4, v12;
	[tilespmem:s24+$0x20] =	vst v3;
	v3 =	vmul.f32 v6, v9  }
0x15b: {  	[tilespmem:s24+$0x30] =	vst v2;
	v2 =	vbroadcast v20, $0x7  }
0x15c: {  	[tilespmem:s24+$0x50] =	vst v3  }
0x15d: {  	[tilespmem:s24+$0x60] =	vst v4;
	v2 =	vmul.f32 v5, v2  }
0x15e: {  	[tilespmem:s24+$0x40] =	vst v7  }
0x15f: {  	[tilespmem:s24+$0x70] =	vst v2;
	s24 =	smov.u32 s7  }
0x160: {  	v2 =	vld [tilespmem:s26+$0x18BA0]  }
0x161: {  	v4 =	vld [tilespmem:s26+$0x18BB0]  }
0x162: {  	v3 =	vld [tilespmem:s26+$0x186A0]  }
0x163: {  	v5 =	vld [tilespmem:s26+$0x186B0];
	_ =	sdelay $0x2  }
.Ltmp1:
0x164: {  	(pc) =	sbr.rel @p2 .LBB2_5-.Ltmp1, $4  }
0x165: {  	v3 =	vadd.f32 v2, v3  }
0x166: {  	v2 =	vadd.f32 v4, v5  }
0x167: {  	v5 =	vmul.f32 $2.000000030e-01, v3  }
0x168: {  	v4 =	vmul.f32 $2.000000030e-01, v2  }
0x169: {  	v3 =	vmax.f32 v3, v5  }
0x16a: {  	v3 =	vsub.f32 v3, v1  }
0x16b: {  	v5 =	vld [tilespmem:s9+$0x70]  }
0x16c: {  	v6 =	vld [tilespmem:s9+$0x60];
	v2 =	vmax.f32 v2, v4;
	v3 =	vmul.f32 $1.442695020e+00, v3  }
0x16d: {  	v7 =	vld [tilespmem:s9+$0x40];
	v2 =	vsub.f32 v2, v1  }
0x16e: {  	v8 =	vld [tilespmem:s9+$0x30];
	(erf) = vpow2.f32 v3  }
0x16f: {  	v9 =	vld [tilespmem:s9+$0x10];
	v2 =	vmul.f32 $1.442695020e+00, v2  }
0x170: {  	v10 =	vld [tilespmem:s9+$0xFFFFFFF0]  }
0x171: {  	v11 =	vld [tilespmem:s9+$0xFFFFFFE0];
	(erf) = vpow2.f32 v2  }
0x172: {  	v12 =	vld [tilespmem:s9+$0xFFFFFFC0]  }
0x173: {  	v13 =	vld [tilespmem:s9+$0xFFFFFF80]  }
0x174: {  	v14 =	vld [tilespmem:s9+$0xFFFFFFB0]  }
0x175: {  	v15 =	vld [tilespmem:s9+$0xFFFFFFA0]  }
0x176: {  	v17 =	vld [tilespmem:s9+$0xFFFFFFD0]  }
0x177: {  	v19 =	vld [tilespmem:s9+$0xFFFFFF90];
	v16 =	vpop (erf)  }
0x178: {  	v4 =	vld [tilespmem:s9+$0x50];
	v18 =	vbroadcast v16, $0x0  }
0x179: {  	v3 =	vld [tilespmem:s9+$0x20];
	v20 =	vbroadcast v16, $0x3  }
0x17a: {  	v2 =	vld [tilespmem:s9+$0x0];
	v21 =	vpop (erf);
	[tilespmem:s26+$0x1B8A0] =	vst v16;
	v51 =	vbroadcast v16, $0x4;
	v13 =	vmul.f32 v18, v13  }
0x17b: {  	v52 =	vbroadcast v16, $0x5;
	[tilespmem:s26+$0x1B8B0] =	vst v21;
	v14 =	vmul.f32 v20, v14  }
0x17c: {  	v22 =	vbroadcast v16, $0x2;
	v12 =	vmul.f32 v51, v12;
	[tilespmem:s24+$0xFFFFFF80] =	vst v13  }
0x17d: {  	v54 =	vbroadcast v16, $0x6;
	v53 =	vmul.f32 v17, v52;
	[tilespmem:s24+$0xFFFFFFB0] =	vst v14  }
0x17e: {  	v55 =	vbroadcast v16, $0x7;
	v15 =	vmul.f32 v22, v15;
	[tilespmem:s24+$0xFFFFFFC0] =	vst v12  }
0x17f: {  	v58 =	vbroadcast v16, $0x1;
	v11 =	vmul.f32 v11, v54;
	[tilespmem:s24+$0xFFFFFFD0] =	vst v53  }
0x180: {  	v56 =	vbroadcast v21, $0x1;
	v10 =	vmul.f32 v10, v55;
	[tilespmem:s24+$0xFFFFFFA0] =	vst v15  }
0x181: {  	v57 =	vbroadcast v21, $0x0;
	v60 =	vmul.f32 v58, v19;
	[tilespmem:s24+$0xFFFFFFE0] =	vst v11  }
0x182: {  	v59 =	vbroadcast v21, $0x2;
	v9 =	vmul.f32 v9, v56;
	[tilespmem:s24+$0xFFFFFFF0] =	vst v10  }
0x183: {  	v61 =	vbroadcast v21, $0x3;
	v2 =	vmul.f32 v2, v57;
	[tilespmem:s24+$0xFFFFFF90] =	vst v60  }
0x184: {  	v62 =	vbroadcast v21, $0x6;
	v3 =	vmul.f32 v3, v59;
	[tilespmem:s24+$0x10] =	vst v9  }
0x185: {  	v8 =	vmul.f32 v8, v61;
	[tilespmem:s24+$0x0] =	vst v2;
	v2 =	vbroadcast v21, $0x5  }
0x186: {  	v63 =	vbroadcast v21, $0x4;
	[tilespmem:s24+$0x20] =	vst v3;
	v3 =	vmul.f32 v6, v62  }
0x187: {  	[tilespmem:s24+$0x30] =	vst v8;
	v2 =	vmul.f32 v4, v2;
	v4 =	vbroadcast v21, $0x7  }
0x188: {  	s7 =	smul.u32 $0x140, s23;
	v6 =	vmul.f32 v7, v63;
	[tilespmem:s24+$0x60] =	vst v3  }
0x189: {  	[tilespmem:s24+$0x50] =	vst v2;
	v2 =	vmul.f32 v5, v4  }
0x18a: {  	s7 =	sshra.s32 s7, $0x2;
	[tilespmem:s24+$0x40] =	vst v6  }
0x18b: {  	s7 =	sadd.s32 $0x17318, s7;
	[tilespmem:s24+$0x70] =	vst v2  }
0x18c: {  	[spmem:s2] =	stream.indirect.scatter.add.f32 [tilespmem:s30], [sflag:$0x3], $0x10, s7, s11, $0xb8;
	[tilespmem:$0x1E5B0] =	vst v63  }
0x18d: {  	s24 =	smul.u32 $0x50, s23  }
0x18e: {  	[spmem:s3] =	stream.indirect.scatter.add.f32 [tilespmem:s0], [sflag:$0x3], $0x80, s7, s11, $0xb8;
	[tilespmem:$0x1E5B0] =	vst v63  }
0x18f: {  	s26 =	sadd.s32 $0x15FE0, s24  }
0x190: {  	[tilespmem:s12], [sflag:$0x1] =	stream.indirect.gather [hbm4b:s5+s11], $0x10, s26, s11, $0xb8;
	[tilespmem:$0x1E5B0] =	vst v63  }
0x191: {  	s29 =	sadd.s32 $0x17368, s24  }
0x192: {  	[tilespmem:s13], [sflag:$0x1] =	stream.indirect.gather [hbm4b:s6+s11], $0x10, s29, s11, $0xb8;
	[tilespmem:$0x1E5B0] =	vst v63  }
0x193: {  	_ = 	snop  }
0x194: {  	[tilespmem:s14], [sflag:$0x1] =	stream.indirect.gather [hbm4b:s1+s11], $0x80, s26, s11, $0xb8;
	[tilespmem:$0x1E5B0] =	vst v63  }
0x195: {  	_ =	swait.ge [sflag:s16], $0x280  }
0x196: {  	[sflag:s16] =	ssyncset.done $0x0  }
0x197: {  	[sflag:s16] =	ssyncadd.s32 $0xFFFFFD80  }
0x198: {  	_ =	swait.ge [sflag:s16], $0x280  }
0x199: {  	[sflag:s16] =	ssyncset.done $0x0  }
0x19a: {  	[sflag:s16] =	ssyncadd.s32 $0xFFFFFD80  }
0x19b: {  	_ =	swait.ge [sflag:s16], $0x1400  }
0x19c: {  	[sflag:s16] =	ssyncset.done $0x0  }
0x19d: {  	s7 =	simm.s32 @!p1 $0x4;
	[sflag:s16] =	ssyncadd.s32 $0xFFFFEC00  }
0x19e: {  	_ =	swait.ge @!p1 [sflag:s7], $0x280  }
0x19f: {  	[sflag:s7] =	ssyncset.done @!p1 $0x0  }
0x1a0: {  	[sflag:s7] =	ssyncadd.s32 @!p1 $0xFFFFFD80  }
0x1a1: {  	_ =	swait.ge @!p1 [sflag:s7], $0x1400  }
0x1a2: {  	[sflag:s7] =	ssyncset.done @!p1 $0x0  }
0x1a3: {  	s9 =	simm.s32 $0x0;
	[sflag:s7] =	ssyncadd.s32 @!p1 $0xFFFFEC00  }
0x1a4: {  	v2 =	vld [tilespmem:s9+$0x18E20]  }
0x1a5: {  	v4 =	vld [tilespmem:s9+$0x18E30]  }
0x1a6: {  	v3 =	vld [tilespmem:s9+$0x18920]  }
0x1a7: {  	v5 =	vld [tilespmem:s9+$0x18930];
	_ =	sdelay $0x3  }
0x1a8: {  	v3 =	vadd.f32 v2, v3  }
0x1a9: {  	v2 =	vadd.f32 v4, v5  }
0x1aa: {  	s25 =	sor.u32 $0x1, s25;
	s15 =	simm.s32 $0x1D220;
	s28 =	simm.s32 $0x80;
	v5 =	vmul.f32 $2.000000030e-01, v3  }
0x1ab: {  	s10 =	simm.s32 $0x1A520;
	s26 =	simm.s32 $0x1D220;
	s7 =	simm.s32 $0x1A520;
	v4 =	vmul.f32 $2.000000030e-01, v2  }
.LBB2_7:
0x1ac: {  	p1 =	sne.s32 s28, $0x980;
	v3 =	vmax.f32 v3, v5;
	s7 =	sadd.s32 $0x100, s7;
	s15 =	sadd.s32 $0x100, s15  }
0x1ad: {  	s29 =	smov.u32 s28;
	s28 =	sadd.s32 $0x80, s28;
	v5 =	vld [tilespmem:s10+$0x70];
	v3 =	vsub.f32 v3, v1;
	v2 =	vmax.f32 v2, v4  }
0x1ae: {  	v4 =	vld [tilespmem:s10+$0x60];
	v2 =	vsub.f32 v2, v1  }
0x1af: {  	v6 =	vld [tilespmem:s10+$0x50];
	v3 =	vmul.f32 $1.442695020e+00, v3  }
0x1b0: {  	v7 =	vld [tilespmem:s10+$0x40];
	v2 =	vmul.f32 $1.442695020e+00, v2  }
0x1b1: {  	v8 =	vld [tilespmem:s10+$0x30];
	(erf) = vpow2.f32 v3  }
0x1b2: {  	v3 =	vld [tilespmem:s10+$0x20];
	(erf) = vpow2.f32 v2  }
0x1b3: {  	v2 =	vld [tilespmem:s10+$0x10]  }
0x1b4: {  	v9 =	vld [tilespmem:s10+$0x0]  }
0x1b5: {  	v10 =	vld [tilespmem:s10+$0xFFFFFFF0]  }
0x1b6: {  	v11 =	vld [tilespmem:s10+$0xFFFFFFE0]  }
0x1b7: {  	v12 =	vld [tilespmem:s10+$0xFFFFFFC0]  }
0x1b8: {  	v13 =	vld [tilespmem:s10+$0xFFFFFF80]  }
0x1b9: {  	v14 =	vld [tilespmem:s10+$0xFFFFFFB0]  }
0x1ba: {  	v15 =	vld [tilespmem:s10+$0xFFFFFFA0];
	v16 =	vpop (erf)  }
0x1bb: {  	v17 =	vld [tilespmem:s10+$0xFFFFFFD0];
	v18 =	vbroadcast v16, $0x0;
	v19 =	vbroadcast v16, $0x1;
	v20 =	vpop (erf)  }
0x1bc: {  	v22 =	vbroadcast v16, $0x2;
	v23 =	vbroadcast v16, $0x3;
	v21 =	vld [tilespmem:s10+$0xFFFFFF90];
	s10 =	smov.u32 s7  }
0x1bd: {  	s29 =	sshra.s32 s29, $0x2;
	[tilespmem:s9+$0x1BB20] =	vst v16;
	v13 =	vmul.f32 v18, v13;
	v18 =	vbroadcast v16, $0x4  }
0x1be: {  	[tilespmem:s9+$0x1BB30] =	vst v20;
	v14 =	vmul.f32 v23, v14;
	v23 =	vbroadcast v16, $0x5;
	s9 =	smov.u32 s29  }
0x1bf: {  	[tilespmem:s26+$0xFFFFFF80] =	vst v13;
	v13 =	vmul.f32 v22, v15;
	v12 =	vmul.f32 v18, v12  }
0x1c0: {  	v15 =	vbroadcast v16, $0x6;
	[tilespmem:s26+$0xFFFFFFB0] =	vst v14;
	v14 =	vmul.f32 v17, v23  }
0x1c1: {  	[tilespmem:s26+$0xFFFFFFC0] =	vst v12;
	v12 =	vbroadcast v16, $0x7;
	v16 =	vbroadcast v20, $0x0  }
0x1c2: {  	v11 =	vmul.f32 v11, v15;
	[tilespmem:s26+$0xFFFFFFD0] =	vst v14;
	v14 =	vbroadcast v20, $0x1  }
0x1c3: {  	[tilespmem:s26+$0xFFFFFFA0] =	vst v13;
	v10 =	vmul.f32 v10, v12;
	v12 =	vbroadcast v20, $0x2  }
0x1c4: {  	v9 =	vmul.f32 v9, v16;
	[tilespmem:s26+$0xFFFFFFE0] =	vst v11;
	v2 =	vmul.f32 v2, v14  }
0x1c5: {  	v11 =	vmul.f32 v19, v21;
	[tilespmem:s26+$0xFFFFFFF0] =	vst v10;
	v3 =	vmul.f32 v3, v12  }
0x1c6: {  	v10 =	vbroadcast v20, $0x4;
	[tilespmem:s26+$0x10] =	vst v2;
	v2 =	vbroadcast v20, $0x3  }
0x1c7: {  	v12 =	vbroadcast v20, $0x6;
	[tilespmem:s26+$0x0] =	vst v9;
	v9 =	vbroadcast v20, $0x5  }
0x1c8: {  	v7 =	vmul.f32 v7, v10;
	[tilespmem:s26+$0xFFFFFF90] =	vst v11;
	v2 =	vmul.f32 v8, v2  }
0x1c9: {  	v4 =	vmul.f32 v4, v12;
	[tilespmem:s26+$0x20] =	vst v3;
	v3 =	vmul.f32 v6, v9  }
0x1ca: {  	[tilespmem:s26+$0x30] =	vst v2;
	v2 =	vbroadcast v20, $0x7  }
0x1cb: {  	[tilespmem:s26+$0x50] =	vst v3  }
0x1cc: {  	[tilespmem:s26+$0x60] =	vst v4;
	v2 =	vmul.f32 v5, v2  }
0x1cd: {  	[tilespmem:s26+$0x40] =	vst v7  }
0x1ce: {  	[tilespmem:s26+$0x70] =	vst v2;
	s26 =	smov.u32 s15  }
0x1cf: {  	v2 =	vld [tilespmem:s9+$0x18E20]  }
0x1d0: {  	v4 =	vld [tilespmem:s9+$0x18E30]  }
0x1d1: {  	v3 =	vld [tilespmem:s9+$0x18920]  }
0x1d2: {  	v5 =	vld [tilespmem:s9+$0x18930];
	_ =	sdelay $0x2  }
.Ltmp2:
0x1d3: {  	(pc) =	sbr.rel @p1 .LBB2_7-.Ltmp2, $4  }
0x1d4: {  	v3 =	vadd.f32 v2, v3  }
0x1d5: {  	v2 =	vadd.f32 v4, v5  }
0x1d6: {  	v5 =	vmul.f32 $2.000000030e-01, v3  }
0x1d7: {  	v4 =	vmul.f32 $2.000000030e-01, v2  }
0x1d8: {  	v3 =	vmax.f32 v3, v5  }
0x1d9: {  	v3 =	vsub.f32 v3, v1  }
0x1da: {  	v47 =	vld [tilespmem:s10+$0x70]  }
0x1db: {  	v6 =	vld [tilespmem:s10+$0x60];
	v2 =	vmax.f32 v2, v4;
	v3 =	vmul.f32 $1.442695020e+00, v3  }
0x1dc: {  	v48 =	vld [tilespmem:s10+$0x50];
	v2 =	vsub.f32 v2, v1  }
0x1dd: {  	v7 =	vld [tilespmem:s10+$0x40];
	(erf) = vpow2.f32 v3  }
0x1de: {  	v8 =	vld [tilespmem:s10+$0x30];
	v2 =	vmul.f32 $1.442695020e+00, v2  }
0x1df: {  	v9 =	vld [tilespmem:s10+$0x10]  }
0x1e0: {  	v10 =	vld [tilespmem:s10+$0xFFFFFFF0];
	(erf) = vpow2.f32 v2  }
0x1e1: {  	v11 =	vld [tilespmem:s10+$0xFFFFFFE0]  }
0x1e2: {  	v12 =	vld [tilespmem:s10+$0xFFFFFFC0]  }
0x1e3: {  	v13 =	vld [tilespmem:s10+$0xFFFFFF80]  }
0x1e4: {  	v14 =	vld [tilespmem:s10+$0xFFFFFFB0]  }
0x1e5: {  	v15 =	vld [tilespmem:s10+$0xFFFFFFA0]  }
0x1e6: {  	v17 =	vld [tilespmem:s10+$0xFFFFFFD0];
	v16 =	vpop (erf)  }
0x1e7: {  	v19 =	vld [tilespmem:s10+$0xFFFFFF90];
	v18 =	vbroadcast v16, $0x0  }
0x1e8: {  	v3 =	vld [tilespmem:s10+$0x20];
	v20 =	vbroadcast v16, $0x3  }
0x1e9: {  	v2 =	vld [tilespmem:s10+$0x0];
	v21 =	vpop (erf);
	[tilespmem:s9+$0x1BB20] =	vst v16;
	v49 =	vbroadcast v16, $0x4;
	v13 =	vmul.f32 v18, v13  }
0x1ea: {  	v50 =	vbroadcast v16, $0x5;
	[tilespmem:s9+$0x1BB30] =	vst v21;
	v14 =	vmul.f32 v20, v14  }
0x1eb: {  	v22 =	vbroadcast v16, $0x2;
	v12 =	vmul.f32 v49, v12;
	[tilespmem:s26+$0xFFFFFF80] =	vst v13  }
0x1ec: {  	v52 =	vbroadcast v16, $0x6;
	v51 =	vmul.f32 v17, v50;
	[tilespmem:s26+$0xFFFFFFB0] =	vst v14  }
0x1ed: {  	v53 =	vbroadcast v16, $0x7;
	v15 =	vmul.f32 v22, v15;
	[tilespmem:s26+$0xFFFFFFC0] =	vst v12  }
0x1ee: {  	v56 =	vbroadcast v16, $0x1;
	v11 =	vmul.f32 v11, v52;
	[tilespmem:s26+$0xFFFFFFD0] =	vst v51  }
0x1ef: {  	v54 =	vbroadcast v21, $0x1;
	v10 =	vmul.f32 v10, v53;
	[tilespmem:s26+$0xFFFFFFA0] =	vst v15  }
0x1f0: {  	v55 =	vbroadcast v21, $0x0;
	v58 =	vmul.f32 v56, v19;
	[tilespmem:s26+$0xFFFFFFE0] =	vst v11  }
0x1f1: {  	v57 =	vbroadcast v21, $0x2;
	v9 =	vmul.f32 v9, v54;
	[tilespmem:s26+$0xFFFFFFF0] =	vst v10  }
0x1f2: {  	v59 =	vbroadcast v21, $0x3;
	v2 =	vmul.f32 v2, v55;
	[tilespmem:s26+$0xFFFFFF90] =	vst v58  }
0x1f3: {  	v61 =	vbroadcast v21, $0x4;
	v3 =	vmul.f32 v3, v57;
	[tilespmem:s26+$0x10] =	vst v9  }
0x1f4: {  	v8 =	vmul.f32 v8, v59;
	[tilespmem:s26+$0x0] =	vst v2;
	v2 =	vbroadcast v21, $0x5  }
0x1f5: {  	v60 =	vbroadcast v21, $0x6;
	v63 =	vmul.f32 v7, v61;
	[tilespmem:s26+$0x20] =	vst v3  }
0x1f6: {  	v62 =	vbroadcast v21, $0x7;
	[tilespmem:s26+$0x30] =	vst v8;
	v2 =	vmul.f32 v48, v2  }
0x1f7: {  	s7 =	smul.u32 $0xA0, s25;
	v3 =	vmul.f32 v6, v60;
	[tilespmem:s26+$0x40] =	vst v63  }
0x1f8: {  	[tilespmem:s26+$0x50] =	vst v2;
	v2 =	vmul.f32 v47, v62  }
0x1f9: {  	s7 =	sshra.s32 s7, $0x2;
	[tilespmem:s26+$0x60] =	vst v3  }
0x1fa: {  	s7 =	sadd.s32 $0x17318, s7;
	[tilespmem:s26+$0x70] =	vst v2  }
0x1fb: {  	[spmem:s2] =	stream.indirect.scatter.add.f32 [tilespmem:s19], [sflag:$0x4], $0x10, s7, s11, $0xb8;
	[tilespmem:$0x1E5B0] =	vst v63  }
0x1fc: {  	p1 =	sgt.u32 s25, $0x7A  }
0x1fd: {  	[spmem:s3] =	stream.indirect.scatter.add.f32 [tilespmem:s17], [sflag:$0x4], $0x80, s7, s11, $0xb8;
	[tilespmem:$0x1E5B0] =	vst v63  }
0x1fe: {  	s10 =	simm.s32 @!p1 $0x18920;
	s9 =	simm.s32 @!p1 $0x28;
	s7 =	sadd.s32 @!p1 $0x16008, s24  }
0x1ff: {  	[tilespmem:s10], [sflag:$0x2] =	stream.indirect.gather @!p1 [hbm4b:s5+s9], $0x10, s7, s9, $0xb8;
	[tilespmem:$0x1E5B0] =	vst v63  }
0x200: {  	s15 =	simm.s32 @!p1 $0x18E20;
	s10 =	sadd.s32 @!p1 $0x17390, s24  }
0x201: {  	[tilespmem:s15], [sflag:$0x2] =	stream.indirect.gather @!p1 [hbm4b:s6+s9], $0x10, s10, s9, $0xb8;
	[tilespmem:$0x1E5B0] =	vst v63  }
0x202: {  	s23 =	sadd.s32 $0x1, s23;
	s10 =	simm.s32 @!p1 $0x1A4A0  }
0x203: {  	[tilespmem:s10], [sflag:$0x2] =	stream.indirect.gather @!p1 [hbm4b:s1+s9], $0x80, s7, s9, $0xb8;
	[tilespmem:$0x1E5B0] =	vst v63  }
0x204: {  	p1 =	sne.s32 s23, $0x3E  }
.Ltmp3:
0x205: {  	_ = 	snop;
	(pc) =	sbr.rel @p1 .LBB2_4-.Ltmp3, $1  }
0x206: {  	_ =	sdelay $0x3  }
0x207: {  	_ =	swait.ge [sflag:s18], $0x280  }
0x208: {  	[sflag:s18] =	ssyncset.done $0x0  }
0x209: {  	[sflag:s18] =	ssyncadd.s32 $0xFFFFFD80  }
0x20a: {  	_ =	swait.ge [sflag:s18], $0x280  }
0x20b: {  	[sflag:s18] =	ssyncset.done $0x0  }
0x20c: {  	[sflag:s18] =	ssyncadd.s32 $0xFFFFFD80  }
0x20d: {  	_ =	swait.ge [sflag:s18], $0x1400  }
0x20e: {  	[sflag:s18] =	ssyncset.done $0x0  }
0x20f: {  	[sflag:s18] =	ssyncadd.s32 $0xFFFFEC00  }
0x210: {  	_ =	swait.ge [sflag:s20], $0x280  }
0x211: {  	[sflag:s20] =	ssyncset.done $0x0  }
0x212: {  	[sflag:s20] =	ssyncadd.s32 $0xFFFFFD80  }
0x213: {  	_ =	swait.ge [sflag:s20], $0x1400  }
0x214: {  	[sflag:s20] =	ssyncset.done $0x0  }
0x215: {  	s9 =	simm.s32 $0x0;
	[sflag:s20] =	ssyncadd.s32 $0xFFFFEC00  }
0x216: {  	v2 =	vld [tilespmem:s9+$0x18BA0]  }
0x217: {  	v4 =	vld [tilespmem:s9+$0x18BB0]  }
0x218: {  	v3 =	vld [tilespmem:s9+$0x186A0]  }
0x219: {  	v5 =	vld [tilespmem:s9+$0x186B0];
	_ =	sdelay $0x3  }
0x21a: {  	v3 =	vadd.f32 v2, v3  }
0x21b: {  	v2 =	vadd.f32 v4, v5  }
0x21c: {  	s7 =	simm.s32 $0x19120;
	s15 =	simm.s32 $0x1BE20;
	v5 =	vmul.f32 $2.000000030e-01, v3  }
0x21d: {  	s24 =	simm.s32 $0x80;
	s10 =	simm.s32 $0x19120;
	s23 =	simm.s32 $0x1BE20;
	v4 =	vmul.f32 $2.000000030e-01, v2  }
.LBB2_10:
0x21e: {  	p1 =	sne.s32 s24, $0x980;
	v3 =	vmax.f32 v3, v5;
	s7 =	sadd.s32 $0x100, s7;
	s15 =	sadd.s32 $0x100, s15  }
0x21f: {  	s25 =	smov.u32 s24;
	s24 =	sadd.s32 $0x80, s24;
	v5 =	vld [tilespmem:s10+$0x70];
	v3 =	vsub.f32 v3, v1;
	v2 =	vmax.f32 v2, v4  }
0x220: {  	v4 =	vld [tilespmem:s10+$0x60];
	v2 =	vsub.f32 v2, v1  }
0x221: {  	v6 =	vld [tilespmem:s10+$0x50];
	v3 =	vmul.f32 $1.442695020e+00, v3  }
0x222: {  	v7 =	vld [tilespmem:s10+$0x40];
	v2 =	vmul.f32 $1.442695020e+00, v2  }
0x223: {  	v8 =	vld [tilespmem:s10+$0x30];
	(erf) = vpow2.f32 v3  }
0x224: {  	v3 =	vld [tilespmem:s10+$0x20];
	(erf) = vpow2.f32 v2  }
0x225: {  	v2 =	vld [tilespmem:s10+$0x10]  }
0x226: {  	v9 =	vld [tilespmem:s10+$0x0]  }
0x227: {  	v10 =	vld [tilespmem:s10+$0xFFFFFFF0]  }
0x228: {  	v11 =	vld [tilespmem:s10+$0xFFFFFFE0]  }
0x229: {  	v12 =	vld [tilespmem:s10+$0xFFFFFFC0]  }
0x22a: {  	v13 =	vld [tilespmem:s10+$0xFFFFFF80]  }
0x22b: {  	v14 =	vld [tilespmem:s10+$0xFFFFFFB0]  }
0x22c: {  	v15 =	vld [tilespmem:s10+$0xFFFFFFA0];
	v16 =	vpop (erf)  }
0x22d: {  	v17 =	vld [tilespmem:s10+$0xFFFFFFD0];
	v18 =	vbroadcast v16, $0x0;
	v19 =	vbroadcast v16, $0x1;
	v20 =	vpop (erf)  }
0x22e: {  	v22 =	vbroadcast v16, $0x2;
	v23 =	vbroadcast v16, $0x3;
	v21 =	vld [tilespmem:s10+$0xFFFFFF90];
	s10 =	smov.u32 s7  }
0x22f: {  	s25 =	sshra.s32 s25, $0x2;
	[tilespmem:s9+$0x1B8A0] =	vst v16;
	v13 =	vmul.f32 v18, v13;
	v18 =	vbroadcast v16, $0x4  }
0x230: {  	[tilespmem:s9+$0x1B8B0] =	vst v20;
	v14 =	vmul.f32 v23, v14;
	v23 =	vbroadcast v16, $0x5;
	s9 =	smov.u32 s25  }
0x231: {  	[tilespmem:s23+$0xFFFFFF80] =	vst v13;
	v13 =	vmul.f32 v22, v15;
	v12 =	vmul.f32 v18, v12  }
0x232: {  	v15 =	vbroadcast v16, $0x6;
	[tilespmem:s23+$0xFFFFFFB0] =	vst v14;
	v14 =	vmul.f32 v17, v23  }
0x233: {  	[tilespmem:s23+$0xFFFFFFC0] =	vst v12;
	v12 =	vbroadcast v16, $0x7;
	v16 =	vbroadcast v20, $0x0  }
0x234: {  	v11 =	vmul.f32 v11, v15;
	[tilespmem:s23+$0xFFFFFFD0] =	vst v14;
	v14 =	vbroadcast v20, $0x1  }
0x235: {  	[tilespmem:s23+$0xFFFFFFA0] =	vst v13;
	v10 =	vmul.f32 v10, v12;
	v12 =	vbroadcast v20, $0x2  }
0x236: {  	v9 =	vmul.f32 v9, v16;
	[tilespmem:s23+$0xFFFFFFE0] =	vst v11;
	v2 =	vmul.f32 v2, v14  }
0x237: {  	v11 =	vmul.f32 v19, v21;
	[tilespmem:s23+$0xFFFFFFF0] =	vst v10;
	v3 =	vmul.f32 v3, v12  }
0x238: {  	v10 =	vbroadcast v20, $0x4;
	[tilespmem:s23+$0x10] =	vst v2;
	v2 =	vbroadcast v20, $0x3  }
0x239: {  	v12 =	vbroadcast v20, $0x6;
	[tilespmem:s23+$0x0] =	vst v9;
	v9 =	vbroadcast v20, $0x5  }
0x23a: {  	v7 =	vmul.f32 v7, v10;
	[tilespmem:s23+$0xFFFFFF90] =	vst v11;
	v2 =	vmul.f32 v8, v2  }
0x23b: {  	v4 =	vmul.f32 v4, v12;
	[tilespmem:s23+$0x20] =	vst v3;
	v3 =	vmul.f32 v6, v9  }
0x23c: {  	[tilespmem:s23+$0x30] =	vst v2;
	v2 =	vbroadcast v20, $0x7  }
0x23d: {  	[tilespmem:s23+$0x50] =	vst v3  }
0x23e: {  	[tilespmem:s23+$0x60] =	vst v4;
	v2 =	vmul.f32 v5, v2  }
0x23f: {  	[tilespmem:s23+$0x40] =	vst v7  }
0x240: {  	[tilespmem:s23+$0x70] =	vst v2;
	s23 =	smov.u32 s15  }
0x241: {  	v2 =	vld [tilespmem:s9+$0x18BA0]  }
0x242: {  	v4 =	vld [tilespmem:s9+$0x18BB0]  }
0x243: {  	v3 =	vld [tilespmem:s9+$0x186A0]  }
0x244: {  	v5 =	vld [tilespmem:s9+$0x186B0];
	_ =	sdelay $0x2  }
.Ltmp4:
0x245: {  	(pc) =	sbr.rel @p1 .LBB2_10-.Ltmp4, $4  }
0x246: {  	v3 =	vadd.f32 v2, v3  }
0x247: {  	v2 =	vadd.f32 v4, v5  }
0x248: {  	v5 =	vmul.f32 $2.000000030e-01, v3  }
0x249: {  	v4 =	vmul.f32 $2.000000030e-01, v2  }
0x24a: {  	v3 =	vmax.f32 v3, v5  }
0x24b: {  	v3 =	vsub.f32 v3, v1  }
0x24c: {  	v47 =	vld [tilespmem:s10+$0x70]  }
0x24d: {  	v6 =	vld [tilespmem:s10+$0x60];
	v2 =	vmax.f32 v2, v4;
	v3 =	vmul.f32 $1.442695020e+00, v3  }
0x24e: {  	v48 =	vld [tilespmem:s10+$0x50];
	v2 =	vsub.f32 v2, v1  }
0x24f: {  	v7 =	vld [tilespmem:s10+$0x40];
	(erf) = vpow2.f32 v3  }
0x250: {  	v8 =	vld [tilespmem:s10+$0x30];
	v2 =	vmul.f32 $1.442695020e+00, v2  }
0x251: {  	v9 =	vld [tilespmem:s10+$0x10]  }
0x252: {  	v10 =	vld [tilespmem:s10+$0xFFFFFFF0];
	(erf) = vpow2.f32 v2  }
0x253: {  	v11 =	vld [tilespmem:s10+$0xFFFFFFE0]  }
0x254: {  	v12 =	vld [tilespmem:s10+$0xFFFFFFC0]  }
0x255: {  	v13 =	vld [tilespmem:s10+$0xFFFFFF80]  }
0x256: {  	v14 =	vld [tilespmem:s10+$0xFFFFFFB0]  }
0x257: {  	v15 =	vld [tilespmem:s10+$0xFFFFFFA0]  }
0x258: {  	v17 =	vld [tilespmem:s10+$0xFFFFFFD0];
	v16 =	vpop (erf)  }
0x259: {  	v19 =	vld [tilespmem:s10+$0xFFFFFF90];
	v18 =	vbroadcast v16, $0x0  }
0x25a: {  	v3 =	vld [tilespmem:s10+$0x20];
	v20 =	vbroadcast v16, $0x3  }
0x25b: {  	v2 =	vld [tilespmem:s10+$0x0];
	v21 =	vpop (erf);
	[tilespmem:s9+$0x1B8A0] =	vst v16;
	v49 =	vbroadcast v16, $0x4;
	v13 =	vmul.f32 v18, v13  }
0x25c: {  	v50 =	vbroadcast v16, $0x5;
	[tilespmem:s9+$0x1B8B0] =	vst v21;
	v14 =	vmul.f32 v20, v14  }
0x25d: {  	v22 =	vbroadcast v16, $0x2;
	v12 =	vmul.f32 v49, v12;
	[tilespmem:s23+$0xFFFFFF80] =	vst v13  }
0x25e: {  	v52 =	vbroadcast v16, $0x6;
	v51 =	vmul.f32 v17, v50;
	[tilespmem:s23+$0xFFFFFFB0] =	vst v14  }
0x25f: {  	v53 =	vbroadcast v16, $0x7;
	v15 =	vmul.f32 v22, v15;
	[tilespmem:s23+$0xFFFFFFC0] =	vst v12  }
0x260: {  	v56 =	vbroadcast v16, $0x1;
	v11 =	vmul.f32 v11, v52;
	[tilespmem:s23+$0xFFFFFFD0] =	vst v51  }
0x261: {  	v54 =	vbroadcast v21, $0x1;
	v10 =	vmul.f32 v10, v53;
	[tilespmem:s23+$0xFFFFFFA0] =	vst v15  }
0x262: {  	v55 =	vbroadcast v21, $0x0;
	v58 =	vmul.f32 v56, v19;
	[tilespmem:s23+$0xFFFFFFE0] =	vst v11  }
0x263: {  	v57 =	vbroadcast v21, $0x2;
	v9 =	vmul.f32 v9, v54;
	[tilespmem:s23+$0xFFFFFFF0] =	vst v10  }
0x264: {  	v59 =	vbroadcast v21, $0x3;
	v2 =	vmul.f32 v2, v55;
	[tilespmem:s23+$0xFFFFFF90] =	vst v58  }
0x265: {  	v61 =	vbroadcast v21, $0x4;
	v3 =	vmul.f32 v3, v57;
	[tilespmem:s23+$0x10] =	vst v9  }
0x266: {  	v8 =	vmul.f32 v8, v59;
	[tilespmem:s23+$0x0] =	vst v2;
	v2 =	vbroadcast v21, $0x5  }
0x267: {  	v60 =	vbroadcast v21, $0x6;
	v63 =	vmul.f32 v7, v61;
	[tilespmem:s23+$0x20] =	vst v3  }
0x268: {  	v62 =	vbroadcast v21, $0x7;
	[tilespmem:s23+$0x30] =	vst v8;
	v2 =	vmul.f32 v48, v2  }
0x269: {  	v3 =	vmul.f32 v6, v60;
	[tilespmem:s23+$0x40] =	vst v63  }
0x26a: {  	[tilespmem:s23+$0x50] =	vst v2;
	v2 =	vmul.f32 v47, v62  }
0x26b: {  	[tilespmem:s23+$0x60] =	vst v3  }
0x26c: {  	s7 =	simm.s32 $0x18678;
	[tilespmem:s23+$0x70] =	vst v2  }
0x26d: {  	[spmem:s2] =	stream.indirect.scatter.add.f32 [tilespmem:s30], [sflag:$0x3], $0x10, s7, s11, $0xb8;
	[tilespmem:$0x1E5B0] =	vst v63  }
0x26e: {  	_ = 	snop  }
0x26f: {  	[spmem:s3] =	stream.indirect.scatter.add.f32 [tilespmem:s0], [sflag:$0x3], $0x80, s7, s11, $0xb8;
	[tilespmem:$0x1E5B0] =	vst v63  }
0x270: {  	_ =	swait.ge [sflag:s22], $0x280  }
0x271: {  	[sflag:s22] =	ssyncset.done $0x0  }
0x272: {  	[sflag:s22] =	ssyncadd.s32 $0xFFFFFD80  }
0x273: {  	_ =	swait.ge [sflag:s22], $0x1400  }
0x274: {  	[sflag:s22] =	ssyncset.done $0x0  }
0x275: {  	[sflag:s22] =	ssyncadd.s32 $0xFFFFEC00  }
0x276: {  	_ =	swait.ge [sflag:s20], $0x280  }
0x277: {  	[sflag:s20] =	ssyncset.done $0x0  }
0x278: {  	[sflag:s20] =	ssyncadd.s32 $0xFFFFFD80  }
0x279: {  	_ =	swait.ge [sflag:s20], $0x1400  }
0x27a: {  	[sflag:s20] =	ssyncset.done $0x0  }
0x27b: {  	s23 =	simm.s32 $0x0;
	s9 =	rddreg [dreg:$0xa];
	[sflag:s20] =	ssyncadd.s32 $0xFFFFEC00  }
0x27c: {  	[tilespmem:s8], [sflag:$0x5] =	stream.linear.gather [hbm4b:s9+s23], $0x1388, $0x38;
	[tilespmem:$0x1E5B0] =	vst v63  }
0x27d: {  	_ =	swait.ge [sflag:s31], $0x1388  }
0x27e: {  	[sflag:s31] =	ssyncset.done $0x0  }
0x27f: {  	s15 =	simm.s32 $0x17318;
	s10 =	rddreg [dreg:$0xb];
	[sflag:s31] =	ssyncadd.s32 $0xFFFFEC78  }
0x280: {  	[tilespmem:s15], [sflag:$0x5] =	stream.linear.gather [hbm4b:s10+s23], $0x1388, $0x38;
	[tilespmem:$0x1E5B0] =	vst v63  }
0x281: {  	_ =	swait.ge [sflag:s31], $0x1388  }
0x282: {  	[sflag:s31] =	ssyncset.done $0x0  }
0x283: {  	[sflag:s31] =	ssyncadd.s32 $0xFFFFEC78  }
0x284: {  	[tilespmem:s12], [sflag:$0x1] =	stream.indirect.gather [hbm4b:s5+s11], $0x10, s8, s11, $0xb8;
	[tilespmem:$0x1E5B0] =	vst v63  }
0x285: {  	_ = 	snop  }
0x286: {  	[tilespmem:s13], [sflag:$0x1] =	stream.indirect.gather [hbm4b:s6+s11], $0x10, s15, s11, $0xb8;
	[tilespmem:$0x1E5B0] =	vst v63  }
0x287: {  	_ = 	snop  }
0x288: {  	[tilespmem:s14], [sflag:$0x1] =	stream.indirect.gather [hbm4b:s1+s11], $0x80, s8, s11, $0xb8;
	[tilespmem:$0x1E5B0] =	vst v63  }
0x289: {  	s24 =	simm.s32 $0x15FB8;
	s25 =	simm.s32 $0x18920  }
0x28a: {  	[tilespmem:s25], [sflag:$0x2] =	stream.indirect.gather [hbm4b:s5+s11], $0x10, s24, s11, $0xb8;
	[tilespmem:$0x1E5B0] =	vst v63  }
0x28b: {  	s26 =	simm.s32 $0x17340;
	s28 =	simm.s32 $0x18E20  }
0x28c: {  	[tilespmem:s28], [sflag:$0x2] =	stream.indirect.gather [hbm4b:s6+s11], $0x10, s26, s11, $0xb8;
	[tilespmem:$0x1E5B0] =	vst v63  }
0x28d: {  	s29 =	simm.s32 $0x1A4A0  }
0x28e: {  	[tilespmem:s29], [sflag:$0x2] =	stream.indirect.gather [hbm4b:s1+s11], $0x80, s24, s11, $0xb8;
	[tilespmem:$0x1E5B0] =	vst v63  }
.LBB2_12:
0x28f: {  	_ =	swait.ge [sflag:s18], $0x280  }
0x290: {  	[sflag:s18] =	ssyncset.done $0x0  }
0x291: {  	[sflag:s18] =	ssyncadd.s32 $0xFFFFFD80  }
0x292: {  	_ =	swait.ge [sflag:s18], $0x280  }
0x293: {  	[sflag:s18] =	ssyncset.done $0x0  }
0x294: {  	[sflag:s18] =	ssyncadd.s32 $0xFFFFFD80  }
0x295: {  	_ =	swait.ge [sflag:s18], $0x1400  }
0x296: {  	p1 =	seq.s32 s23, $0x0;
	[sflag:s18] =	ssyncset.done $0x0  }
0x297: {  	s7 =	simm.s32 @!p1 $0x3;
	[sflag:s18] =	ssyncadd.s32 $0xFFFFEC00  }
0x298: {  	_ =	swait.ge @!p1 [sflag:s7], $0x280  }
0x299: {  	[sflag:s7] =	ssyncset.done @!p1 $0x0  }
0x29a: {  	[sflag:s7] =	ssyncadd.s32 @!p1 $0xFFFFFD80  }
0x29b: {  	_ =	swait.ge @!p1 [sflag:s7], $0x1400  }
0x29c: {  	[sflag:s7] =	ssyncset.done @!p1 $0x0  }
0x29d: {  	s9 =	simm.s32 $0x0;
	[sflag:s7] =	ssyncadd.s32 @!p1 $0xFFFFEC00  }
0x29e: {  	v2 =	vld [tilespmem:s9+$0x18BA0]  }
0x29f: {  	v4 =	vld [tilespmem:s9+$0x18BB0]  }
0x2a0: {  	v3 =	vld [tilespmem:s9+$0x186A0]  }
0x2a1: {  	v5 =	vld [tilespmem:s9+$0x186B0];
	_ =	sdelay $0x3  }
0x2a2: {  	v3 =	vadd.f32 v2, v3  }
0x2a3: {  	v2 =	vadd.f32 v4, v5  }
0x2a4: {  	s25 =	sshll.u32 s23, $0x1;
	s15 =	simm.s32 $0x1BE20;
	s26 =	simm.s32 $0x80;
	v5 =	vmul.f32 $2.000000030e-01, v3  }
0x2a5: {  	s10 =	simm.s32 $0x19120;
	s24 =	simm.s32 $0x1BE20;
	s7 =	simm.s32 $0x19120;
	v4 =	vmul.f32 $2.000000030e-01, v2  }
.LBB2_13:
0x2a6: {  	p2 =	sne.s32 s26, $0x980;
	v3 =	vmax.f32 v3, v5;
	s7 =	sadd.s32 $0x100, s7;
	s15 =	sadd.s32 $0x100, s15  }
0x2a7: {  	s28 =	smov.u32 s26;
	s26 =	sadd.s32 $0x80, s26;
	v5 =	vld [tilespmem:s10+$0x70];
	v3 =	vsub.f32 v3, v1;
	v2 =	vmax.f32 v2, v4  }
0x2a8: {  	v4 =	vld [tilespmem:s10+$0x60];
	v2 =	vsub.f32 v2, v1  }
0x2a9: {  	v6 =	vld [tilespmem:s10+$0x50];
	v3 =	vmul.f32 $1.442695020e+00, v3  }
0x2aa: {  	v7 =	vld [tilespmem:s10+$0x40];
	v2 =	vmul.f32 $1.442695020e+00, v2  }
0x2ab: {  	v8 =	vld [tilespmem:s10+$0x30];
	(erf) = vpow2.f32 v3  }
0x2ac: {  	v3 =	vld [tilespmem:s10+$0x20];
	(erf) = vpow2.f32 v2  }
0x2ad: {  	v2 =	vld [tilespmem:s10+$0x10]  }
0x2ae: {  	v9 =	vld [tilespmem:s10+$0x0]  }
0x2af: {  	v10 =	vld [tilespmem:s10+$0xFFFFFFF0]  }
0x2b0: {  	v11 =	vld [tilespmem:s10+$0xFFFFFFE0]  }
0x2b1: {  	v12 =	vld [tilespmem:s10+$0xFFFFFFC0]  }
0x2b2: {  	v13 =	vld [tilespmem:s10+$0xFFFFFF80]  }
0x2b3: {  	v14 =	vld [tilespmem:s10+$0xFFFFFFB0]  }
0x2b4: {  	v15 =	vld [tilespmem:s10+$0xFFFFFFA0];
	v16 =	vpop (erf)  }
0x2b5: {  	v17 =	vld [tilespmem:s10+$0xFFFFFFD0];
	v18 =	vbroadcast v16, $0x0;
	v19 =	vbroadcast v16, $0x1;
	v20 =	vpop (erf)  }
0x2b6: {  	v22 =	vbroadcast v16, $0x2;
	v23 =	vbroadcast v16, $0x3;
	v21 =	vld [tilespmem:s10+$0xFFFFFF90];
	s10 =	smov.u32 s7  }
0x2b7: {  	s28 =	sshra.s32 s28, $0x2;
	[tilespmem:s9+$0x1B8A0] =	vst v16;
	v13 =	vmul.f32 v18, v13;
	v18 =	vbroadcast v16, $0x4  }
0x2b8: {  	[tilespmem:s9+$0x1B8B0] =	vst v20;
	v14 =	vmul.f32 v23, v14;
	v23 =	vbroadcast v16, $0x5;
	s9 =	smov.u32 s28  }
0x2b9: {  	[tilespmem:s24+$0xFFFFFF80] =	vst v13;
	v13 =	vmul.f32 v22, v15;
	v12 =	vmul.f32 v18, v12  }
0x2ba: {  	v15 =	vbroadcast v16, $0x6;
	[tilespmem:s24+$0xFFFFFFB0] =	vst v14;
	v14 =	vmul.f32 v17, v23  }
0x2bb: {  	[tilespmem:s24+$0xFFFFFFC0] =	vst v12;
	v12 =	vbroadcast v16, $0x7;
	v16 =	vbroadcast v20, $0x0  }
0x2bc: {  	v11 =	vmul.f32 v11, v15;
	[tilespmem:s24+$0xFFFFFFD0] =	vst v14;
	v14 =	vbroadcast v20, $0x1  }
0x2bd: {  	[tilespmem:s24+$0xFFFFFFA0] =	vst v13;
	v10 =	vmul.f32 v10, v12;
	v12 =	vbroadcast v20, $0x2  }
0x2be: {  	v9 =	vmul.f32 v9, v16;
	[tilespmem:s24+$0xFFFFFFE0] =	vst v11;
	v2 =	vmul.f32 v2, v14  }
0x2bf: {  	v11 =	vmul.f32 v19, v21;
	[tilespmem:s24+$0xFFFFFFF0] =	vst v10;
	v3 =	vmul.f32 v3, v12  }
0x2c0: {  	v10 =	vbroadcast v20, $0x4;
	[tilespmem:s24+$0x10] =	vst v2;
	v2 =	vbroadcast v20, $0x3  }
0x2c1: {  	v12 =	vbroadcast v20, $0x6;
	[tilespmem:s24+$0x0] =	vst v9;
	v9 =	vbroadcast v20, $0x5  }
0x2c2: {  	v7 =	vmul.f32 v7, v10;
	[tilespmem:s24+$0xFFFFFF90] =	vst v11;
	v2 =	vmul.f32 v8, v2  }
0x2c3: {  	v4 =	vmul.f32 v4, v12;
	[tilespmem:s24+$0x20] =	vst v3;
	v3 =	vmul.f32 v6, v9  }
0x2c4: {  	[tilespmem:s24+$0x30] =	vst v2;
	v2 =	vbroadcast v20, $0x7  }
0x2c5: {  	[tilespmem:s24+$0x50] =	vst v3  }
0x2c6: {  	[tilespmem:s24+$0x60] =	vst v4;
	v2 =	vmul.f32 v5, v2  }
0x2c7: {  	[tilespmem:s24+$0x40] =	vst v7  }
0x2c8: {  	[tilespmem:s24+$0x70] =	vst v2;
	s24 =	smov.u32 s15  }
0x2c9: {  	v2 =	vld [tilespmem:s9+$0x18BA0]  }
0x2ca: {  	v4 =	vld [tilespmem:s9+$0x18BB0]  }
0x2cb: {  	v3 =	vld [tilespmem:s9+$0x186A0]  }
0x2cc: {  	v5 =	vld [tilespmem:s9+$0x186B0];
	_ =	sdelay $0x2  }
.Ltmp5:
0x2cd: {  	(pc) =	sbr.rel @p2 .LBB2_13-.Ltmp5, $4  }
0x2ce: {  	v3 =	vadd.f32 v2, v3  }
0x2cf: {  	v2 =	vadd.f32 v4, v5  }
0x2d0: {  	v5 =	vmul.f32 $2.000000030e-01, v3  }
0x2d1: {  	v4 =	vmul.f32 $2.000000030e-01, v2  }
0x2d2: {  	v3 =	vmax.f32 v3, v5  }
0x2d3: {  	v3 =	vsub.f32 v3, v1  }
0x2d4: {  	v5 =	vld [tilespmem:s10+$0x70]  }
0x2d5: {  	v6 =	vld [tilespmem:s10+$0x60];
	v2 =	vmax.f32 v2, v4;
	v3 =	vmul.f32 $1.442695020e+00, v3  }
0x2d6: {  	v7 =	vld [tilespmem:s10+$0x40];
	v2 =	vsub.f32 v2, v1  }
0x2d7: {  	v8 =	vld [tilespmem:s10+$0x30];
	(erf) = vpow2.f32 v3  }
0x2d8: {  	v9 =	vld [tilespmem:s10+$0x10];
	v2 =	vmul.f32 $1.442695020e+00, v2  }
0x2d9: {  	v10 =	vld [tilespmem:s10+$0xFFFFFFF0]  }
0x2da: {  	v11 =	vld [tilespmem:s10+$0xFFFFFFE0];
	(erf) = vpow2.f32 v2  }
0x2db: {  	v12 =	vld [tilespmem:s10+$0xFFFFFFC0]  }
0x2dc: {  	v13 =	vld [tilespmem:s10+$0xFFFFFF80]  }
0x2dd: {  	v14 =	vld [tilespmem:s10+$0xFFFFFFB0]  }
0x2de: {  	v15 =	vld [tilespmem:s10+$0xFFFFFFA0]  }
0x2df: {  	v17 =	vld [tilespmem:s10+$0xFFFFFFD0]  }
0x2e0: {  	v19 =	vld [tilespmem:s10+$0xFFFFFF90];
	v16 =	vpop (erf)  }
0x2e1: {  	v4 =	vld [tilespmem:s10+$0x50];
	v18 =	vbroadcast v16, $0x0  }
0x2e2: {  	v3 =	vld [tilespmem:s10+$0x20];
	v20 =	vbroadcast v16, $0x3  }
0x2e3: {  	v2 =	vld [tilespmem:s10+$0x0];
	v21 =	vpop (erf);
	[tilespmem:s9+$0x1B8A0] =	vst v16;
	v51 =	vbroadcast v16, $0x4;
	v13 =	vmul.f32 v18, v13  }
0x2e4: {  	v52 =	vbroadcast v16, $0x5;
	[tilespmem:s9+$0x1B8B0] =	vst v21;
	v14 =	vmul.f32 v20, v14  }
0x2e5: {  	v22 =	vbroadcast v16, $0x2;
	v12 =	vmul.f32 v51, v12;
	[tilespmem:s24+$0xFFFFFF80] =	vst v13  }
0x2e6: {  	v54 =	vbroadcast v16, $0x6;
	v53 =	vmul.f32 v17, v52;
	[tilespmem:s24+$0xFFFFFFB0] =	vst v14  }
0x2e7: {  	v55 =	vbroadcast v16, $0x7;
	v15 =	vmul.f32 v22, v15;
	[tilespmem:s24+$0xFFFFFFC0] =	vst v12  }
0x2e8: {  	v58 =	vbroadcast v16, $0x1;
	v11 =	vmul.f32 v11, v54;
	[tilespmem:s24+$0xFFFFFFD0] =	vst v53  }
0x2e9: {  	v56 =	vbroadcast v21, $0x1;
	v10 =	vmul.f32 v10, v55;
	[tilespmem:s24+$0xFFFFFFA0] =	vst v15  }
0x2ea: {  	v57 =	vbroadcast v21, $0x0;
	v60 =	vmul.f32 v58, v19;
	[tilespmem:s24+$0xFFFFFFE0] =	vst v11  }
0x2eb: {  	v59 =	vbroadcast v21, $0x2;
	v9 =	vmul.f32 v9, v56;
	[tilespmem:s24+$0xFFFFFFF0] =	vst v10  }
0x2ec: {  	v61 =	vbroadcast v21, $0x3;
	v2 =	vmul.f32 v2, v57;
	[tilespmem:s24+$0xFFFFFF90] =	vst v60  }
0x2ed: {  	v62 =	vbroadcast v21, $0x6;
	v3 =	vmul.f32 v3, v59;
	[tilespmem:s24+$0x10] =	vst v9  }
0x2ee: {  	v8 =	vmul.f32 v8, v61;
	[tilespmem:s24+$0x0] =	vst v2;
	v2 =	vbroadcast v21, $0x5  }
0x2ef: {  	v63 =	vbroadcast v21, $0x4;
	[tilespmem:s24+$0x20] =	vst v3;
	v3 =	vmul.f32 v6, v62  }
0x2f0: {  	[tilespmem:s24+$0x30] =	vst v8;
	v2 =	vmul.f32 v4, v2;
	v4 =	vbroadcast v21, $0x7  }
0x2f1: {  	s7 =	smul.u32 $0x140, s23;
	v6 =	vmul.f32 v7, v63;
	[tilespmem:s24+$0x60] =	vst v3  }
0x2f2: {  	[tilespmem:s24+$0x50] =	vst v2;
	v2 =	vmul.f32 v5, v4  }
0x2f3: {  	s7 =	sshra.s32 s7, $0x2;
	[tilespmem:s24+$0x40] =	vst v6  }
0x2f4: {  	s7 =	sadd.s32 $0x17318, s7;
	[tilespmem:s24+$0x70] =	vst v2  }
0x2f5: {  	[spmem:s2] =	stream.indirect.scatter.add.f32 [tilespmem:s30], [sflag:$0x3], $0x10, s7, s11, $0xb8;
	[tilespmem:$0x1E5B0] =	vst v63  }
0x2f6: {  	s24 =	smul.u32 $0x50, s23  }
0x2f7: {  	[spmem:s3] =	stream.indirect.scatter.add.f32 [tilespmem:s0], [sflag:$0x3], $0x80, s7, s11, $0xb8;
	[tilespmem:$0x1E5B0] =	vst v63  }
0x2f8: {  	s26 =	sadd.s32 $0x15FE0, s24  }
0x2f9: {  	[tilespmem:s12], [sflag:$0x1] =	stream.indirect.gather [hbm4b:s5+s11], $0x10, s26, s11, $0xb8;
	[tilespmem:$0x1E5B0] =	vst v63  }
0x2fa: {  	s29 =	sadd.s32 $0x17368, s24  }
0x2fb: {  	[tilespmem:s13], [sflag:$0x1] =	stream.indirect.gather [hbm4b:s6+s11], $0x10, s29, s11, $0xb8;
	[tilespmem:$0x1E5B0] =	vst v63  }
0x2fc: {  	_ = 	snop  }
0x2fd: {  	[tilespmem:s14], [sflag:$0x1] =	stream.indirect.gather [hbm4b:s1+s11], $0x80, s26, s11, $0xb8;
	[tilespmem:$0x1E5B0] =	vst v63  }
0x2fe: {  	_ =	swait.ge [sflag:s16], $0x280  }
0x2ff: {  	[sflag:s16] =	ssyncset.done $0x0  }
0x300: {  	[sflag:s16] =	ssyncadd.s32 $0xFFFFFD80  }
0x301: {  	_ =	swait.ge [sflag:s16], $0x280  }
0x302: {  	[sflag:s16] =	ssyncset.done $0x0  }
0x303: {  	[sflag:s16] =	ssyncadd.s32 $0xFFFFFD80  }
0x304: {  	_ =	swait.ge [sflag:s16], $0x1400  }
0x305: {  	[sflag:s16] =	ssyncset.done $0x0  }
0x306: {  	s7 =	simm.s32 @!p1 $0x4;
	[sflag:s16] =	ssyncadd.s32 $0xFFFFEC00  }
0x307: {  	_ =	swait.ge @!p1 [sflag:s7], $0x280  }
0x308: {  	[sflag:s7] =	ssyncset.done @!p1 $0x0  }
0x309: {  	[sflag:s7] =	ssyncadd.s32 @!p1 $0xFFFFFD80  }
0x30a: {  	_ =	swait.ge @!p1 [sflag:s7], $0x1400  }
0x30b: {  	[sflag:s7] =	ssyncset.done @!p1 $0x0  }
0x30c: {  	s9 =	simm.s32 $0x0;
	[sflag:s7] =	ssyncadd.s32 @!p1 $0xFFFFEC00  }
0x30d: {  	v2 =	vld [tilespmem:s9+$0x18E20]  }
0x30e: {  	v4 =	vld [tilespmem:s9+$0x18E30]  }
0x30f: {  	v3 =	vld [tilespmem:s9+$0x18920]  }
0x310: {  	v5 =	vld [tilespmem:s9+$0x18930];
	_ =	sdelay $0x3  }
0x311: {  	v3 =	vadd.f32 v2, v3  }
0x312: {  	v2 =	vadd.f32 v4, v5  }
0x313: {  	s25 =	sor.u32 $0x1, s25;
	s15 =	simm.s32 $0x1D220;
	s28 =	simm.s32 $0x80;
	v5 =	vmul.f32 $2.000000030e-01, v3  }
0x314: {  	s10 =	simm.s32 $0x1A520;
	s26 =	simm.s32 $0x1D220;
	s7 =	simm.s32 $0x1A520;
	v4 =	vmul.f32 $2.000000030e-01, v2  }
.LBB2_15:
0x315: {  	p1 =	sne.s32 s28, $0x980;
	v3 =	vmax.f32 v3, v5;
	s7 =	sadd.s32 $0x100, s7;
	s15 =	sadd.s32 $0x100, s15  }
0x316: {  	s29 =	smov.u32 s28;
	s28 =	sadd.s32 $0x80, s28;
	v5 =	vld [tilespmem:s10+$0x70];
	v3 =	vsub.f32 v3, v1;
	v2 =	vmax.f32 v2, v4  }
0x317: {  	v4 =	vld [tilespmem:s10+$0x60];
	v2 =	vsub.f32 v2, v1  }
0x318: {  	v6 =	vld [tilespmem:s10+$0x50];
	v3 =	vmul.f32 $1.442695020e+00, v3  }
0x319: {  	v7 =	vld [tilespmem:s10+$0x40];
	v2 =	vmul.f32 $1.442695020e+00, v2  }
0x31a: {  	v8 =	vld [tilespmem:s10+$0x30];
	(erf) = vpow2.f32 v3  }
0x31b: {  	v3 =	vld [tilespmem:s10+$0x20];
	(erf) = vpow2.f32 v2  }
0x31c: {  	v2 =	vld [tilespmem:s10+$0x10]  }
0x31d: {  	v9 =	vld [tilespmem:s10+$0x0]  }
0x31e: {  	v10 =	vld [tilespmem:s10+$0xFFFFFFF0]  }
0x31f: {  	v11 =	vld [tilespmem:s10+$0xFFFFFFE0]  }
0x320: {  	v12 =	vld [tilespmem:s10+$0xFFFFFFC0]  }
0x321: {  	v13 =	vld [tilespmem:s10+$0xFFFFFF80]  }
0x322: {  	v14 =	vld [tilespmem:s10+$0xFFFFFFB0]  }
0x323: {  	v15 =	vld [tilespmem:s10+$0xFFFFFFA0];
	v16 =	vpop (erf)  }
0x324: {  	v17 =	vld [tilespmem:s10+$0xFFFFFFD0];
	v18 =	vbroadcast v16, $0x0;
	v19 =	vbroadcast v16, $0x1;
	v20 =	vpop (erf)  }
0x325: {  	v22 =	vbroadcast v16, $0x2;
	v23 =	vbroadcast v16, $0x3;
	v21 =	vld [tilespmem:s10+$0xFFFFFF90];
	s10 =	smov.u32 s7  }
0x326: {  	s29 =	sshra.s32 s29, $0x2;
	[tilespmem:s9+$0x1BB20] =	vst v16;
	v13 =	vmul.f32 v18, v13;
	v18 =	vbroadcast v16, $0x4  }
0x327: {  	[tilespmem:s9+$0x1BB30] =	vst v20;
	v14 =	vmul.f32 v23, v14;
	v23 =	vbroadcast v16, $0x5;
	s9 =	smov.u32 s29  }
0x328: {  	[tilespmem:s26+$0xFFFFFF80] =	vst v13;
	v13 =	vmul.f32 v22, v15;
	v12 =	vmul.f32 v18, v12  }
0x329: {  	v15 =	vbroadcast v16, $0x6;
	[tilespmem:s26+$0xFFFFFFB0] =	vst v14;
	v14 =	vmul.f32 v17, v23  }
0x32a: {  	[tilespmem:s26+$0xFFFFFFC0] =	vst v12;
	v12 =	vbroadcast v16, $0x7;
	v16 =	vbroadcast v20, $0x0  }
0x32b: {  	v11 =	vmul.f32 v11, v15;
	[tilespmem:s26+$0xFFFFFFD0] =	vst v14;
	v14 =	vbroadcast v20, $0x1  }
0x32c: {  	[tilespmem:s26+$0xFFFFFFA0] =	vst v13;
	v10 =	vmul.f32 v10, v12;
	v12 =	vbroadcast v20, $0x2  }
0x32d: {  	v9 =	vmul.f32 v9, v16;
	[tilespmem:s26+$0xFFFFFFE0] =	vst v11;
	v2 =	vmul.f32 v2, v14  }
0x32e: {  	v11 =	vmul.f32 v19, v21;
	[tilespmem:s26+$0xFFFFFFF0] =	vst v10;
	v3 =	vmul.f32 v3, v12  }
0x32f: {  	v10 =	vbroadcast v20, $0x4;
	[tilespmem:s26+$0x10] =	vst v2;
	v2 =	vbroadcast v20, $0x3  }
0x330: {  	v12 =	vbroadcast v20, $0x6;
	[tilespmem:s26+$0x0] =	vst v9;
	v9 =	vbroadcast v20, $0x5  }
0x331: {  	v7 =	vmul.f32 v7, v10;
	[tilespmem:s26+$0xFFFFFF90] =	vst v11;
	v2 =	vmul.f32 v8, v2  }
0x332: {  	v4 =	vmul.f32 v4, v12;
	[tilespmem:s26+$0x20] =	vst v3;
	v3 =	vmul.f32 v6, v9  }
0x333: {  	[tilespmem:s26+$0x30] =	vst v2;
	v2 =	vbroadcast v20, $0x7  }
0x334: {  	[tilespmem:s26+$0x50] =	vst v3  }
0x335: {  	[tilespmem:s26+$0x60] =	vst v4;
	v2 =	vmul.f32 v5, v2  }
0x336: {  	[tilespmem:s26+$0x40] =	vst v7  }
0x337: {  	[tilespmem:s26+$0x70] =	vst v2;
	s26 =	smov.u32 s15  }
0x338: {  	v2 =	vld [tilespmem:s9+$0x18E20]  }
0x339: {  	v4 =	vld [tilespmem:s9+$0x18E30]  }
0x33a: {  	v3 =	vld [tilespmem:s9+$0x18920]  }
0x33b: {  	v5 =	vld [tilespmem:s9+$0x18930];
	_ =	sdelay $0x2  }
.Ltmp6:
0x33c: {  	(pc) =	sbr.rel @p1 .LBB2_15-.Ltmp6, $4  }
0x33d: {  	v3 =	vadd.f32 v2, v3  }
0x33e: {  	v2 =	vadd.f32 v4, v5  }
0x33f: {  	v5 =	vmul.f32 $2.000000030e-01, v3  }
0x340: {  	v4 =	vmul.f32 $2.000000030e-01, v2  }
0x341: {  	v3 =	vmax.f32 v3, v5  }
0x342: {  	v3 =	vsub.f32 v3, v1  }
0x343: {  	v47 =	vld [tilespmem:s10+$0x70]  }
0x344: {  	v6 =	vld [tilespmem:s10+$0x60];
	v2 =	vmax.f32 v2, v4;
	v3 =	vmul.f32 $1.442695020e+00, v3  }
0x345: {  	v48 =	vld [tilespmem:s10+$0x50];
	v2 =	vsub.f32 v2, v1  }
0x346: {  	v7 =	vld [tilespmem:s10+$0x40];
	(erf) = vpow2.f32 v3  }
0x347: {  	v8 =	vld [tilespmem:s10+$0x30];
	v2 =	vmul.f32 $1.442695020e+00, v2  }
0x348: {  	v9 =	vld [tilespmem:s10+$0x10]  }
0x349: {  	v10 =	vld [tilespmem:s10+$0xFFFFFFF0];
	(erf) = vpow2.f32 v2  }
0x34a: {  	v11 =	vld [tilespmem:s10+$0xFFFFFFE0]  }
0x34b: {  	v12 =	vld [tilespmem:s10+$0xFFFFFFC0]  }
0x34c: {  	v13 =	vld [tilespmem:s10+$0xFFFFFF80]  }
0x34d: {  	v14 =	vld [tilespmem:s10+$0xFFFFFFB0]  }
0x34e: {  	v15 =	vld [tilespmem:s10+$0xFFFFFFA0]  }
0x34f: {  	v17 =	vld [tilespmem:s10+$0xFFFFFFD0];
	v16 =	vpop (erf)  }
0x350: {  	v19 =	vld [tilespmem:s10+$0xFFFFFF90];
	v18 =	vbroadcast v16, $0x0  }
0x351: {  	v3 =	vld [tilespmem:s10+$0x20];
	v20 =	vbroadcast v16, $0x3  }
0x352: {  	v2 =	vld [tilespmem:s10+$0x0];
	v21 =	vpop (erf);
	[tilespmem:s9+$0x1BB20] =	vst v16;
	v49 =	vbroadcast v16, $0x4;
	v13 =	vmul.f32 v18, v13  }
0x353: {  	v50 =	vbroadcast v16, $0x5;
	[tilespmem:s9+$0x1BB30] =	vst v21;
	v14 =	vmul.f32 v20, v14  }
0x354: {  	v22 =	vbroadcast v16, $0x2;
	v12 =	vmul.f32 v49, v12;
	[tilespmem:s26+$0xFFFFFF80] =	vst v13  }
0x355: {  	v52 =	vbroadcast v16, $0x6;
	v51 =	vmul.f32 v17, v50;
	[tilespmem:s26+$0xFFFFFFB0] =	vst v14  }
0x356: {  	v53 =	vbroadcast v16, $0x7;
	v15 =	vmul.f32 v22, v15;
	[tilespmem:s26+$0xFFFFFFC0] =	vst v12  }
0x357: {  	v56 =	vbroadcast v16, $0x1;
	v11 =	vmul.f32 v11, v52;
	[tilespmem:s26+$0xFFFFFFD0] =	vst v51  }
0x358: {  	v54 =	vbroadcast v21, $0x1;
	v10 =	vmul.f32 v10, v53;
	[tilespmem:s26+$0xFFFFFFA0] =	vst v15  }
0x359: {  	v55 =	vbroadcast v21, $0x0;
	v58 =	vmul.f32 v56, v19;
	[tilespmem:s26+$0xFFFFFFE0] =	vst v11  }
0x35a: {  	v57 =	vbroadcast v21, $0x2;
	v9 =	vmul.f32 v9, v54;
	[tilespmem:s26+$0xFFFFFFF0] =	vst v10  }
0x35b: {  	v59 =	vbroadcast v21, $0x3;
	v2 =	vmul.f32 v2, v55;
	[tilespmem:s26+$0xFFFFFF90] =	vst v58  }
0x35c: {  	v61 =	vbroadcast v21, $0x4;
	v3 =	vmul.f32 v3, v57;
	[tilespmem:s26+$0x10] =	vst v9  }
0x35d: {  	v8 =	vmul.f32 v8, v59;
	[tilespmem:s26+$0x0] =	vst v2;
	v2 =	vbroadcast v21, $0x5  }
0x35e: {  	v60 =	vbroadcast v21, $0x6;
	v63 =	vmul.f32 v7, v61;
	[tilespmem:s26+$0x20] =	vst v3  }
0x35f: {  	v62 =	vbroadcast v21, $0x7;
	[tilespmem:s26+$0x30] =	vst v8;
	v2 =	vmul.f32 v48, v2  }
0x360: {  	s7 =	smul.u32 $0xA0, s25;
	v3 =	vmul.f32 v6, v60;
	[tilespmem:s26+$0x40] =	vst v63  }
0x361: {  	[tilespmem:s26+$0x50] =	vst v2;
	v2 =	vmul.f32 v47, v62  }
0x362: {  	s7 =	sshra.s32 s7, $0x2;
	[tilespmem:s26+$0x60] =	vst v3  }
0x363: {  	s7 =	sadd.s32 $0x17318, s7;
	[tilespmem:s26+$0x70] =	vst v2  }
0x364: {  	[spmem:s2] =	stream.indirect.scatter.add.f32 [tilespmem:s19], [sflag:$0x4], $0x10, s7, s11, $0xb8;
	[tilespmem:$0x1E5B0] =	vst v63  }
0x365: {  	p1 =	sgt.u32 s25, $0x7A  }
0x366: {  	[spmem:s3] =	stream.indirect.scatter.add.f32 [tilespmem:s17], [sflag:$0x4], $0x80, s7, s11, $0xb8;
	[tilespmem:$0x1E5B0] =	vst v63  }
0x367: {  	s10 =	simm.s32 @!p1 $0x18920;
	s9 =	simm.s32 @!p1 $0x28;
	s7 =	sadd.s32 @!p1 $0x16008, s24  }
0x368: {  	[tilespmem:s10], [sflag:$0x2] =	stream.indirect.gather @!p1 [hbm4b:s5+s9], $0x10, s7, s9, $0xb8;
	[tilespmem:$0x1E5B0] =	vst v63  }
0x369: {  	s15 =	simm.s32 @!p1 $0x18E20;
	s10 =	sadd.s32 @!p1 $0x17390, s24  }
0x36a: {  	[tilespmem:s15], [sflag:$0x2] =	stream.indirect.gather @!p1 [hbm4b:s6+s9], $0x10, s10, s9, $0xb8;
	[tilespmem:$0x1E5B0] =	vst v63  }
0x36b: {  	s23 =	sadd.s32 $0x1, s23;
	s10 =	simm.s32 @!p1 $0x1A4A0  }
0x36c: {  	[tilespmem:s10], [sflag:$0x2] =	stream.indirect.gather @!p1 [hbm4b:s1+s9], $0x80, s7, s9, $0xb8;
	[tilespmem:$0x1E5B0] =	vst v63  }
0x36d: {  	p1 =	sne.s32 s23, $0x3E  }
.Ltmp7:
0x36e: {  	_ = 	snop;
	(pc) =	sbr.rel @p1 .LBB2_12-.Ltmp7, $1  }
0x36f: {  	_ =	sdelay $0x3  }
0x370: {  	_ =	swait.ge [sflag:s18], $0x280  }
0x371: {  	[sflag:s18] =	ssyncset.done $0x0  }
0x372: {  	[sflag:s18] =	ssyncadd.s32 $0xFFFFFD80  }
0x373: {  	_ =	swait.ge [sflag:s18], $0x280  }
0x374: {  	[sflag:s18] =	ssyncset.done $0x0  }
0x375: {  	[sflag:s18] =	ssyncadd.s32 $0xFFFFFD80  }
0x376: {  	_ =	swait.ge [sflag:s18], $0x1400  }
0x377: {  	[sflag:s18] =	ssyncset.done $0x0  }
0x378: {  	[sflag:s18] =	ssyncadd.s32 $0xFFFFEC00  }
0x379: {  	_ =	swait.ge [sflag:s20], $0x280  }
0x37a: {  	[sflag:s20] =	ssyncset.done $0x0  }
0x37b: {  	[sflag:s20] =	ssyncadd.s32 $0xFFFFFD80  }
0x37c: {  	_ =	swait.ge [sflag:s20], $0x1400  }
0x37d: {  	[sflag:s20] =	ssyncset.done $0x0  }
0x37e: {  	s9 =	simm.s32 $0x0;
	[sflag:s20] =	ssyncadd.s32 $0xFFFFEC00  }
0x37f: {  	v2 =	vld [tilespmem:s9+$0x18BA0]  }
0x380: {  	v4 =	vld [tilespmem:s9+$0x18BB0]  }
0x381: {  	v3 =	vld [tilespmem:s9+$0x186A0]  }
0x382: {  	v5 =	vld [tilespmem:s9+$0x186B0];
	_ =	sdelay $0x3  }
0x383: {  	v3 =	vadd.f32 v2, v3  }
0x384: {  	v2 =	vadd.f32 v4, v5  }
0x385: {  	s7 =	simm.s32 $0x19120;
	s15 =	simm.s32 $0x1BE20;
	v5 =	vmul.f32 $2.000000030e-01, v3  }
0x386: {  	s24 =	simm.s32 $0x80;
	s10 =	simm.s32 $0x19120;
	s23 =	simm.s32 $0x1BE20;
	v4 =	vmul.f32 $2.000000030e-01, v2  }
.LBB2_18:
0x387: {  	p1 =	sne.s32 s24, $0x980;
	v3 =	vmax.f32 v3, v5;
	s7 =	sadd.s32 $0x100, s7;
	s15 =	sadd.s32 $0x100, s15  }
0x388: {  	s25 =	smov.u32 s24;
	s24 =	sadd.s32 $0x80, s24;
	v5 =	vld [tilespmem:s10+$0x70];
	v3 =	vsub.f32 v3, v1;
	v2 =	vmax.f32 v2, v4  }
0x389: {  	v4 =	vld [tilespmem:s10+$0x60];
	v2 =	vsub.f32 v2, v1  }
0x38a: {  	v6 =	vld [tilespmem:s10+$0x50];
	v3 =	vmul.f32 $1.442695020e+00, v3  }
0x38b: {  	v7 =	vld [tilespmem:s10+$0x40];
	v2 =	vmul.f32 $1.442695020e+00, v2  }
0x38c: {  	v8 =	vld [tilespmem:s10+$0x30];
	(erf) = vpow2.f32 v3  }
0x38d: {  	v3 =	vld [tilespmem:s10+$0x20];
	(erf) = vpow2.f32 v2  }
0x38e: {  	v2 =	vld [tilespmem:s10+$0x10]  }
0x38f: {  	v9 =	vld [tilespmem:s10+$0x0]  }
0x390: {  	v10 =	vld [tilespmem:s10+$0xFFFFFFF0]  }
0x391: {  	v11 =	vld [tilespmem:s10+$0xFFFFFFE0]  }
0x392: {  	v12 =	vld [tilespmem:s10+$0xFFFFFFC0]  }
0x393: {  	v13 =	vld [tilespmem:s10+$0xFFFFFF80]  }
0x394: {  	v14 =	vld [tilespmem:s10+$0xFFFFFFB0]  }
0x395: {  	v15 =	vld [tilespmem:s10+$0xFFFFFFA0];
	v16 =	vpop (erf)  }
0x396: {  	v17 =	vld [tilespmem:s10+$0xFFFFFFD0];
	v18 =	vbroadcast v16, $0x0;
	v19 =	vbroadcast v16, $0x1;
	v20 =	vpop (erf)  }
0x397: {  	v22 =	vbroadcast v16, $0x2;
	v23 =	vbroadcast v16, $0x3;
	v21 =	vld [tilespmem:s10+$0xFFFFFF90];
	s10 =	smov.u32 s7  }
0x398: {  	s25 =	sshra.s32 s25, $0x2;
	[tilespmem:s9+$0x1B8A0] =	vst v16;
	v13 =	vmul.f32 v18, v13;
	v18 =	vbroadcast v16, $0x4  }
0x399: {  	[tilespmem:s9+$0x1B8B0] =	vst v20;
	v14 =	vmul.f32 v23, v14;
	v23 =	vbroadcast v16, $0x5;
	s9 =	smov.u32 s25  }
0x39a: {  	[tilespmem:s23+$0xFFFFFF80] =	vst v13;
	v13 =	vmul.f32 v22, v15;
	v12 =	vmul.f32 v18, v12  }
0x39b: {  	v15 =	vbroadcast v16, $0x6;
	[tilespmem:s23+$0xFFFFFFB0] =	vst v14;
	v14 =	vmul.f32 v17, v23  }
0x39c: {  	[tilespmem:s23+$0xFFFFFFC0] =	vst v12;
	v12 =	vbroadcast v16, $0x7;
	v16 =	vbroadcast v20, $0x0  }
0x39d: {  	v11 =	vmul.f32 v11, v15;
	[tilespmem:s23+$0xFFFFFFD0] =	vst v14;
	v14 =	vbroadcast v20, $0x1  }
0x39e: {  	[tilespmem:s23+$0xFFFFFFA0] =	vst v13;
	v10 =	vmul.f32 v10, v12;
	v12 =	vbroadcast v20, $0x2  }
0x39f: {  	v9 =	vmul.f32 v9, v16;
	[tilespmem:s23+$0xFFFFFFE0] =	vst v11;
	v2 =	vmul.f32 v2, v14  }
0x3a0: {  	v11 =	vmul.f32 v19, v21;
	[tilespmem:s23+$0xFFFFFFF0] =	vst v10;
	v3 =	vmul.f32 v3, v12  }
0x3a1: {  	v10 =	vbroadcast v20, $0x4;
	[tilespmem:s23+$0x10] =	vst v2;
	v2 =	vbroadcast v20, $0x3  }
0x3a2: {  	v12 =	vbroadcast v20, $0x6;
	[tilespmem:s23+$0x0] =	vst v9;
	v9 =	vbroadcast v20, $0x5  }
0x3a3: {  	v7 =	vmul.f32 v7, v10;
	[tilespmem:s23+$0xFFFFFF90] =	vst v11;
	v2 =	vmul.f32 v8, v2  }
0x3a4: {  	v4 =	vmul.f32 v4, v12;
	[tilespmem:s23+$0x20] =	vst v3;
	v3 =	vmul.f32 v6, v9  }
0x3a5: {  	[tilespmem:s23+$0x30] =	vst v2;
	v2 =	vbroadcast v20, $0x7  }
0x3a6: {  	[tilespmem:s23+$0x50] =	vst v3  }
0x3a7: {  	[tilespmem:s23+$0x60] =	vst v4;
	v2 =	vmul.f32 v5, v2  }
0x3a8: {  	[tilespmem:s23+$0x40] =	vst v7  }
0x3a9: {  	[tilespmem:s23+$0x70] =	vst v2;
	s23 =	smov.u32 s15  }
0x3aa: {  	v2 =	vld [tilespmem:s9+$0x18BA0]  }
0x3ab: {  	v4 =	vld [tilespmem:s9+$0x18BB0]  }
0x3ac: {  	v3 =	vld [tilespmem:s9+$0x186A0]  }
0x3ad: {  	v5 =	vld [tilespmem:s9+$0x186B0];
	_ =	sdelay $0x2  }
.Ltmp8:
0x3ae: {  	(pc) =	sbr.rel @p1 .LBB2_18-.Ltmp8, $4  }
0x3af: {  	v3 =	vadd.f32 v2, v3  }
0x3b0: {  	v2 =	vadd.f32 v4, v5  }
0x3b1: {  	v5 =	vmul.f32 $2.000000030e-01, v3  }
0x3b2: {  	v4 =	vmul.f32 $2.000000030e-01, v2  }
0x3b3: {  	v3 =	vmax.f32 v3, v5  }
0x3b4: {  	v3 =	vsub.f32 v3, v1  }
0x3b5: {  	v48 =	vld [tilespmem:s10+$0x70]  }
0x3b6: {  	v6 =	vld [tilespmem:s10+$0x60];
	v2 =	vmax.f32 v2, v4;
	v3 =	vmul.f32 $1.442695020e+00, v3  }
0x3b7: {  	v49 =	vld [tilespmem:s10+$0x50];
	v1 =	vsub.f32 v2, v1  }
0x3b8: {  	v7 =	vld [tilespmem:s10+$0x30];
	(erf) = vpow2.f32 v3  }
0x3b9: {  	v8 =	vld [tilespmem:s10+$0x10];
	v1 =	vmul.f32 $1.442695020e+00, v1  }
0x3ba: {  	v9 =	vld [tilespmem:s10+$0xFFFFFFF0]  }
0x3bb: {  	v10 =	vld [tilespmem:s10+$0xFFFFFFE0];
	(erf) = vpow2.f32 v1  }
0x3bc: {  	v11 =	vld [tilespmem:s10+$0xFFFFFFC0]  }
0x3bd: {  	v12 =	vld [tilespmem:s10+$0xFFFFFF80]  }
0x3be: {  	v13 =	vld [tilespmem:s10+$0xFFFFFFB0]  }
0x3bf: {  	v14 =	vld [tilespmem:s10+$0xFFFFFFA0]  }
0x3c0: {  	v16 =	vld [tilespmem:s10+$0xFFFFFFD0]  }
0x3c1: {  	v18 =	vld [tilespmem:s10+$0xFFFFFF90];
	v15 =	vpop (erf)  }
0x3c2: {  	v2 =	vld [tilespmem:s10+$0x40];
	v17 =	vbroadcast v15, $0x0  }
0x3c3: {  	v3 =	vld [tilespmem:s10+$0x20];
	v19 =	vbroadcast v15, $0x3  }
0x3c4: {  	v1 =	vld [tilespmem:s10+$0x0];
	v20 =	vpop (erf);
	[tilespmem:s9+$0x1B8A0] =	vst v15;
	v50 =	vbroadcast v15, $0x4;
	v12 =	vmul.f32 v17, v12  }
0x3c5: {  	v51 =	vbroadcast v15, $0x5;
	[tilespmem:s9+$0x1B8B0] =	vst v20;
	v13 =	vmul.f32 v19, v13  }
0x3c6: {  	v21 =	vbroadcast v15, $0x2;
	v11 =	vmul.f32 v50, v11;
	[tilespmem:s23+$0xFFFFFF80] =	vst v12  }
0x3c7: {  	v53 =	vbroadcast v15, $0x6;
	v52 =	vmul.f32 v16, v51;
	[tilespmem:s23+$0xFFFFFFB0] =	vst v13  }
0x3c8: {  	v54 =	vbroadcast v15, $0x7;
	v14 =	vmul.f32 v21, v14;
	[tilespmem:s23+$0xFFFFFFC0] =	vst v11  }
0x3c9: {  	v57 =	vbroadcast v15, $0x1;
	v10 =	vmul.f32 v10, v53;
	[tilespmem:s23+$0xFFFFFFD0] =	vst v52  }
0x3ca: {  	v55 =	vbroadcast v20, $0x1;
	v9 =	vmul.f32 v9, v54;
	[tilespmem:s23+$0xFFFFFFA0] =	vst v14  }
0x3cb: {  	v56 =	vbroadcast v20, $0x0;
	v59 =	vmul.f32 v57, v18;
	[tilespmem:s23+$0xFFFFFFE0] =	vst v10  }
0x3cc: {  	v58 =	vbroadcast v20, $0x2;
	v8 =	vmul.f32 v8, v55;
	[tilespmem:s23+$0xFFFFFFF0] =	vst v9  }
0x3cd: {  	v60 =	vbroadcast v20, $0x3;
	v1 =	vmul.f32 v1, v56;
	[tilespmem:s23+$0xFFFFFF90] =	vst v59  }
0x3ce: {  	v62 =	vbroadcast v20, $0x4;
	v3 =	vmul.f32 v3, v58;
	[tilespmem:s23+$0x10] =	vst v8  }
0x3cf: {  	v7 =	vmul.f32 v7, v60;
	[tilespmem:s23+$0x0] =	vst v1;
	v1 =	vbroadcast v20, $0x5  }
0x3d0: {  	v61 =	vbroadcast v20, $0x6;
	v2 =	vmul.f32 v2, v62;
	[tilespmem:s23+$0x20] =	vst v3  }
0x3d1: {  	v63 =	vbroadcast v20, $0x7;
	[tilespmem:s23+$0x30] =	vst v7;
	v1 =	vmul.f32 v49, v1  }
0x3d2: {  	v3 =	vmul.f32 v6, v61;
	[tilespmem:s23+$0x40] =	vst v2  }
0x3d3: {  	[tilespmem:s23+$0x50] =	vst v1;
	v1 =	vmul.f32 v48, v63  }
0x3d4: {  	[tilespmem:s23+$0x60] =	vst v3  }
0x3d5: {  	s7 =	simm.s32 $0x18678;
	[tilespmem:s23+$0x70] =	vst v1  }
0x3d6: {  	[spmem:s2] =	stream.indirect.scatter.add.f32 [tilespmem:s30], [sflag:$0x3], $0x10, s7, s11, $0xb8;
	[tilespmem:$0x1E5B0] =	vst v63  }
0x3d7: {  	_ = 	snop  }
0x3d8: {  	[spmem:s3] =	stream.indirect.scatter.add.f32 [tilespmem:s0], [sflag:$0x3], $0x80, s7, s11, $0xb8;
	[tilespmem:$0x1E5B0] =	vst v63  }
0x3d9: {  	_ =	swait.ge [sflag:s22], $0x280  }
0x3da: {  	[sflag:s22] =	ssyncset.done $0x0  }
0x3db: {  	[sflag:s22] =	ssyncadd.s32 $0xFFFFFD80  }
0x3dc: {  	_ =	swait.ge [sflag:s22], $0x1400  }
0x3dd: {  	[sflag:s22] =	ssyncset.done $0x0  }
0x3de: {  	[sflag:s22] =	ssyncadd.s32 $0xFFFFEC00  }
0x3df: {  	_ =	swait.ge [sflag:s20], $0x280  }
0x3e0: {  	[sflag:s20] =	ssyncset.done $0x0  }
0x3e1: {  	[sflag:s20] =	ssyncadd.s32 $0xFFFFFD80  }
0x3e2: {  	_ =	swait.ge [sflag:s20], $0x1400  }
0x3e3: {  	[sflag:s20] =	ssyncset.done $0x0  }
0x3e4: {  	[sflag:s20] =	ssyncadd.s32 $0xFFFFEC00  }
0x3e5: {  	[bflag:$0x0] =	sbarrier.arrive $0xFFFF  }
0x3e6: {  	s24 =	sld [smem:$0x7FC]  }
0x3e7: {  	s15 =	stileid.u32  }
0x3e8: {  	s7 =	sshll.u32 s15, $0x6  }
0x3e9: {  	s7 =	sor.u32 $0x1C05, s7;
	s25 =	rddreg [dreg:$0xc];
	s23 =	sshrl.u32 s24, $0x3  }
0x3ea: {  	[hbm:s25], [sflag:s7] =	dma.local [spmem:s23], $0x2700  }
0x3eb: {  	_ =	swait.ge [sflag:s31], $0x2700  }
0x3ec: {  	[sflag:s31] =	ssyncset.done $0x0;
	s23 =	rddreg [dreg:$0x6]  }
0x3ed: {  	s28 =	rddreg [dreg:$0xf];
	[sflag:s31] =	ssyncadd.s32 $0xFFFFD900;
	s26 =	sshrl.u32 s23, $0x3  }
0x3ee: {  	[hbm:s28], [sflag:s7] =	dma.local [spmem:s26], $0x4E0  }
0x3ef: {  	_ =	swait.ge [sflag:s31], $0x4E0  }
0x3f0: {  	s10 =	sld [smem:$0x7F9]  }
0x3f1: {  	[sflag:s31] =	ssyncset.done $0x0  }
0x3f2: {  	s9 =	sshrl.u32 @!p0 s21, $0x3;
	[sflag:s31] =	ssyncadd.s32 $0xFFFFFB20  }
0x3f3: {  	[hbm:s10], [sflag:s7] =	dma.local @!p0 [spmem:s9], $0x100  }
0x3f4: {  	s9 =	simm.s32 @!p0 $0x5  }
0x3f5: {  	_ =	swait.ge @!p0 [sflag:s9], $0x100  }
0x3f6: {  	s25 =	sld [smem:$0x7FD]  }
0x3f7: {  	s15 =	sld [smem:$0x7FA]  }
0x3f8: {  	[sflag:s9] =	ssyncset.done @!p0 $0x0  }
0x3f9: {  	[sflag:s9] =	ssyncadd.s32 @!p0 $0xFFFFFF00;
	s10 =	sshrl.u32 @!p0 s25, $0x3  }
0x3fa: {  	[hbm:s15], [sflag:s7] =	dma.local @!p0 [spmem:s10], $0x20  }
0x3fb: {  	_ =	swait.ge @!p0 [sflag:s9], $0x20  }
0x3fc: {  	s29 =	sld [smem:$0x7FB];
	_ =	sdelay $0x1  }
0x3fd: {  	s4 =	sadd.s32 $0x1, s4  }
0x3fe: {  	p1 =	sne.s32 s4, s29  }
.Ltmp9:
0x3ff: {  	_ = 	snop;
	(pc) =	sbr.rel @p1 .LBB2_1-.Ltmp9, $3  }
0x400: {  	_ =	sdelay $0x1  }
0x401: {  	[sflag:s9] =	ssyncset.done @!p0 $0x0  }
0x402: {  	s26 =	smov.u32 s21;
	[sflag:s9] =	ssyncadd.s32 @!p0 $0xFFFFFFE0  }
0x403: {  	_ =	sfence.sel $0x180000  }
0x404: {  	[bflag:$0x0] =	sbarrier.arrive $0xFFFF  }
0x405: {  	_ =	strace $0x90000047  }
0x406: {  	[bflag:$0x2] =	sbarrier.arrive $0xFFFF  }
0x407: {  	s0 =	rddreg [dreg:$0x4]  }
0x408: {  	s0 =	sadd.s32 @!p0 $0x100000, s0  }
0x409: {  	[sflag:s0] =	ssyncadd.tile.s32 @!p0 $0x1;
	_ =	shalt  }
.Lfunc_end2:
_tile_overlayer_lowered:
.L_overlay_start_2:
0x40a: {  	(tag) =	ssettag $0x2  }
0x40b: {  	s0 =	rddreg [dreg:$0x0];
	s2 =	stileid.u32  }
0x40c: {  	s1 =	rddreg [dreg:$0x1];
	p0 =	sne.s32 s2, $0x0  }
0x40d: {  	s3 =	rddreg [dreg:$0x2];
	[bflag:$0x3] =	sbarrier.arrive $0xFFFF;
	s2 =	simm.s32 @!p0 $0x1C05  }
0x40e: {  	[timem:s3], [sflag:s2] =	dma.local @!p0 [hbm:s0], s1  }
0x40f: {  	s0 =	simm.s32 @!p0 $0x5  }
0x410: {  	_ =	swait.ge @!p0 [sflag:s0], s1  }
0x411: {  	s1 =	ssub.s32 @!p0 $0x0, s1;
	[sflag:s0] =	ssyncset.done @!p0 $0x0  }
0x412: {  	[sflag:s0] =	ssyncadd.s32 @!p0 s1  }
0x413: {  	[bflag:$0x3] =	sbarrier.arrive $0xFFFF  }
0x414: {  	_ =	shalt  }

</sc_bundles>
